<compile_context>
chip_gen: v7x
topology: tpu7x:2x2x1
jax: 0.10.2.dev20260603
libtpu: 0.0.44.dev20260713+nightly
codegen_flags: <defaults>
</compile_context>

<pallas_src>
import functools

import jax
import jax.numpy as jnp
from jax import lax
from jax.experimental import pallas as pl
from jax.experimental.pallas import tpu as pltpu
from jax.experimental.pallas import tpu_sc as plsc

N = 10000
D = 128
DH = D // 2
E = 320000
EP = E + N
NEG = 0.2

NT = 16
B = 128
NB = 162
C_PER = NB * B
EPAD = NT * C_PER
NPAD = 10240
SLICE = NPAD // NT

BR = 512
GRID = NPAD // BR



def _mm_alpha_body(x_ref, w_ref, as_ref, ad_ref, h_ref, s_ref, d_ref):
    h = jnp.dot(x_ref[...], w_ref[...], preferred_element_type=jnp.float32)
    h_ref[0] = h[:, :DH]
    h_ref[1] = h[:, DH:]
    s_ref[...] = jnp.sum(h * as_ref[...][None, :], axis=1)
    d_ref[...] = jnp.sum(h * ad_ref[...][None, :], axis=1)


def _mm_alpha(xp, W, a_s, a_d):
    return pl.pallas_call(
        _mm_alpha_body,
        grid=(GRID,),
        in_specs=[
            pl.BlockSpec((BR, D), lambda i: (i, 0)),
            pl.BlockSpec((D, D), lambda i: (0, 0)),
            pl.BlockSpec((D,), lambda i: (0,)),
            pl.BlockSpec((D,), lambda i: (0,)),
        ],
        out_specs=[
            pl.BlockSpec((2, BR, DH), lambda i: (0, i, 0)),
            pl.BlockSpec((BR,), lambda i: (i,)),
            pl.BlockSpec((BR,), lambda i: (i,)),
        ],
        out_shape=[
            jax.ShapeDtypeStruct((2, NPAD, DH), jnp.float32),
            jax.ShapeDtypeStruct((NPAD,), jnp.float32),
            jax.ShapeDtypeStruct((NPAD,), jnp.float32),
        ],
    )(xp, W, a_s, a_d)


def _combine(acc_ref, den_ref, b_ref):
    a = jnp.concatenate([acc_ref[0], acc_ref[1]], axis=1)
    dn = jnp.sum(den_ref[...], axis=0)
    dn = jnp.where(dn > 0, dn, 1.0)
    return a / dn[:, None] + b_ref[...][None, :]


def _ep_mm_body(acc_ref, den_ref, b_ref, w_ref, as_ref, ad_ref,
                h_ref, s_ref, d_ref):
    z = _combine(acc_ref, den_ref, b_ref)
    z = jnp.where(z > 0, z, jnp.exp(z) - 1.0)
    h = jnp.dot(z, w_ref[...], preferred_element_type=jnp.float32)
    h_ref[0] = h[:, :DH]
    h_ref[1] = h[:, DH:]
    s_ref[...] = jnp.sum(h * as_ref[...][None, :], axis=1)
    d_ref[...] = jnp.sum(h * ad_ref[...][None, :], axis=1)


def _ep_mm(acc, den, b, W, a_s, a_d):
    return pl.pallas_call(
        _ep_mm_body,
        grid=(GRID,),
        in_specs=[
            pl.BlockSpec((2, BR, DH), lambda i: (0, i, 0)),
            pl.BlockSpec((NT, BR), lambda i: (0, i)),
            pl.BlockSpec((D,), lambda i: (0,)),
            pl.BlockSpec((D, D), lambda i: (0, 0)),
            pl.BlockSpec((D,), lambda i: (0,)),
            pl.BlockSpec((D,), lambda i: (0,)),
        ],
        out_specs=[
            pl.BlockSpec((2, BR, DH), lambda i: (0, i, 0)),
            pl.BlockSpec((BR,), lambda i: (i,)),
            pl.BlockSpec((BR,), lambda i: (i,)),
        ],
        out_shape=[
            jax.ShapeDtypeStruct((2, NPAD, DH), jnp.float32),
            jax.ShapeDtypeStruct((NPAD,), jnp.float32),
            jax.ShapeDtypeStruct((NPAD,), jnp.float32),
        ],
    )(acc, den, b, W, a_s, a_d)


def _final_body(acc_ref, den_ref, b_ref, o_ref):
    o_ref[...] = _combine(acc_ref, den_ref, b_ref)


def _final(acc, den, b):
    return pl.pallas_call(
        _final_body,
        grid=(GRID,),
        in_specs=[
            pl.BlockSpec((2, BR, DH), lambda i: (0, i, 0)),
            pl.BlockSpec((NT, BR), lambda i: (0, i)),
            pl.BlockSpec((D,), lambda i: (0,)),
        ],
        out_specs=pl.BlockSpec((BR, D), lambda i: (i, 0)),
        out_shape=jax.ShapeDtypeStruct((NPAD, D), jnp.float32),
    )(acc, den, b)



def _edge_pass_body(src_hbm, dst_hbm, asrc_hbm, adst_hbm, h_hbm,
                    acc_out, den_out,
                    src_v, dst_v, asrc_v, adst_v, pbatch, den_t,
                    rows0, rows1,
                    acc_sh, gsem, ssem):
    c = lax.axis_index("c")
    s = lax.axis_index("s")
    base_row = s * SLICE

    zero16 = jnp.zeros((16,), jnp.float32)

    def zrow(i, carry):
        for q in range(DH // 16):
            rows0[i, pl.ds(q * 16, 16)] = zero16
        return carry

    lax.fori_loop(0, B, zrow, 0)

    def zden(i, carry):
        den_t[pl.ds(i * 16, 16)] = zero16
        return carry

    lax.fori_loop(0, NPAD // 16, zden, 0)

    for r in range(SLICE // B):
        pltpu.sync_copy(rows0, acc_sh.at[pl.ds(base_row + r * B, B)])

    pltpu.sync_copy(src_hbm.at[s], src_v)
    pltpu.sync_copy(dst_hbm.at[s], dst_v)
    pltpu.sync_copy(asrc_hbm, asrc_v)
    pltpu.sync_copy(adst_hbm, adst_v)

    plsc.subcore_barrier()

    base_eid = s * C_PER

    pltpu.async_copy(h_hbm.at[c].at[src_v.at[0]], rows0, gsem)

    def outer_body(ob, carry):
        for par in range(2):
            rowsb = rows0 if par == 0 else rows1
            rowsn = rows1 if par == 0 else rows0
            b = ob * 2 + par

            def pvec_body(i, carry2):
                sv = src_v[b, pl.ds(i * 16, 16)]
                dv = dst_v[b, pl.ds(i * 16, 16)]
                a1 = plsc.load_gather(asrc_v, [sv])
                a2 = plsc.load_gather(adst_v, [dv])
                e = a1 + a2
                e = jnp.where(e > 0, e, e * NEG)
                p = jnp.exp(e)
                eid = base_eid + b * B + i * 16 + lax.iota(jnp.int32, 16)
                p = jnp.where(eid < EP, p, 0.0)
                pbatch[pl.ds(i * 16, 16)] = p
                plsc.addupdate_scatter(den_t, [dv], p)
                return carry2

            lax.fori_loop(0, 8, pvec_body, 0, unroll=True)

            pltpu.make_async_copy(
                h_hbm.at[c].at[src_v.at[b]], rowsb, gsem).wait()

            @pl.when(b >= 1)
            def _():
                pltpu.make_async_copy(
                    rowsn, acc_sh.at[dst_v.at[b]], ssem).wait()

            @pl.when(b + 1 < NB)
            def _():
                pltpu.async_copy(h_hbm.at[c].at[src_v.at[b + 1]], rowsn, gsem)

            def scale_body(i, carry2):
                pv = plsc.load_gather(pbatch, [jnp.full((16,), i, jnp.int32)])
                for j in range(DH // 16):
                    rowsb[i, pl.ds(j * 16, 16)] = (
                        rowsb[i, pl.ds(j * 16, 16)] * pv)
                return carry2

            lax.fori_loop(0, B, scale_body, 0, unroll=4)

            pltpu.async_copy(rowsb, acc_sh.at[dst_v.at[b]], ssem, add=True)

        return carry

    lax.fori_loop(0, NB // 2, outer_body, 0)

    pltpu.make_async_copy(rows1, acc_sh.at[dst_v.at[0]], ssem).wait()

    plsc.subcore_barrier()

    pltpu.sync_copy(acc_sh.at[pl.ds(base_row, SLICE)],
                    acc_out.at[c, pl.ds(base_row, SLICE)])

    @pl.when(c == 0)
    def _():
        pltpu.sync_copy(den_t, den_out.at[s])


@functools.lru_cache(maxsize=1)
def _build_edge_pass():
    mesh = plsc.VectorSubcoreMesh(core_axis_name="c", subcore_axis_name="s")
    return pl.kernel(
        _edge_pass_body,
        mesh=mesh,
        compiler_params=pltpu.CompilerParams(
            needs_layout_passes=False, use_tc_tiling_on_sc=False),
        out_type=[
            jax.ShapeDtypeStruct((2, NPAD, DH), jnp.float32),
            jax.ShapeDtypeStruct((NT, NPAD), jnp.float32),
        ],
        scratch_types=[
            pltpu.VMEM((NB, B), jnp.int32),
            pltpu.VMEM((NB, B), jnp.int32),
            pltpu.VMEM((NPAD,), jnp.float32),
            pltpu.VMEM((NPAD,), jnp.float32),
            pltpu.VMEM((B,), jnp.float32),
            pltpu.VMEM((NPAD,), jnp.float32),
            pltpu.VMEM((B, DH), jnp.float32),
            pltpu.VMEM((B, DH), jnp.float32),
            pltpu.VMEM_SHARED((NPAD, DH), jnp.float32),
            pltpu.SemaphoreType.DMA,
            pltpu.SemaphoreType.DMA,
        ],
    )



def kernel(x, edge_index, edge_weight, W1, a_s1, a_d1, b1, W2, a_s2, a_d2, b2):
    src = edge_index[0].astype(jnp.int32)
    dst = edge_index[1].astype(jnp.int32)
    loops = jnp.arange(N, dtype=jnp.int32)
    pad = jnp.zeros((EPAD - EP,), jnp.int32)
    srcp = jnp.concatenate([src, loops, pad]).reshape(NT, NB, B)
    dstp = jnp.concatenate([dst, loops, pad]).reshape(NT, NB, B)
    xp = jnp.pad(x, ((0, NPAD - N), (0, 0)))

    edge_pass = _build_edge_pass()
    h1, s1, d1 = _mm_alpha(xp, W1, a_s1, a_d1)
    acc1, den1 = edge_pass(srcp, dstp, s1, d1, h1)
    h2, s2, d2 = _ep_mm(acc1, den1, b1, W2, a_s2, a_d2)
    acc2, den2 = edge_pass(srcp, dstp, s2, d2, h2)
    outp = _final(acc2, den2, b2)
    return outp[:N]

# --- scband reference (transcript-rebuilt; emitter-appended) ---
"""Pipeline reference for scband-baseline-gat-14697378087238 (READ-ONLY COPY).

The authoritative reference and input builder live on the scoring server;
editing this copy changes nothing except your own understanding.
"""

import jax, jax.numpy as jnp
import numpy as np

N = 10000
E = 320000
D = 128
NEG_SLOPE = 0.2


def setup_inputs(seed: int = 0) -> dict:
    key = jax.random.key(seed)
    ks = jax.random.split(key, 12)
    x = jax.random.normal(ks[0], (N, D), dtype=jnp.float32)
    edge_index = jax.random.randint(ks[1], (2, E), 0, N)
    edge_weight = jax.random.uniform(ks[2], (E,), dtype=jnp.float32)
    s = 1.0 / np.sqrt(D)
    W1 = jax.random.normal(ks[3], (D, D), dtype=jnp.float32) * s
    a_s1 = jax.random.normal(ks[4], (D,), dtype=jnp.float32) * s
    a_d1 = jax.random.normal(ks[5], (D,), dtype=jnp.float32) * s
    b1 = jnp.zeros((D,), dtype=jnp.float32)
    W2 = jax.random.normal(ks[6], (D, D), dtype=jnp.float32) * s
    a_s2 = jax.random.normal(ks[7], (D,), dtype=jnp.float32) * s
    a_d2 = jax.random.normal(ks[8], (D,), dtype=jnp.float32) * s
    b2 = jnp.zeros((D,), dtype=jnp.float32)
    return {"x": x, "edge_index": edge_index, "edge_weight": edge_weight,
            "W1": W1, "a_s1": a_s1, "a_d1": a_d1, "b1": b1,
            "W2": W2, "a_s2": a_s2, "a_d2": a_d2, "b2": b2}


def _gat_conv(x, src, dst, W, a_s, a_d, b):
    n = x.shape[0]
    h = x @ W                       # [N, C] (heads=1)
    alpha_src = h @ a_s             # [N]
    alpha_dst = h @ a_d             # [N]
    e = alpha_src[src] + alpha_dst[dst]
    e = jax.nn.leaky_relu(e, NEG_SLOPE)
    # segment softmax over destination nodes
    m = jax.ops.segment_max(e, dst, num_segments=n)
    e = jnp.exp(e - m[dst])
    denom = jax.ops.segment_sum(e, dst, num_segments=n)
    alpha = e / denom[dst]
    out = jax.ops.segment_sum(alpha[:, None] * h[src], dst, num_segments=n)
    return out + b


def reference(x, edge_index, edge_weight, W1, a_s1, a_d1, b1, W2, a_s2, a_d2, b2):
    # dropout layers are identity in eval mode; edge_weight is ignored by GATConv
    n = x.shape[0]
    loops = jnp.arange(n, dtype=edge_index.dtype)
    src = jnp.concatenate([edge_index[0], loops])
    dst = jnp.concatenate([edge_index[1], loops])
    h = _gat_conv(x, src, dst, W1, a_s1, a_d1, b1)
    h = jax.nn.elu(h)
    out = _gat_conv(h, src, dst, W2, a_s2, a_d2, b2)
    return out

if __name__ == "__main__":
    import jax
    _d = setup_inputs()
    print(jax.jit(kernel)(*tuple(_d.values())))

</pallas_src>

<mosaic_0001>
#map = affine_map<(d0, d1) -> (0, 0, 0)>
#map1 = affine_map<(d0, d1) -> (0)>
#map2 = affine_map<(d0, d1) -> (0, 0)>
module attributes {stable_mosaic.version = 14 : i64} {
  func.func @_edge_pass_body(%arg0: i32, %arg1: i32, %arg2: memref<16x162x128xi32, #tpu.memory_space<hbm>>, %arg3: memref<16x162x128xi32, #tpu.memory_space<hbm>>, %arg4: memref<10240xf32, #tpu.memory_space<hbm>>, %arg5: memref<10240xf32, #tpu.memory_space<hbm>>, %arg6: memref<2x10240x64xf32, #tpu.memory_space<hbm>>, %arg7: memref<2x10240x64xf32, #tpu.memory_space<hbm>>, %arg8: memref<16x10240xf32, #tpu.memory_space<hbm>>, %arg9: memref<162x128xi32, #tpu.memory_space<vmem>>, %arg10: memref<162x128xi32, #tpu.memory_space<vmem>>, %arg11: memref<10240xf32, #tpu.memory_space<vmem>>, %arg12: memref<10240xf32, #tpu.memory_space<vmem>>, %arg13: memref<128xf32, #tpu.memory_space<vmem>>, %arg14: memref<10240xf32, #tpu.memory_space<vmem>>, %arg15: memref<128x64xf32, #tpu.memory_space<vmem>>, %arg16: memref<128x64xf32, #tpu.memory_space<vmem>>, %arg17: memref<10240x64xf32, #tpu.memory_space<vmem_shared>>, %arg18: memref<!tpu.dma_semaphore, #tpu.memory_space<semaphore_mem>>, %arg19: memref<!tpu.dma_semaphore, #tpu.memory_space<semaphore_mem>>) attributes {dimension_semantics = [#tpu.dimension_semantics<core_parallel>, #tpu.dimension_semantics<subcore_parallel>], iteration_bounds = array<i64: 2, 16>, scalar_prefetch = 0 : i64, scratch_operands = 11 : i64, tpu.core_type = #tpu.core_type<sc_vector_subcore>, window_params = [{transform_indices = #map}, {transform_indices = #map}, {transform_indices = #map1}, {transform_indices = #map1}, {transform_indices = #map}, {transform_indices = #map}, {transform_indices = #map2}]} {
    %mul3A = arith.constant 640 : i32
    %mul3A_0 = arith.muli %arg1, %mul3A : i32
    %broadcast_in_dim3A = arith.constant 0.000000e+00 : f32
    %broadcast_in_dim3A_1 = vector.broadcast %broadcast_in_dim3A : f32 to vector<16xf32>
    %scan3A = arith.constant 0 : i32
    %scan3A_2 = arith.constant 0 : i32
    %scan3A_3 = arith.constant 128 : i32
    %scan3A_4 = arith.addi %scan3A_2, %scan3A_3 : i32
    %scan3A_5 = arith.constant 1 : i32
    scf.for %scan3A_49 = %scan3A_2 to %scan3A_4 step %scan3A_5  : i32 {
      %swap3A = arith.index_cast %scan3A_49 : i32 to index
      %swap3A_50 = arith.constant 0 : index
      %swap3A_51 = tpu.vector_load %arg15[%swap3A, %swap3A_50] {strides = array<i32>} : memref<128x64xf32, #tpu.memory_space<vmem>>, vector<16xf32>,
      tpu.vector_store %arg15[%swap3A, %swap3A_50], %broadcast_in_dim3A_1 {strides = array<i32>} : memref<128x64xf32, #tpu.memory_space<vmem>>, vector<16xf32>,
      %swap3A_52 = arith.index_cast %scan3A_49 : i32 to index
      %swap3A_53 = arith.constant 16 : index
      %swap3A_54 = tpu.vector_load %arg15[%swap3A_52, %swap3A_53] {strides = array<i32>} : memref<128x64xf32, #tpu.memory_space<vmem>>, vector<16xf32>,
      tpu.vector_store %arg15[%swap3A_52, %swap3A_53], %broadcast_in_dim3A_1 {strides = array<i32>} : memref<128x64xf32, #tpu.memory_space<vmem>>, vector<16xf32>,
      %swap3A_55 = arith.index_cast %scan3A_49 : i32 to index
      %swap3A_56 = arith.constant 32 : index
      %swap3A_57 = tpu.vector_load %arg15[%swap3A_55, %swap3A_56] {strides = array<i32>} : memref<128x64xf32, #tpu.memory_space<vmem>>, vector<16xf32>,
      tpu.vector_store %arg15[%swap3A_55, %swap3A_56], %broadcast_in_dim3A_1 {strides = array<i32>} : memref<128x64xf32, #tpu.memory_space<vmem>>, vector<16xf32>,
      %swap3A_58 = arith.index_cast %scan3A_49 : i32 to index
      %swap3A_59 = arith.constant 48 : index
      %swap3A_60 = tpu.vector_load %arg15[%swap3A_58, %swap3A_59] {strides = array<i32>} : memref<128x64xf32, #tpu.memory_space<vmem>>, vector<16xf32>,
      tpu.vector_store %arg15[%swap3A_58, %swap3A_59], %broadcast_in_dim3A_1 {strides = array<i32>} : memref<128x64xf32, #tpu.memory_space<vmem>>, vector<16xf32>,
    }
    %scan3A_6 = arith.constant 128 : i32
    %scan3A_7 = arith.constant 0 : i32
    %scan3A_8 = arith.constant 0 : i32
    %scan3A_9 = arith.constant 640 : i32
    %scan3A_10 = arith.addi %scan3A_8, %scan3A_9 : i32
    %scan3A_11 = arith.constant 1 : i32
    scf.for %scan3A_49 = %scan3A_8 to %scan3A_10 step %scan3A_11  : i32 {
      %mul3A_50 = arith.constant 16 : i32
      %mul3A_51 = arith.muli %scan3A_49, %mul3A_50 : i32
      %swap3A = arith.index_cast %mul3A_51 : i32 to index
      %swap3A_52 = tpu.vector_load %arg14[%swap3A] {strides = array<i32>} : memref<10240xf32, #tpu.memory_space<vmem>>, vector<16xf32>,
      tpu.vector_store %arg14[%swap3A], %broadcast_in_dim3A_1 {strides = array<i32>} : memref<10240xf32, #tpu.memory_space<vmem>>, vector<16xf32>,
    }
    %scan3A_12 = arith.constant 640 : i32
    %add3A = arith.constant 0 : i32
    %add3A_13 = arith.addi %mul3A_0, %add3A : i32
    "tpu.region"() ({
      %run_scoped3A = tpu.sem_alloc : memref<!tpu.dma_semaphore, #tpu.memory_space<semaphore_mem>>
      %dma_start3A_49 = arith.constant 0 : i32
      %dma_start3A_50 = tpu.memref_slice %arg17[%add3A_13, %dma_start3A_49] : memref<10240x64xf32, #tpu.memory_space<vmem_shared>> -> memref<128x64xf32, #tpu.memory_space<vmem_shared>>
      %dma_start3A_51 = arith.constant 0 : i32
      %dma_start3A_52 = tpu.memref_slice %arg17[%add3A_13, %dma_start3A_51] : memref<10240x64xf32, #tpu.memory_space<vmem_shared>> -> memref<128x64xf32, #tpu.memory_space<vmem_shared>>
      tpu.enqueue_dma source(%arg15 : memref<128x64xf32, #tpu.memory_space<vmem>>) target(%dma_start3A_52 : memref<128x64xf32, #tpu.memory_space<vmem_shared>>) target_semaphore(%run_scoped3A : memref<!tpu.dma_semaphore, #tpu.memory_space<semaphore_mem>>)
      %dma_wait3A_53 = arith.constant 0 : i32
      %dma_wait3A_54 = tpu.memref_slice %arg17[%add3A_13, %dma_wait3A_53] : memref<10240x64xf32, #tpu.memory_space<vmem_shared>> -> memref<128x64xf32, #tpu.memory_space<vmem_shared>>
      %dma_wait3A_55 = arith.constant 0 : i32
      %dma_wait3A_56 = tpu.memref_slice %arg17[%add3A_13, %dma_wait3A_55] : memref<10240x64xf32, #tpu.memory_space<vmem_shared>> -> memref<128x64xf32, #tpu.memory_space<vmem_shared>>
      tpu.wait_dma2 semaphore(%run_scoped3A : memref<!tpu.dma_semaphore, #tpu.memory_space<semaphore_mem>>) src(%arg15 : memref<128x64xf32, #tpu.memory_space<vmem>>) dst(%dma_wait3A_56 : memref<128x64xf32, #tpu.memory_space<vmem_shared>>)
      tpu.yield
    }) : () -> ()
    %add3A_14 = arith.constant 128 : i32
    %add3A_15 = arith.addi %mul3A_0, %add3A_14 : i32
    "tpu.region"() ({
      %run_scoped3A = tpu.sem_alloc : memref<!tpu.dma_semaphore, #tpu.memory_space<semaphore_mem>>
      %dma_start3A_49 = arith.constant 0 : i32
      %dma_start3A_50 = tpu.memref_slice %arg17[%add3A_15, %dma_start3A_49] : memref<10240x64xf32, #tpu.memory_space<vmem_shared>> -> memref<128x64xf32, #tpu.memory_space<vmem_shared>>
      %dma_start3A_51 = arith.constant 0 : i32
      %dma_start3A_52 = tpu.memref_slice %arg17[%add3A_15, %dma_start3A_51] : memref<10240x64xf32, #tpu.memory_space<vmem_shared>> -> memref<128x64xf32, #tpu.memory_space<vmem_shared>>
      tpu.enqueue_dma source(%arg15 : memref<128x64xf32, #tpu.memory_space<vmem>>) target(%dma_start3A_52 : memref<128x64xf32, #tpu.memory_space<vmem_shared>>) target_semaphore(%run_scoped3A : memref<!tpu.dma_semaphore, #tpu.memory_space<semaphore_mem>>)
      %dma_wait3A_53 = arith.constant 0 : i32
      %dma_wait3A_54 = tpu.memref_slice %arg17[%add3A_15, %dma_wait3A_53] : memref<10240x64xf32, #tpu.memory_space<vmem_shared>> -> memref<128x64xf32, #tpu.memory_space<vmem_shared>>
      %dma_wait3A_55 = arith.constant 0 : i32
      %dma_wait3A_56 = tpu.memref_slice %arg17[%add3A_15, %dma_wait3A_55] : memref<10240x64xf32, #tpu.memory_space<vmem_shared>> -> memref<128x64xf32, #tpu.memory_space<vmem_shared>>
      tpu.wait_dma2 semaphore(%run_scoped3A : memref<!tpu.dma_semaphore, #tpu.memory_space<semaphore_mem>>) src(%arg15 : memref<128x64xf32, #tpu.memory_space<vmem>>) dst(%dma_wait3A_56 : memref<128x64xf32, #tpu.memory_space<vmem_shared>>)
      tpu.yield
    }) : () -> ()
    %add3A_16 = arith.constant 256 : i32
    %add3A_17 = arith.addi %mul3A_0, %add3A_16 : i32
    "tpu.region"() ({
      %run_scoped3A = tpu.sem_alloc : memref<!tpu.dma_semaphore, #tpu.memory_space<semaphore_mem>>
      %dma_start3A_49 = arith.constant 0 : i32
      %dma_start3A_50 = tpu.memref_slice %arg17[%add3A_17, %dma_start3A_49] : memref<10240x64xf32, #tpu.memory_space<vmem_shared>> -> memref<128x64xf32, #tpu.memory_space<vmem_shared>>
      %dma_start3A_51 = arith.constant 0 : i32
      %dma_start3A_52 = tpu.memref_slice %arg17[%add3A_17, %dma_start3A_51] : memref<10240x64xf32, #tpu.memory_space<vmem_shared>> -> memref<128x64xf32, #tpu.memory_space<vmem_shared>>
      tpu.enqueue_dma source(%arg15 : memref<128x64xf32, #tpu.memory_space<vmem>>) target(%dma_start3A_52 : memref<128x64xf32, #tpu.memory_space<vmem_shared>>) target_semaphore(%run_scoped3A : memref<!tpu.dma_semaphore, #tpu.memory_space<semaphore_mem>>)
      %dma_wait3A_53 = arith.constant 0 : i32
      %dma_wait3A_54 = tpu.memref_slice %arg17[%add3A_17, %dma_wait3A_53] : memref<10240x64xf32, #tpu.memory_space<vmem_shared>> -> memref<128x64xf32, #tpu.memory_space<vmem_shared>>
      %dma_wait3A_55 = arith.constant 0 : i32
      %dma_wait3A_56 = tpu.memref_slice %arg17[%add3A_17, %dma_wait3A_55] : memref<10240x64xf32, #tpu.memory_space<vmem_shared>> -> memref<128x64xf32, #tpu.memory_space<vmem_shared>>
      tpu.wait_dma2 semaphore(%run_scoped3A : memref<!tpu.dma_semaphore, #tpu.memory_space<semaphore_mem>>) src(%arg15 : memref<128x64xf32, #tpu.memory_space<vmem>>) dst(%dma_wait3A_56 : memref<128x64xf32, #tpu.memory_space<vmem_shared>>)
      tpu.yield
    }) : () -> ()
    %add3A_18 = arith.constant 384 : i32
    %add3A_19 = arith.addi %mul3A_0, %add3A_18 : i32
    "tpu.region"() ({
      %run_scoped3A = tpu.sem_alloc : memref<!tpu.dma_semaphore, #tpu.memory_space<semaphore_mem>>
      %dma_start3A_49 = arith.constant 0 : i32
      %dma_start3A_50 = tpu.memref_slice %arg17[%add3A_19, %dma_start3A_49] : memref<10240x64xf32, #tpu.memory_space<vmem_shared>> -> memref<128x64xf32, #tpu.memory_space<vmem_shared>>
      %dma_start3A_51 = arith.constant 0 : i32
      %dma_start3A_52 = tpu.memref_slice %arg17[%add3A_19, %dma_start3A_51] : memref<10240x64xf32, #tpu.memory_space<vmem_shared>> -> memref<128x64xf32, #tpu.memory_space<vmem_shared>>
      tpu.enqueue_dma source(%arg15 : memref<128x64xf32, #tpu.memory_space<vmem>>) target(%dma_start3A_52 : memref<128x64xf32, #tpu.memory_space<vmem_shared>>) target_semaphore(%run_scoped3A : memref<!tpu.dma_semaphore, #tpu.memory_space<semaphore_mem>>)
      %dma_wait3A_53 = arith.constant 0 : i32
      %dma_wait3A_54 = tpu.memref_slice %arg17[%add3A_19, %dma_wait3A_53] : memref<10240x64xf32, #tpu.memory_space<vmem_shared>> -> memref<128x64xf32, #tpu.memory_space<vmem_shared>>
      %dma_wait3A_55 = arith.constant 0 : i32
      %dma_wait3A_56 = tpu.memref_slice %arg17[%add3A_19, %dma_wait3A_55] : memref<10240x64xf32, #tpu.memory_space<vmem_shared>> -> memref<128x64xf32, #tpu.memory_space<vmem_shared>>
      tpu.wait_dma2 semaphore(%run_scoped3A : memref<!tpu.dma_semaphore, #tpu.memory_space<semaphore_mem>>) src(%arg15 : memref<128x64xf32, #tpu.memory_space<vmem>>) dst(%dma_wait3A_56 : memref<128x64xf32, #tpu.memory_space<vmem_shared>>)
      tpu.yield
    }) : () -> ()
    %add3A_20 = arith.constant 512 : i32
    %add3A_21 = arith.addi %mul3A_0, %add3A_20 : i32
    "tpu.region"() ({
      %run_scoped3A = tpu.sem_alloc : memref<!tpu.dma_semaphore, #tpu.memory_space<semaphore_mem>>
      %dma_start3A_49 = arith.constant 0 : i32
      %dma_start3A_50 = tpu.memref_slice %arg17[%add3A_21, %dma_start3A_49] : memref<10240x64xf32, #tpu.memory_space<vmem_shared>> -> memref<128x64xf32, #tpu.memory_space<vmem_shared>>
      %dma_start3A_51 = arith.constant 0 : i32
      %dma_start3A_52 = tpu.memref_slice %arg17[%add3A_21, %dma_start3A_51] : memref<10240x64xf32, #tpu.memory_space<vmem_shared>> -> memref<128x64xf32, #tpu.memory_space<vmem_shared>>
      tpu.enqueue_dma source(%arg15 : memref<128x64xf32, #tpu.memory_space<vmem>>) target(%dma_start3A_52 : memref<128x64xf32, #tpu.memory_space<vmem_shared>>) target_semaphore(%run_scoped3A : memref<!tpu.dma_semaphore, #tpu.memory_space<semaphore_mem>>)
      %dma_wait3A_53 = arith.constant 0 : i32
      %dma_wait3A_54 = tpu.memref_slice %arg17[%add3A_21, %dma_wait3A_53] : memref<10240x64xf32, #tpu.memory_space<vmem_shared>> -> memref<128x64xf32, #tpu.memory_space<vmem_shared>>
      %dma_wait3A_55 = arith.constant 0 : i32
      %dma_wait3A_56 = tpu.memref_slice %arg17[%add3A_21, %dma_wait3A_55] : memref<10240x64xf32, #tpu.memory_space<vmem_shared>> -> memref<128x64xf32, #tpu.memory_space<vmem_shared>>
      tpu.wait_dma2 semaphore(%run_scoped3A : memref<!tpu.dma_semaphore, #tpu.memory_space<semaphore_mem>>) src(%arg15 : memref<128x64xf32, #tpu.memory_space<vmem>>) dst(%dma_wait3A_56 : memref<128x64xf32, #tpu.memory_space<vmem_shared>>)
      tpu.yield
    }) : () -> ()
    "tpu.region"() ({
      %run_scoped3A = tpu.sem_alloc : memref<!tpu.dma_semaphore, #tpu.memory_space<semaphore_mem>>
      %dma_start3A_49 = arith.constant 0 : i32
      %dma_start3A_50 = arith.constant 0 : i32
      %dma_start3A_51 = tpu.memref_slice %arg2[%arg1, %dma_start3A_49, %dma_start3A_50] : memref<16x162x128xi32, #tpu.memory_space<hbm>> -> memref<1x162x128xi32, #tpu.memory_space<hbm>>
      %dma_start3A_52 = tpu.memref_squeeze %dma_start3A_51 : memref<1x162x128xi32, #tpu.memory_space<hbm>> -> memref<162x128xi32, #tpu.memory_space<hbm>>
      %dma_start3A_53 = arith.constant 0 : i32
      %dma_start3A_54 = arith.constant 0 : i32
      %dma_start3A_55 = tpu.memref_slice %arg2[%arg1, %dma_start3A_53, %dma_start3A_54] : memref<16x162x128xi32, #tpu.memory_space<hbm>> -> memref<1x162x128xi32, #tpu.memory_space<hbm>>
      %dma_start3A_56 = tpu.memref_squeeze %dma_start3A_55 : memref<1x162x128xi32, #tpu.memory_space<hbm>> -> memref<162x128xi32, #tpu.memory_space<hbm>>
      tpu.enqueue_dma source(%dma_start3A_56 : memref<162x128xi32, #tpu.memory_space<hbm>>) target(%arg9 : memref<162x128xi32, #tpu.memory_space<vmem>>) target_semaphore(%run_scoped3A : memref<!tpu.dma_semaphore, #tpu.memory_space<semaphore_mem>>)
      %dma_wait3A_57 = arith.constant 0 : i32
      %dma_wait3A_58 = arith.constant 0 : i32
      %dma_wait3A_59 = tpu.memref_slice %arg2[%arg1, %dma_wait3A_57, %dma_wait3A_58] : memref<16x162x128xi32, #tpu.memory_space<hbm>> -> memref<1x162x128xi32, #tpu.memory_space<hbm>>
      %dma_wait3A_60 = tpu.memref_squeeze %dma_wait3A_59 : memref<1x162x128xi32, #tpu.memory_space<hbm>> -> memref<162x128xi32, #tpu.memory_space<hbm>>
      %dma_wait3A_61 = arith.constant 0 : i32
      %dma_wait3A_62 = arith.constant 0 : i32
      %dma_wait3A_63 = tpu.memref_slice %arg2[%arg1, %dma_wait3A_61, %dma_wait3A_62] : memref<16x162x128xi32, #tpu.memory_space<hbm>> -> memref<1x162x128xi32, #tpu.memory_space<hbm>>
      %dma_wait3A_64 = tpu.memref_squeeze %dma_wait3A_63 : memref<1x162x128xi32, #tpu.memory_space<hbm>> -> memref<162x128xi32, #tpu.memory_space<hbm>>
      tpu.wait_dma2 semaphore(%run_scoped3A : memref<!tpu.dma_semaphore, #tpu.memory_space<semaphore_mem>>) src(%dma_wait3A_64 : memref<162x128xi32, #tpu.memory_space<hbm>>) dst(%arg9 : memref<162x128xi32, #tpu.memory_space<vmem>>)
      tpu.yield
    }) : () -> ()
    "tpu.region"() ({
      %run_scoped3A = tpu.sem_alloc : memref<!tpu.dma_semaphore, #tpu.memory_space<semaphore_mem>>
      %dma_start3A_49 = arith.constant 0 : i32
      %dma_start3A_50 = arith.constant 0 : i32
      %dma_start3A_51 = tpu.memref_slice %arg3[%arg1, %dma_start3A_49, %dma_start3A_50] : memref<16x162x128xi32, #tpu.memory_space<hbm>> -> memref<1x162x128xi32, #tpu.memory_space<hbm>>
      %dma_start3A_52 = tpu.memref_squeeze %dma_start3A_51 : memref<1x162x128xi32, #tpu.memory_space<hbm>> -> memref<162x128xi32, #tpu.memory_space<hbm>>
      %dma_start3A_53 = arith.constant 0 : i32
      %dma_start3A_54 = arith.constant 0 : i32
      %dma_start3A_55 = tpu.memref_slice %arg3[%arg1, %dma_start3A_53, %dma_start3A_54] : memref<16x162x128xi32, #tpu.memory_space<hbm>> -> memref<1x162x128xi32, #tpu.memory_space<hbm>>
      %dma_start3A_56 = tpu.memref_squeeze %dma_start3A_55 : memref<1x162x128xi32, #tpu.memory_space<hbm>> -> memref<162x128xi32, #tpu.memory_space<hbm>>
      tpu.enqueue_dma source(%dma_start3A_56 : memref<162x128xi32, #tpu.memory_space<hbm>>) target(%arg10 : memref<162x128xi32, #tpu.memory_space<vmem>>) target_semaphore(%run_scoped3A : memref<!tpu.dma_semaphore, #tpu.memory_space<semaphore_mem>>)
      %dma_wait3A_57 = arith.constant 0 : i32
      %dma_wait3A_58 = arith.constant 0 : i32
      %dma_wait3A_59 = tpu.memref_slice %arg3[%arg1, %dma_wait3A_57, %dma_wait3A_58] : memref<16x162x128xi32, #tpu.memory_space<hbm>> -> memref<1x162x128xi32, #tpu.memory_space<hbm>>
      %dma_wait3A_60 = tpu.memref_squeeze %dma_wait3A_59 : memref<1x162x128xi32, #tpu.memory_space<hbm>> -> memref<162x128xi32, #tpu.memory_space<hbm>>
      %dma_wait3A_61 = arith.constant 0 : i32
      %dma_wait3A_62 = arith.constant 0 : i32
      %dma_wait3A_63 = tpu.memref_slice %arg3[%arg1, %dma_wait3A_61, %dma_wait3A_62] : memref<16x162x128xi32, #tpu.memory_space<hbm>> -> memref<1x162x128xi32, #tpu.memory_space<hbm>>
      %dma_wait3A_64 = tpu.memref_squeeze %dma_wait3A_63 : memref<1x162x128xi32, #tpu.memory_space<hbm>> -> memref<162x128xi32, #tpu.memory_space<hbm>>
      tpu.wait_dma2 semaphore(%run_scoped3A : memref<!tpu.dma_semaphore, #tpu.memory_space<semaphore_mem>>) src(%dma_wait3A_64 : memref<162x128xi32, #tpu.memory_space<hbm>>) dst(%arg10 : memref<162x128xi32, #tpu.memory_space<vmem>>)
      tpu.yield
    }) : () -> ()
    "tpu.region"() ({
      %run_scoped3A = tpu.sem_alloc : memref<!tpu.dma_semaphore, #tpu.memory_space<semaphore_mem>>
      tpu.enqueue_dma source(%arg4 : memref<10240xf32, #tpu.memory_space<hbm>>) target(%arg11 : memref<10240xf32, #tpu.memory_space<vmem>>) target_semaphore(%run_scoped3A : memref<!tpu.dma_semaphore, #tpu.memory_space<semaphore_mem>>)
      tpu.wait_dma2 semaphore(%run_scoped3A : memref<!tpu.dma_semaphore, #tpu.memory_space<semaphore_mem>>) src(%arg4 : memref<10240xf32, #tpu.memory_space<hbm>>) dst(%arg11 : memref<10240xf32, #tpu.memory_space<vmem>>)
      tpu.yield
    }) : () -> ()
    "tpu.region"() ({
      %run_scoped3A = tpu.sem_alloc : memref<!tpu.dma_semaphore, #tpu.memory_space<semaphore_mem>>
      tpu.enqueue_dma source(%arg5 : memref<10240xf32, #tpu.memory_space<hbm>>) target(%arg12 : memref<10240xf32, #tpu.memory_space<vmem>>) target_semaphore(%run_scoped3A : memref<!tpu.dma_semaphore, #tpu.memory_space<semaphore_mem>>)
      tpu.wait_dma2 semaphore(%run_scoped3A : memref<!tpu.dma_semaphore, #tpu.memory_space<semaphore_mem>>) src(%arg5 : memref<10240xf32, #tpu.memory_space<hbm>>) dst(%arg12 : memref<10240xf32, #tpu.memory_space<vmem>>)
      tpu.yield
    }) : () -> ()
    %barrier3A = arith.constant 0 : index
    tpu.barrier barrier_id(%barrier3A)
    %mul3A_22 = arith.constant 20736 : i32
    %mul3A_23 = arith.muli %arg1, %mul3A_22 : i32
    %dma_start3A = arith.constant 0 : i32
    %dma_start3A_24 = arith.constant 0 : i32
    %dma_start3A_25 = tpu.memref_slice %arg9[%dma_start3A, %dma_start3A_24] : memref<162x128xi32, #tpu.memory_space<vmem>> -> memref<1x128xi32, #tpu.memory_space<vmem>>
    %dma_start3A_26 = tpu.memref_squeeze %dma_start3A_25 : memref<1x128xi32, #tpu.memory_space<vmem>> -> memref<128xi32, #tpu.memory_space<vmem>>
    %dma_start3A_27 = arith.constant 0 : i32
    %dma_start3A_28 = arith.constant 0 : i32
    %dma_start3A_29 = tpu.memref_slice %arg6[%arg0, %dma_start3A_27, %dma_start3A_28] : memref<2x10240x64xf32, #tpu.memory_space<hbm>> -> memref<1x10240x64xf32, #tpu.memory_space<hbm>>
    %dma_start3A_30 = tpu.memref_squeeze %dma_start3A_29 : memref<1x10240x64xf32, #tpu.memory_space<hbm>> -> memref<10240x64xf32, #tpu.memory_space<hbm>>
    %dma_start3A_31 = arith.constant 0 : i32
    %dma_start3A_32 = arith.constant 0 : i32
    %dma_start3A_33 = tpu.memref_slice %dma_start3A_30[%dma_start3A_31, %dma_start3A_32] : memref<10240x64xf32, #tpu.memory_space<hbm>> -> memref<10240x64xf32, #tpu.memory_space<hbm>>
    tpu.enqueue_indirect_dma source(%dma_start3A_33 : memref<10240x64xf32, #tpu.memory_space<hbm>>) target(%arg15 : memref<128x64xf32, #tpu.memory_space<vmem>>) offsets(%dma_start3A_26 : memref<128xi32, #tpu.memory_space<vmem>>) semaphore(%arg18 : memref<!tpu.dma_semaphore, #tpu.memory_space<semaphore_mem>>)
    %scan3A_34 = arith.constant 0 : i32
    %scan3A_35 = arith.constant 0 : i32
    %scan3A_36 = arith.constant 81 : i32
    %scan3A_37 = arith.addi %scan3A_35, %scan3A_36 : i32
    %scan3A_38 = arith.constant 1 : i32
    scf.for %scan3A_49 = %scan3A_35 to %scan3A_37 step %scan3A_38  : i32 {
      %mul3A_50 = arith.constant 2 : i32
      %mul3A_51 = arith.muli %scan3A_49, %mul3A_50 : i32
      %add3A_52 = arith.constant 0 : i32
      %add3A_53 = arith.addi %mul3A_51, %add3A_52 : i32
      %scan3A_54 = arith.constant 0 : i32
      %scan3A_55 = arith.constant 0 : i32
      %mul3A_56 = arith.constant 16 : i32
      %mul3A_57 = arith.muli %scan3A_55, %mul3A_56 : i32
      %get3A = arith.index_cast %add3A_53 : i32 to index
      %get3A_58 = arith.index_cast %mul3A_57 : i32 to index
      %get3A_59 = tpu.vector_load %arg9[%get3A, %get3A_58] {strides = array<i32>} : memref<162x128xi32, #tpu.memory_space<vmem>>, vector<16xi32>,
      %mul3A_60 = arith.constant 16 : i32
      %mul3A_61 = arith.muli %scan3A_55, %mul3A_60 : i32
      %get3A_62 = arith.index_cast %add3A_53 : i32 to index
      %get3A_63 = arith.index_cast %mul3A_61 : i32 to index
      %get3A_64 = tpu.vector_load %arg10[%get3A_62, %get3A_63] {strides = array<i32>} : memref<162x128xi32, #tpu.memory_space<vmem>>, vector<16xi32>,
      %gather3A = tpu.vector_load_idx %arg11[%get3A_59] : memref<10240xf32, #tpu.memory_space<vmem>>[vector<16xi32>], vector<16xf32>,
      %gather3A_65 = tpu.vector_load_idx %arg12[%get3A_64] : memref<10240xf32, #tpu.memory_space<vmem>>[vector<16xi32>], vector<16xf32>,
      %add3A_66 = arith.addf %gather3A, %gather3A_65 : vector<16xf32>
      %gt3A = arith.constant 0.000000e+00 : f32
      %gt3A_67 = vector.broadcast %gt3A : f32 to vector<16xf32>
      %gt3A_68 = arith.cmpf ogt, %add3A_66, %gt3A_67 : vector<16xf32>
      %mul3A_69 = arith.constant 2.000000e-01 : f32
      %mul3A_70 = vector.broadcast %mul3A_69 : f32 to vector<16xf32>
      %mul3A_71 = arith.mulf %add3A_66, %mul3A_70 : vector<16xf32>
      %select_n3A = arith.select %gt3A_68, %add3A_66, %mul3A_71 : vector<16xi1>, vector<16xf32>
      %exp3A = math.exp %select_n3A : vector<16xf32>
      %mul3A_72 = arith.constant 128 : i32
      %mul3A_73 = arith.muli %add3A_53, %mul3A_72 : i32
      %add3A_74 = arith.addi %mul3A_23, %mul3A_73 : i32
      %mul3A_75 = arith.constant 16 : i32
      %mul3A_76 = arith.muli %scan3A_55, %mul3A_75 : i32
      %add3A_77 = arith.addi %add3A_74, %mul3A_76 : i32
      %iota3A = tpu.iota {dimensions = array<i32: 0>} : vector<16xi32>
      %add3A_78 = vector.broadcast %add3A_77 : i32 to vector<16xi32>
      %add3A_79 = arith.addi %add3A_78, %iota3A : vector<16xi32>
      %lt3A = arith.constant 330000 : i32
      %lt3A_80 = vector.broadcast %lt3A : i32 to vector<16xi32>
      %lt3A_81 = arith.cmpi slt, %add3A_79, %lt3A_80 : vector<16xi32>
      %jit3A = arith.constant 0.000000e+00 : f32
      %broadcast_in_dim3A_82 = vector.broadcast %jit3A : f32 to vector<16xf32>
      %select_n3A_83 = arith.select %lt3A_81, %exp3A, %broadcast_in_dim3A_82 : vector<16xi1>, vector<16xf32>
      %mul3A_84 = arith.constant 16 : i32
      %mul3A_85 = arith.muli %scan3A_55, %mul3A_84 : i32
      %swap3A = arith.index_cast %mul3A_85 : i32 to index
      %swap3A_86 = tpu.vector_load %arg13[%swap3A] {strides = array<i32>} : memref<128xf32, #tpu.memory_space<vmem>>, vector<16xf32>,
      tpu.vector_store %arg13[%swap3A], %select_n3A_83 {strides = array<i32>} : memref<128xf32, #tpu.memory_space<vmem>>, vector<16xf32>,
      tpu.vector_store_idx %arg14[%get3A_64], %select_n3A_83 {add = true} : memref<10240xf32, #tpu.memory_space<vmem>>[vector<16xi32>], vector<16xf32>,
      %scan3A_87 = arith.constant 1 : i32
      %mul3A_88 = arith.constant 16 : i32
      %mul3A_89 = arith.muli %scan3A_87, %mul3A_88 : i32
      %get3A_90 = arith.index_cast %add3A_53 : i32 to index
      %get3A_91 = arith.index_cast %mul3A_89 : i32 to index
      %get3A_92 = tpu.vector_load %arg9[%get3A_90, %get3A_91] {strides = array<i32>} : memref<162x128xi32, #tpu.memory_space<vmem>>, vector<16xi32>,
      %mul3A_93 = arith.constant 16 : i32
      %mul3A_94 = arith.muli %scan3A_87, %mul3A_93 : i32
      %get3A_95 = arith.index_cast %add3A_53 : i32 to index
      %get3A_96 = arith.index_cast %mul3A_94 : i32 to index
      %get3A_97 = tpu.vector_load %arg10[%get3A_95, %get3A_96] {strides = array<i32>} : memref<162x128xi32, #tpu.memory_space<vmem>>, vector<16xi32>,
      %gather3A_98 = tpu.vector_load_idx %arg11[%get3A_92] : memref<10240xf32, #tpu.memory_space<vmem>>[vector<16xi32>], vector<16xf32>,
      %gather3A_99 = tpu.vector_load_idx %arg12[%get3A_97] : memref<10240xf32, #tpu.memory_space<vmem>>[vector<16xi32>], vector<16xf32>,
      %add3A_100 = arith.addf %gather3A_98, %gather3A_99 : vector<16xf32>
      %gt3A_101 = arith.constant 0.000000e+00 : f32
      %gt3A_102 = vector.broadcast %gt3A_101 : f32 to vector<16xf32>
      %gt3A_103 = arith.cmpf ogt, %add3A_100, %gt3A_102 : vector<16xf32>
      %mul3A_104 = arith.constant 2.000000e-01 : f32
      %mul3A_105 = vector.broadcast %mul3A_104 : f32 to vector<16xf32>
      %mul3A_106 = arith.mulf %add3A_100, %mul3A_105 : vector<16xf32>
      %select_n3A_107 = arith.select %gt3A_103, %add3A_100, %mul3A_106 : vector<16xi1>, vector<16xf32>
      %exp3A_108 = math.exp %select_n3A_107 : vector<16xf32>
      %mul3A_109 = arith.constant 128 : i32
      %mul3A_110 = arith.muli %add3A_53, %mul3A_109 : i32
      %add3A_111 = arith.addi %mul3A_23, %mul3A_110 : i32
      %mul3A_112 = arith.constant 16 : i32
      %mul3A_113 = arith.muli %scan3A_87, %mul3A_112 : i32
      %add3A_114 = arith.addi %add3A_111, %mul3A_113 : i32
      %iota3A_115 = tpu.iota {dimensions = array<i32: 0>} : vector<16xi32>
      %add3A_116 = vector.broadcast %add3A_114 : i32 to vector<16xi32>
      %add3A_117 = arith.addi %add3A_116, %iota3A_115 : vector<16xi32>
      %lt3A_118 = arith.constant 330000 : i32
      %lt3A_119 = vector.broadcast %lt3A_118 : i32 to vector<16xi32>
      %lt3A_120 = arith.cmpi slt, %add3A_117, %lt3A_119 : vector<16xi32>
      %jit3A_121 = arith.constant 0.000000e+00 : f32
      %broadcast_in_dim3A_122 = vector.broadcast %jit3A_121 : f32 to vector<16xf32>
      %select_n3A_123 = arith.select %lt3A_120, %exp3A_108, %broadcast_in_dim3A_122 : vector<16xi1>, vector<16xf32>
      %mul3A_124 = arith.constant 16 : i32
      %mul3A_125 = arith.muli %scan3A_87, %mul3A_124 : i32
      %swap3A_126 = arith.index_cast %mul3A_125 : i32 to index
      %swap3A_127 = tpu.vector_load %arg13[%swap3A_126] {strides = array<i32>} : memref<128xf32, #tpu.memory_space<vmem>>, vector<16xf32>,
      tpu.vector_store %arg13[%swap3A_126], %select_n3A_123 {strides = array<i32>} : memref<128xf32, #tpu.memory_space<vmem>>, vector<16xf32>,
      tpu.vector_store_idx %arg14[%get3A_97], %select_n3A_123 {add = true} : memref<10240xf32, #tpu.memory_space<vmem>>[vector<16xi32>], vector<16xf32>,
      %scan3A_128 = arith.constant 2 : i32
      %mul3A_129 = arith.constant 16 : i32
      %mul3A_130 = arith.muli %scan3A_128, %mul3A_129 : i32
      %get3A_131 = arith.index_cast %add3A_53 : i32 to index
      %get3A_132 = arith.index_cast %mul3A_130 : i32 to index
      %get3A_133 = tpu.vector_load %arg9[%get3A_131, %get3A_132] {strides = array<i32>} : memref<162x128xi32, #tpu.memory_space<vmem>>, vector<16xi32>,
      %mul3A_134 = arith.constant 16 : i32
      %mul3A_135 = arith.muli %scan3A_128, %mul3A_134 : i32
      %get3A_136 = arith.index_cast %add3A_53 : i32 to index
      %get3A_137 = arith.index_cast %mul3A_135 : i32 to index
      %get3A_138 = tpu.vector_load %arg10[%get3A_136, %get3A_137] {strides = array<i32>} : memref<162x128xi32, #tpu.memory_space<vmem>>, vector<16xi32>,
      %gather3A_139 = tpu.vector_load_idx %arg11[%get3A_133] : memref<10240xf32, #tpu.memory_space<vmem>>[vector<16xi32>], vector<16xf32>,
      %gather3A_140 = tpu.vector_load_idx %arg12[%get3A_138] : memref<10240xf32, #tpu.memory_space<vmem>>[vector<16xi32>], vector<16xf32>,
      %add3A_141 = arith.addf %gather3A_139, %gather3A_140 : vector<16xf32>
      %gt3A_142 = arith.constant 0.000000e+00 : f32
      %gt3A_143 = vector.broadcast %gt3A_142 : f32 to vector<16xf32>
      %gt3A_144 = arith.cmpf ogt, %add3A_141, %gt3A_143 : vector<16xf32>
      %mul3A_145 = arith.constant 2.000000e-01 : f32
      %mul3A_146 = vector.broadcast %mul3A_145 : f32 to vector<16xf32>
      %mul3A_147 = arith.mulf %add3A_141, %mul3A_146 : vector<16xf32>
      %select_n3A_148 = arith.select %gt3A_144, %add3A_141, %mul3A_147 : vector<16xi1>, vector<16xf32>
      %exp3A_149 = math.exp %select_n3A_148 : vector<16xf32>
      %mul3A_150 = arith.constant 128 : i32
      %mul3A_151 = arith.muli %add3A_53, %mul3A_150 : i32
      %add3A_152 = arith.addi %mul3A_23, %mul3A_151 : i32
      %mul3A_153 = arith.constant 16 : i32
      %mul3A_154 = arith.muli %scan3A_128, %mul3A_153 : i32
      %add3A_155 = arith.addi %add3A_152, %mul3A_154 : i32
      %iota3A_156 = tpu.iota {dimensions = array<i32: 0>} : vector<16xi32>
      %add3A_157 = vector.broadcast %add3A_155 : i32 to vector<16xi32>
      %add3A_158 = arith.addi %add3A_157, %iota3A_156 : vector<16xi32>
      %lt3A_159 = arith.constant 330000 : i32
      %lt3A_160 = vector.broadcast %lt3A_159 : i32 to vector<16xi32>
      %lt3A_161 = arith.cmpi slt, %add3A_158, %lt3A_160 : vector<16xi32>
      %jit3A_162 = arith.constant 0.000000e+00 : f32
      %broadcast_in_dim3A_163 = vector.broadcast %jit3A_162 : f32 to vector<16xf32>
      %select_n3A_164 = arith.select %lt3A_161, %exp3A_149, %broadcast_in_dim3A_163 : vector<16xi1>, vector<16xf32>
      %mul3A_165 = arith.constant 16 : i32
      %mul3A_166 = arith.muli %scan3A_128, %mul3A_165 : i32
      %swap3A_167 = arith.index_cast %mul3A_166 : i32 to index
      %swap3A_168 = tpu.vector_load %arg13[%swap3A_167] {strides = array<i32>} : memref<128xf32, #tpu.memory_space<vmem>>, vector<16xf32>,
      tpu.vector_store %arg13[%swap3A_167], %select_n3A_164 {strides = array<i32>} : memref<128xf32, #tpu.memory_space<vmem>>, vector<16xf32>,
      tpu.vector_store_idx %arg14[%get3A_138], %select_n3A_164 {add = true} : memref<10240xf32, #tpu.memory_space<vmem>>[vector<16xi32>], vector<16xf32>,
      %scan3A_169 = arith.constant 3 : i32
      %mul3A_170 = arith.constant 16 : i32
      %mul3A_171 = arith.muli %scan3A_169, %mul3A_170 : i32
      %get3A_172 = arith.index_cast %add3A_53 : i32 to index
      %get3A_173 = arith.index_cast %mul3A_171 : i32 to index
      %get3A_174 = tpu.vector_load %arg9[%get3A_172, %get3A_173] {strides = array<i32>} : memref<162x128xi32, #tpu.memory_space<vmem>>, vector<16xi32>,
      %mul3A_175 = arith.constant 16 : i32
      %mul3A_176 = arith.muli %scan3A_169, %mul3A_175 : i32
      %get3A_177 = arith.index_cast %add3A_53 : i32 to index
      %get3A_178 = arith.index_cast %mul3A_176 : i32 to index
      %get3A_179 = tpu.vector_load %arg10[%get3A_177, %get3A_178] {strides = array<i32>} : memref<162x128xi32, #tpu.memory_space<vmem>>, vector<16xi32>,
      %gather3A_180 = tpu.vector_load_idx %arg11[%get3A_174] : memref<10240xf32, #tpu.memory_space<vmem>>[vector<16xi32>], vector<16xf32>,
      %gather3A_181 = tpu.vector_load_idx %arg12[%get3A_179] : memref<10240xf32, #tpu.memory_space<vmem>>[vector<16xi32>], vector<16xf32>,
      %add3A_182 = arith.addf %gather3A_180, %gather3A_181 : vector<16xf32>
      %gt3A_183 = arith.constant 0.000000e+00 : f32
      %gt3A_184 = vector.broadcast %gt3A_183 : f32 to vector<16xf32>
      %gt3A_185 = arith.cmpf ogt, %add3A_182, %gt3A_184 : vector<16xf32>
      %mul3A_186 = arith.constant 2.000000e-01 : f32
      %mul3A_187 = vector.broadcast %mul3A_186 : f32 to vector<16xf32>
      %mul3A_188 = arith.mulf %add3A_182, %mul3A_187 : vector<16xf32>
      %select_n3A_189 = arith.select %gt3A_185, %add3A_182, %mul3A_188 : vector<16xi1>, vector<16xf32>
      %exp3A_190 = math.exp %select_n3A_189 : vector<16xf32>
      %mul3A_191 = arith.constant 128 : i32
      %mul3A_192 = arith.muli %add3A_53, %mul3A_191 : i32
      %add3A_193 = arith.addi %mul3A_23, %mul3A_192 : i32
      %mul3A_194 = arith.constant 16 : i32
      %mul3A_195 = arith.muli %scan3A_169, %mul3A_194 : i32
      %add3A_196 = arith.addi %add3A_193, %mul3A_195 : i32
      %iota3A_197 = tpu.iota {dimensions = array<i32: 0>} : vector<16xi32>
      %add3A_198 = vector.broadcast %add3A_196 : i32 to vector<16xi32>
      %add3A_199 = arith.addi %add3A_198, %iota3A_197 : vector<16xi32>
      %lt3A_200 = arith.constant 330000 : i32
      %lt3A_201 = vector.broadcast %lt3A_200 : i32 to vector<16xi32>
      %lt3A_202 = arith.cmpi slt, %add3A_199, %lt3A_201 : vector<16xi32>
      %jit3A_203 = arith.constant 0.000000e+00 : f32
      %broadcast_in_dim3A_204 = vector.broadcast %jit3A_203 : f32 to vector<16xf32>
      %select_n3A_205 = arith.select %lt3A_202, %exp3A_190, %broadcast_in_dim3A_204 : vector<16xi1>, vector<16xf32>
      %mul3A_206 = arith.constant 16 : i32
      %mul3A_207 = arith.muli %scan3A_169, %mul3A_206 : i32
      %swap3A_208 = arith.index_cast %mul3A_207 : i32 to index
      %swap3A_209 = tpu.vector_load %arg13[%swap3A_208] {strides = array<i32>} : memref<128xf32, #tpu.memory_space<vmem>>, vector<16xf32>,
      tpu.vector_store %arg13[%swap3A_208], %select_n3A_205 {strides = array<i32>} : memref<128xf32, #tpu.memory_space<vmem>>, vector<16xf32>,
      tpu.vector_store_idx %arg14[%get3A_179], %select_n3A_205 {add = true} : memref<10240xf32, #tpu.memory_space<vmem>>[vector<16xi32>], vector<16xf32>,
      %scan3A_210 = arith.constant 4 : i32
      %mul3A_211 = arith.constant 16 : i32
      %mul3A_212 = arith.muli %scan3A_210, %mul3A_211 : i32
      %get3A_213 = arith.index_cast %add3A_53 : i32 to index
      %get3A_214 = arith.index_cast %mul3A_212 : i32 to index
      %get3A_215 = tpu.vector_load %arg9[%get3A_213, %get3A_214] {strides = array<i32>} : memref<162x128xi32, #tpu.memory_space<vmem>>, vector<16xi32>,
      %mul3A_216 = arith.constant 16 : i32
      %mul3A_217 = arith.muli %scan3A_210, %mul3A_216 : i32
      %get3A_218 = arith.index_cast %add3A_53 : i32 to index
      %get3A_219 = arith.index_cast %mul3A_217 : i32 to index
      %get3A_220 = tpu.vector_load %arg10[%get3A_218, %get3A_219] {strides = array<i32>} : memref<162x128xi32, #tpu.memory_space<vmem>>, vector<16xi32>,
      %gather3A_221 = tpu.vector_load_idx %arg11[%get3A_215] : memref<10240xf32, #tpu.memory_space<vmem>>[vector<16xi32>], vector<16xf32>,
      %gather3A_222 = tpu.vector_load_idx %arg12[%get3A_220] : memref<10240xf32, #tpu.memory_space<vmem>>[vector<16xi32>], vector<16xf32>,
      %add3A_223 = arith.addf %gather3A_221, %gather3A_222 : vector<16xf32>
      %gt3A_224 = arith.constant 0.000000e+00 : f32
      %gt3A_225 = vector.broadcast %gt3A_224 : f32 to vector<16xf32>
      %gt3A_226 = arith.cmpf ogt, %add3A_223, %gt3A_225 : vector<16xf32>
      %mul3A_227 = arith.constant 2.000000e-01 : f32
      %mul3A_228 = vector.broadcast %mul3A_227 : f32 to vector<16xf32>
      %mul3A_229 = arith.mulf %add3A_223, %mul3A_228 : vector<16xf32>
      %select_n3A_230 = arith.select %gt3A_226, %add3A_223, %mul3A_229 : vector<16xi1>, vector<16xf32>
      %exp3A_231 = math.exp %select_n3A_230 : vector<16xf32>
      %mul3A_232 = arith.constant 128 : i32
      %mul3A_233 = arith.muli %add3A_53, %mul3A_232 : i32
      %add3A_234 = arith.addi %mul3A_23, %mul3A_233 : i32
      %mul3A_235 = arith.constant 16 : i32
      %mul3A_236 = arith.muli %scan3A_210, %mul3A_235 : i32
      %add3A_237 = arith.addi %add3A_234, %mul3A_236 : i32
      %iota3A_238 = tpu.iota {dimensions = array<i32: 0>} : vector<16xi32>
      %add3A_239 = vector.broadcast %add3A_237 : i32 to vector<16xi32>
      %add3A_240 = arith.addi %add3A_239, %iota3A_238 : vector<16xi32>
      %lt3A_241 = arith.constant 330000 : i32
      %lt3A_242 = vector.broadcast %lt3A_241 : i32 to vector<16xi32>
      %lt3A_243 = arith.cmpi slt, %add3A_240, %lt3A_242 : vector<16xi32>
      %jit3A_244 = arith.constant 0.000000e+00 : f32
      %broadcast_in_dim3A_245 = vector.broadcast %jit3A_244 : f32 to vector<16xf32>
      %select_n3A_246 = arith.select %lt3A_243, %exp3A_231, %broadcast_in_dim3A_245 : vector<16xi1>, vector<16xf32>
      %mul3A_247 = arith.constant 16 : i32
      %mul3A_248 = arith.muli %scan3A_210, %mul3A_247 : i32
      %swap3A_249 = arith.index_cast %mul3A_248 : i32 to index
      %swap3A_250 = tpu.vector_load %arg13[%swap3A_249] {strides = array<i32>} : memref<128xf32, #tpu.memory_space<vmem>>, vector<16xf32>,
      tpu.vector_store %arg13[%swap3A_249], %select_n3A_246 {strides = array<i32>} : memref<128xf32, #tpu.memory_space<vmem>>, vector<16xf32>,
      tpu.vector_store_idx %arg14[%get3A_220], %select_n3A_246 {add = true} : memref<10240xf32, #tpu.memory_space<vmem>>[vector<16xi32>], vector<16xf32>,
      %scan3A_251 = arith.constant 5 : i32
      %mul3A_252 = arith.constant 16 : i32
      %mul3A_253 = arith.muli %scan3A_251, %mul3A_252 : i32
      %get3A_254 = arith.index_cast %add3A_53 : i32 to index
      %get3A_255 = arith.index_cast %mul3A_253 : i32 to index
      %get3A_256 = tpu.vector_load %arg9[%get3A_254, %get3A_255] {strides = array<i32>} : memref<162x128xi32, #tpu.memory_space<vmem>>, vector<16xi32>,
      %mul3A_257 = arith.constant 16 : i32
      %mul3A_258 = arith.muli %scan3A_251, %mul3A_257 : i32
      %get3A_259 = arith.index_cast %add3A_53 : i32 to index
      %get3A_260 = arith.index_cast %mul3A_258 : i32 to index
      %get3A_261 = tpu.vector_load %arg10[%get3A_259, %get3A_260] {strides = array<i32>} : memref<162x128xi32, #tpu.memory_space<vmem>>, vector<16xi32>,
      %gather3A_262 = tpu.vector_load_idx %arg11[%get3A_256] : memref<10240xf32, #tpu.memory_space<vmem>>[vector<16xi32>], vector<16xf32>,
      %gather3A_263 = tpu.vector_load_idx %arg12[%get3A_261] : memref<10240xf32, #tpu.memory_space<vmem>>[vector<16xi32>], vector<16xf32>,
      %add3A_264 = arith.addf %gather3A_262, %gather3A_263 : vector<16xf32>
      %gt3A_265 = arith.constant 0.000000e+00 : f32
      %gt3A_266 = vector.broadcast %gt3A_265 : f32 to vector<16xf32>
      %gt3A_267 = arith.cmpf ogt, %add3A_264, %gt3A_266 : vector<16xf32>
      %mul3A_268 = arith.constant 2.000000e-01 : f32
      %mul3A_269 = vector.broadcast %mul3A_268 : f32 to vector<16xf32>
      %mul3A_270 = arith.mulf %add3A_264, %mul3A_269 : vector<16xf32>
      %select_n3A_271 = arith.select %gt3A_267, %add3A_264, %mul3A_270 : vector<16xi1>, vector<16xf32>
      %exp3A_272 = math.exp %select_n3A_271 : vector<16xf32>
      %mul3A_273 = arith.constant 128 : i32
      %mul3A_274 = arith.muli %add3A_53, %mul3A_273 : i32
      %add3A_275 = arith.addi %mul3A_23, %mul3A_274 : i32
      %mul3A_276 = arith.constant 16 : i32
      %mul3A_277 = arith.muli %scan3A_251, %mul3A_276 : i32
      %add3A_278 = arith.addi %add3A_275, %mul3A_277 : i32
      %iota3A_279 = tpu.iota {dimensions = array<i32: 0>} : vector<16xi32>
      %add3A_280 = vector.broadcast %add3A_278 : i32 to vector<16xi32>
      %add3A_281 = arith.addi %add3A_280, %iota3A_279 : vector<16xi32>
      %lt3A_282 = arith.constant 330000 : i32
      %lt3A_283 = vector.broadcast %lt3A_282 : i32 to vector<16xi32>
      %lt3A_284 = arith.cmpi slt, %add3A_281, %lt3A_283 : vector<16xi32>
      %jit3A_285 = arith.constant 0.000000e+00 : f32
      %broadcast_in_dim3A_286 = vector.broadcast %jit3A_285 : f32 to vector<16xf32>
      %select_n3A_287 = arith.select %lt3A_284, %exp3A_272, %broadcast_in_dim3A_286 : vector<16xi1>, vector<16xf32>
      %mul3A_288 = arith.constant 16 : i32
      %mul3A_289 = arith.muli %scan3A_251, %mul3A_288 : i32
      %swap3A_290 = arith.index_cast %mul3A_289 : i32 to index
      %swap3A_291 = tpu.vector_load %arg13[%swap3A_290] {strides = array<i32>} : memref<128xf32, #tpu.memory_space<vmem>>, vector<16xf32>,
      tpu.vector_store %arg13[%swap3A_290], %select_n3A_287 {strides = array<i32>} : memref<128xf32, #tpu.memory_space<vmem>>, vector<16xf32>,
      tpu.vector_store_idx %arg14[%get3A_261], %select_n3A_287 {add = true} : memref<10240xf32, #tpu.memory_space<vmem>>[vector<16xi32>], vector<16xf32>,
      %scan3A_292 = arith.constant 6 : i32
      %mul3A_293 = arith.constant 16 : i32
      %mul3A_294 = arith.muli %scan3A_292, %mul3A_293 : i32
      %get3A_295 = arith.index_cast %add3A_53 : i32 to index
      %get3A_296 = arith.index_cast %mul3A_294 : i32 to index
      %get3A_297 = tpu.vector_load %arg9[%get3A_295, %get3A_296] {strides = array<i32>} : memref<162x128xi32, #tpu.memory_space<vmem>>, vector<16xi32>,
      %mul3A_298 = arith.constant 16 : i32
      %mul3A_299 = arith.muli %scan3A_292, %mul3A_298 : i32
      %get3A_300 = arith.index_cast %add3A_53 : i32 to index
      %get3A_301 = arith.index_cast %mul3A_299 : i32 to index
      %get3A_302 = tpu.vector_load %arg10[%get3A_300, %get3A_301] {strides = array<i32>} : memref<162x128xi32, #tpu.memory_space<vmem>>, vector<16xi32>,
      %gather3A_303 = tpu.vector_load_idx %arg11[%get3A_297] : memref<10240xf32, #tpu.memory_space<vmem>>[vector<16xi32>], vector<16xf32>,
      %gather3A_304 = tpu.vector_load_idx %arg12[%get3A_302] : memref<10240xf32, #tpu.memory_space<vmem>>[vector<16xi32>], vector<16xf32>,
      %add3A_305 = arith.addf %gather3A_303, %gather3A_304 : vector<16xf32>
      %gt3A_306 = arith.constant 0.000000e+00 : f32
      %gt3A_307 = vector.broadcast %gt3A_306 : f32 to vector<16xf32>
      %gt3A_308 = arith.cmpf ogt, %add3A_305, %gt3A_307 : vector<16xf32>
      %mul3A_309 = arith.constant 2.000000e-01 : f32
      %mul3A_310 = vector.broadcast %mul3A_309 : f32 to vector<16xf32>
      %mul3A_311 = arith.mulf %add3A_305, %mul3A_310 : vector<16xf32>
      %select_n3A_312 = arith.select %gt3A_308, %add3A_305, %mul3A_311 : vector<16xi1>, vector<16xf32>
      %exp3A_313 = math.exp %select_n3A_312 : vector<16xf32>
      %mul3A_314 = arith.constant 128 : i32
      %mul3A_315 = arith.muli %add3A_53, %mul3A_314 : i32
      %add3A_316 = arith.addi %mul3A_23, %mul3A_315 : i32
      %mul3A_317 = arith.constant 16 : i32
      %mul3A_318 = arith.muli %scan3A_292, %mul3A_317 : i32
      %add3A_319 = arith.addi %add3A_316, %mul3A_318 : i32
      %iota3A_320 = tpu.iota {dimensions = array<i32: 0>} : vector<16xi32>
      %add3A_321 = vector.broadcast %add3A_319 : i32 to vector<16xi32>
      %add3A_322 = arith.addi %add3A_321, %iota3A_320 : vector<16xi32>
      %lt3A_323 = arith.constant 330000 : i32
      %lt3A_324 = vector.broadcast %lt3A_323 : i32 to vector<16xi32>
      %lt3A_325 = arith.cmpi slt, %add3A_322, %lt3A_324 : vector<16xi32>
      %jit3A_326 = arith.constant 0.000000e+00 : f32
      %broadcast_in_dim3A_327 = vector.broadcast %jit3A_326 : f32 to vector<16xf32>
      %select_n3A_328 = arith.select %lt3A_325, %exp3A_313, %broadcast_in_dim3A_327 : vector<16xi1>, vector<16xf32>
      %mul3A_329 = arith.constant 16 : i32
      %mul3A_330 = arith.muli %scan3A_292, %mul3A_329 : i32
      %swap3A_331 = arith.index_cast %mul3A_330 : i32 to index
      %swap3A_332 = tpu.vector_load %arg13[%swap3A_331] {strides = array<i32>} : memref<128xf32, #tpu.memory_space<vmem>>, vector<16xf32>,
      tpu.vector_store %arg13[%swap3A_331], %select_n3A_328 {strides = array<i32>} : memref<128xf32, #tpu.memory_space<vmem>>, vector<16xf32>,
      tpu.vector_store_idx %arg14[%get3A_302], %select_n3A_328 {add = true} : memref<10240xf32, #tpu.memory_space<vmem>>[vector<16xi32>], vector<16xf32>,
      %scan3A_333 = arith.constant 7 : i32
      %mul3A_334 = arith.constant 16 : i32
      %mul3A_335 = arith.muli %scan3A_333, %mul3A_334 : i32
      %get3A_336 = arith.index_cast %add3A_53 : i32 to index
      %get3A_337 = arith.index_cast %mul3A_335 : i32 to index
      %get3A_338 = tpu.vector_load %arg9[%get3A_336, %get3A_337] {strides = array<i32>} : memref<162x128xi32, #tpu.memory_space<vmem>>, vector<16xi32>,
      %mul3A_339 = arith.constant 16 : i32
      %mul3A_340 = arith.muli %scan3A_333, %mul3A_339 : i32
      %get3A_341 = arith.index_cast %add3A_53 : i32 to index
      %get3A_342 = arith.index_cast %mul3A_340 : i32 to index
      %get3A_343 = tpu.vector_load %arg10[%get3A_341, %get3A_342] {strides = array<i32>} : memref<162x128xi32, #tpu.memory_space<vmem>>, vector<16xi32>,
      %gather3A_344 = tpu.vector_load_idx %arg11[%get3A_338] : memref<10240xf32, #tpu.memory_space<vmem>>[vector<16xi32>], vector<16xf32>,
      %gather3A_345 = tpu.vector_load_idx %arg12[%get3A_343] : memref<10240xf32, #tpu.memory_space<vmem>>[vector<16xi32>], vector<16xf32>,
      %add3A_346 = arith.addf %gather3A_344, %gather3A_345 : vector<16xf32>
      %gt3A_347 = arith.constant 0.000000e+00 : f32
      %gt3A_348 = vector.broadcast %gt3A_347 : f32 to vector<16xf32>
      %gt3A_349 = arith.cmpf ogt, %add3A_346, %gt3A_348 : vector<16xf32>
      %mul3A_350 = arith.constant 2.000000e-01 : f32
      %mul3A_351 = vector.broadcast %mul3A_350 : f32 to vector<16xf32>
      %mul3A_352 = arith.mulf %add3A_346, %mul3A_351 : vector<16xf32>
      %select_n3A_353 = arith.select %gt3A_349, %add3A_346, %mul3A_352 : vector<16xi1>, vector<16xf32>
      %exp3A_354 = math.exp %select_n3A_353 : vector<16xf32>
      %mul3A_355 = arith.constant 128 : i32
      %mul3A_356 = arith.muli %add3A_53, %mul3A_355 : i32
      %add3A_357 = arith.addi %mul3A_23, %mul3A_356 : i32
      %mul3A_358 = arith.constant 16 : i32
      %mul3A_359 = arith.muli %scan3A_333, %mul3A_358 : i32
      %add3A_360 = arith.addi %add3A_357, %mul3A_359 : i32
      %iota3A_361 = tpu.iota {dimensions = array<i32: 0>} : vector<16xi32>
      %add3A_362 = vector.broadcast %add3A_360 : i32 to vector<16xi32>
      %add3A_363 = arith.addi %add3A_362, %iota3A_361 : vector<16xi32>
      %lt3A_364 = arith.constant 330000 : i32
      %lt3A_365 = vector.broadcast %lt3A_364 : i32 to vector<16xi32>
      %lt3A_366 = arith.cmpi slt, %add3A_363, %lt3A_365 : vector<16xi32>
      %jit3A_367 = arith.constant 0.000000e+00 : f32
      %broadcast_in_dim3A_368 = vector.broadcast %jit3A_367 : f32 to vector<16xf32>
      %select_n3A_369 = arith.select %lt3A_366, %exp3A_354, %broadcast_in_dim3A_368 : vector<16xi1>, vector<16xf32>
      %mul3A_370 = arith.constant 16 : i32
      %mul3A_371 = arith.muli %scan3A_333, %mul3A_370 : i32
      %swap3A_372 = arith.index_cast %mul3A_371 : i32 to index
      %swap3A_373 = tpu.vector_load %arg13[%swap3A_372] {strides = array<i32>} : memref<128xf32, #tpu.memory_space<vmem>>, vector<16xf32>,
      tpu.vector_store %arg13[%swap3A_372], %select_n3A_369 {strides = array<i32>} : memref<128xf32, #tpu.memory_space<vmem>>, vector<16xf32>,
      tpu.vector_store_idx %arg14[%get3A_343], %select_n3A_369 {add = true} : memref<10240xf32, #tpu.memory_space<vmem>>[vector<16xi32>], vector<16xf32>,
      %scan3A_374 = arith.constant 8 : i32
      %dma_wait3A_375 = arith.constant 0 : i32
      %dma_wait3A_376 = tpu.memref_slice %arg9[%add3A_53, %dma_wait3A_375] : memref<162x128xi32, #tpu.memory_space<vmem>> -> memref<1x128xi32, #tpu.memory_space<vmem>>
      %dma_wait3A_377 = tpu.memref_squeeze %dma_wait3A_376 : memref<1x128xi32, #tpu.memory_space<vmem>> -> memref<128xi32, #tpu.memory_space<vmem>>
      %dma_wait3A_378 = arith.constant 0 : i32
      %dma_wait3A_379 = arith.constant 0 : i32
      %dma_wait3A_380 = tpu.memref_slice %arg6[%arg0, %dma_wait3A_378, %dma_wait3A_379] : memref<2x10240x64xf32, #tpu.memory_space<hbm>> -> memref<1x10240x64xf32, #tpu.memory_space<hbm>>
      %dma_wait3A_381 = tpu.memref_squeeze %dma_wait3A_380 : memref<1x10240x64xf32, #tpu.memory_space<hbm>> -> memref<10240x64xf32, #tpu.memory_space<hbm>>
      %dma_wait3A_382 = arith.constant 0 : i32
      %dma_wait3A_383 = arith.constant 0 : i32
      %dma_wait3A_384 = tpu.memref_slice %dma_wait3A_381[%dma_wait3A_382, %dma_wait3A_383] : memref<10240x64xf32, #tpu.memory_space<hbm>> -> memref<10240x64xf32, #tpu.memory_space<hbm>>
      tpu.wait_indirect_dma semaphore(%arg18 : memref<!tpu.dma_semaphore, #tpu.memory_space<semaphore_mem>>) src(%dma_wait3A_384 : memref<10240x64xf32, #tpu.memory_space<hbm>>) dst(%arg15 : memref<128x64xf32, #tpu.memory_space<vmem>>)
      %ge3A = arith.constant 1 : i32
      %ge3A_385 = arith.cmpi sge, %add3A_53, %ge3A : i32
      %convert_element_type3A_386 = arith.extui %ge3A_385 : i1 to i32
      %cond3A_387 = arith.constant 0 : i32
      %cond3A_388 = arith.cmpi ne, %convert_element_type3A_386, %cond3A_387 : i32
      scf.if %cond3A_388 {
        %dma_wait3A_776 = arith.constant 0 : i32
        %dma_wait3A_777 = tpu.memref_slice %arg10[%add3A_53, %dma_wait3A_776] : memref<162x128xi32, #tpu.memory_space<vmem>> -> memref<1x128xi32, #tpu.memory_space<vmem>>
        %dma_wait3A_778 = tpu.memref_squeeze %dma_wait3A_777 : memref<1x128xi32, #tpu.memory_space<vmem>> -> memref<128xi32, #tpu.memory_space<vmem>>
        %dma_wait3A_779 = arith.constant 0 : i32
        %dma_wait3A_780 = arith.constant 0 : i32
        %dma_wait3A_781 = tpu.memref_slice %arg17[%dma_wait3A_779, %dma_wait3A_780] : memref<10240x64xf32, #tpu.memory_space<vmem_shared>> -> memref<10240x64xf32, #tpu.memory_space<vmem_shared>>
        tpu.wait_indirect_dma semaphore(%arg19 : memref<!tpu.dma_semaphore, #tpu.memory_space<semaphore_mem>>) src(%arg16 : memref<128x64xf32, #tpu.memory_space<vmem>>) dst(%dma_wait3A_781 : memref<10240x64xf32, #tpu.memory_space<vmem_shared>>)
      } else {
      }
      %add3A_389 = arith.constant 1 : i32
      %add3A_390 = arith.addi %add3A_53, %add3A_389 : i32
      %lt3A_391 = arith.constant 162 : i32
      %lt3A_392 = arith.cmpi slt, %add3A_390, %lt3A_391 : i32
      %convert_element_type3A_393 = arith.extui %lt3A_392 : i1 to i32
      %cond3A_394 = arith.constant 0 : i32
      %cond3A_395 = arith.cmpi ne, %convert_element_type3A_393, %cond3A_394 : i32
      scf.if %cond3A_395 {
        %add3A_776 = arith.constant 1 : i32
        %add3A_777 = arith.addi %add3A_53, %add3A_776 : i32
        %dma_start3A_778 = arith.constant 0 : i32
        %dma_start3A_779 = tpu.memref_slice %arg9[%add3A_777, %dma_start3A_778] : memref<162x128xi32, #tpu.memory_space<vmem>> -> memref<1x128xi32, #tpu.memory_space<vmem>>
        %dma_start3A_780 = tpu.memref_squeeze %dma_start3A_779 : memref<1x128xi32, #tpu.memory_space<vmem>> -> memref<128xi32, #tpu.memory_space<vmem>>
        %dma_start3A_781 = arith.constant 0 : i32
        %dma_start3A_782 = arith.constant 0 : i32
        %dma_start3A_783 = tpu.memref_slice %arg6[%arg0, %dma_start3A_781, %dma_start3A_782] : memref<2x10240x64xf32, #tpu.memory_space<hbm>> -> memref<1x10240x64xf32, #tpu.memory_space<hbm>>
        %dma_start3A_784 = tpu.memref_squeeze %dma_start3A_783 : memref<1x10240x64xf32, #tpu.memory_space<hbm>> -> memref<10240x64xf32, #tpu.memory_space<hbm>>
        %dma_start3A_785 = arith.constant 0 : i32
        %dma_start3A_786 = arith.constant 0 : i32
        %dma_start3A_787 = tpu.memref_slice %dma_start3A_784[%dma_start3A_785, %dma_start3A_786] : memref<10240x64xf32, #tpu.memory_space<hbm>> -> memref<10240x64xf32, #tpu.memory_space<hbm>>
        tpu.enqueue_indirect_dma source(%dma_start3A_787 : memref<10240x64xf32, #tpu.memory_space<hbm>>) target(%arg16 : memref<128x64xf32, #tpu.memory_space<vmem>>) offsets(%dma_start3A_780 : memref<128xi32, #tpu.memory_space<vmem>>) semaphore(%arg18 : memref<!tpu.dma_semaphore, #tpu.memory_space<semaphore_mem>>)
      } else {
      }
      %scan3A_396 = arith.constant 0 : i32
      %scan3A_397 = arith.constant 0 : i32
      %scan3A_398 = arith.constant 128 : i32
      %scan3A_399 = arith.addi %scan3A_397, %scan3A_398 : i32
      %scan3A_400 = arith.constant 4 : i32
      scf.for %scan3A_776 = %scan3A_397 to %scan3A_399 step %scan3A_400  : i32 {
        %broadcast_in_dim3A_777 = vector.broadcast %scan3A_776 : i32 to vector<16xi32>
        %gather3A_778 = tpu.vector_load_idx %arg13[%broadcast_in_dim3A_777] : memref<128xf32, #tpu.memory_space<vmem>>[vector<16xi32>], vector<16xf32>,
        %get3A_779 = arith.index_cast %scan3A_776 : i32 to index
        %get3A_780 = arith.constant 0 : index
        %get3A_781 = tpu.vector_load %arg15[%get3A_779, %get3A_780] {strides = array<i32>} : memref<128x64xf32, #tpu.memory_space<vmem>>, vector<16xf32>,
        %mul3A_782 = arith.mulf %get3A_781, %gather3A_778 : vector<16xf32>
        %swap3A_783 = arith.index_cast %scan3A_776 : i32 to index
        %swap3A_784 = arith.constant 0 : index
        %swap3A_785 = tpu.vector_load %arg15[%swap3A_783, %swap3A_784] {strides = array<i32>} : memref<128x64xf32, #tpu.memory_space<vmem>>, vector<16xf32>,
        tpu.vector_store %arg15[%swap3A_783, %swap3A_784], %mul3A_782 {strides = array<i32>} : memref<128x64xf32, #tpu.memory_space<vmem>>, vector<16xf32>,
        %get3A_786 = arith.index_cast %scan3A_776 : i32 to index
        %get3A_787 = arith.constant 16 : index
        %get3A_788 = tpu.vector_load %arg15[%get3A_786, %get3A_787] {strides = array<i32>} : memref<128x64xf32, #tpu.memory_space<vmem>>, vector<16xf32>,
        %mul3A_789 = arith.mulf %get3A_788, %gather3A_778 : vector<16xf32>
        %swap3A_790 = arith.index_cast %scan3A_776 : i32 to index
        %swap3A_791 = arith.constant 16 : index
        %swap3A_792 = tpu.vector_load %arg15[%swap3A_790, %swap3A_791] {strides = array<i32>} : memref<128x64xf32, #tpu.memory_space<vmem>>, vector<16xf32>,
        tpu.vector_store %arg15[%swap3A_790, %swap3A_791], %mul3A_789 {strides = array<i32>} : memref<128x64xf32, #tpu.memory_space<vmem>>, vector<16xf32>,
        %get3A_793 = arith.index_cast %scan3A_776 : i32 to index
        %get3A_794 = arith.constant 32 : index
        %get3A_795 = tpu.vector_load %arg15[%get3A_793, %get3A_794] {strides = array<i32>} : memref<128x64xf32, #tpu.memory_space<vmem>>, vector<16xf32>,
        %mul3A_796 = arith.mulf %get3A_795, %gather3A_778 : vector<16xf32>
        %swap3A_797 = arith.index_cast %scan3A_776 : i32 to index
        %swap3A_798 = arith.constant 32 : index
        %swap3A_799 = tpu.vector_load %arg15[%swap3A_797, %swap3A_798] {strides = array<i32>} : memref<128x64xf32, #tpu.memory_space<vmem>>, vector<16xf32>,
        tpu.vector_store %arg15[%swap3A_797, %swap3A_798], %mul3A_796 {strides = array<i32>} : memref<128x64xf32, #tpu.memory_space<vmem>>, vector<16xf32>,
        %get3A_800 = arith.index_cast %scan3A_776 : i32 to index
        %get3A_801 = arith.constant 48 : index
        %get3A_802 = tpu.vector_load %arg15[%get3A_800, %get3A_801] {strides = array<i32>} : memref<128x64xf32, #tpu.memory_space<vmem>>, vector<16xf32>,
        %mul3A_803 = arith.mulf %get3A_802, %gather3A_778 : vector<16xf32>
        %swap3A_804 = arith.index_cast %scan3A_776 : i32 to index
        %swap3A_805 = arith.constant 48 : index
        %swap3A_806 = tpu.vector_load %arg15[%swap3A_804, %swap3A_805] {strides = array<i32>} : memref<128x64xf32, #tpu.memory_space<vmem>>, vector<16xf32>,
        tpu.vector_store %arg15[%swap3A_804, %swap3A_805], %mul3A_803 {strides = array<i32>} : memref<128x64xf32, #tpu.memory_space<vmem>>, vector<16xf32>,
        %scan3A_807 = arith.constant 1 : i32
        %scan3A_808 = arith.addi %scan3A_776, %scan3A_807 : i32
        %broadcast_in_dim3A_809 = vector.broadcast %scan3A_808 : i32 to vector<16xi32>
        %gather3A_810 = tpu.vector_load_idx %arg13[%broadcast_in_dim3A_809] : memref<128xf32, #tpu.memory_space<vmem>>[vector<16xi32>], vector<16xf32>,
        %get3A_811 = arith.index_cast %scan3A_808 : i32 to index
        %get3A_812 = arith.constant 0 : index
        %get3A_813 = tpu.vector_load %arg15[%get3A_811, %get3A_812] {strides = array<i32>} : memref<128x64xf32, #tpu.memory_space<vmem>>, vector<16xf32>,
        %mul3A_814 = arith.mulf %get3A_813, %gather3A_810 : vector<16xf32>
        %swap3A_815 = arith.index_cast %scan3A_808 : i32 to index
        %swap3A_816 = arith.constant 0 : index
        %swap3A_817 = tpu.vector_load %arg15[%swap3A_815, %swap3A_816] {strides = array<i32>} : memref<128x64xf32, #tpu.memory_space<vmem>>, vector<16xf32>,
        tpu.vector_store %arg15[%swap3A_815, %swap3A_816], %mul3A_814 {strides = array<i32>} : memref<128x64xf32, #tpu.memory_space<vmem>>, vector<16xf32>,
        %get3A_818 = arith.index_cast %scan3A_808 : i32 to index
        %get3A_819 = arith.constant 16 : index
        %get3A_820 = tpu.vector_load %arg15[%get3A_818, %get3A_819] {strides = array<i32>} : memref<128x64xf32, #tpu.memory_space<vmem>>, vector<16xf32>,
        %mul3A_821 = arith.mulf %get3A_820, %gather3A_810 : vector<16xf32>
        %swap3A_822 = arith.index_cast %scan3A_808 : i32 to index
        %swap3A_823 = arith.constant 16 : index
        %swap3A_824 = tpu.vector_load %arg15[%swap3A_822, %swap3A_823] {strides = array<i32>} : memref<128x64xf32, #tpu.memory_space<vmem>>, vector<16xf32>,
        tpu.vector_store %arg15[%swap3A_822, %swap3A_823], %mul3A_821 {strides = array<i32>} : memref<128x64xf32, #tpu.memory_space<vmem>>, vector<16xf32>,
        %get3A_825 = arith.index_cast %scan3A_808 : i32 to index
        %get3A_826 = arith.constant 32 : index
        %get3A_827 = tpu.vector_load %arg15[%get3A_825, %get3A_826] {strides = array<i32>} : memref<128x64xf32, #tpu.memory_space<vmem>>, vector<16xf32>,
        %mul3A_828 = arith.mulf %get3A_827, %gather3A_810 : vector<16xf32>
        %swap3A_829 = arith.index_cast %scan3A_808 : i32 to index
        %swap3A_830 = arith.constant 32 : index
        %swap3A_831 = tpu.vector_load %arg15[%swap3A_829, %swap3A_830] {strides = array<i32>} : memref<128x64xf32, #tpu.memory_space<vmem>>, vector<16xf32>,
        tpu.vector_store %arg15[%swap3A_829, %swap3A_830], %mul3A_828 {strides = array<i32>} : memref<128x64xf32, #tpu.memory_space<vmem>>, vector<16xf32>,
        %get3A_832 = arith.index_cast %scan3A_808 : i32 to index
        %get3A_833 = arith.constant 48 : index
        %get3A_834 = tpu.vector_load %arg15[%get3A_832, %get3A_833] {strides = array<i32>} : memref<128x64xf32, #tpu.memory_space<vmem>>, vector<16xf32>,
        %mul3A_835 = arith.mulf %get3A_834, %gather3A_810 : vector<16xf32>
        %swap3A_836 = arith.index_cast %scan3A_808 : i32 to index
        %swap3A_837 = arith.constant 48 : index
        %swap3A_838 = tpu.vector_load %arg15[%swap3A_836, %swap3A_837] {strides = array<i32>} : memref<128x64xf32, #tpu.memory_space<vmem>>, vector<16xf32>,
        tpu.vector_store %arg15[%swap3A_836, %swap3A_837], %mul3A_835 {strides = array<i32>} : memref<128x64xf32, #tpu.memory_space<vmem>>, vector<16xf32>,
        %scan3A_839 = arith.constant 2 : i32
        %scan3A_840 = arith.addi %scan3A_776, %scan3A_839 : i32
        %broadcast_in_dim3A_841 = vector.broadcast %scan3A_840 : i32 to vector<16xi32>
        %gather3A_842 = tpu.vector_load_idx %arg13[%broadcast_in_dim3A_841] : memref<128xf32, #tpu.memory_space<vmem>>[vector<16xi32>], vector<16xf32>,
        %get3A_843 = arith.index_cast %scan3A_840 : i32 to index
        %get3A_844 = arith.constant 0 : index
        %get3A_845 = tpu.vector_load %arg15[%get3A_843, %get3A_844] {strides = array<i32>} : memref<128x64xf32, #tpu.memory_space<vmem>>, vector<16xf32>,
        %mul3A_846 = arith.mulf %get3A_845, %gather3A_842 : vector<16xf32>
        %swap3A_847 = arith.index_cast %scan3A_840 : i32 to index
        %swap3A_848 = arith.constant 0 : index
        %swap3A_849 = tpu.vector_load %arg15[%swap3A_847, %swap3A_848] {strides = array<i32>} : memref<128x64xf32, #tpu.memory_space<vmem>>, vector<16xf32>,
        tpu.vector_store %arg15[%swap3A_847, %swap3A_848], %mul3A_846 {strides = array<i32>} : memref<128x64xf32, #tpu.memory_space<vmem>>, vector<16xf32>,
        %get3A_850 = arith.index_cast %scan3A_840 : i32 to index
        %get3A_851 = arith.constant 16 : index
        %get3A_852 = tpu.vector_load %arg15[%get3A_850, %get3A_851] {strides = array<i32>} : memref<128x64xf32, #tpu.memory_space<vmem>>, vector<16xf32>,
        %mul3A_853 = arith.mulf %get3A_852, %gather3A_842 : vector<16xf32>
        %swap3A_854 = arith.index_cast %scan3A_840 : i32 to index
        %swap3A_855 = arith.constant 16 : index
        %swap3A_856 = tpu.vector_load %arg15[%swap3A_854, %swap3A_855] {strides = array<i32>} : memref<128x64xf32, #tpu.memory_space<vmem>>, vector<16xf32>,
        tpu.vector_store %arg15[%swap3A_854, %swap3A_855], %mul3A_853 {strides = array<i32>} : memref<128x64xf32, #tpu.memory_space<vmem>>, vector<16xf32>,
        %get3A_857 = arith.index_cast %scan3A_840 : i32 to index
        %get3A_858 = arith.constant 32 : index
        %get3A_859 = tpu.vector_load %arg15[%get3A_857, %get3A_858] {strides = array<i32>} : memref<128x64xf32, #tpu.memory_space<vmem>>, vector<16xf32>,
        %mul3A_860 = arith.mulf %get3A_859, %gather3A_842 : vector<16xf32>
        %swap3A_861 = arith.index_cast %scan3A_840 : i32 to index
        %swap3A_862 = arith.constant 32 : index
        %swap3A_863 = tpu.vector_load %arg15[%swap3A_861, %swap3A_862] {strides = array<i32>} : memref<128x64xf32, #tpu.memory_space<vmem>>, vector<16xf32>,
        tpu.vector_store %arg15[%swap3A_861, %swap3A_862], %mul3A_860 {strides = array<i32>} : memref<128x64xf32, #tpu.memory_space<vmem>>, vector<16xf32>,
        %get3A_864 = arith.index_cast %scan3A_840 : i32 to index
        %get3A_865 = arith.constant 48 : index
        %get3A_866 = tpu.vector_load %arg15[%get3A_864, %get3A_865] {strides = array<i32>} : memref<128x64xf32, #tpu.memory_space<vmem>>, vector<16xf32>,
        %mul3A_867 = arith.mulf %get3A_866, %gather3A_842 : vector<16xf32>
        %swap3A_868 = arith.index_cast %scan3A_840 : i32 to index
        %swap3A_869 = arith.constant 48 : index
        %swap3A_870 = tpu.vector_load %arg15[%swap3A_868, %swap3A_869] {strides = array<i32>} : memref<128x64xf32, #tpu.memory_space<vmem>>, vector<16xf32>,
        tpu.vector_store %arg15[%swap3A_868, %swap3A_869], %mul3A_867 {strides = array<i32>} : memref<128x64xf32, #tpu.memory_space<vmem>>, vector<16xf32>,
        %scan3A_871 = arith.constant 3 : i32
        %scan3A_872 = arith.addi %scan3A_776, %scan3A_871 : i32
        %broadcast_in_dim3A_873 = vector.broadcast %scan3A_872 : i32 to vector<16xi32>
        %gather3A_874 = tpu.vector_load_idx %arg13[%broadcast_in_dim3A_873] : memref<128xf32, #tpu.memory_space<vmem>>[vector<16xi32>], vector<16xf32>,
        %get3A_875 = arith.index_cast %scan3A_872 : i32 to index
        %get3A_876 = arith.constant 0 : index
        %get3A_877 = tpu.vector_load %arg15[%get3A_875, %get3A_876] {strides = array<i32>} : memref<128x64xf32, #tpu.memory_space<vmem>>, vector<16xf32>,
        %mul3A_878 = arith.mulf %get3A_877, %gather3A_874 : vector<16xf32>
        %swap3A_879 = arith.index_cast %scan3A_872 : i32 to index
        %swap3A_880 = arith.constant 0 : index
        %swap3A_881 = tpu.vector_load %arg15[%swap3A_879, %swap3A_880] {strides = array<i32>} : memref<128x64xf32, #tpu.memory_space<vmem>>, vector<16xf32>,
        tpu.vector_store %arg15[%swap3A_879, %swap3A_880], %mul3A_878 {strides = array<i32>} : memref<128x64xf32, #tpu.memory_space<vmem>>, vector<16xf32>,
        %get3A_882 = arith.index_cast %scan3A_872 : i32 to index
        %get3A_883 = arith.constant 16 : index
        %get3A_884 = tpu.vector_load %arg15[%get3A_882, %get3A_883] {strides = array<i32>} : memref<128x64xf32, #tpu.memory_space<vmem>>, vector<16xf32>,
        %mul3A_885 = arith.mulf %get3A_884, %gather3A_874 : vector<16xf32>
        %swap3A_886 = arith.index_cast %scan3A_872 : i32 to index
        %swap3A_887 = arith.constant 16 : index
        %swap3A_888 = tpu.vector_load %arg15[%swap3A_886, %swap3A_887] {strides = array<i32>} : memref<128x64xf32, #tpu.memory_space<vmem>>, vector<16xf32>,
        tpu.vector_store %arg15[%swap3A_886, %swap3A_887], %mul3A_885 {strides = array<i32>} : memref<128x64xf32, #tpu.memory_space<vmem>>, vector<16xf32>,
        %get3A_889 = arith.index_cast %scan3A_872 : i32 to index
        %get3A_890 = arith.constant 32 : index
        %get3A_891 = tpu.vector_load %arg15[%get3A_889, %get3A_890] {strides = array<i32>} : memref<128x64xf32, #tpu.memory_space<vmem>>, vector<16xf32>,
        %mul3A_892 = arith.mulf %get3A_891, %gather3A_874 : vector<16xf32>
        %swap3A_893 = arith.index_cast %scan3A_872 : i32 to index
        %swap3A_894 = arith.constant 32 : index
        %swap3A_895 = tpu.vector_load %arg15[%swap3A_893, %swap3A_894] {strides = array<i32>} : memref<128x64xf32, #tpu.memory_space<vmem>>, vector<16xf32>,
        tpu.vector_store %arg15[%swap3A_893, %swap3A_894], %mul3A_892 {strides = array<i32>} : memref<128x64xf32, #tpu.memory_space<vmem>>, vector<16xf32>,
        %get3A_896 = arith.index_cast %scan3A_872 : i32 to index
        %get3A_897 = arith.constant 48 : index
        %get3A_898 = tpu.vector_load %arg15[%get3A_896, %get3A_897] {strides = array<i32>} : memref<128x64xf32, #tpu.memory_space<vmem>>, vector<16xf32>,
        %mul3A_899 = arith.mulf %get3A_898, %gather3A_874 : vector<16xf32>
        %swap3A_900 = arith.index_cast %scan3A_872 : i32 to index
        %swap3A_901 = arith.constant 48 : index
        %swap3A_902 = tpu.vector_load %arg15[%swap3A_900, %swap3A_901] {strides = array<i32>} : memref<128x64xf32, #tpu.memory_space<vmem>>, vector<16xf32>,
        tpu.vector_store %arg15[%swap3A_900, %swap3A_901], %mul3A_899 {strides = array<i32>} : memref<128x64xf32, #tpu.memory_space<vmem>>, vector<16xf32>,
      }
      %scan3A_401 = arith.constant 128 : i32
      %dma_start3A_402 = arith.constant 0 : i32
      %dma_start3A_403 = tpu.memref_slice %arg10[%add3A_53, %dma_start3A_402] : memref<162x128xi32, #tpu.memory_space<vmem>> -> memref<1x128xi32, #tpu.memory_space<vmem>>
      %dma_start3A_404 = tpu.memref_squeeze %dma_start3A_403 : memref<1x128xi32, #tpu.memory_space<vmem>> -> memref<128xi32, #tpu.memory_space<vmem>>
      %dma_start3A_405 = arith.constant 0 : i32
      %dma_start3A_406 = arith.constant 0 : i32
      %dma_start3A_407 = tpu.memref_slice %arg17[%dma_start3A_405, %dma_start3A_406] : memref<10240x64xf32, #tpu.memory_space<vmem_shared>> -> memref<10240x64xf32, #tpu.memory_space<vmem_shared>>
      tpu.enqueue_indirect_dma source(%arg15 : memref<128x64xf32, #tpu.memory_space<vmem>>) target(%dma_start3A_407 : memref<10240x64xf32, #tpu.memory_space<vmem_shared>>) offsets(%dma_start3A_404 : memref<128xi32, #tpu.memory_space<vmem>>) semaphore(%arg19 : memref<!tpu.dma_semaphore, #tpu.memory_space<semaphore_mem>>) {add = true}
      %mul3A_408 = arith.constant 2 : i32
      %mul3A_409 = arith.muli %scan3A_49, %mul3A_408 : i32
      %add3A_410 = arith.constant 1 : i32
      %add3A_411 = arith.addi %mul3A_409, %add3A_410 : i32
      %scan3A_412 = arith.constant 0 : i32
      %scan3A_413 = arith.constant 0 : i32
      %mul3A_414 = arith.constant 16 : i32
      %mul3A_415 = arith.muli %scan3A_413, %mul3A_414 : i32
      %get3A_416 = arith.index_cast %add3A_411 : i32 to index
      %get3A_417 = arith.index_cast %mul3A_415 : i32 to index
      %get3A_418 = tpu.vector_load %arg9[%get3A_416, %get3A_417] {strides = array<i32>} : memref<162x128xi32, #tpu.memory_space<vmem>>, vector<16xi32>,
      %mul3A_419 = arith.constant 16 : i32
      %mul3A_420 = arith.muli %scan3A_413, %mul3A_419 : i32
      %get3A_421 = arith.index_cast %add3A_411 : i32 to index
      %get3A_422 = arith.index_cast %mul3A_420 : i32 to index
      %get3A_423 = tpu.vector_load %arg10[%get3A_421, %get3A_422] {strides = array<i32>} : memref<162x128xi32, #tpu.memory_space<vmem>>, vector<16xi32>,
      %gather3A_424 = tpu.vector_load_idx %arg11[%get3A_418] : memref<10240xf32, #tpu.memory_space<vmem>>[vector<16xi32>], vector<16xf32>,
      %gather3A_425 = tpu.vector_load_idx %arg12[%get3A_423] : memref<10240xf32, #tpu.memory_space<vmem>>[vector<16xi32>], vector<16xf32>,
      %add3A_426 = arith.addf %gather3A_424, %gather3A_425 : vector<16xf32>
      %gt3A_427 = arith.constant 0.000000e+00 : f32
      %gt3A_428 = vector.broadcast %gt3A_427 : f32 to vector<16xf32>
      %gt3A_429 = arith.cmpf ogt, %add3A_426, %gt3A_428 : vector<16xf32>
      %mul3A_430 = arith.constant 2.000000e-01 : f32
      %mul3A_431 = vector.broadcast %mul3A_430 : f32 to vector<16xf32>
      %mul3A_432 = arith.mulf %add3A_426, %mul3A_431 : vector<16xf32>
      %select_n3A_433 = arith.select %gt3A_429, %add3A_426, %mul3A_432 : vector<16xi1>, vector<16xf32>
      %exp3A_434 = math.exp %select_n3A_433 : vector<16xf32>
      %mul3A_435 = arith.constant 128 : i32
      %mul3A_436 = arith.muli %add3A_411, %mul3A_435 : i32
      %add3A_437 = arith.addi %mul3A_23, %mul3A_436 : i32
      %mul3A_438 = arith.constant 16 : i32
      %mul3A_439 = arith.muli %scan3A_413, %mul3A_438 : i32
      %add3A_440 = arith.addi %add3A_437, %mul3A_439 : i32
      %iota3A_441 = tpu.iota {dimensions = array<i32: 0>} : vector<16xi32>
      %add3A_442 = vector.broadcast %add3A_440 : i32 to vector<16xi32>
      %add3A_443 = arith.addi %add3A_442, %iota3A_441 : vector<16xi32>
      %lt3A_444 = arith.constant 330000 : i32
      %lt3A_445 = vector.broadcast %lt3A_444 : i32 to vector<16xi32>
      %lt3A_446 = arith.cmpi slt, %add3A_443, %lt3A_445 : vector<16xi32>
      %jit3A_447 = arith.constant 0.000000e+00 : f32
      %broadcast_in_dim3A_448 = vector.broadcast %jit3A_447 : f32 to vector<16xf32>
      %select_n3A_449 = arith.select %lt3A_446, %exp3A_434, %broadcast_in_dim3A_448 : vector<16xi1>, vector<16xf32>
      %mul3A_450 = arith.constant 16 : i32
      %mul3A_451 = arith.muli %scan3A_413, %mul3A_450 : i32
      %swap3A_452 = arith.index_cast %mul3A_451 : i32 to index
      %swap3A_453 = tpu.vector_load %arg13[%swap3A_452] {strides = array<i32>} : memref<128xf32, #tpu.memory_space<vmem>>, vector<16xf32>,
      tpu.vector_store %arg13[%swap3A_452], %select_n3A_449 {strides = array<i32>} : memref<128xf32, #tpu.memory_space<vmem>>, vector<16xf32>,
      tpu.vector_store_idx %arg14[%get3A_423], %select_n3A_449 {add = true} : memref<10240xf32, #tpu.memory_space<vmem>>[vector<16xi32>], vector<16xf32>,
      %scan3A_454 = arith.constant 1 : i32
      %mul3A_455 = arith.constant 16 : i32
      %mul3A_456 = arith.muli %scan3A_454, %mul3A_455 : i32
      %get3A_457 = arith.index_cast %add3A_411 : i32 to index
      %get3A_458 = arith.index_cast %mul3A_456 : i32 to index
      %get3A_459 = tpu.vector_load %arg9[%get3A_457, %get3A_458] {strides = array<i32>} : memref<162x128xi32, #tpu.memory_space<vmem>>, vector<16xi32>,
      %mul3A_460 = arith.constant 16 : i32
      %mul3A_461 = arith.muli %scan3A_454, %mul3A_460 : i32
      %get3A_462 = arith.index_cast %add3A_411 : i32 to index
      %get3A_463 = arith.index_cast %mul3A_461 : i32 to index
      %get3A_464 = tpu.vector_load %arg10[%get3A_462, %get3A_463] {strides = array<i32>} : memref<162x128xi32, #tpu.memory_space<vmem>>, vector<16xi32>,
      %gather3A_465 = tpu.vector_load_idx %arg11[%get3A_459] : memref<10240xf32, #tpu.memory_space<vmem>>[vector<16xi32>], vector<16xf32>,
      %gather3A_466 = tpu.vector_load_idx %arg12[%get3A_464] : memref<10240xf32, #tpu.memory_space<vmem>>[vector<16xi32>], vector<16xf32>,
      %add3A_467 = arith.addf %gather3A_465, %gather3A_466 : vector<16xf32>
      %gt3A_468 = arith.constant 0.000000e+00 : f32
      %gt3A_469 = vector.broadcast %gt3A_468 : f32 to vector<16xf32>
      %gt3A_470 = arith.cmpf ogt, %add3A_467, %gt3A_469 : vector<16xf32>
      %mul3A_471 = arith.constant 2.000000e-01 : f32
      %mul3A_472 = vector.broadcast %mul3A_471 : f32 to vector<16xf32>
      %mul3A_473 = arith.mulf %add3A_467, %mul3A_472 : vector<16xf32>
      %select_n3A_474 = arith.select %gt3A_470, %add3A_467, %mul3A_473 : vector<16xi1>, vector<16xf32>
      %exp3A_475 = math.exp %select_n3A_474 : vector<16xf32>
      %mul3A_476 = arith.constant 128 : i32
      %mul3A_477 = arith.muli %add3A_411, %mul3A_476 : i32
      %add3A_478 = arith.addi %mul3A_23, %mul3A_477 : i32
      %mul3A_479 = arith.constant 16 : i32
      %mul3A_480 = arith.muli %scan3A_454, %mul3A_479 : i32
      %add3A_481 = arith.addi %add3A_478, %mul3A_480 : i32
      %iota3A_482 = tpu.iota {dimensions = array<i32: 0>} : vector<16xi32>
      %add3A_483 = vector.broadcast %add3A_481 : i32 to vector<16xi32>
      %add3A_484 = arith.addi %add3A_483, %iota3A_482 : vector<16xi32>
      %lt3A_485 = arith.constant 330000 : i32
      %lt3A_486 = vector.broadcast %lt3A_485 : i32 to vector<16xi32>
      %lt3A_487 = arith.cmpi slt, %add3A_484, %lt3A_486 : vector<16xi32>
      %jit3A_488 = arith.constant 0.000000e+00 : f32
      %broadcast_in_dim3A_489 = vector.broadcast %jit3A_488 : f32 to vector<16xf32>
      %select_n3A_490 = arith.select %lt3A_487, %exp3A_475, %broadcast_in_dim3A_489 : vector<16xi1>, vector<16xf32>
      %mul3A_491 = arith.constant 16 : i32
      %mul3A_492 = arith.muli %scan3A_454, %mul3A_491 : i32
      %swap3A_493 = arith.index_cast %mul3A_492 : i32 to index
      %swap3A_494 = tpu.vector_load %arg13[%swap3A_493] {strides = array<i32>} : memref<128xf32, #tpu.memory_space<vmem>>, vector<16xf32>,
      tpu.vector_store %arg13[%swap3A_493], %select_n3A_490 {strides = array<i32>} : memref<128xf32, #tpu.memory_space<vmem>>, vector<16xf32>,
      tpu.vector_store_idx %arg14[%get3A_464], %select_n3A_490 {add = true} : memref<10240xf32, #tpu.memory_space<vmem>>[vector<16xi32>], vector<16xf32>,
      %scan3A_495 = arith.constant 2 : i32
      %mul3A_496 = arith.constant 16 : i32
      %mul3A_497 = arith.muli %scan3A_495, %mul3A_496 : i32
      %get3A_498 = arith.index_cast %add3A_411 : i32 to index
      %get3A_499 = arith.index_cast %mul3A_497 : i32 to index
      %get3A_500 = tpu.vector_load %arg9[%get3A_498, %get3A_499] {strides = array<i32>} : memref<162x128xi32, #tpu.memory_space<vmem>>, vector<16xi32>,
      %mul3A_501 = arith.constant 16 : i32
      %mul3A_502 = arith.muli %scan3A_495, %mul3A_501 : i32
      %get3A_503 = arith.index_cast %add3A_411 : i32 to index
      %get3A_504 = arith.index_cast %mul3A_502 : i32 to index
      %get3A_505 = tpu.vector_load %arg10[%get3A_503, %get3A_504] {strides = array<i32>} : memref<162x128xi32, #tpu.memory_space<vmem>>, vector<16xi32>,
      %gather3A_506 = tpu.vector_load_idx %arg11[%get3A_500] : memref<10240xf32, #tpu.memory_space<vmem>>[vector<16xi32>], vector<16xf32>,
      %gather3A_507 = tpu.vector_load_idx %arg12[%get3A_505] : memref<10240xf32, #tpu.memory_space<vmem>>[vector<16xi32>], vector<16xf32>,
      %add3A_508 = arith.addf %gather3A_506, %gather3A_507 : vector<16xf32>
      %gt3A_509 = arith.constant 0.000000e+00 : f32
      %gt3A_510 = vector.broadcast %gt3A_509 : f32 to vector<16xf32>
      %gt3A_511 = arith.cmpf ogt, %add3A_508, %gt3A_510 : vector<16xf32>
      %mul3A_512 = arith.constant 2.000000e-01 : f32
      %mul3A_513 = vector.broadcast %mul3A_512 : f32 to vector<16xf32>
      %mul3A_514 = arith.mulf %add3A_508, %mul3A_513 : vector<16xf32>
      %select_n3A_515 = arith.select %gt3A_511, %add3A_508, %mul3A_514 : vector<16xi1>, vector<16xf32>
      %exp3A_516 = math.exp %select_n3A_515 : vector<16xf32>
      %mul3A_517 = arith.constant 128 : i32
      %mul3A_518 = arith.muli %add3A_411, %mul3A_517 : i32
      %add3A_519 = arith.addi %mul3A_23, %mul3A_518 : i32
      %mul3A_520 = arith.constant 16 : i32
      %mul3A_521 = arith.muli %scan3A_495, %mul3A_520 : i32
      %add3A_522 = arith.addi %add3A_519, %mul3A_521 : i32
      %iota3A_523 = tpu.iota {dimensions = array<i32: 0>} : vector<16xi32>
      %add3A_524 = vector.broadcast %add3A_522 : i32 to vector<16xi32>
      %add3A_525 = arith.addi %add3A_524, %iota3A_523 : vector<16xi32>
      %lt3A_526 = arith.constant 330000 : i32
      %lt3A_527 = vector.broadcast %lt3A_526 : i32 to vector<16xi32>
      %lt3A_528 = arith.cmpi slt, %add3A_525, %lt3A_527 : vector<16xi32>
      %jit3A_529 = arith.constant 0.000000e+00 : f32
      %broadcast_in_dim3A_530 = vector.broadcast %jit3A_529 : f32 to vector<16xf32>
      %select_n3A_531 = arith.select %lt3A_528, %exp3A_516, %broadcast_in_dim3A_530 : vector<16xi1>, vector<16xf32>
      %mul3A_532 = arith.constant 16 : i32
      %mul3A_533 = arith.muli %scan3A_495, %mul3A_532 : i32
      %swap3A_534 = arith.index_cast %mul3A_533 : i32 to index
      %swap3A_535 = tpu.vector_load %arg13[%swap3A_534] {strides = array<i32>} : memref<128xf32, #tpu.memory_space<vmem>>, vector<16xf32>,
      tpu.vector_store %arg13[%swap3A_534], %select_n3A_531 {strides = array<i32>} : memref<128xf32, #tpu.memory_space<vmem>>, vector<16xf32>,
      tpu.vector_store_idx %arg14[%get3A_505], %select_n3A_531 {add = true} : memref<10240xf32, #tpu.memory_space<vmem>>[vector<16xi32>], vector<16xf32>,
      %scan3A_536 = arith.constant 3 : i32
      %mul3A_537 = arith.constant 16 : i32
      %mul3A_538 = arith.muli %scan3A_536, %mul3A_537 : i32
      %get3A_539 = arith.index_cast %add3A_411 : i32 to index
      %get3A_540 = arith.index_cast %mul3A_538 : i32 to index
      %get3A_541 = tpu.vector_load %arg9[%get3A_539, %get3A_540] {strides = array<i32>} : memref<162x128xi32, #tpu.memory_space<vmem>>, vector<16xi32>,
      %mul3A_542 = arith.constant 16 : i32
      %mul3A_543 = arith.muli %scan3A_536, %mul3A_542 : i32
      %get3A_544 = arith.index_cast %add3A_411 : i32 to index
      %get3A_545 = arith.index_cast %mul3A_543 : i32 to index
      %get3A_546 = tpu.vector_load %arg10[%get3A_544, %get3A_545] {strides = array<i32>} : memref<162x128xi32, #tpu.memory_space<vmem>>, vector<16xi32>,
      %gather3A_547 = tpu.vector_load_idx %arg11[%get3A_541] : memref<10240xf32, #tpu.memory_space<vmem>>[vector<16xi32>], vector<16xf32>,
      %gather3A_548 = tpu.vector_load_idx %arg12[%get3A_546] : memref<10240xf32, #tpu.memory_space<vmem>>[vector<16xi32>], vector<16xf32>,
      %add3A_549 = arith.addf %gather3A_547, %gather3A_548 : vector<16xf32>
      %gt3A_550 = arith.constant 0.000000e+00 : f32
      %gt3A_551 = vector.broadcast %gt3A_550 : f32 to vector<16xf32>
      %gt3A_552 = arith.cmpf ogt, %add3A_549, %gt3A_551 : vector<16xf32>
      %mul3A_553 = arith.constant 2.000000e-01 : f32
      %mul3A_554 = vector.broadcast %mul3A_553 : f32 to vector<16xf32>
      %mul3A_555 = arith.mulf %add3A_549, %mul3A_554 : vector<16xf32>
      %select_n3A_556 = arith.select %gt3A_552, %add3A_549, %mul3A_555 : vector<16xi1>, vector<16xf32>
      %exp3A_557 = math.exp %select_n3A_556 : vector<16xf32>
      %mul3A_558 = arith.constant 128 : i32
      %mul3A_559 = arith.muli %add3A_411, %mul3A_558 : i32
      %add3A_560 = arith.addi %mul3A_23, %mul3A_559 : i32
      %mul3A_561 = arith.constant 16 : i32
      %mul3A_562 = arith.muli %scan3A_536, %mul3A_561 : i32
      %add3A_563 = arith.addi %add3A_560, %mul3A_562 : i32
      %iota3A_564 = tpu.iota {dimensions = array<i32: 0>} : vector<16xi32>
      %add3A_565 = vector.broadcast %add3A_563 : i32 to vector<16xi32>
      %add3A_566 = arith.addi %add3A_565, %iota3A_564 : vector<16xi32>
      %lt3A_567 = arith.constant 330000 : i32
      %lt3A_568 = vector.broadcast %lt3A_567 : i32 to vector<16xi32>
      %lt3A_569 = arith.cmpi slt, %add3A_566, %lt3A_568 : vector<16xi32>
      %jit3A_570 = arith.constant 0.000000e+00 : f32
      %broadcast_in_dim3A_571 = vector.broadcast %jit3A_570 : f32 to vector<16xf32>
      %select_n3A_572 = arith.select %lt3A_569, %exp3A_557, %broadcast_in_dim3A_571 : vector<16xi1>, vector<16xf32>
      %mul3A_573 = arith.constant 16 : i32
      %mul3A_574 = arith.muli %scan3A_536, %mul3A_573 : i32
      %swap3A_575 = arith.index_cast %mul3A_574 : i32 to index
      %swap3A_576 = tpu.vector_load %arg13[%swap3A_575] {strides = array<i32>} : memref<128xf32, #tpu.memory_space<vmem>>, vector<16xf32>,
      tpu.vector_store %arg13[%swap3A_575], %select_n3A_572 {strides = array<i32>} : memref<128xf32, #tpu.memory_space<vmem>>, vector<16xf32>,
      tpu.vector_store_idx %arg14[%get3A_546], %select_n3A_572 {add = true} : memref<10240xf32, #tpu.memory_space<vmem>>[vector<16xi32>], vector<16xf32>,
      %scan3A_577 = arith.constant 4 : i32
      %mul3A_578 = arith.constant 16 : i32
      %mul3A_579 = arith.muli %scan3A_577, %mul3A_578 : i32
      %get3A_580 = arith.index_cast %add3A_411 : i32 to index
      %get3A_581 = arith.index_cast %mul3A_579 : i32 to index
      %get3A_582 = tpu.vector_load %arg9[%get3A_580, %get3A_581] {strides = array<i32>} : memref<162x128xi32, #tpu.memory_space<vmem>>, vector<16xi32>,
      %mul3A_583 = arith.constant 16 : i32
      %mul3A_584 = arith.muli %scan3A_577, %mul3A_583 : i32
      %get3A_585 = arith.index_cast %add3A_411 : i32 to index
      %get3A_586 = arith.index_cast %mul3A_584 : i32 to index
      %get3A_587 = tpu.vector_load %arg10[%get3A_585, %get3A_586] {strides = array<i32>} : memref<162x128xi32, #tpu.memory_space<vmem>>, vector<16xi32>,
      %gather3A_588 = tpu.vector_load_idx %arg11[%get3A_582] : memref<10240xf32, #tpu.memory_space<vmem>>[vector<16xi32>], vector<16xf32>,
      %gather3A_589 = tpu.vector_load_idx %arg12[%get3A_587] : memref<10240xf32, #tpu.memory_space<vmem>>[vector<16xi32>], vector<16xf32>,
      %add3A_590 = arith.addf %gather3A_588, %gather3A_589 : vector<16xf32>
      %gt3A_591 = arith.constant 0.000000e+00 : f32
      %gt3A_592 = vector.broadcast %gt3A_591 : f32 to vector<16xf32>
      %gt3A_593 = arith.cmpf ogt, %add3A_590, %gt3A_592 : vector<16xf32>
      %mul3A_594 = arith.constant 2.000000e-01 : f32
      %mul3A_595 = vector.broadcast %mul3A_594 : f32 to vector<16xf32>
      %mul3A_596 = arith.mulf %add3A_590, %mul3A_595 : vector<16xf32>
      %select_n3A_597 = arith.select %gt3A_593, %add3A_590, %mul3A_596 : vector<16xi1>, vector<16xf32>
      %exp3A_598 = math.exp %select_n3A_597 : vector<16xf32>
      %mul3A_599 = arith.constant 128 : i32
      %mul3A_600 = arith.muli %add3A_411, %mul3A_599 : i32
      %add3A_601 = arith.addi %mul3A_23, %mul3A_600 : i32
      %mul3A_602 = arith.constant 16 : i32
      %mul3A_603 = arith.muli %scan3A_577, %mul3A_602 : i32
      %add3A_604 = arith.addi %add3A_601, %mul3A_603 : i32
      %iota3A_605 = tpu.iota {dimensions = array<i32: 0>} : vector<16xi32>
      %add3A_606 = vector.broadcast %add3A_604 : i32 to vector<16xi32>
      %add3A_607 = arith.addi %add3A_606, %iota3A_605 : vector<16xi32>
      %lt3A_608 = arith.constant 330000 : i32
      %lt3A_609 = vector.broadcast %lt3A_608 : i32 to vector<16xi32>
      %lt3A_610 = arith.cmpi slt, %add3A_607, %lt3A_609 : vector<16xi32>
      %jit3A_611 = arith.constant 0.000000e+00 : f32
      %broadcast_in_dim3A_612 = vector.broadcast %jit3A_611 : f32 to vector<16xf32>
      %select_n3A_613 = arith.select %lt3A_610, %exp3A_598, %broadcast_in_dim3A_612 : vector<16xi1>, vector<16xf32>
      %mul3A_614 = arith.constant 16 : i32
      %mul3A_615 = arith.muli %scan3A_577, %mul3A_614 : i32
      %swap3A_616 = arith.index_cast %mul3A_615 : i32 to index
      %swap3A_617 = tpu.vector_load %arg13[%swap3A_616] {strides = array<i32>} : memref<128xf32, #tpu.memory_space<vmem>>, vector<16xf32>,
      tpu.vector_store %arg13[%swap3A_616], %select_n3A_613 {strides = array<i32>} : memref<128xf32, #tpu.memory_space<vmem>>, vector<16xf32>,
      tpu.vector_store_idx %arg14[%get3A_587], %select_n3A_613 {add = true} : memref<10240xf32, #tpu.memory_space<vmem>>[vector<16xi32>], vector<16xf32>,
      %scan3A_618 = arith.constant 5 : i32
      %mul3A_619 = arith.constant 16 : i32
      %mul3A_620 = arith.muli %scan3A_618, %mul3A_619 : i32
      %get3A_621 = arith.index_cast %add3A_411 : i32 to index
      %get3A_622 = arith.index_cast %mul3A_620 : i32 to index
      %get3A_623 = tpu.vector_load %arg9[%get3A_621, %get3A_622] {strides = array<i32>} : memref<162x128xi32, #tpu.memory_space<vmem>>, vector<16xi32>,
      %mul3A_624 = arith.constant 16 : i32
      %mul3A_625 = arith.muli %scan3A_618, %mul3A_624 : i32
      %get3A_626 = arith.index_cast %add3A_411 : i32 to index
      %get3A_627 = arith.index_cast %mul3A_625 : i32 to index
      %get3A_628 = tpu.vector_load %arg10[%get3A_626, %get3A_627] {strides = array<i32>} : memref<162x128xi32, #tpu.memory_space<vmem>>, vector<16xi32>,
      %gather3A_629 = tpu.vector_load_idx %arg11[%get3A_623] : memref<10240xf32, #tpu.memory_space<vmem>>[vector<16xi32>], vector<16xf32>,
      %gather3A_630 = tpu.vector_load_idx %arg12[%get3A_628] : memref<10240xf32, #tpu.memory_space<vmem>>[vector<16xi32>], vector<16xf32>,
      %add3A_631 = arith.addf %gather3A_629, %gather3A_630 : vector<16xf32>
      %gt3A_632 = arith.constant 0.000000e+00 : f32
      %gt3A_633 = vector.broadcast %gt3A_632 : f32 to vector<16xf32>
      %gt3A_634 = arith.cmpf ogt, %add3A_631, %gt3A_633 : vector<16xf32>
      %mul3A_635 = arith.constant 2.000000e-01 : f32
      %mul3A_636 = vector.broadcast %mul3A_635 : f32 to vector<16xf32>
      %mul3A_637 = arith.mulf %add3A_631, %mul3A_636 : vector<16xf32>
      %select_n3A_638 = arith.select %gt3A_634, %add3A_631, %mul3A_637 : vector<16xi1>, vector<16xf32>
      %exp3A_639 = math.exp %select_n3A_638 : vector<16xf32>
      %mul3A_640 = arith.constant 128 : i32
      %mul3A_641 = arith.muli %add3A_411, %mul3A_640 : i32
      %add3A_642 = arith.addi %mul3A_23, %mul3A_641 : i32
      %mul3A_643 = arith.constant 16 : i32
      %mul3A_644 = arith.muli %scan3A_618, %mul3A_643 : i32
      %add3A_645 = arith.addi %add3A_642, %mul3A_644 : i32
      %iota3A_646 = tpu.iota {dimensions = array<i32: 0>} : vector<16xi32>
      %add3A_647 = vector.broadcast %add3A_645 : i32 to vector<16xi32>
      %add3A_648 = arith.addi %add3A_647, %iota3A_646 : vector<16xi32>
      %lt3A_649 = arith.constant 330000 : i32
      %lt3A_650 = vector.broadcast %lt3A_649 : i32 to vector<16xi32>
      %lt3A_651 = arith.cmpi slt, %add3A_648, %lt3A_650 : vector<16xi32>
      %jit3A_652 = arith.constant 0.000000e+00 : f32
      %broadcast_in_dim3A_653 = vector.broadcast %jit3A_652 : f32 to vector<16xf32>
      %select_n3A_654 = arith.select %lt3A_651, %exp3A_639, %broadcast_in_dim3A_653 : vector<16xi1>, vector<16xf32>
      %mul3A_655 = arith.constant 16 : i32
      %mul3A_656 = arith.muli %scan3A_618, %mul3A_655 : i32
      %swap3A_657 = arith.index_cast %mul3A_656 : i32 to index
      %swap3A_658 = tpu.vector_load %arg13[%swap3A_657] {strides = array<i32>} : memref<128xf32, #tpu.memory_space<vmem>>, vector<16xf32>,
      tpu.vector_store %arg13[%swap3A_657], %select_n3A_654 {strides = array<i32>} : memref<128xf32, #tpu.memory_space<vmem>>, vector<16xf32>,
      tpu.vector_store_idx %arg14[%get3A_628], %select_n3A_654 {add = true} : memref<10240xf32, #tpu.memory_space<vmem>>[vector<16xi32>], vector<16xf32>,
      %scan3A_659 = arith.constant 6 : i32
      %mul3A_660 = arith.constant 16 : i32
      %mul3A_661 = arith.muli %scan3A_659, %mul3A_660 : i32
      %get3A_662 = arith.index_cast %add3A_411 : i32 to index
      %get3A_663 = arith.index_cast %mul3A_661 : i32 to index
      %get3A_664 = tpu.vector_load %arg9[%get3A_662, %get3A_663] {strides = array<i32>} : memref<162x128xi32, #tpu.memory_space<vmem>>, vector<16xi32>,
      %mul3A_665 = arith.constant 16 : i32
      %mul3A_666 = arith.muli %scan3A_659, %mul3A_665 : i32
      %get3A_667 = arith.index_cast %add3A_411 : i32 to index
      %get3A_668 = arith.index_cast %mul3A_666 : i32 to index
      %get3A_669 = tpu.vector_load %arg10[%get3A_667, %get3A_668] {strides = array<i32>} : memref<162x128xi32, #tpu.memory_space<vmem>>, vector<16xi32>,
      %gather3A_670 = tpu.vector_load_idx %arg11[%get3A_664] : memref<10240xf32, #tpu.memory_space<vmem>>[vector<16xi32>], vector<16xf32>,
      %gather3A_671 = tpu.vector_load_idx %arg12[%get3A_669] : memref<10240xf32, #tpu.memory_space<vmem>>[vector<16xi32>], vector<16xf32>,
      %add3A_672 = arith.addf %gather3A_670, %gather3A_671 : vector<16xf32>
      %gt3A_673 = arith.constant 0.000000e+00 : f32
      %gt3A_674 = vector.broadcast %gt3A_673 : f32 to vector<16xf32>
      %gt3A_675 = arith.cmpf ogt, %add3A_672, %gt3A_674 : vector<16xf32>
      %mul3A_676 = arith.constant 2.000000e-01 : f32
      %mul3A_677 = vector.broadcast %mul3A_676 : f32 to vector<16xf32>
      %mul3A_678 = arith.mulf %add3A_672, %mul3A_677 : vector<16xf32>
      %select_n3A_679 = arith.select %gt3A_675, %add3A_672, %mul3A_678 : vector<16xi1>, vector<16xf32>
      %exp3A_680 = math.exp %select_n3A_679 : vector<16xf32>
      %mul3A_681 = arith.constant 128 : i32
      %mul3A_682 = arith.muli %add3A_411, %mul3A_681 : i32
      %add3A_683 = arith.addi %mul3A_23, %mul3A_682 : i32
      %mul3A_684 = arith.constant 16 : i32
      %mul3A_685 = arith.muli %scan3A_659, %mul3A_684 : i32
      %add3A_686 = arith.addi %add3A_683, %mul3A_685 : i32
      %iota3A_687 = tpu.iota {dimensions = array<i32: 0>} : vector<16xi32>
      %add3A_688 = vector.broadcast %add3A_686 : i32 to vector<16xi32>
      %add3A_689 = arith.addi %add3A_688, %iota3A_687 : vector<16xi32>
      %lt3A_690 = arith.constant 330000 : i32
      %lt3A_691 = vector.broadcast %lt3A_690 : i32 to vector<16xi32>
      %lt3A_692 = arith.cmpi slt, %add3A_689, %lt3A_691 : vector<16xi32>
      %jit3A_693 = arith.constant 0.000000e+00 : f32
      %broadcast_in_dim3A_694 = vector.broadcast %jit3A_693 : f32 to vector<16xf32>
      %select_n3A_695 = arith.select %lt3A_692, %exp3A_680, %broadcast_in_dim3A_694 : vector<16xi1>, vector<16xf32>
      %mul3A_696 = arith.constant 16 : i32
      %mul3A_697 = arith.muli %scan3A_659, %mul3A_696 : i32
      %swap3A_698 = arith.index_cast %mul3A_697 : i32 to index
      %swap3A_699 = tpu.vector_load %arg13[%swap3A_698] {strides = array<i32>} : memref<128xf32, #tpu.memory_space<vmem>>, vector<16xf32>,
      tpu.vector_store %arg13[%swap3A_698], %select_n3A_695 {strides = array<i32>} : memref<128xf32, #tpu.memory_space<vmem>>, vector<16xf32>,
      tpu.vector_store_idx %arg14[%get3A_669], %select_n3A_695 {add = true} : memref<10240xf32, #tpu.memory_space<vmem>>[vector<16xi32>], vector<16xf32>,
      %scan3A_700 = arith.constant 7 : i32
      %mul3A_701 = arith.constant 16 : i32
      %mul3A_702 = arith.muli %scan3A_700, %mul3A_701 : i32
      %get3A_703 = arith.index_cast %add3A_411 : i32 to index
      %get3A_704 = arith.index_cast %mul3A_702 : i32 to index
      %get3A_705 = tpu.vector_load %arg9[%get3A_703, %get3A_704] {strides = array<i32>} : memref<162x128xi32, #tpu.memory_space<vmem>>, vector<16xi32>,
      %mul3A_706 = arith.constant 16 : i32
      %mul3A_707 = arith.muli %scan3A_700, %mul3A_706 : i32
      %get3A_708 = arith.index_cast %add3A_411 : i32 to index
      %get3A_709 = arith.index_cast %mul3A_707 : i32 to index
      %get3A_710 = tpu.vector_load %arg10[%get3A_708, %get3A_709] {strides = array<i32>} : memref<162x128xi32, #tpu.memory_space<vmem>>, vector<16xi32>,
      %gather3A_711 = tpu.vector_load_idx %arg11[%get3A_705] : memref<10240xf32, #tpu.memory_space<vmem>>[vector<16xi32>], vector<16xf32>,
      %gather3A_712 = tpu.vector_load_idx %arg12[%get3A_710] : memref<10240xf32, #tpu.memory_space<vmem>>[vector<16xi32>], vector<16xf32>,
      %add3A_713 = arith.addf %gather3A_711, %gather3A_712 : vector<16xf32>
      %gt3A_714 = arith.constant 0.000000e+00 : f32
      %gt3A_715 = vector.broadcast %gt3A_714 : f32 to vector<16xf32>
      %gt3A_716 = arith.cmpf ogt, %add3A_713, %gt3A_715 : vector<16xf32>
      %mul3A_717 = arith.constant 2.000000e-01 : f32
      %mul3A_718 = vector.broadcast %mul3A_717 : f32 to vector<16xf32>
      %mul3A_719 = arith.mulf %add3A_713, %mul3A_718 : vector<16xf32>
      %select_n3A_720 = arith.select %gt3A_716, %add3A_713, %mul3A_719 : vector<16xi1>, vector<16xf32>
      %exp3A_721 = math.exp %select_n3A_720 : vector<16xf32>
      %mul3A_722 = arith.constant 128 : i32
      %mul3A_723 = arith.muli %add3A_411, %mul3A_722 : i32
      %add3A_724 = arith.addi %mul3A_23, %mul3A_723 : i32
      %mul3A_725 = arith.constant 16 : i32
      %mul3A_726 = arith.muli %scan3A_700, %mul3A_725 : i32
      %add3A_727 = arith.addi %add3A_724, %mul3A_726 : i32
      %iota3A_728 = tpu.iota {dimensions = array<i32: 0>} : vector<16xi32>
      %add3A_729 = vector.broadcast %add3A_727 : i32 to vector<16xi32>
      %add3A_730 = arith.addi %add3A_729, %iota3A_728 : vector<16xi32>
      %lt3A_731 = arith.constant 330000 : i32
      %lt3A_732 = vector.broadcast %lt3A_731 : i32 to vector<16xi32>
      %lt3A_733 = arith.cmpi slt, %add3A_730, %lt3A_732 : vector<16xi32>
      %jit3A_734 = arith.constant 0.000000e+00 : f32
      %broadcast_in_dim3A_735 = vector.broadcast %jit3A_734 : f32 to vector<16xf32>
      %select_n3A_736 = arith.select %lt3A_733, %exp3A_721, %broadcast_in_dim3A_735 : vector<16xi1>, vector<16xf32>
      %mul3A_737 = arith.constant 16 : i32
      %mul3A_738 = arith.muli %scan3A_700, %mul3A_737 : i32
      %swap3A_739 = arith.index_cast %mul3A_738 : i32 to index
      %swap3A_740 = tpu.vector_load %arg13[%swap3A_739] {strides = array<i32>} : memref<128xf32, #tpu.memory_space<vmem>>, vector<16xf32>,
      tpu.vector_store %arg13[%swap3A_739], %select_n3A_736 {strides = array<i32>} : memref<128xf32, #tpu.memory_space<vmem>>, vector<16xf32>,
      tpu.vector_store_idx %arg14[%get3A_710], %select_n3A_736 {add = true} : memref<10240xf32, #tpu.memory_space<vmem>>[vector<16xi32>], vector<16xf32>,
      %scan3A_741 = arith.constant 8 : i32
      %dma_wait3A_742 = arith.constant 0 : i32
      %dma_wait3A_743 = tpu.memref_slice %arg9[%add3A_411, %dma_wait3A_742] : memref<162x128xi32, #tpu.memory_space<vmem>> -> memref<1x128xi32, #tpu.memory_space<vmem>>
      %dma_wait3A_744 = tpu.memref_squeeze %dma_wait3A_743 : memref<1x128xi32, #tpu.memory_space<vmem>> -> memref<128xi32, #tpu.memory_space<vmem>>
      %dma_wait3A_745 = arith.constant 0 : i32
      %dma_wait3A_746 = arith.constant 0 : i32
      %dma_wait3A_747 = tpu.memref_slice %arg6[%arg0, %dma_wait3A_745, %dma_wait3A_746] : memref<2x10240x64xf32, #tpu.memory_space<hbm>> -> memref<1x10240x64xf32, #tpu.memory_space<hbm>>
      %dma_wait3A_748 = tpu.memref_squeeze %dma_wait3A_747 : memref<1x10240x64xf32, #tpu.memory_space<hbm>> -> memref<10240x64xf32, #tpu.memory_space<hbm>>
      %dma_wait3A_749 = arith.constant 0 : i32
      %dma_wait3A_750 = arith.constant 0 : i32
      %dma_wait3A_751 = tpu.memref_slice %dma_wait3A_748[%dma_wait3A_749, %dma_wait3A_750] : memref<10240x64xf32, #tpu.memory_space<hbm>> -> memref<10240x64xf32, #tpu.memory_space<hbm>>
      tpu.wait_indirect_dma semaphore(%arg18 : memref<!tpu.dma_semaphore, #tpu.memory_space<semaphore_mem>>) src(%dma_wait3A_751 : memref<10240x64xf32, #tpu.memory_space<hbm>>) dst(%arg16 : memref<128x64xf32, #tpu.memory_space<vmem>>)
      %ge3A_752 = arith.constant 1 : i32
      %ge3A_753 = arith.cmpi sge, %add3A_411, %ge3A_752 : i32
      %convert_element_type3A_754 = arith.extui %ge3A_753 : i1 to i32
      %cond3A_755 = arith.constant 0 : i32
      %cond3A_756 = arith.cmpi ne, %convert_element_type3A_754, %cond3A_755 : i32
      scf.if %cond3A_756 {
        %dma_wait3A_776 = arith.constant 0 : i32
        %dma_wait3A_777 = tpu.memref_slice %arg10[%add3A_411, %dma_wait3A_776] : memref<162x128xi32, #tpu.memory_space<vmem>> -> memref<1x128xi32, #tpu.memory_space<vmem>>
        %dma_wait3A_778 = tpu.memref_squeeze %dma_wait3A_777 : memref<1x128xi32, #tpu.memory_space<vmem>> -> memref<128xi32, #tpu.memory_space<vmem>>
        %dma_wait3A_779 = arith.constant 0 : i32
        %dma_wait3A_780 = arith.constant 0 : i32
        %dma_wait3A_781 = tpu.memref_slice %arg17[%dma_wait3A_779, %dma_wait3A_780] : memref<10240x64xf32, #tpu.memory_space<vmem_shared>> -> memref<10240x64xf32, #tpu.memory_space<vmem_shared>>
        tpu.wait_indirect_dma semaphore(%arg19 : memref<!tpu.dma_semaphore, #tpu.memory_space<semaphore_mem>>) src(%arg15 : memref<128x64xf32, #tpu.memory_space<vmem>>) dst(%dma_wait3A_781 : memref<10240x64xf32, #tpu.memory_space<vmem_shared>>)
      } else {
      }
      %add3A_757 = arith.constant 1 : i32
      %add3A_758 = arith.addi %add3A_411, %add3A_757 : i32
      %lt3A_759 = arith.constant 162 : i32
      %lt3A_760 = arith.cmpi slt, %add3A_758, %lt3A_759 : i32
      %convert_element_type3A_761 = arith.extui %lt3A_760 : i1 to i32
      %cond3A_762 = arith.constant 0 : i32
      %cond3A_763 = arith.cmpi ne, %convert_element_type3A_761, %cond3A_762 : i32
      scf.if %cond3A_763 {
        %add3A_776 = arith.constant 1 : i32
        %add3A_777 = arith.addi %add3A_411, %add3A_776 : i32
        %dma_start3A_778 = arith.constant 0 : i32
        %dma_start3A_779 = tpu.memref_slice %arg9[%add3A_777, %dma_start3A_778] : memref<162x128xi32, #tpu.memory_space<vmem>> -> memref<1x128xi32, #tpu.memory_space<vmem>>
        %dma_start3A_780 = tpu.memref_squeeze %dma_start3A_779 : memref<1x128xi32, #tpu.memory_space<vmem>> -> memref<128xi32, #tpu.memory_space<vmem>>
        %dma_start3A_781 = arith.constant 0 : i32
        %dma_start3A_782 = arith.constant 0 : i32
        %dma_start3A_783 = tpu.memref_slice %arg6[%arg0, %dma_start3A_781, %dma_start3A_782] : memref<2x10240x64xf32, #tpu.memory_space<hbm>> -> memref<1x10240x64xf32, #tpu.memory_space<hbm>>
        %dma_start3A_784 = tpu.memref_squeeze %dma_start3A_783 : memref<1x10240x64xf32, #tpu.memory_space<hbm>> -> memref<10240x64xf32, #tpu.memory_space<hbm>>
        %dma_start3A_785 = arith.constant 0 : i32
        %dma_start3A_786 = arith.constant 0 : i32
        %dma_start3A_787 = tpu.memref_slice %dma_start3A_784[%dma_start3A_785, %dma_start3A_786] : memref<10240x64xf32, #tpu.memory_space<hbm>> -> memref<10240x64xf32, #tpu.memory_space<hbm>>
        tpu.enqueue_indirect_dma source(%dma_start3A_787 : memref<10240x64xf32, #tpu.memory_space<hbm>>) target(%arg15 : memref<128x64xf32, #tpu.memory_space<vmem>>) offsets(%dma_start3A_780 : memref<128xi32, #tpu.memory_space<vmem>>) semaphore(%arg18 : memref<!tpu.dma_semaphore, #tpu.memory_space<semaphore_mem>>)
      } else {
      }
      %scan3A_764 = arith.constant 0 : i32
      %scan3A_765 = arith.constant 0 : i32
      %scan3A_766 = arith.constant 128 : i32
      %scan3A_767 = arith.addi %scan3A_765, %scan3A_766 : i32
      %scan3A_768 = arith.constant 4 : i32
      scf.for %scan3A_776 = %scan3A_765 to %scan3A_767 step %scan3A_768  : i32 {
        %broadcast_in_dim3A_777 = vector.broadcast %scan3A_776 : i32 to vector<16xi32>
        %gather3A_778 = tpu.vector_load_idx %arg13[%broadcast_in_dim3A_777] : memref<128xf32, #tpu.memory_space<vmem>>[vector<16xi32>], vector<16xf32>,
        %get3A_779 = arith.index_cast %scan3A_776 : i32 to index
        %get3A_780 = arith.constant 0 : index
        %get3A_781 = tpu.vector_load %arg16[%get3A_779, %get3A_780] {strides = array<i32>} : memref<128x64xf32, #tpu.memory_space<vmem>>, vector<16xf32>,
        %mul3A_782 = arith.mulf %get3A_781, %gather3A_778 : vector<16xf32>
        %swap3A_783 = arith.index_cast %scan3A_776 : i32 to index
        %swap3A_784 = arith.constant 0 : index
        %swap3A_785 = tpu.vector_load %arg16[%swap3A_783, %swap3A_784] {strides = array<i32>} : memref<128x64xf32, #tpu.memory_space<vmem>>, vector<16xf32>,
        tpu.vector_store %arg16[%swap3A_783, %swap3A_784], %mul3A_782 {strides = array<i32>} : memref<128x64xf32, #tpu.memory_space<vmem>>, vector<16xf32>,
        %get3A_786 = arith.index_cast %scan3A_776 : i32 to index
        %get3A_787 = arith.constant 16 : index
        %get3A_788 = tpu.vector_load %arg16[%get3A_786, %get3A_787] {strides = array<i32>} : memref<128x64xf32, #tpu.memory_space<vmem>>, vector<16xf32>,
        %mul3A_789 = arith.mulf %get3A_788, %gather3A_778 : vector<16xf32>
        %swap3A_790 = arith.index_cast %scan3A_776 : i32 to index
        %swap3A_791 = arith.constant 16 : index
        %swap3A_792 = tpu.vector_load %arg16[%swap3A_790, %swap3A_791] {strides = array<i32>} : memref<128x64xf32, #tpu.memory_space<vmem>>, vector<16xf32>,
        tpu.vector_store %arg16[%swap3A_790, %swap3A_791], %mul3A_789 {strides = array<i32>} : memref<128x64xf32, #tpu.memory_space<vmem>>, vector<16xf32>,
        %get3A_793 = arith.index_cast %scan3A_776 : i32 to index
        %get3A_794 = arith.constant 32 : index
        %get3A_795 = tpu.vector_load %arg16[%get3A_793, %get3A_794] {strides = array<i32>} : memref<128x64xf32, #tpu.memory_space<vmem>>, vector<16xf32>,
        %mul3A_796 = arith.mulf %get3A_795, %gather3A_778 : vector<16xf32>
        %swap3A_797 = arith.index_cast %scan3A_776 : i32 to index
        %swap3A_798 = arith.constant 32 : index
        %swap3A_799 = tpu.vector_load %arg16[%swap3A_797, %swap3A_798] {strides = array<i32>} : memref<128x64xf32, #tpu.memory_space<vmem>>, vector<16xf32>,
        tpu.vector_store %arg16[%swap3A_797, %swap3A_798], %mul3A_796 {strides = array<i32>} : memref<128x64xf32, #tpu.memory_space<vmem>>, vector<16xf32>,
        %get3A_800 = arith.index_cast %scan3A_776 : i32 to index
        %get3A_801 = arith.constant 48 : index
        %get3A_802 = tpu.vector_load %arg16[%get3A_800, %get3A_801] {strides = array<i32>} : memref<128x64xf32, #tpu.memory_space<vmem>>, vector<16xf32>,
        %mul3A_803 = arith.mulf %get3A_802, %gather3A_778 : vector<16xf32>
        %swap3A_804 = arith.index_cast %scan3A_776 : i32 to index
        %swap3A_805 = arith.constant 48 : index
        %swap3A_806 = tpu.vector_load %arg16[%swap3A_804, %swap3A_805] {strides = array<i32>} : memref<128x64xf32, #tpu.memory_space<vmem>>, vector<16xf32>,
        tpu.vector_store %arg16[%swap3A_804, %swap3A_805], %mul3A_803 {strides = array<i32>} : memref<128x64xf32, #tpu.memory_space<vmem>>, vector<16xf32>,
        %scan3A_807 = arith.constant 1 : i32
        %scan3A_808 = arith.addi %scan3A_776, %scan3A_807 : i32
        %broadcast_in_dim3A_809 = vector.broadcast %scan3A_808 : i32 to vector<16xi32>
        %gather3A_810 = tpu.vector_load_idx %arg13[%broadcast_in_dim3A_809] : memref<128xf32, #tpu.memory_space<vmem>>[vector<16xi32>], vector<16xf32>,
        %get3A_811 = arith.index_cast %scan3A_808 : i32 to index
        %get3A_812 = arith.constant 0 : index
        %get3A_813 = tpu.vector_load %arg16[%get3A_811, %get3A_812] {strides = array<i32>} : memref<128x64xf32, #tpu.memory_space<vmem>>, vector<16xf32>,
        %mul3A_814 = arith.mulf %get3A_813, %gather3A_810 : vector<16xf32>
        %swap3A_815 = arith.index_cast %scan3A_808 : i32 to index
        %swap3A_816 = arith.constant 0 : index
        %swap3A_817 = tpu.vector_load %arg16[%swap3A_815, %swap3A_816] {strides = array<i32>} : memref<128x64xf32, #tpu.memory_space<vmem>>, vector<16xf32>,
        tpu.vector_store %arg16[%swap3A_815, %swap3A_816], %mul3A_814 {strides = array<i32>} : memref<128x64xf32, #tpu.memory_space<vmem>>, vector<16xf32>,
        %get3A_818 = arith.index_cast %scan3A_808 : i32 to index
        %get3A_819 = arith.constant 16 : index
        %get3A_820 = tpu.vector_load %arg16[%get3A_818, %get3A_819] {strides = array<i32>} : memref<128x64xf32, #tpu.memory_space<vmem>>, vector<16xf32>,
        %mul3A_821 = arith.mulf %get3A_820, %gather3A_810 : vector<16xf32>
        %swap3A_822 = arith.index_cast %scan3A_808 : i32 to index
        %swap3A_823 = arith.constant 16 : index
        %swap3A_824 = tpu.vector_load %arg16[%swap3A_822, %swap3A_823] {strides = array<i32>} : memref<128x64xf32, #tpu.memory_space<vmem>>, vector<16xf32>,
        tpu.vector_store %arg16[%swap3A_822, %swap3A_823], %mul3A_821 {strides = array<i32>} : memref<128x64xf32, #tpu.memory_space<vmem>>, vector<16xf32>,
        %get3A_825 = arith.index_cast %scan3A_808 : i32 to index
        %get3A_826 = arith.constant 32 : index
        %get3A_827 = tpu.vector_load %arg16[%get3A_825, %get3A_826] {strides = array<i32>} : memref<128x64xf32, #tpu.memory_space<vmem>>, vector<16xf32>,
        %mul3A_828 = arith.mulf %get3A_827, %gather3A_810 : vector<16xf32>
        %swap3A_829 = arith.index_cast %scan3A_808 : i32 to index
        %swap3A_830 = arith.constant 32 : index
        %swap3A_831 = tpu.vector_load %arg16[%swap3A_829, %swap3A_830] {strides = array<i32>} : memref<128x64xf32, #tpu.memory_space<vmem>>, vector<16xf32>,
        tpu.vector_store %arg16[%swap3A_829, %swap3A_830], %mul3A_828 {strides = array<i32>} : memref<128x64xf32, #tpu.memory_space<vmem>>, vector<16xf32>,
        %get3A_832 = arith.index_cast %scan3A_808 : i32 to index
        %get3A_833 = arith.constant 48 : index
        %get3A_834 = tpu.vector_load %arg16[%get3A_832, %get3A_833] {strides = array<i32>} : memref<128x64xf32, #tpu.memory_space<vmem>>, vector<16xf32>,
        %mul3A_835 = arith.mulf %get3A_834, %gather3A_810 : vector<16xf32>
        %swap3A_836 = arith.index_cast %scan3A_808 : i32 to index
        %swap3A_837 = arith.constant 48 : index
        %swap3A_838 = tpu.vector_load %arg16[%swap3A_836, %swap3A_837] {strides = array<i32>} : memref<128x64xf32, #tpu.memory_space<vmem>>, vector<16xf32>,
        tpu.vector_store %arg16[%swap3A_836, %swap3A_837], %mul3A_835 {strides = array<i32>} : memref<128x64xf32, #tpu.memory_space<vmem>>, vector<16xf32>,
        %scan3A_839 = arith.constant 2 : i32
        %scan3A_840 = arith.addi %scan3A_776, %scan3A_839 : i32
        %broadcast_in_dim3A_841 = vector.broadcast %scan3A_840 : i32 to vector<16xi32>
        %gather3A_842 = tpu.vector_load_idx %arg13[%broadcast_in_dim3A_841] : memref<128xf32, #tpu.memory_space<vmem>>[vector<16xi32>], vector<16xf32>,
        %get3A_843 = arith.index_cast %scan3A_840 : i32 to index
        %get3A_844 = arith.constant 0 : index
        %get3A_845 = tpu.vector_load %arg16[%get3A_843, %get3A_844] {strides = array<i32>} : memref<128x64xf32, #tpu.memory_space<vmem>>, vector<16xf32>,
        %mul3A_846 = arith.mulf %get3A_845, %gather3A_842 : vector<16xf32>
        %swap3A_847 = arith.index_cast %scan3A_840 : i32 to index
        %swap3A_848 = arith.constant 0 : index
        %swap3A_849 = tpu.vector_load %arg16[%swap3A_847, %swap3A_848] {strides = array<i32>} : memref<128x64xf32, #tpu.memory_space<vmem>>, vector<16xf32>,
        tpu.vector_store %arg16[%swap3A_847, %swap3A_848], %mul3A_846 {strides = array<i32>} : memref<128x64xf32, #tpu.memory_space<vmem>>, vector<16xf32>,
        %get3A_850 = arith.index_cast %scan3A_840 : i32 to index
        %get3A_851 = arith.constant 16 : index
        %get3A_852 = tpu.vector_load %arg16[%get3A_850, %get3A_851] {strides = array<i32>} : memref<128x64xf32, #tpu.memory_space<vmem>>, vector<16xf32>,
        %mul3A_853 = arith.mulf %get3A_852, %gather3A_842 : vector<16xf32>
        %swap3A_854 = arith.index_cast %scan3A_840 : i32 to index
        %swap3A_855 = arith.constant 16 : index
        %swap3A_856 = tpu.vector_load %arg16[%swap3A_854, %swap3A_855] {strides = array<i32>} : memref<128x64xf32, #tpu.memory_space<vmem>>, vector<16xf32>,
        tpu.vector_store %arg16[%swap3A_854, %swap3A_855], %mul3A_853 {strides = array<i32>} : memref<128x64xf32, #tpu.memory_space<vmem>>, vector<16xf32>,
        %get3A_857 = arith.index_cast %scan3A_840 : i32 to index
        %get3A_858 = arith.constant 32 : index
        %get3A_859 = tpu.vector_load %arg16[%get3A_857, %get3A_858] {strides = array<i32>} : memref<128x64xf32, #tpu.memory_space<vmem>>, vector<16xf32>,
        %mul3A_860 = arith.mulf %get3A_859, %gather3A_842 : vector<16xf32>
        %swap3A_861 = arith.index_cast %scan3A_840 : i32 to index
        %swap3A_862 = arith.constant 32 : index
        %swap3A_863 = tpu.vector_load %arg16[%swap3A_861, %swap3A_862] {strides = array<i32>} : memref<128x64xf32, #tpu.memory_space<vmem>>, vector<16xf32>,
        tpu.vector_store %arg16[%swap3A_861, %swap3A_862], %mul3A_860 {strides = array<i32>} : memref<128x64xf32, #tpu.memory_space<vmem>>, vector<16xf32>,
        %get3A_864 = arith.index_cast %scan3A_840 : i32 to index
        %get3A_865 = arith.constant 48 : index
        %get3A_866 = tpu.vector_load %arg16[%get3A_864, %get3A_865] {strides = array<i32>} : memref<128x64xf32, #tpu.memory_space<vmem>>, vector<16xf32>,
        %mul3A_867 = arith.mulf %get3A_866, %gather3A_842 : vector<16xf32>
        %swap3A_868 = arith.index_cast %scan3A_840 : i32 to index
        %swap3A_869 = arith.constant 48 : index
        %swap3A_870 = tpu.vector_load %arg16[%swap3A_868, %swap3A_869] {strides = array<i32>} : memref<128x64xf32, #tpu.memory_space<vmem>>, vector<16xf32>,
        tpu.vector_store %arg16[%swap3A_868, %swap3A_869], %mul3A_867 {strides = array<i32>} : memref<128x64xf32, #tpu.memory_space<vmem>>, vector<16xf32>,
        %scan3A_871 = arith.constant 3 : i32
        %scan3A_872 = arith.addi %scan3A_776, %scan3A_871 : i32
        %broadcast_in_dim3A_873 = vector.broadcast %scan3A_872 : i32 to vector<16xi32>
        %gather3A_874 = tpu.vector_load_idx %arg13[%broadcast_in_dim3A_873] : memref<128xf32, #tpu.memory_space<vmem>>[vector<16xi32>], vector<16xf32>,
        %get3A_875 = arith.index_cast %scan3A_872 : i32 to index
        %get3A_876 = arith.constant 0 : index
        %get3A_877 = tpu.vector_load %arg16[%get3A_875, %get3A_876] {strides = array<i32>} : memref<128x64xf32, #tpu.memory_space<vmem>>, vector<16xf32>,
        %mul3A_878 = arith.mulf %get3A_877, %gather3A_874 : vector<16xf32>
        %swap3A_879 = arith.index_cast %scan3A_872 : i32 to index
        %swap3A_880 = arith.constant 0 : index
        %swap3A_881 = tpu.vector_load %arg16[%swap3A_879, %swap3A_880] {strides = array<i32>} : memref<128x64xf32, #tpu.memory_space<vmem>>, vector<16xf32>,
        tpu.vector_store %arg16[%swap3A_879, %swap3A_880], %mul3A_878 {strides = array<i32>} : memref<128x64xf32, #tpu.memory_space<vmem>>, vector<16xf32>,
        %get3A_882 = arith.index_cast %scan3A_872 : i32 to index
        %get3A_883 = arith.constant 16 : index
        %get3A_884 = tpu.vector_load %arg16[%get3A_882, %get3A_883] {strides = array<i32>} : memref<128x64xf32, #tpu.memory_space<vmem>>, vector<16xf32>,
        %mul3A_885 = arith.mulf %get3A_884, %gather3A_874 : vector<16xf32>
        %swap3A_886 = arith.index_cast %scan3A_872 : i32 to index
        %swap3A_887 = arith.constant 16 : index
        %swap3A_888 = tpu.vector_load %arg16[%swap3A_886, %swap3A_887] {strides = array<i32>} : memref<128x64xf32, #tpu.memory_space<vmem>>, vector<16xf32>,
        tpu.vector_store %arg16[%swap3A_886, %swap3A_887], %mul3A_885 {strides = array<i32>} : memref<128x64xf32, #tpu.memory_space<vmem>>, vector<16xf32>,
        %get3A_889 = arith.index_cast %scan3A_872 : i32 to index
        %get3A_890 = arith.constant 32 : index
        %get3A_891 = tpu.vector_load %arg16[%get3A_889, %get3A_890] {strides = array<i32>} : memref<128x64xf32, #tpu.memory_space<vmem>>, vector<16xf32>,
        %mul3A_892 = arith.mulf %get3A_891, %gather3A_874 : vector<16xf32>
        %swap3A_893 = arith.index_cast %scan3A_872 : i32 to index
        %swap3A_894 = arith.constant 32 : index
        %swap3A_895 = tpu.vector_load %arg16[%swap3A_893, %swap3A_894] {strides = array<i32>} : memref<128x64xf32, #tpu.memory_space<vmem>>, vector<16xf32>,
        tpu.vector_store %arg16[%swap3A_893, %swap3A_894], %mul3A_892 {strides = array<i32>} : memref<128x64xf32, #tpu.memory_space<vmem>>, vector<16xf32>,
        %get3A_896 = arith.index_cast %scan3A_872 : i32 to index
        %get3A_897 = arith.constant 48 : index
        %get3A_898 = tpu.vector_load %arg16[%get3A_896, %get3A_897] {strides = array<i32>} : memref<128x64xf32, #tpu.memory_space<vmem>>, vector<16xf32>,
        %mul3A_899 = arith.mulf %get3A_898, %gather3A_874 : vector<16xf32>
        %swap3A_900 = arith.index_cast %scan3A_872 : i32 to index
        %swap3A_901 = arith.constant 48 : index
        %swap3A_902 = tpu.vector_load %arg16[%swap3A_900, %swap3A_901] {strides = array<i32>} : memref<128x64xf32, #tpu.memory_space<vmem>>, vector<16xf32>,
        tpu.vector_store %arg16[%swap3A_900, %swap3A_901], %mul3A_899 {strides = array<i32>} : memref<128x64xf32, #tpu.memory_space<vmem>>, vector<16xf32>,
      }
      %scan3A_769 = arith.constant 128 : i32
      %dma_start3A_770 = arith.constant 0 : i32
      %dma_start3A_771 = tpu.memref_slice %arg10[%add3A_411, %dma_start3A_770] : memref<162x128xi32, #tpu.memory_space<vmem>> -> memref<1x128xi32, #tpu.memory_space<vmem>>
      %dma_start3A_772 = tpu.memref_squeeze %dma_start3A_771 : memref<1x128xi32, #tpu.memory_space<vmem>> -> memref<128xi32, #tpu.memory_space<vmem>>
      %dma_start3A_773 = arith.constant 0 : i32
      %dma_start3A_774 = arith.constant 0 : i32
      %dma_start3A_775 = tpu.memref_slice %arg17[%dma_start3A_773, %dma_start3A_774] : memref<10240x64xf32, #tpu.memory_space<vmem_shared>> -> memref<10240x64xf32, #tpu.memory_space<vmem_shared>>
      tpu.enqueue_indirect_dma source(%arg16 : memref<128x64xf32, #tpu.memory_space<vmem>>) target(%dma_start3A_775 : memref<10240x64xf32, #tpu.memory_space<vmem_shared>>) offsets(%dma_start3A_772 : memref<128xi32, #tpu.memory_space<vmem>>) semaphore(%arg19 : memref<!tpu.dma_semaphore, #tpu.memory_space<semaphore_mem>>) {add = true}
    }
    %scan3A_39 = arith.constant 81 : i32
    %dma_wait3A = arith.constant 0 : i32
    %dma_wait3A_40 = arith.constant 0 : i32
    %dma_wait3A_41 = tpu.memref_slice %arg10[%dma_wait3A, %dma_wait3A_40] : memref<162x128xi32, #tpu.memory_space<vmem>> -> memref<1x128xi32, #tpu.memory_space<vmem>>
    %dma_wait3A_42 = tpu.memref_squeeze %dma_wait3A_41 : memref<1x128xi32, #tpu.memory_space<vmem>> -> memref<128xi32, #tpu.memory_space<vmem>>
    %dma_wait3A_43 = arith.constant 0 : i32
    %dma_wait3A_44 = arith.constant 0 : i32
    %dma_wait3A_45 = tpu.memref_slice %arg17[%dma_wait3A_43, %dma_wait3A_44] : memref<10240x64xf32, #tpu.memory_space<vmem_shared>> -> memref<10240x64xf32, #tpu.memory_space<vmem_shared>>
    tpu.wait_indirect_dma semaphore(%arg19 : memref<!tpu.dma_semaphore, #tpu.memory_space<semaphore_mem>>) src(%arg16 : memref<128x64xf32, #tpu.memory_space<vmem>>) dst(%dma_wait3A_45 : memref<10240x64xf32, #tpu.memory_space<vmem_shared>>)
    %barrier3A_46 = arith.constant 0 : index
    tpu.barrier barrier_id(%barrier3A_46)
    "tpu.region"() ({
      %run_scoped3A = tpu.sem_alloc : memref<!tpu.dma_semaphore, #tpu.memory_space<semaphore_mem>>
      %dma_start3A_49 = arith.constant 0 : i32
      %dma_start3A_50 = tpu.memref_slice %arg7[%arg0, %mul3A_0, %dma_start3A_49] : memref<2x10240x64xf32, #tpu.memory_space<hbm>> -> memref<1x640x64xf32, #tpu.memory_space<hbm>>
      %dma_start3A_51 = tpu.memref_squeeze %dma_start3A_50 : memref<1x640x64xf32, #tpu.memory_space<hbm>> -> memref<640x64xf32, #tpu.memory_space<hbm>>
      %dma_start3A_52 = arith.constant 0 : i32
      %dma_start3A_53 = tpu.memref_slice %arg17[%mul3A_0, %dma_start3A_52] : memref<10240x64xf32, #tpu.memory_space<vmem_shared>> -> memref<640x64xf32, #tpu.memory_space<vmem_shared>>
      tpu.enqueue_dma source(%dma_start3A_53 : memref<640x64xf32, #tpu.memory_space<vmem_shared>>) target(%dma_start3A_51 : memref<640x64xf32, #tpu.memory_space<hbm>>) target_semaphore(%run_scoped3A : memref<!tpu.dma_semaphore, #tpu.memory_space<semaphore_mem>>)
      %dma_wait3A_54 = arith.constant 0 : i32
      %dma_wait3A_55 = tpu.memref_slice %arg7[%arg0, %mul3A_0, %dma_wait3A_54] : memref<2x10240x64xf32, #tpu.memory_space<hbm>> -> memref<1x640x64xf32, #tpu.memory_space<hbm>>
      %dma_wait3A_56 = tpu.memref_squeeze %dma_wait3A_55 : memref<1x640x64xf32, #tpu.memory_space<hbm>> -> memref<640x64xf32, #tpu.memory_space<hbm>>
      %dma_wait3A_57 = arith.constant 0 : i32
      %dma_wait3A_58 = tpu.memref_slice %arg17[%mul3A_0, %dma_wait3A_57] : memref<10240x64xf32, #tpu.memory_space<vmem_shared>> -> memref<640x64xf32, #tpu.memory_space<vmem_shared>>
      tpu.wait_dma2 semaphore(%run_scoped3A : memref<!tpu.dma_semaphore, #tpu.memory_space<semaphore_mem>>) src(%dma_wait3A_58 : memref<640x64xf32, #tpu.memory_space<vmem_shared>>) dst(%dma_wait3A_56 : memref<640x64xf32, #tpu.memory_space<hbm>>)
      tpu.yield
    }) : () -> ()
    %eq3A = arith.constant 0 : i32
    %eq3A_47 = arith.cmpi eq, %arg0, %eq3A : i32
    %convert_element_type3A = arith.extui %eq3A_47 : i1 to i32
    %cond3A = arith.constant 0 : i32
    %cond3A_48 = arith.cmpi ne, %convert_element_type3A, %cond3A : i32
    scf.if %cond3A_48 {
      "tpu.region"() ({
        %run_scoped3A = tpu.sem_alloc : memref<!tpu.dma_semaphore, #tpu.memory_space<semaphore_mem>>
        %dma_start3A_49 = arith.constant 0 : i32
        %dma_start3A_50 = tpu.memref_slice %arg8[%arg1, %dma_start3A_49] : memref<16x10240xf32, #tpu.memory_space<hbm>> -> memref<1x10240xf32, #tpu.memory_space<hbm>>
        %dma_start3A_51 = tpu.memref_squeeze %dma_start3A_50 : memref<1x10240xf32, #tpu.memory_space<hbm>> -> memref<10240xf32, #tpu.memory_space<hbm>>
        %dma_start3A_52 = arith.constant 0 : i32
        %dma_start3A_53 = tpu.memref_slice %arg8[%arg1, %dma_start3A_52] : memref<16x10240xf32, #tpu.memory_space<hbm>> -> memref<1x10240xf32, #tpu.memory_space<hbm>>
        %dma_start3A_54 = tpu.memref_squeeze %dma_start3A_53 : memref<1x10240xf32, #tpu.memory_space<hbm>> -> memref<10240xf32, #tpu.memory_space<hbm>>
        tpu.enqueue_dma source(%arg14 : memref<10240xf32, #tpu.memory_space<vmem>>) target(%dma_start3A_54 : memref<10240xf32, #tpu.memory_space<hbm>>) target_semaphore(%run_scoped3A : memref<!tpu.dma_semaphore, #tpu.memory_space<semaphore_mem>>)
        %dma_wait3A_55 = arith.constant 0 : i32
        %dma_wait3A_56 = tpu.memref_slice %arg8[%arg1, %dma_wait3A_55] : memref<16x10240xf32, #tpu.memory_space<hbm>> -> memref<1x10240xf32, #tpu.memory_space<hbm>>
        %dma_wait3A_57 = tpu.memref_squeeze %dma_wait3A_56 : memref<1x10240xf32, #tpu.memory_space<hbm>> -> memref<10240xf32, #tpu.memory_space<hbm>>
        %dma_wait3A_58 = arith.constant 0 : i32
        %dma_wait3A_59 = tpu.memref_slice %arg8[%arg1, %dma_wait3A_58] : memref<16x10240xf32, #tpu.memory_space<hbm>> -> memref<1x10240xf32, #tpu.memory_space<hbm>>
        %dma_wait3A_60 = tpu.memref_squeeze %dma_wait3A_59 : memref<1x10240xf32, #tpu.memory_space<hbm>> -> memref<10240xf32, #tpu.memory_space<hbm>>
        tpu.wait_dma2 semaphore(%run_scoped3A : memref<!tpu.dma_semaphore, #tpu.memory_space<semaphore_mem>>) src(%arg14 : memref<10240xf32, #tpu.memory_space<vmem>>) dst(%dma_wait3A_60 : memref<10240xf32, #tpu.memory_space<hbm>>)
        tpu.yield
      }) : () -> ()
    } else {
    }
    return
  }
}

#map = affine_map<(d0, d1) -> (0, 0, 0)>
#map1 = affine_map<(d0, d1) -> (0)>
#map2 = affine_map<(d0, d1) -> (0, 0)>
module attributes {stable_mosaic.version = 14 : i64} {
  func.func @_edge_pass_body(%arg0: i32, %arg1: i32, %arg2: memref<16x162x128xi32, #tpu.memory_space<hbm>>, %arg3: memref<16x162x128xi32, #tpu.memory_space<hbm>>, %arg4: memref<10240xf32, #tpu.memory_space<hbm>>, %arg5: memref<10240xf32, #tpu.memory_space<hbm>>, %arg6: memref<2x10240x64xf32, #tpu.memory_space<hbm>>, %arg7: memref<2x10240x64xf32, #tpu.memory_space<hbm>>, %arg8: memref<16x10240xf32, #tpu.memory_space<hbm>>, %arg9: memref<162x128xi32, #tpu.memory_space<vmem>>, %arg10: memref<162x128xi32, #tpu.memory_space<vmem>>, %arg11: memref<10240xf32, #tpu.memory_space<vmem>>, %arg12: memref<10240xf32, #tpu.memory_space<vmem>>, %arg13: memref<128xf32, #tpu.memory_space<vmem>>, %arg14: memref<10240xf32, #tpu.memory_space<vmem>>, %arg15: memref<128x64xf32, #tpu.memory_space<vmem>>, %arg16: memref<128x64xf32, #tpu.memory_space<vmem>>, %arg17: memref<10240x64xf32, #tpu.memory_space<vmem_shared>>, %arg18: memref<!tpu.dma_semaphore, #tpu.memory_space<semaphore_mem>>, %arg19: memref<!tpu.dma_semaphore, #tpu.memory_space<semaphore_mem>>) attributes {dimension_semantics = [#tpu.dimension_semantics<core_parallel>, #tpu.dimension_semantics<subcore_parallel>], iteration_bounds = array<i64: 2, 16>, scalar_prefetch = 0 : i64, scratch_operands = 11 : i64, tpu.core_type = #tpu.core_type<sc_vector_subcore>, window_params = [{transform_indices = #map}, {transform_indices = #map}, {transform_indices = #map1}, {transform_indices = #map1}, {transform_indices = #map}, {transform_indices = #map}, {transform_indices = #map2}]} {
    %mul3A = arith.constant 640 : i32
    %mul3A_0 = arith.muli %arg1, %mul3A : i32
    %broadcast_in_dim3A = arith.constant 0.000000e+00 : f32
    %broadcast_in_dim3A_1 = vector.broadcast %broadcast_in_dim3A : f32 to vector<16xf32>
    %scan3A = arith.constant 0 : i32
    %scan3A_2 = arith.constant 0 : i32
    %scan3A_3 = arith.constant 128 : i32
    %scan3A_4 = arith.addi %scan3A_2, %scan3A_3 : i32
    %scan3A_5 = arith.constant 1 : i32
    scf.for %scan3A_49 = %scan3A_2 to %scan3A_4 step %scan3A_5  : i32 {
      %swap3A = arith.index_cast %scan3A_49 : i32 to index
      %swap3A_50 = arith.constant 0 : index
      %swap3A_51 = tpu.vector_load %arg15[%swap3A, %swap3A_50] {strides = array<i32>} : memref<128x64xf32, #tpu.memory_space<vmem>>, vector<16xf32>,
      tpu.vector_store %arg15[%swap3A, %swap3A_50], %broadcast_in_dim3A_1 {strides = array<i32>} : memref<128x64xf32, #tpu.memory_space<vmem>>, vector<16xf32>,
      %swap3A_52 = arith.index_cast %scan3A_49 : i32 to index
      %swap3A_53 = arith.constant 16 : index
      %swap3A_54 = tpu.vector_load %arg15[%swap3A_52, %swap3A_53] {strides = array<i32>} : memref<128x64xf32, #tpu.memory_space<vmem>>, vector<16xf32>,
      tpu.vector_store %arg15[%swap3A_52, %swap3A_53], %broadcast_in_dim3A_1 {strides = array<i32>} : memref<128x64xf32, #tpu.memory_space<vmem>>, vector<16xf32>,
      %swap3A_55 = arith.index_cast %scan3A_49 : i32 to index
      %swap3A_56 = arith.constant 32 : index
      %swap3A_57 = tpu.vector_load %arg15[%swap3A_55, %swap3A_56] {strides = array<i32>} : memref<128x64xf32, #tpu.memory_space<vmem>>, vector<16xf32>,
      tpu.vector_store %arg15[%swap3A_55, %swap3A_56], %broadcast_in_dim3A_1 {strides = array<i32>} : memref<128x64xf32, #tpu.memory_space<vmem>>, vector<16xf32>,
      %swap3A_58 = arith.index_cast %scan3A_49 : i32 to index
      %swap3A_59 = arith.constant 48 : index
      %swap3A_60 = tpu.vector_load %arg15[%swap3A_58, %swap3A_59] {strides = array<i32>} : memref<128x64xf32, #tpu.memory_space<vmem>>, vector<16xf32>,
      tpu.vector_store %arg15[%swap3A_58, %swap3A_59], %broadcast_in_dim3A_1 {strides = array<i32>} : memref<128x64xf32, #tpu.memory_space<vmem>>, vector<16xf32>,
    }
    %scan3A_6 = arith.constant 128 : i32
    %scan3A_7 = arith.constant 0 : i32
    %scan3A_8 = arith.constant 0 : i32
    %scan3A_9 = arith.constant 640 : i32
    %scan3A_10 = arith.addi %scan3A_8, %scan3A_9 : i32
    %scan3A_11 = arith.constant 1 : i32
    scf.for %scan3A_49 = %scan3A_8 to %scan3A_10 step %scan3A_11  : i32 {
      %mul3A_50 = arith.constant 16 : i32
      %mul3A_51 = arith.muli %scan3A_49, %mul3A_50 : i32
      %swap3A = arith.index_cast %mul3A_51 : i32 to index
      %swap3A_52 = tpu.vector_load %arg14[%swap3A] {strides = array<i32>} : memref<10240xf32, #tpu.memory_space<vmem>>, vector<16xf32>,
      tpu.vector_store %arg14[%swap3A], %broadcast_in_dim3A_1 {strides = array<i32>} : memref<10240xf32, #tpu.memory_space<vmem>>, vector<16xf32>,
    }
    %scan3A_12 = arith.constant 640 : i32
    %add3A = arith.constant 0 : i32
    %add3A_13 = arith.addi %mul3A_0, %add3A : i32
    "tpu.region"() ({
      %run_scoped3A = tpu.sem_alloc : memref<!tpu.dma_semaphore, #tpu.memory_space<semaphore_mem>>
      %dma_start3A_49 = arith.constant 0 : i32
      %dma_start3A_50 = tpu.memref_slice %arg17[%add3A_13, %dma_start3A_49] : memref<10240x64xf32, #tpu.memory_space<vmem_shared>> -> memref<128x64xf32, #tpu.memory_space<vmem_shared>>
      %dma_start3A_51 = arith.constant 0 : i32
      %dma_start3A_52 = tpu.memref_slice %arg17[%add3A_13, %dma_start3A_51] : memref<10240x64xf32, #tpu.memory_space<vmem_shared>> -> memref<128x64xf32, #tpu.memory_space<vmem_shared>>
      tpu.enqueue_dma source(%arg15 : memref<128x64xf32, #tpu.memory_space<vmem>>) target(%dma_start3A_52 : memref<128x64xf32, #tpu.memory_space<vmem_shared>>) target_semaphore(%run_scoped3A : memref<!tpu.dma_semaphore, #tpu.memory_space<semaphore_mem>>)
      %dma_wait3A_53 = arith.constant 0 : i32
      %dma_wait3A_54 = tpu.memref_slice %arg17[%add3A_13, %dma_wait3A_53] : memref<10240x64xf32, #tpu.memory_space<vmem_shared>> -> memref<128x64xf32, #tpu.memory_space<vmem_shared>>
      %dma_wait3A_55 = arith.constant 0 : i32
      %dma_wait3A_56 = tpu.memref_slice %arg17[%add3A_13, %dma_wait3A_55] : memref<10240x64xf32, #tpu.memory_space<vmem_shared>> -> memref<128x64xf32, #tpu.memory_space<vmem_shared>>
      tpu.wait_dma2 semaphore(%run_scoped3A : memref<!tpu.dma_semaphore, #tpu.memory_space<semaphore_mem>>) src(%arg15 : memref<128x64xf32, #tpu.memory_space<vmem>>) dst(%dma_wait3A_56 : memref<128x64xf32, #tpu.memory_space<vmem_shared>>)
      tpu.yield
    }) : () -> ()
    %add3A_14 = arith.constant 128 : i32
    %add3A_15 = arith.addi %mul3A_0, %add3A_14 : i32
    "tpu.region"() ({
      %run_scoped3A = tpu.sem_alloc : memref<!tpu.dma_semaphore, #tpu.memory_space<semaphore_mem>>
      %dma_start3A_49 = arith.constant 0 : i32
      %dma_start3A_50 = tpu.memref_slice %arg17[%add3A_15, %dma_start3A_49] : memref<10240x64xf32, #tpu.memory_space<vmem_shared>> -> memref<128x64xf32, #tpu.memory_space<vmem_shared>>
      %dma_start3A_51 = arith.constant 0 : i32
      %dma_start3A_52 = tpu.memref_slice %arg17[%add3A_15, %dma_start3A_51] : memref<10240x64xf32, #tpu.memory_space<vmem_shared>> -> memref<128x64xf32, #tpu.memory_space<vmem_shared>>
      tpu.enqueue_dma source(%arg15 : memref<128x64xf32, #tpu.memory_space<vmem>>) target(%dma_start3A_52 : memref<128x64xf32, #tpu.memory_space<vmem_shared>>) target_semaphore(%run_scoped3A : memref<!tpu.dma_semaphore, #tpu.memory_space<semaphore_mem>>)
      %dma_wait3A_53 = arith.constant 0 : i32
      %dma_wait3A_54 = tpu.memref_slice %arg17[%add3A_15, %dma_wait3A_53] : memref<10240x64xf32, #tpu.memory_space<vmem_shared>> -> memref<128x64xf32, #tpu.memory_space<vmem_shared>>
      %dma_wait3A_55 = arith.constant 0 : i32
      %dma_wait3A_56 = tpu.memref_slice %arg17[%add3A_15, %dma_wait3A_55] : memref<10240x64xf32, #tpu.memory_space<vmem_shared>> -> memref<128x64xf32, #tpu.memory_space<vmem_shared>>
      tpu.wait_dma2 semaphore(%run_scoped3A : memref<!tpu.dma_semaphore, #tpu.memory_space<semaphore_mem>>) src(%arg15 : memref<128x64xf32, #tpu.memory_space<vmem>>) dst(%dma_wait3A_56 : memref<128x64xf32, #tpu.memory_space<vmem_shared>>)
      tpu.yield
    }) : () -> ()
    %add3A_16 = arith.constant 256 : i32
    %add3A_17 = arith.addi %mul3A_0, %add3A_16 : i32
    "tpu.region"() ({
      %run_scoped3A = tpu.sem_alloc : memref<!tpu.dma_semaphore, #tpu.memory_space<semaphore_mem>>
      %dma_start3A_49 = arith.constant 0 : i32
      %dma_start3A_50 = tpu.memref_slice %arg17[%add3A_17, %dma_start3A_49] : memref<10240x64xf32, #tpu.memory_space<vmem_shared>> -> memref<128x64xf32, #tpu.memory_space<vmem_shared>>
      %dma_start3A_51 = arith.constant 0 : i32
      %dma_start3A_52 = tpu.memref_slice %arg17[%add3A_17, %dma_start3A_51] : memref<10240x64xf32, #tpu.memory_space<vmem_shared>> -> memref<128x64xf32, #tpu.memory_space<vmem_shared>>
      tpu.enqueue_dma source(%arg15 : memref<128x64xf32, #tpu.memory_space<vmem>>) target(%dma_start3A_52 : memref<128x64xf32, #tpu.memory_space<vmem_shared>>) target_semaphore(%run_scoped3A : memref<!tpu.dma_semaphore, #tpu.memory_space<semaphore_mem>>)
      %dma_wait3A_53 = arith.constant 0 : i32
      %dma_wait3A_54 = tpu.memref_slice %arg17[%add3A_17, %dma_wait3A_53] : memref<10240x64xf32, #tpu.memory_space<vmem_shared>> -> memref<128x64xf32, #tpu.memory_space<vmem_shared>>
      %dma_wait3A_55 = arith.constant 0 : i32
      %dma_wait3A_56 = tpu.memref_slice %arg17[%add3A_17, %dma_wait3A_55] : memref<10240x64xf32, #tpu.memory_space<vmem_shared>> -> memref<128x64xf32, #tpu.memory_space<vmem_shared>>
      tpu.wait_dma2 semaphore(%run_scoped3A : memref<!tpu.dma_semaphore, #tpu.memory_space<semaphore_mem>>) src(%arg15 : memref<128x64xf32, #tpu.memory_space<vmem>>) dst(%dma_wait3A_56 : memref<128x64xf32, #tpu.memory_space<vmem_shared>>)
      tpu.yield
    }) : () -> ()
    %add3A_18 = arith.constant 384 : i32
    %add3A_19 = arith.addi %mul3A_0, %add3A_18 : i32
    "tpu.region"() ({
      %run_scoped3A = tpu.sem_alloc : memref<!tpu.dma_semaphore, #tpu.memory_space<semaphore_mem>>
      %dma_start3A_49 = arith.constant 0 : i32
      %dma_start3A_50 = tpu.memref_slice %arg17[%add3A_19, %dma_start3A_49] : memref<10240x64xf32, #tpu.memory_space<vmem_shared>> -> memref<128x64xf32, #tpu.memory_space<vmem_shared>>
      %dma_start3A_51 = arith.constant 0 : i32
      %dma_start3A_52 = tpu.memref_slice %arg17[%add3A_19, %dma_start3A_51] : memref<10240x64xf32, #tpu.memory_space<vmem_shared>> -> memref<128x64xf32, #tpu.memory_space<vmem_shared>>
      tpu.enqueue_dma source(%arg15 : memref<128x64xf32, #tpu.memory_space<vmem>>) target(%dma_start3A_52 : memref<128x64xf32, #tpu.memory_space<vmem_shared>>) target_semaphore(%run_scoped3A : memref<!tpu.dma_semaphore, #tpu.memory_space<semaphore_mem>>)
      %dma_wait3A_53 = arith.constant 0 : i32
      %dma_wait3A_54 = tpu.memref_slice %arg17[%add3A_19, %dma_wait3A_53] : memref<10240x64xf32, #tpu.memory_space<vmem_shared>> -> memref<128x64xf32, #tpu.memory_space<vmem_shared>>
      %dma_wait3A_55 = arith.constant 0 : i32
      %dma_wait3A_56 = tpu.memref_slice %arg17[%add3A_19, %dma_wait3A_55] : memref<10240x64xf32, #tpu.memory_space<vmem_shared>> -> memref<128x64xf32, #tpu.memory_space<vmem_shared>>
      tpu.wait_dma2 semaphore(%run_scoped3A : memref<!tpu.dma_semaphore, #tpu.memory_space<semaphore_mem>>) src(%arg15 : memref<128x64xf32, #tpu.memory_space<vmem>>) dst(%dma_wait3A_56 : memref<128x64xf32, #tpu.memory_space<vmem_shared>>)
      tpu.yield
    }) : () -> ()
    %add3A_20 = arith.constant 512 : i32
    %add3A_21 = arith.addi %mul3A_0, %add3A_20 : i32
    "tpu.region"() ({
      %run_scoped3A = tpu.sem_alloc : memref<!tpu.dma_semaphore, #tpu.memory_space<semaphore_mem>>
      %dma_start3A_49 = arith.constant 0 : i32
      %dma_start3A_50 = tpu.memref_slice %arg17[%add3A_21, %dma_start3A_49] : memref<10240x64xf32, #tpu.memory_space<vmem_shared>> -> memref<128x64xf32, #tpu.memory_space<vmem_shared>>
      %dma_start3A_51 = arith.constant 0 : i32
      %dma_start3A_52 = tpu.memref_slice %arg17[%add3A_21, %dma_start3A_51] : memref<10240x64xf32, #tpu.memory_space<vmem_shared>> -> memref<128x64xf32, #tpu.memory_space<vmem_shared>>
      tpu.enqueue_dma source(%arg15 : memref<128x64xf32, #tpu.memory_space<vmem>>) target(%dma_start3A_52 : memref<128x64xf32, #tpu.memory_space<vmem_shared>>) target_semaphore(%run_scoped3A : memref<!tpu.dma_semaphore, #tpu.memory_space<semaphore_mem>>)
      %dma_wait3A_53 = arith.constant 0 : i32
      %dma_wait3A_54 = tpu.memref_slice %arg17[%add3A_21, %dma_wait3A_53] : memref<10240x64xf32, #tpu.memory_space<vmem_shared>> -> memref<128x64xf32, #tpu.memory_space<vmem_shared>>
      %dma_wait3A_55 = arith.constant 0 : i32
      %dma_wait3A_56 = tpu.memref_slice %arg17[%add3A_21, %dma_wait3A_55] : memref<10240x64xf32, #tpu.memory_space<vmem_shared>> -> memref<128x64xf32, #tpu.memory_space<vmem_shared>>
      tpu.wait_dma2 semaphore(%run_scoped3A : memref<!tpu.dma_semaphore, #tpu.memory_space<semaphore_mem>>) src(%arg15 : memref<128x64xf32, #tpu.memory_space<vmem>>) dst(%dma_wait3A_56 : memref<128x64xf32, #tpu.memory_space<vmem_shared>>)
      tpu.yield
    }) : () -> ()
    "tpu.region"() ({
      %run_scoped3A = tpu.sem_alloc : memref<!tpu.dma_semaphore, #tpu.memory_space<semaphore_mem>>
      %dma_start3A_49 = arith.constant 0 : i32
      %dma_start3A_50 = arith.constant 0 : i32
      %dma_start3A_51 = tpu.memref_slice %arg2[%arg1, %dma_start3A_49, %dma_start3A_50] : memref<16x162x128xi32, #tpu.memory_space<hbm>> -> memref<1x162x128xi32, #tpu.memory_space<hbm>>
      %dma_start3A_52 = tpu.memref_squeeze %dma_start3A_51 : memref<1x162x128xi32, #tpu.memory_space<hbm>> -> memref<162x128xi32, #tpu.memory_space<hbm>>
      %dma_start3A_53 = arith.constant 0 : i32
      %dma_start3A_54 = arith.constant 0 : i32
      %dma_start3A_55 = tpu.memref_slice %arg2[%arg1, %dma_start3A_53, %dma_start3A_54] : memref<16x162x128xi32, #tpu.memory_space<hbm>> -> memref<1x162x128xi32, #tpu.memory_space<hbm>>
      %dma_start3A_56 = tpu.memref_squeeze %dma_start3A_55 : memref<1x162x128xi32, #tpu.memory_space<hbm>> -> memref<162x128xi32, #tpu.memory_space<hbm>>
      tpu.enqueue_dma source(%dma_start3A_56 : memref<162x128xi32, #tpu.memory_space<hbm>>) target(%arg9 : memref<162x128xi32, #tpu.memory_space<vmem>>) target_semaphore(%run_scoped3A : memref<!tpu.dma_semaphore, #tpu.memory_space<semaphore_mem>>)
      %dma_wait3A_57 = arith.constant 0 : i32
      %dma_wait3A_58 = arith.constant 0 : i32
      %dma_wait3A_59 = tpu.memref_slice %arg2[%arg1, %dma_wait3A_57, %dma_wait3A_58] : memref<16x162x128xi32, #tpu.memory_space<hbm>> -> memref<1x162x128xi32, #tpu.memory_space<hbm>>
      %dma_wait3A_60 = tpu.memref_squeeze %dma_wait3A_59 : memref<1x162x128xi32, #tpu.memory_space<hbm>> -> memref<162x128xi32, #tpu.memory_space<hbm>>
      %dma_wait3A_61 = arith.constant 0 : i32
      %dma_wait3A_62 = arith.constant 0 : i32
      %dma_wait3A_63 = tpu.memref_slice %arg2[%arg1, %dma_wait3A_61, %dma_wait3A_62] : memref<16x162x128xi32, #tpu.memory_space<hbm>> -> memref<1x162x128xi32, #tpu.memory_space<hbm>>
      %dma_wait3A_64 = tpu.memref_squeeze %dma_wait3A_63 : memref<1x162x128xi32, #tpu.memory_space<hbm>> -> memref<162x128xi32, #tpu.memory_space<hbm>>
      tpu.wait_dma2 semaphore(%run_scoped3A : memref<!tpu.dma_semaphore, #tpu.memory_space<semaphore_mem>>) src(%dma_wait3A_64 : memref<162x128xi32, #tpu.memory_space<hbm>>) dst(%arg9 : memref<162x128xi32, #tpu.memory_space<vmem>>)
      tpu.yield
    }) : () -> ()
    "tpu.region"() ({
      %run_scoped3A = tpu.sem_alloc : memref<!tpu.dma_semaphore, #tpu.memory_space<semaphore_mem>>
      %dma_start3A_49 = arith.constant 0 : i32
      %dma_start3A_50 = arith.constant 0 : i32
      %dma_start3A_51 = tpu.memref_slice %arg3[%arg1, %dma_start3A_49, %dma_start3A_50] : memref<16x162x128xi32, #tpu.memory_space<hbm>> -> memref<1x162x128xi32, #tpu.memory_space<hbm>>
      %dma_start3A_52 = tpu.memref_squeeze %dma_start3A_51 : memref<1x162x128xi32, #tpu.memory_space<hbm>> -> memref<162x128xi32, #tpu.memory_space<hbm>>
      %dma_start3A_53 = arith.constant 0 : i32
      %dma_start3A_54 = arith.constant 0 : i32
      %dma_start3A_55 = tpu.memref_slice %arg3[%arg1, %dma_start3A_53, %dma_start3A_54] : memref<16x162x128xi32, #tpu.memory_space<hbm>> -> memref<1x162x128xi32, #tpu.memory_space<hbm>>
      %dma_start3A_56 = tpu.memref_squeeze %dma_start3A_55 : memref<1x162x128xi32, #tpu.memory_space<hbm>> -> memref<162x128xi32, #tpu.memory_space<hbm>>
      tpu.enqueue_dma source(%dma_start3A_56 : memref<162x128xi32, #tpu.memory_space<hbm>>) target(%arg10 : memref<162x128xi32, #tpu.memory_space<vmem>>) target_semaphore(%run_scoped3A : memref<!tpu.dma_semaphore, #tpu.memory_space<semaphore_mem>>)
      %dma_wait3A_57 = arith.constant 0 : i32
      %dma_wait3A_58 = arith.constant 0 : i32
      %dma_wait3A_59 = tpu.memref_slice %arg3[%arg1, %dma_wait3A_57, %dma_wait3A_58] : memref<16x162x128xi32, #tpu.memory_space<hbm>> -> memref<1x162x128xi32, #tpu.memory_space<hbm>>
      %dma_wait3A_60 = tpu.memref_squeeze %dma_wait3A_59 : memref<1x162x128xi32, #tpu.memory_space<hbm>> -> memref<162x128xi32, #tpu.memory_space<hbm>>
      %dma_wait3A_61 = arith.constant 0 : i32
      %dma_wait3A_62 = arith.constant 0 : i32
      %dma_wait3A_63 = tpu.memref_slice %arg3[%arg1, %dma_wait3A_61, %dma_wait3A_62] : memref<16x162x128xi32, #tpu.memory_space<hbm>> -> memref<1x162x128xi32, #tpu.memory_space<hbm>>
      %dma_wait3A_64 = tpu.memref_squeeze %dma_wait3A_63 : memref<1x162x128xi32, #tpu.memory_space<hbm>> -> memref<162x128xi32, #tpu.memory_space<hbm>>
      tpu.wait_dma2 semaphore(%run_scoped3A : memref<!tpu.dma_semaphore, #tpu.memory_space<semaphore_mem>>) src(%dma_wait3A_64 : memref<162x128xi32, #tpu.memory_space<hbm>>) dst(%arg10 : memref<162x128xi32, #tpu.memory_space<vmem>>)
      tpu.yield
    }) : () -> ()
    "tpu.region"() ({
      %run_scoped3A = tpu.sem_alloc : memref<!tpu.dma_semaphore, #tpu.memory_space<semaphore_mem>>
      tpu.enqueue_dma source(%arg4 : memref<10240xf32, #tpu.memory_space<hbm>>) target(%arg11 : memref<10240xf32, #tpu.memory_space<vmem>>) target_semaphore(%run_scoped3A : memref<!tpu.dma_semaphore, #tpu.memory_space<semaphore_mem>>)
      tpu.wait_dma2 semaphore(%run_scoped3A : memref<!tpu.dma_semaphore, #tpu.memory_space<semaphore_mem>>) src(%arg4 : memref<10240xf32, #tpu.memory_space<hbm>>) dst(%arg11 : memref<10240xf32, #tpu.memory_space<vmem>>)
      tpu.yield
    }) : () -> ()
    "tpu.region"() ({
      %run_scoped3A = tpu.sem_alloc : memref<!tpu.dma_semaphore, #tpu.memory_space<semaphore_mem>>
      tpu.enqueue_dma source(%arg5 : memref<10240xf32, #tpu.memory_space<hbm>>) target(%arg12 : memref<10240xf32, #tpu.memory_space<vmem>>) target_semaphore(%run_scoped3A : memref<!tpu.dma_semaphore, #tpu.memory_space<semaphore_mem>>)
      tpu.wait_dma2 semaphore(%run_scoped3A : memref<!tpu.dma_semaphore, #tpu.memory_space<semaphore_mem>>) src(%arg5 : memref<10240xf32, #tpu.memory_space<hbm>>) dst(%arg12 : memref<10240xf32, #tpu.memory_space<vmem>>)
      tpu.yield
    }) : () -> ()
    %barrier3A = arith.constant 0 : index
    tpu.barrier barrier_id(%barrier3A)
    %mul3A_22 = arith.constant 20736 : i32
    %mul3A_23 = arith.muli %arg1, %mul3A_22 : i32
    %dma_start3A = arith.constant 0 : i32
    %dma_start3A_24 = arith.constant 0 : i32
    %dma_start3A_25 = tpu.memref_slice %arg9[%dma_start3A, %dma_start3A_24] : memref<162x128xi32, #tpu.memory_space<vmem>> -> memref<1x128xi32, #tpu.memory_space<vmem>>
    %dma_start3A_26 = tpu.memref_squeeze %dma_start3A_25 : memref<1x128xi32, #tpu.memory_space<vmem>> -> memref<128xi32, #tpu.memory_space<vmem>>
    %dma_start3A_27 = arith.constant 0 : i32
    %dma_start3A_28 = arith.constant 0 : i32
    %dma_start3A_29 = tpu.memref_slice %arg6[%arg0, %dma_start3A_27, %dma_start3A_28] : memref<2x10240x64xf32, #tpu.memory_space<hbm>> -> memref<1x10240x64xf32, #tpu.memory_space<hbm>>
    %dma_start3A_30 = tpu.memref_squeeze %dma_start3A_29 : memref<1x10240x64xf32, #tpu.memory_space<hbm>> -> memref<10240x64xf32, #tpu.memory_space<hbm>>
    %dma_start3A_31 = arith.constant 0 : i32
    %dma_start3A_32 = arith.constant 0 : i32
    %dma_start3A_33 = tpu.memref_slice %dma_start3A_30[%dma_start3A_31, %dma_start3A_32] : memref<10240x64xf32, #tpu.memory_space<hbm>> -> memref<10240x64xf32, #tpu.memory_space<hbm>>
    tpu.enqueue_indirect_dma source(%dma_start3A_33 : memref<10240x64xf32, #tpu.memory_space<hbm>>) target(%arg15 : memref<128x64xf32, #tpu.memory_space<vmem>>) offsets(%dma_start3A_26 : memref<128xi32, #tpu.memory_space<vmem>>) semaphore(%arg18 : memref<!tpu.dma_semaphore, #tpu.memory_space<semaphore_mem>>)
    %scan3A_34 = arith.constant 0 : i32
    %scan3A_35 = arith.constant 0 : i32
    %scan3A_36 = arith.constant 81 : i32
    %scan3A_37 = arith.addi %scan3A_35, %scan3A_36 : i32
    %scan3A_38 = arith.constant 1 : i32
    scf.for %scan3A_49 = %scan3A_35 to %scan3A_37 step %scan3A_38  : i32 {
      %mul3A_50 = arith.constant 2 : i32
      %mul3A_51 = arith.muli %scan3A_49, %mul3A_50 : i32
      %add3A_52 = arith.constant 0 : i32
      %add3A_53 = arith.addi %mul3A_51, %add3A_52 : i32
      %scan3A_54 = arith.constant 0 : i32
      %scan3A_55 = arith.constant 0 : i32
      %mul3A_56 = arith.constant 16 : i32
      %mul3A_57 = arith.muli %scan3A_55, %mul3A_56 : i32
      %get3A = arith.index_cast %add3A_53 : i32 to index
      %get3A_58 = arith.index_cast %mul3A_57 : i32 to index
      %get3A_59 = tpu.vector_load %arg9[%get3A, %get3A_58] {strides = array<i32>} : memref<162x128xi32, #tpu.memory_space<vmem>>, vector<16xi32>,
      %mul3A_60 = arith.constant 16 : i32
      %mul3A_61 = arith.muli %scan3A_55, %mul3A_60 : i32
      %get3A_62 = arith.index_cast %add3A_53 : i32 to index
      %get3A_63 = arith.index_cast %mul3A_61 : i32 to index
      %get3A_64 = tpu.vector_load %arg10[%get3A_62, %get3A_63] {strides = array<i32>} : memref<162x128xi32, #tpu.memory_space<vmem>>, vector<16xi32>,
      %gather3A = tpu.vector_load_idx %arg11[%get3A_59] : memref<10240xf32, #tpu.memory_space<vmem>>[vector<16xi32>], vector<16xf32>,
      %gather3A_65 = tpu.vector_load_idx %arg12[%get3A_64] : memref<10240xf32, #tpu.memory_space<vmem>>[vector<16xi32>], vector<16xf32>,
      %add3A_66 = arith.addf %gather3A, %gather3A_65 : vector<16xf32>
      %gt3A = arith.constant 0.000000e+00 : f32
      %gt3A_67 = vector.broadcast %gt3A : f32 to vector<16xf32>
      %gt3A_68 = arith.cmpf ogt, %add3A_66, %gt3A_67 : vector<16xf32>
      %mul3A_69 = arith.constant 2.000000e-01 : f32
      %mul3A_70 = vector.broadcast %mul3A_69 : f32 to vector<16xf32>
      %mul3A_71 = arith.mulf %add3A_66, %mul3A_70 : vector<16xf32>
      %select_n3A = arith.select %gt3A_68, %add3A_66, %mul3A_71 : vector<16xi1>, vector<16xf32>
      %exp3A = math.exp %select_n3A : vector<16xf32>
      %mul3A_72 = arith.constant 128 : i32
      %mul3A_73 = arith.muli %add3A_53, %mul3A_72 : i32
      %add3A_74 = arith.addi %mul3A_23, %mul3A_73 : i32
      %mul3A_75 = arith.constant 16 : i32
      %mul3A_76 = arith.muli %scan3A_55, %mul3A_75 : i32
      %add3A_77 = arith.addi %add3A_74, %mul3A_76 : i32
      %iota3A = tpu.iota {dimensions = array<i32: 0>} : vector<16xi32>
      %add3A_78 = vector.broadcast %add3A_77 : i32 to vector<16xi32>
      %add3A_79 = arith.addi %add3A_78, %iota3A : vector<16xi32>
      %lt3A = arith.constant 330000 : i32
      %lt3A_80 = vector.broadcast %lt3A : i32 to vector<16xi32>
      %lt3A_81 = arith.cmpi slt, %add3A_79, %lt3A_80 : vector<16xi32>
      %jit3A = arith.constant 0.000000e+00 : f32
      %broadcast_in_dim3A_82 = vector.broadcast %jit3A : f32 to vector<16xf32>
      %select_n3A_83 = arith.select %lt3A_81, %exp3A, %broadcast_in_dim3A_82 : vector<16xi1>, vector<16xf32>
      %mul3A_84 = arith.constant 16 : i32
      %mul3A_85 = arith.muli %scan3A_55, %mul3A_84 : i32
      %swap3A = arith.index_cast %mul3A_85 : i32 to index
      %swap3A_86 = tpu.vector_load %arg13[%swap3A] {strides = array<i32>} : memref<128xf32, #tpu.memory_space<vmem>>, vector<16xf32>,
      tpu.vector_store %arg13[%swap3A], %select_n3A_83 {strides = array<i32>} : memref<128xf32, #tpu.memory_space<vmem>>, vector<16xf32>,
      tpu.vector_store_idx %arg14[%get3A_64], %select_n3A_83 {add = true} : memref<10240xf32, #tpu.memory_space<vmem>>[vector<16xi32>], vector<16xf32>,
      %scan3A_87 = arith.constant 1 : i32
      %mul3A_88 = arith.constant 16 : i32
      %mul3A_89 = arith.muli %scan3A_87, %mul3A_88 : i32
      %get3A_90 = arith.index_cast %add3A_53 : i32 to index
      %get3A_91 = arith.index_cast %mul3A_89 : i32 to index
      %get3A_92 = tpu.vector_load %arg9[%get3A_90, %get3A_91] {strides = array<i32>} : memref<162x128xi32, #tpu.memory_space<vmem>>, vector<16xi32>,
      %mul3A_93 = arith.constant 16 : i32
      %mul3A_94 = arith.muli %scan3A_87, %mul3A_93 : i32
      %get3A_95 = arith.index_cast %add3A_53 : i32 to index
      %get3A_96 = arith.index_cast %mul3A_94 : i32 to index
      %get3A_97 = tpu.vector_load %arg10[%get3A_95, %get3A_96] {strides = array<i32>} : memref<162x128xi32, #tpu.memory_space<vmem>>, vector<16xi32>,
      %gather3A_98 = tpu.vector_load_idx %arg11[%get3A_92] : memref<10240xf32, #tpu.memory_space<vmem>>[vector<16xi32>], vector<16xf32>,
      %gather3A_99 = tpu.vector_load_idx %arg12[%get3A_97] : memref<10240xf32, #tpu.memory_space<vmem>>[vector<16xi32>], vector<16xf32>,
      %add3A_100 = arith.addf %gather3A_98, %gather3A_99 : vector<16xf32>
      %gt3A_101 = arith.constant 0.000000e+00 : f32
      %gt3A_102 = vector.broadcast %gt3A_101 : f32 to vector<16xf32>
      %gt3A_103 = arith.cmpf ogt, %add3A_100, %gt3A_102 : vector<16xf32>
      %mul3A_104 = arith.constant 2.000000e-01 : f32
      %mul3A_105 = vector.broadcast %mul3A_104 : f32 to vector<16xf32>
      %mul3A_106 = arith.mulf %add3A_100, %mul3A_105 : vector<16xf32>
      %select_n3A_107 = arith.select %gt3A_103, %add3A_100, %mul3A_106 : vector<16xi1>, vector<16xf32>
      %exp3A_108 = math.exp %select_n3A_107 : vector<16xf32>
      %mul3A_109 = arith.constant 128 : i32
      %mul3A_110 = arith.muli %add3A_53, %mul3A_109 : i32
      %add3A_111 = arith.addi %mul3A_23, %mul3A_110 : i32
      %mul3A_112 = arith.constant 16 : i32
      %mul3A_113 = arith.muli %scan3A_87, %mul3A_112 : i32
      %add3A_114 = arith.addi %add3A_111, %mul3A_113 : i32
      %iota3A_115 = tpu.iota {dimensions = array<i32: 0>} : vector<16xi32>
      %add3A_116 = vector.broadcast %add3A_114 : i32 to vector<16xi32>
      %add3A_117 = arith.addi %add3A_116, %iota3A_115 : vector<16xi32>
      %lt3A_118 = arith.constant 330000 : i32
      %lt3A_119 = vector.broadcast %lt3A_118 : i32 to vector<16xi32>
      %lt3A_120 = arith.cmpi slt, %add3A_117, %lt3A_119 : vector<16xi32>
      %jit3A_121 = arith.constant 0.000000e+00 : f32
      %broadcast_in_dim3A_122 = vector.broadcast %jit3A_121 : f32 to vector<16xf32>
      %select_n3A_123 = arith.select %lt3A_120, %exp3A_108, %broadcast_in_dim3A_122 : vector<16xi1>, vector<16xf32>
      %mul3A_124 = arith.constant 16 : i32
      %mul3A_125 = arith.muli %scan3A_87, %mul3A_124 : i32
      %swap3A_126 = arith.index_cast %mul3A_125 : i32 to index
      %swap3A_127 = tpu.vector_load %arg13[%swap3A_126] {strides = array<i32>} : memref<128xf32, #tpu.memory_space<vmem>>, vector<16xf32>,
      tpu.vector_store %arg13[%swap3A_126], %select_n3A_123 {strides = array<i32>} : memref<128xf32, #tpu.memory_space<vmem>>, vector<16xf32>,
      tpu.vector_store_idx %arg14[%get3A_97], %select_n3A_123 {add = true} : memref<10240xf32, #tpu.memory_space<vmem>>[vector<16xi32>], vector<16xf32>,
      %scan3A_128 = arith.constant 2 : i32
      %mul3A_129 = arith.constant 16 : i32
      %mul3A_130 = arith.muli %scan3A_128, %mul3A_129 : i32
      %get3A_131 = arith.index_cast %add3A_53 : i32 to index
      %get3A_132 = arith.index_cast %mul3A_130 : i32 to index
      %get3A_133 = tpu.vector_load %arg9[%get3A_131, %get3A_132] {strides = array<i32>} : memref<162x128xi32, #tpu.memory_space<vmem>>, vector<16xi32>,
      %mul3A_134 = arith.constant 16 : i32
      %mul3A_135 = arith.muli %scan3A_128, %mul3A_134 : i32
      %get3A_136 = arith.index_cast %add3A_53 : i32 to index
      %get3A_137 = arith.index_cast %mul3A_135 : i32 to index
      %get3A_138 = tpu.vector_load %arg10[%get3A_136, %get3A_137] {strides = array<i32>} : memref<162x128xi32, #tpu.memory_space<vmem>>, vector<16xi32>,
      %gather3A_139 = tpu.vector_load_idx %arg11[%get3A_133] : memref<10240xf32, #tpu.memory_space<vmem>>[vector<16xi32>], vector<16xf32>,
      %gather3A_140 = tpu.vector_load_idx %arg12[%get3A_138] : memref<10240xf32, #tpu.memory_space<vmem>>[vector<16xi32>], vector<16xf32>,
      %add3A_141 = arith.addf %gather3A_139, %gather3A_140 : vector<16xf32>
      %gt3A_142 = arith.constant 0.000000e+00 : f32
      %gt3A_143 = vector.broadcast %gt3A_142 : f32 to vector<16xf32>
      %gt3A_144 = arith.cmpf ogt, %add3A_141, %gt3A_143 : vector<16xf32>
      %mul3A_145 = arith.constant 2.000000e-01 : f32
      %mul3A_146 = vector.broadcast %mul3A_145 : f32 to vector<16xf32>
      %mul3A_147 = arith.mulf %add3A_141, %mul3A_146 : vector<16xf32>
      %select_n3A_148 = arith.select %gt3A_144, %add3A_141, %mul3A_147 : vector<16xi1>, vector<16xf32>
      %exp3A_149 = math.exp %select_n3A_148 : vector<16xf32>
      %mul3A_150 = arith.constant 128 : i32
      %mul3A_151 = arith.muli %add3A_53, %mul3A_150 : i32
      %add3A_152 = arith.addi %mul3A_23, %mul3A_151 : i32
      %mul3A_153 = arith.constant 16 : i32
      %mul3A_154 = arith.muli %scan3A_128, %mul3A_153 : i32
      %add3A_155 = arith.addi %add3A_152, %mul3A_154 : i32
      %iota3A_156 = tpu.iota {dimensions = array<i32: 0>} : vector<16xi32>
      %add3A_157 = vector.broadcast %add3A_155 : i32 to vector<16xi32>
      %add3A_158 = arith.addi %add3A_157, %iota3A_156 : vector<16xi32>
      %lt3A_159 = arith.constant 330000 : i32
      %lt3A_160 = vector.broadcast %lt3A_159 : i32 to vector<16xi32>
      %lt3A_161 = arith.cmpi slt, %add3A_158, %lt3A_160 : vector<16xi32>
      %jit3A_162 = arith.constant 0.000000e+00 : f32
      %broadcast_in_dim3A_163 = vector.broadcast %jit3A_162 : f32 to vector<16xf32>
      %select_n3A_164 = arith.select %lt3A_161, %exp3A_149, %broadcast_in_dim3A_163 : vector<16xi1>, vector<16xf32>
      %mul3A_165 = arith.constant 16 : i32
      %mul3A_166 = arith.muli %scan3A_128, %mul3A_165 : i32
      %swap3A_167 = arith.index_cast %mul3A_166 : i32 to index
      %swap3A_168 = tpu.vector_load %arg13[%swap3A_167] {strides = array<i32>} : memref<128xf32, #tpu.memory_space<vmem>>, vector<16xf32>,
      tpu.vector_store %arg13[%swap3A_167], %select_n3A_164 {strides = array<i32>} : memref<128xf32, #tpu.memory_space<vmem>>, vector<16xf32>,
      tpu.vector_store_idx %arg14[%get3A_138], %select_n3A_164 {add = true} : memref<10240xf32, #tpu.memory_space<vmem>>[vector<16xi32>], vector<16xf32>,
      %scan3A_169 = arith.constant 3 : i32
      %mul3A_170 = arith.constant 16 : i32
      %mul3A_171 = arith.muli %scan3A_169, %mul3A_170 : i32
      %get3A_172 = arith.index_cast %add3A_53 : i32 to index
      %get3A_173 = arith.index_cast %mul3A_171 : i32 to index
      %get3A_174 = tpu.vector_load %arg9[%get3A_172, %get3A_173] {strides = array<i32>} : memref<162x128xi32, #tpu.memory_space<vmem>>, vector<16xi32>,
      %mul3A_175 = arith.constant 16 : i32
      %mul3A_176 = arith.muli %scan3A_169, %mul3A_175 : i32
      %get3A_177 = arith.index_cast %add3A_53 : i32 to index
      %get3A_178 = arith.index_cast %mul3A_176 : i32 to index
      %get3A_179 = tpu.vector_load %arg10[%get3A_177, %get3A_178] {strides = array<i32>} : memref<162x128xi32, #tpu.memory_space<vmem>>, vector<16xi32>,
      %gather3A_180 = tpu.vector_load_idx %arg11[%get3A_174] : memref<10240xf32, #tpu.memory_space<vmem>>[vector<16xi32>], vector<16xf32>,
      %gather3A_181 = tpu.vector_load_idx %arg12[%get3A_179] : memref<10240xf32, #tpu.memory_space<vmem>>[vector<16xi32>], vector<16xf32>,
      %add3A_182 = arith.addf %gather3A_180, %gather3A_181 : vector<16xf32>
      %gt3A_183 = arith.constant 0.000000e+00 : f32
      %gt3A_184 = vector.broadcast %gt3A_183 : f32 to vector<16xf32>
      %gt3A_185 = arith.cmpf ogt, %add3A_182, %gt3A_184 : vector<16xf32>
      %mul3A_186 = arith.constant 2.000000e-01 : f32
      %mul3A_187 = vector.broadcast %mul3A_186 : f32 to vector<16xf32>
      %mul3A_188 = arith.mulf %add3A_182, %mul3A_187 : vector<16xf32>
      %select_n3A_189 = arith.select %gt3A_185, %add3A_182, %mul3A_188 : vector<16xi1>, vector<16xf32>
      %exp3A_190 = math.exp %select_n3A_189 : vector<16xf32>
      %mul3A_191 = arith.constant 128 : i32
      %mul3A_192 = arith.muli %add3A_53, %mul3A_191 : i32
      %add3A_193 = arith.addi %mul3A_23, %mul3A_192 : i32
      %mul3A_194 = arith.constant 16 : i32
      %mul3A_195 = arith.muli %scan3A_169, %mul3A_194 : i32
      %add3A_196 = arith.addi %add3A_193, %mul3A_195 : i32
      %iota3A_197 = tpu.iota {dimensions = array<i32: 0>} : vector<16xi32>
      %add3A_198 = vector.broadcast %add3A_196 : i32 to vector<16xi32>
      %add3A_199 = arith.addi %add3A_198, %iota3A_197 : vector<16xi32>
      %lt3A_200 = arith.constant 330000 : i32
      %lt3A_201 = vector.broadcast %lt3A_200 : i32 to vector<16xi32>
      %lt3A_202 = arith.cmpi slt, %add3A_199, %lt3A_201 : vector<16xi32>
      %jit3A_203 = arith.constant 0.000000e+00 : f32
      %broadcast_in_dim3A_204 = vector.broadcast %jit3A_203 : f32 to vector<16xf32>
      %select_n3A_205 = arith.select %lt3A_202, %exp3A_190, %broadcast_in_dim3A_204 : vector<16xi1>, vector<16xf32>
      %mul3A_206 = arith.constant 16 : i32
      %mul3A_207 = arith.muli %scan3A_169, %mul3A_206 : i32
      %swap3A_208 = arith.index_cast %mul3A_207 : i32 to index
      %swap3A_209 = tpu.vector_load %arg13[%swap3A_208] {strides = array<i32>} : memref<128xf32, #tpu.memory_space<vmem>>, vector<16xf32>,
      tpu.vector_store %arg13[%swap3A_208], %select_n3A_205 {strides = array<i32>} : memref<128xf32, #tpu.memory_space<vmem>>, vector<16xf32>,
      tpu.vector_store_idx %arg14[%get3A_179], %select_n3A_205 {add = true} : memref<10240xf32, #tpu.memory_space<vmem>>[vector<16xi32>], vector<16xf32>,
      %scan3A_210 = arith.constant 4 : i32
      %mul3A_211 = arith.constant 16 : i32
      %mul3A_212 = arith.muli %scan3A_210, %mul3A_211 : i32
      %get3A_213 = arith.index_cast %add3A_53 : i32 to index
      %get3A_214 = arith.index_cast %mul3A_212 : i32 to index
      %get3A_215 = tpu.vector_load %arg9[%get3A_213, %get3A_214] {strides = array<i32>} : memref<162x128xi32, #tpu.memory_space<vmem>>, vector<16xi32>,
      %mul3A_216 = arith.constant 16 : i32
      %mul3A_217 = arith.muli %scan3A_210, %mul3A_216 : i32
      %get3A_218 = arith.index_cast %add3A_53 : i32 to index
      %get3A_219 = arith.index_cast %mul3A_217 : i32 to index
      %get3A_220 = tpu.vector_load %arg10[%get3A_218, %get3A_219] {strides = array<i32>} : memref<162x128xi32, #tpu.memory_space<vmem>>, vector<16xi32>,
      %gather3A_221 = tpu.vector_load_idx %arg11[%get3A_215] : memref<10240xf32, #tpu.memory_space<vmem>>[vector<16xi32>], vector<16xf32>,
      %gather3A_222 = tpu.vector_load_idx %arg12[%get3A_220] : memref<10240xf32, #tpu.memory_space<vmem>>[vector<16xi32>], vector<16xf32>,
      %add3A_223 = arith.addf %gather3A_221, %gather3A_222 : vector<16xf32>
      %gt3A_224 = arith.constant 0.000000e+00 : f32
      %gt3A_225 = vector.broadcast %gt3A_224 : f32 to vector<16xf32>
      %gt3A_226 = arith.cmpf ogt, %add3A_223, %gt3A_225 : vector<16xf32>
      %mul3A_227 = arith.constant 2.000000e-01 : f32
      %mul3A_228 = vector.broadcast %mul3A_227 : f32 to vector<16xf32>
      %mul3A_229 = arith.mulf %add3A_223, %mul3A_228 : vector<16xf32>
      %select_n3A_230 = arith.select %gt3A_226, %add3A_223, %mul3A_229 : vector<16xi1>, vector<16xf32>
      %exp3A_231 = math.exp %select_n3A_230 : vector<16xf32>
      %mul3A_232 = arith.constant 128 : i32
      %mul3A_233 = arith.muli %add3A_53, %mul3A_232 : i32
      %add3A_234 = arith.addi %mul3A_23, %mul3A_233 : i32
      %mul3A_235 = arith.constant 16 : i32
      %mul3A_236 = arith.muli %scan3A_210, %mul3A_235 : i32
      %add3A_237 = arith.addi %add3A_234, %mul3A_236 : i32
      %iota3A_238 = tpu.iota {dimensions = array<i32: 0>} : vector<16xi32>
      %add3A_239 = vector.broadcast %add3A_237 : i32 to vector<16xi32>
      %add3A_240 = arith.addi %add3A_239, %iota3A_238 : vector<16xi32>
      %lt3A_241 = arith.constant 330000 : i32
      %lt3A_242 = vector.broadcast %lt3A_241 : i32 to vector<16xi32>
      %lt3A_243 = arith.cmpi slt, %add3A_240, %lt3A_242 : vector<16xi32>
      %jit3A_244 = arith.constant 0.000000e+00 : f32
      %broadcast_in_dim3A_245 = vector.broadcast %jit3A_244 : f32 to vector<16xf32>
      %select_n3A_246 = arith.select %lt3A_243, %exp3A_231, %broadcast_in_dim3A_245 : vector<16xi1>, vector<16xf32>
      %mul3A_247 = arith.constant 16 : i32
      %mul3A_248 = arith.muli %scan3A_210, %mul3A_247 : i32
      %swap3A_249 = arith.index_cast %mul3A_248 : i32 to index
      %swap3A_250 = tpu.vector_load %arg13[%swap3A_249] {strides = array<i32>} : memref<128xf32, #tpu.memory_space<vmem>>, vector<16xf32>,
      tpu.vector_store %arg13[%swap3A_249], %select_n3A_246 {strides = array<i32>} : memref<128xf32, #tpu.memory_space<vmem>>, vector<16xf32>,
      tpu.vector_store_idx %arg14[%get3A_220], %select_n3A_246 {add = true} : memref<10240xf32, #tpu.memory_space<vmem>>[vector<16xi32>], vector<16xf32>,
      %scan3A_251 = arith.constant 5 : i32
      %mul3A_252 = arith.constant 16 : i32
      %mul3A_253 = arith.muli %scan3A_251, %mul3A_252 : i32
      %get3A_254 = arith.index_cast %add3A_53 : i32 to index
      %get3A_255 = arith.index_cast %mul3A_253 : i32 to index
      %get3A_256 = tpu.vector_load %arg9[%get3A_254, %get3A_255] {strides = array<i32>} : memref<162x128xi32, #tpu.memory_space<vmem>>, vector<16xi32>,
      %mul3A_257 = arith.constant 16 : i32
      %mul3A_258 = arith.muli %scan3A_251, %mul3A_257 : i32
      %get3A_259 = arith.index_cast %add3A_53 : i32 to index
      %get3A_260 = arith.index_cast %mul3A_258 : i32 to index
      %get3A_261 = tpu.vector_load %arg10[%get3A_259, %get3A_260] {strides = array<i32>} : memref<162x128xi32, #tpu.memory_space<vmem>>, vector<16xi32>,
      %gather3A_262 = tpu.vector_load_idx %arg11[%get3A_256] : memref<10240xf32, #tpu.memory_space<vmem>>[vector<16xi32>], vector<16xf32>,
      %gather3A_263 = tpu.vector_load_idx %arg12[%get3A_261] : memref<10240xf32, #tpu.memory_space<vmem>>[vector<16xi32>], vector<16xf32>,
      %add3A_264 = arith.addf %gather3A_262, %gather3A_263 : vector<16xf32>
      %gt3A_265 = arith.constant 0.000000e+00 : f32
      %gt3A_266 = vector.broadcast %gt3A_265 : f32 to vector<16xf32>
      %gt3A_267 = arith.cmpf ogt, %add3A_264, %gt3A_266 : vector<16xf32>
      %mul3A_268 = arith.constant 2.000000e-01 : f32
      %mul3A_269 = vector.broadcast %mul3A_268 : f32 to vector<16xf32>
      %mul3A_270 = arith.mulf %add3A_264, %mul3A_269 : vector<16xf32>
      %select_n3A_271 = arith.select %gt3A_267, %add3A_264, %mul3A_270 : vector<16xi1>, vector<16xf32>
      %exp3A_272 = math.exp %select_n3A_271 : vector<16xf32>
      %mul3A_273 = arith.constant 128 : i32
      %mul3A_274 = arith.muli %add3A_53, %mul3A_273 : i32
      %add3A_275 = arith.addi %mul3A_23, %mul3A_274 : i32
      %mul3A_276 = arith.constant 16 : i32
      %mul3A_277 = arith.muli %scan3A_251, %mul3A_276 : i32
      %add3A_278 = arith.addi %add3A_275, %mul3A_277 : i32
      %iota3A_279 = tpu.iota {dimensions = array<i32: 0>} : vector<16xi32>
      %add3A_280 = vector.broadcast %add3A_278 : i32 to vector<16xi32>
      %add3A_281 = arith.addi %add3A_280, %iota3A_279 : vector<16xi32>
      %lt3A_282 = arith.constant 330000 : i32
      %lt3A_283 = vector.broadcast %lt3A_282 : i32 to vector<16xi32>
      %lt3A_284 = arith.cmpi slt, %add3A_281, %lt3A_283 : vector<16xi32>
      %jit3A_285 = arith.constant 0.000000e+00 : f32
      %broadcast_in_dim3A_286 = vector.broadcast %jit3A_285 : f32 to vector<16xf32>
      %select_n3A_287 = arith.select %lt3A_284, %exp3A_272, %broadcast_in_dim3A_286 : vector<16xi1>, vector<16xf32>
      %mul3A_288 = arith.constant 16 : i32
      %mul3A_289 = arith.muli %scan3A_251, %mul3A_288 : i32
      %swap3A_290 = arith.index_cast %mul3A_289 : i32 to index
      %swap3A_291 = tpu.vector_load %arg13[%swap3A_290] {strides = array<i32>} : memref<128xf32, #tpu.memory_space<vmem>>, vector<16xf32>,
      tpu.vector_store %arg13[%swap3A_290], %select_n3A_287 {strides = array<i32>} : memref<128xf32, #tpu.memory_space<vmem>>, vector<16xf32>,
      tpu.vector_store_idx %arg14[%get3A_261], %select_n3A_287 {add = true} : memref<10240xf32, #tpu.memory_space<vmem>>[vector<16xi32>], vector<16xf32>,
      %scan3A_292 = arith.constant 6 : i32
      %mul3A_293 = arith.constant 16 : i32
      %mul3A_294 = arith.muli %scan3A_292, %mul3A_293 : i32
      %get3A_295 = arith.index_cast %add3A_53 : i32 to index
      %get3A_296 = arith.index_cast %mul3A_294 : i32 to index
      %get3A_297 = tpu.vector_load %arg9[%get3A_295, %get3A_296] {strides = array<i32>} : memref<162x128xi32, #tpu.memory_space<vmem>>, vector<16xi32>,
      %mul3A_298 = arith.constant 16 : i32
      %mul3A_299 = arith.muli %scan3A_292, %mul3A_298 : i32
      %get3A_300 = arith.index_cast %add3A_53 : i32 to index
      %get3A_301 = arith.index_cast %mul3A_299 : i32 to index
      %get3A_302 = tpu.vector_load %arg10[%get3A_300, %get3A_301] {strides = array<i32>} : memref<162x128xi32, #tpu.memory_space<vmem>>, vector<16xi32>,
      %gather3A_303 = tpu.vector_load_idx %arg11[%get3A_297] : memref<10240xf32, #tpu.memory_space<vmem>>[vector<16xi32>], vector<16xf32>,
      %gather3A_304 = tpu.vector_load_idx %arg12[%get3A_302] : memref<10240xf32, #tpu.memory_space<vmem>>[vector<16xi32>], vector<16xf32>,
      %add3A_305 = arith.addf %gather3A_303, %gather3A_304 : vector<16xf32>
      %gt3A_306 = arith.constant 0.000000e+00 : f32
      %gt3A_307 = vector.broadcast %gt3A_306 : f32 to vector<16xf32>
      %gt3A_308 = arith.cmpf ogt, %add3A_305, %gt3A_307 : vector<16xf32>
      %mul3A_309 = arith.constant 2.000000e-01 : f32
      %mul3A_310 = vector.broadcast %mul3A_309 : f32 to vector<16xf32>
      %mul3A_311 = arith.mulf %add3A_305, %mul3A_310 : vector<16xf32>
      %select_n3A_312 = arith.select %gt3A_308, %add3A_305, %mul3A_311 : vector<16xi1>, vector<16xf32>
      %exp3A_313 = math.exp %select_n3A_312 : vector<16xf32>
      %mul3A_314 = arith.constant 128 : i32
      %mul3A_315 = arith.muli %add3A_53, %mul3A_314 : i32
      %add3A_316 = arith.addi %mul3A_23, %mul3A_315 : i32
      %mul3A_317 = arith.constant 16 : i32
      %mul3A_318 = arith.muli %scan3A_292, %mul3A_317 : i32
      %add3A_319 = arith.addi %add3A_316, %mul3A_318 : i32
      %iota3A_320 = tpu.iota {dimensions = array<i32: 0>} : vector<16xi32>
      %add3A_321 = vector.broadcast %add3A_319 : i32 to vector<16xi32>
      %add3A_322 = arith.addi %add3A_321, %iota3A_320 : vector<16xi32>
      %lt3A_323 = arith.constant 330000 : i32
      %lt3A_324 = vector.broadcast %lt3A_323 : i32 to vector<16xi32>
      %lt3A_325 = arith.cmpi slt, %add3A_322, %lt3A_324 : vector<16xi32>
      %jit3A_326 = arith.constant 0.000000e+00 : f32
      %broadcast_in_dim3A_327 = vector.broadcast %jit3A_326 : f32 to vector<16xf32>
      %select_n3A_328 = arith.select %lt3A_325, %exp3A_313, %broadcast_in_dim3A_327 : vector<16xi1>, vector<16xf32>
      %mul3A_329 = arith.constant 16 : i32
      %mul3A_330 = arith.muli %scan3A_292, %mul3A_329 : i32
      %swap3A_331 = arith.index_cast %mul3A_330 : i32 to index
      %swap3A_332 = tpu.vector_load %arg13[%swap3A_331] {strides = array<i32>} : memref<128xf32, #tpu.memory_space<vmem>>, vector<16xf32>,
      tpu.vector_store %arg13[%swap3A_331], %select_n3A_328 {strides = array<i32>} : memref<128xf32, #tpu.memory_space<vmem>>, vector<16xf32>,
      tpu.vector_store_idx %arg14[%get3A_302], %select_n3A_328 {add = true} : memref<10240xf32, #tpu.memory_space<vmem>>[vector<16xi32>], vector<16xf32>,
      %scan3A_333 = arith.constant 7 : i32
      %mul3A_334 = arith.constant 16 : i32
      %mul3A_335 = arith.muli %scan3A_333, %mul3A_334 : i32
      %get3A_336 = arith.index_cast %add3A_53 : i32 to index
      %get3A_337 = arith.index_cast %mul3A_335 : i32 to index
      %get3A_338 = tpu.vector_load %arg9[%get3A_336, %get3A_337] {strides = array<i32>} : memref<162x128xi32, #tpu.memory_space<vmem>>, vector<16xi32>,
      %mul3A_339 = arith.constant 16 : i32
      %mul3A_340 = arith.muli %scan3A_333, %mul3A_339 : i32
      %get3A_341 = arith.index_cast %add3A_53 : i32 to index
      %get3A_342 = arith.index_cast %mul3A_340 : i32 to index
      %get3A_343 = tpu.vector_load %arg10[%get3A_341, %get3A_342] {strides = array<i32>} : memref<162x128xi32, #tpu.memory_space<vmem>>, vector<16xi32>,
      %gather3A_344 = tpu.vector_load_idx %arg11[%get3A_338] : memref<10240xf32, #tpu.memory_space<vmem>>[vector<16xi32>], vector<16xf32>,
      %gather3A_345 = tpu.vector_load_idx %arg12[%get3A_343] : memref<10240xf32, #tpu.memory_space<vmem>>[vector<16xi32>], vector<16xf32>,
      %add3A_346 = arith.addf %gather3A_344, %gather3A_345 : vector<16xf32>
      %gt3A_347 = arith.constant 0.000000e+00 : f32
      %gt3A_348 = vector.broadcast %gt3A_347 : f32 to vector<16xf32>
      %gt3A_349 = arith.cmpf ogt, %add3A_346, %gt3A_348 : vector<16xf32>
      %mul3A_350 = arith.constant 2.000000e-01 : f32
      %mul3A_351 = vector.broadcast %mul3A_350 : f32 to vector<16xf32>
      %mul3A_352 = arith.mulf %add3A_346, %mul3A_351 : vector<16xf32>
      %select_n3A_353 = arith.select %gt3A_349, %add3A_346, %mul3A_352 : vector<16xi1>, vector<16xf32>
      %exp3A_354 = math.exp %select_n3A_353 : vector<16xf32>
      %mul3A_355 = arith.constant 128 : i32
      %mul3A_356 = arith.muli %add3A_53, %mul3A_355 : i32
      %add3A_357 = arith.addi %mul3A_23, %mul3A_356 : i32
      %mul3A_358 = arith.constant 16 : i32
      %mul3A_359 = arith.muli %scan3A_333, %mul3A_358 : i32
      %add3A_360 = arith.addi %add3A_357, %mul3A_359 : i32
      %iota3A_361 = tpu.iota {dimensions = array<i32: 0>} : vector<16xi32>
      %add3A_362 = vector.broadcast %add3A_360 : i32 to vector<16xi32>
      %add3A_363 = arith.addi %add3A_362, %iota3A_361 : vector<16xi32>
      %lt3A_364 = arith.constant 330000 : i32
      %lt3A_365 = vector.broadcast %lt3A_364 : i32 to vector<16xi32>
      %lt3A_366 = arith.cmpi slt, %add3A_363, %lt3A_365 : vector<16xi32>
      %jit3A_367 = arith.constant 0.000000e+00 : f32
      %broadcast_in_dim3A_368 = vector.broadcast %jit3A_367 : f32 to vector<16xf32>
      %select_n3A_369 = arith.select %lt3A_366, %exp3A_354, %broadcast_in_dim3A_368 : vector<16xi1>, vector<16xf32>
      %mul3A_370 = arith.constant 16 : i32
      %mul3A_371 = arith.muli %scan3A_333, %mul3A_370 : i32
      %swap3A_372 = arith.index_cast %mul3A_371 : i32 to index
      %swap3A_373 = tpu.vector_load %arg13[%swap3A_372] {strides = array<i32>} : memref<128xf32, #tpu.memory_space<vmem>>, vector<16xf32>,
      tpu.vector_store %arg13[%swap3A_372], %select_n3A_369 {strides = array<i32>} : memref<128xf32, #tpu.memory_space<vmem>>, vector<16xf32>,
      tpu.vector_store_idx %arg14[%get3A_343], %select_n3A_369 {add = true} : memref<10240xf32, #tpu.memory_space<vmem>>[vector<16xi32>], vector<16xf32>,
      %scan3A_374 = arith.constant 8 : i32
      %dma_wait3A_375 = arith.constant 0 : i32
      %dma_wait3A_376 = tpu.memref_slice %arg9[%add3A_53, %dma_wait3A_375] : memref<162x128xi32, #tpu.memory_space<vmem>> -> memref<1x128xi32, #tpu.memory_space<vmem>>
      %dma_wait3A_377 = tpu.memref_squeeze %dma_wait3A_376 : memref<1x128xi32, #tpu.memory_space<vmem>> -> memref<128xi32, #tpu.memory_space<vmem>>
      %dma_wait3A_378 = arith.constant 0 : i32
      %dma_wait3A_379 = arith.constant 0 : i32
      %dma_wait3A_380 = tpu.memref_slice %arg6[%arg0, %dma_wait3A_378, %dma_wait3A_379] : memref<2x10240x64xf32, #tpu.memory_space<hbm>> -> memref<1x10240x64xf32, #tpu.memory_space<hbm>>
      %dma_wait3A_381 = tpu.memref_squeeze %dma_wait3A_380 : memref<1x10240x64xf32, #tpu.memory_space<hbm>> -> memref<10240x64xf32, #tpu.memory_space<hbm>>
      %dma_wait3A_382 = arith.constant 0 : i32
      %dma_wait3A_383 = arith.constant 0 : i32
      %dma_wait3A_384 = tpu.memref_slice %dma_wait3A_381[%dma_wait3A_382, %dma_wait3A_383] : memref<10240x64xf32, #tpu.memory_space<hbm>> -> memref<10240x64xf32, #tpu.memory_space<hbm>>
      tpu.wait_indirect_dma semaphore(%arg18 : memref<!tpu.dma_semaphore, #tpu.memory_space<semaphore_mem>>) src(%dma_wait3A_384 : memref<10240x64xf32, #tpu.memory_space<hbm>>) dst(%arg15 : memref<128x64xf32, #tpu.memory_space<vmem>>)
      %ge3A = arith.constant 1 : i32
      %ge3A_385 = arith.cmpi sge, %add3A_53, %ge3A : i32
      %convert_element_type3A_386 = arith.extui %ge3A_385 : i1 to i32
      %cond3A_387 = arith.constant 0 : i32
      %cond3A_388 = arith.cmpi ne, %convert_element_type3A_386, %cond3A_387 : i32
      scf.if %cond3A_388 {
        %dma_wait3A_776 = arith.constant 0 : i32
        %dma_wait3A_777 = tpu.memref_slice %arg10[%add3A_53, %dma_wait3A_776] : memref<162x128xi32, #tpu.memory_space<vmem>> -> memref<1x128xi32, #tpu.memory_space<vmem>>
        %dma_wait3A_778 = tpu.memref_squeeze %dma_wait3A_777 : memref<1x128xi32, #tpu.memory_space<vmem>> -> memref<128xi32, #tpu.memory_space<vmem>>
        %dma_wait3A_779 = arith.constant 0 : i32
        %dma_wait3A_780 = arith.constant 0 : i32
        %dma_wait3A_781 = tpu.memref_slice %arg17[%dma_wait3A_779, %dma_wait3A_780] : memref<10240x64xf32, #tpu.memory_space<vmem_shared>> -> memref<10240x64xf32, #tpu.memory_space<vmem_shared>>
        tpu.wait_indirect_dma semaphore(%arg19 : memref<!tpu.dma_semaphore, #tpu.memory_space<semaphore_mem>>) src(%arg16 : memref<128x64xf32, #tpu.memory_space<vmem>>) dst(%dma_wait3A_781 : memref<10240x64xf32, #tpu.memory_space<vmem_shared>>)
      } else {
      }
      %add3A_389 = arith.constant 1 : i32
      %add3A_390 = arith.addi %add3A_53, %add3A_389 : i32
      %lt3A_391 = arith.constant 162 : i32
      %lt3A_392 = arith.cmpi slt, %add3A_390, %lt3A_391 : i32
      %convert_element_type3A_393 = arith.extui %lt3A_392 : i1 to i32
      %cond3A_394 = arith.constant 0 : i32
      %cond3A_395 = arith.cmpi ne, %convert_element_type3A_393, %cond3A_394 : i32
      scf.if %cond3A_395 {
        %add3A_776 = arith.constant 1 : i32
        %add3A_777 = arith.addi %add3A_53, %add3A_776 : i32
        %dma_start3A_778 = arith.constant 0 : i32
        %dma_start3A_779 = tpu.memref_slice %arg9[%add3A_777, %dma_start3A_778] : memref<162x128xi32, #tpu.memory_space<vmem>> -> memref<1x128xi32, #tpu.memory_space<vmem>>
        %dma_start3A_780 = tpu.memref_squeeze %dma_start3A_779 : memref<1x128xi32, #tpu.memory_space<vmem>> -> memref<128xi32, #tpu.memory_space<vmem>>
        %dma_start3A_781 = arith.constant 0 : i32
        %dma_start3A_782 = arith.constant 0 : i32
        %dma_start3A_783 = tpu.memref_slice %arg6[%arg0, %dma_start3A_781, %dma_start3A_782] : memref<2x10240x64xf32, #tpu.memory_space<hbm>> -> memref<1x10240x64xf32, #tpu.memory_space<hbm>>
        %dma_start3A_784 = tpu.memref_squeeze %dma_start3A_783 : memref<1x10240x64xf32, #tpu.memory_space<hbm>> -> memref<10240x64xf32, #tpu.memory_space<hbm>>
        %dma_start3A_785 = arith.constant 0 : i32
        %dma_start3A_786 = arith.constant 0 : i32
        %dma_start3A_787 = tpu.memref_slice %dma_start3A_784[%dma_start3A_785, %dma_start3A_786] : memref<10240x64xf32, #tpu.memory_space<hbm>> -> memref<10240x64xf32, #tpu.memory_space<hbm>>
        tpu.enqueue_indirect_dma source(%dma_start3A_787 : memref<10240x64xf32, #tpu.memory_space<hbm>>) target(%arg16 : memref<128x64xf32, #tpu.memory_space<vmem>>) offsets(%dma_start3A_780 : memref<128xi32, #tpu.memory_space<vmem>>) semaphore(%arg18 : memref<!tpu.dma_semaphore, #tpu.memory_space<semaphore_mem>>)
      } else {
      }
      %scan3A_396 = arith.constant 0 : i32
      %scan3A_397 = arith.constant 0 : i32
      %scan3A_398 = arith.constant 128 : i32
      %scan3A_399 = arith.addi %scan3A_397, %scan3A_398 : i32
      %scan3A_400 = arith.constant 4 : i32
      scf.for %scan3A_776 = %scan3A_397 to %scan3A_399 step %scan3A_400  : i32 {
        %broadcast_in_dim3A_777 = vector.broadcast %scan3A_776 : i32 to vector<16xi32>
        %gather3A_778 = tpu.vector_load_idx %arg13[%broadcast_in_dim3A_777] : memref<128xf32, #tpu.memory_space<vmem>>[vector<16xi32>], vector<16xf32>,
        %get3A_779 = arith.index_cast %scan3A_776 : i32 to index
        %get3A_780 = arith.constant 0 : index
        %get3A_781 = tpu.vector_load %arg15[%get3A_779, %get3A_780] {strides = array<i32>} : memref<128x64xf32, #tpu.memory_space<vmem>>, vector<16xf32>,
        %mul3A_782 = arith.mulf %get3A_781, %gather3A_778 : vector<16xf32>
        %swap3A_783 = arith.index_cast %scan3A_776 : i32 to index
        %swap3A_784 = arith.constant 0 : index
        %swap3A_785 = tpu.vector_load %arg15[%swap3A_783, %swap3A_784] {strides = array<i32>} : memref<128x64xf32, #tpu.memory_space<vmem>>, vector<16xf32>,
        tpu.vector_store %arg15[%swap3A_783, %swap3A_784], %mul3A_782 {strides = array<i32>} : memref<128x64xf32, #tpu.memory_space<vmem>>, vector<16xf32>,
        %get3A_786 = arith.index_cast %scan3A_776 : i32 to index
        %get3A_787 = arith.constant 16 : index
        %get3A_788 = tpu.vector_load %arg15[%get3A_786, %get3A_787] {strides = array<i32>} : memref<128x64xf32, #tpu.memory_space<vmem>>, vector<16xf32>,
        %mul3A_789 = arith.mulf %get3A_788, %gather3A_778 : vector<16xf32>
        %swap3A_790 = arith.index_cast %scan3A_776 : i32 to index
        %swap3A_791 = arith.constant 16 : index
        %swap3A_792 = tpu.vector_load %arg15[%swap3A_790, %swap3A_791] {strides = array<i32>} : memref<128x64xf32, #tpu.memory_space<vmem>>, vector<16xf32>,
        tpu.vector_store %arg15[%swap3A_790, %swap3A_791], %mul3A_789 {strides = array<i32>} : memref<128x64xf32, #tpu.memory_space<vmem>>, vector<16xf32>,
        %get3A_793 = arith.index_cast %scan3A_776 : i32 to index
        %get3A_794 = arith.constant 32 : index
        %get3A_795 = tpu.vector_load %arg15[%get3A_793, %get3A_794] {strides = array<i32>} : memref<128x64xf32, #tpu.memory_space<vmem>>, vector<16xf32>,
        %mul3A_796 = arith.mulf %get3A_795, %gather3A_778 : vector<16xf32>
        %swap3A_797 = arith.index_cast %scan3A_776 : i32 to index
        %swap3A_798 = arith.constant 32 : index
        %swap3A_799 = tpu.vector_load %arg15[%swap3A_797, %swap3A_798] {strides = array<i32>} : memref<128x64xf32, #tpu.memory_space<vmem>>, vector<16xf32>,
        tpu.vector_store %arg15[%swap3A_797, %swap3A_798], %mul3A_796 {strides = array<i32>} : memref<128x64xf32, #tpu.memory_space<vmem>>, vector<16xf32>,
        %get3A_800 = arith.index_cast %scan3A_776 : i32 to index
        %get3A_801 = arith.constant 48 : index
        %get3A_802 = tpu.vector_load %arg15[%get3A_800, %get3A_801] {strides = array<i32>} : memref<128x64xf32, #tpu.memory_space<vmem>>, vector<16xf32>,
        %mul3A_803 = arith.mulf %get3A_802, %gather3A_778 : vector<16xf32>
        %swap3A_804 = arith.index_cast %scan3A_776 : i32 to index
        %swap3A_805 = arith.constant 48 : index
        %swap3A_806 = tpu.vector_load %arg15[%swap3A_804, %swap3A_805] {strides = array<i32>} : memref<128x64xf32, #tpu.memory_space<vmem>>, vector<16xf32>,
        tpu.vector_store %arg15[%swap3A_804, %swap3A_805], %mul3A_803 {strides = array<i32>} : memref<128x64xf32, #tpu.memory_space<vmem>>, vector<16xf32>,
        %scan3A_807 = arith.constant 1 : i32
        %scan3A_808 = arith.addi %scan3A_776, %scan3A_807 : i32
        %broadcast_in_dim3A_809 = vector.broadcast %scan3A_808 : i32 to vector<16xi32>
        %gather3A_810 = tpu.vector_load_idx %arg13[%broadcast_in_dim3A_809] : memref<128xf32, #tpu.memory_space<vmem>>[vector<16xi32>], vector<16xf32>,
        %get3A_811 = arith.index_cast %scan3A_808 : i32 to index
        %get3A_812 = arith.constant 0 : index
        %get3A_813 = tpu.vector_load %arg15[%get3A_811, %get3A_812] {strides = array<i32>} : memref<128x64xf32, #tpu.memory_space<vmem>>, vector<16xf32>,
        %mul3A_814 = arith.mulf %get3A_813, %gather3A_810 : vector<16xf32>
        %swap3A_815 = arith.index_cast %scan3A_808 : i32 to index
        %swap3A_816 = arith.constant 0 : index
        %swap3A_817 = tpu.vector_load %arg15[%swap3A_815, %swap3A_816] {strides = array<i32>} : memref<128x64xf32, #tpu.memory_space<vmem>>, vector<16xf32>,
        tpu.vector_store %arg15[%swap3A_815, %swap3A_816], %mul3A_814 {strides = array<i32>} : memref<128x64xf32, #tpu.memory_space<vmem>>, vector<16xf32>,
        %get3A_818 = arith.index_cast %scan3A_808 : i32 to index
        %get3A_819 = arith.constant 16 : index
        %get3A_820 = tpu.vector_load %arg15[%get3A_818, %get3A_819] {strides = array<i32>} : memref<128x64xf32, #tpu.memory_space<vmem>>, vector<16xf32>,
        %mul3A_821 = arith.mulf %get3A_820, %gather3A_810 : vector<16xf32>
        %swap3A_822 = arith.index_cast %scan3A_808 : i32 to index
        %swap3A_823 = arith.constant 16 : index
        %swap3A_824 = tpu.vector_load %arg15[%swap3A_822, %swap3A_823] {strides = array<i32>} : memref<128x64xf32, #tpu.memory_space<vmem>>, vector<16xf32>,
        tpu.vector_store %arg15[%swap3A_822, %swap3A_823], %mul3A_821 {strides = array<i32>} : memref<128x64xf32, #tpu.memory_space<vmem>>, vector<16xf32>,
        %get3A_825 = arith.index_cast %scan3A_808 : i32 to index
        %get3A_826 = arith.constant 32 : index
        %get3A_827 = tpu.vector_load %arg15[%get3A_825, %get3A_826] {strides = array<i32>} : memref<128x64xf32, #tpu.memory_space<vmem>>, vector<16xf32>,
        %mul3A_828 = arith.mulf %get3A_827, %gather3A_810 : vector<16xf32>
        %swap3A_829 = arith.index_cast %scan3A_808 : i32 to index
        %swap3A_830 = arith.constant 32 : index
        %swap3A_831 = tpu.vector_load %arg15[%swap3A_829, %swap3A_830] {strides = array<i32>} : memref<128x64xf32, #tpu.memory_space<vmem>>, vector<16xf32>,
        tpu.vector_store %arg15[%swap3A_829, %swap3A_830], %mul3A_828 {strides = array<i32>} : memref<128x64xf32, #tpu.memory_space<vmem>>, vector<16xf32>,
        %get3A_832 = arith.index_cast %scan3A_808 : i32 to index
        %get3A_833 = arith.constant 48 : index
        %get3A_834 = tpu.vector_load %arg15[%get3A_832, %get3A_833] {strides = array<i32>} : memref<128x64xf32, #tpu.memory_space<vmem>>, vector<16xf32>,
        %mul3A_835 = arith.mulf %get3A_834, %gather3A_810 : vector<16xf32>
        %swap3A_836 = arith.index_cast %scan3A_808 : i32 to index
        %swap3A_837 = arith.constant 48 : index
        %swap3A_838 = tpu.vector_load %arg15[%swap3A_836, %swap3A_837] {strides = array<i32>} : memref<128x64xf32, #tpu.memory_space<vmem>>, vector<16xf32>,
        tpu.vector_store %arg15[%swap3A_836, %swap3A_837], %mul3A_835 {strides = array<i32>} : memref<128x64xf32, #tpu.memory_space<vmem>>, vector<16xf32>,
        %scan3A_839 = arith.constant 2 : i32
        %scan3A_840 = arith.addi %scan3A_776, %scan3A_839 : i32
        %broadcast_in_dim3A_841 = vector.broadcast %scan3A_840 : i32 to vector<16xi32>
        %gather3A_842 = tpu.vector_load_idx %arg13[%broadcast_in_dim3A_841] : memref<128xf32, #tpu.memory_space<vmem>>[vector<16xi32>], vector<16xf32>,
        %get3A_843 = arith.index_cast %scan3A_840 : i32 to index
        %get3A_844 = arith.constant 0 : index
        %get3A_845 = tpu.vector_load %arg15[%get3A_843, %get3A_844] {strides = array<i32>} : memref<128x64xf32, #tpu.memory_space<vmem>>, vector<16xf32>,
        %mul3A_846 = arith.mulf %get3A_845, %gather3A_842 : vector<16xf32>
        %swap3A_847 = arith.index_cast %scan3A_840 : i32 to index
        %swap3A_848 = arith.constant 0 : index
        %swap3A_849 = tpu.vector_load %arg15[%swap3A_847, %swap3A_848] {strides = array<i32>} : memref<128x64xf32, #tpu.memory_space<vmem>>, vector<16xf32>,
        tpu.vector_store %arg15[%swap3A_847, %swap3A_848], %mul3A_846 {strides = array<i32>} : memref<128x64xf32, #tpu.memory_space<vmem>>, vector<16xf32>,
        %get3A_850 = arith.index_cast %scan3A_840 : i32 to index
        %get3A_851 = arith.constant 16 : index
        %get3A_852 = tpu.vector_load %arg15[%get3A_850, %get3A_851] {strides = array<i32>} : memref<128x64xf32, #tpu.memory_space<vmem>>, vector<16xf32>,
        %mul3A_853 = arith.mulf %get3A_852, %gather3A_842 : vector<16xf32>
        %swap3A_854 = arith.index_cast %scan3A_840 : i32 to index
        %swap3A_855 = arith.constant 16 : index
        %swap3A_856 = tpu.vector_load %arg15[%swap3A_854, %swap3A_855] {strides = array<i32>} : memref<128x64xf32, #tpu.memory_space<vmem>>, vector<16xf32>,
        tpu.vector_store %arg15[%swap3A_854, %swap3A_855], %mul3A_853 {strides = array<i32>} : memref<128x64xf32, #tpu.memory_space<vmem>>, vector<16xf32>,
        %get3A_857 = arith.index_cast %scan3A_840 : i32 to index
        %get3A_858 = arith.constant 32 : index
        %get3A_859 = tpu.vector_load %arg15[%get3A_857, %get3A_858] {strides = array<i32>} : memref<128x64xf32, #tpu.memory_space<vmem>>, vector<16xf32>,
        %mul3A_860 = arith.mulf %get3A_859, %gather3A_842 : vector<16xf32>
        %swap3A_861 = arith.index_cast %scan3A_840 : i32 to index
        %swap3A_862 = arith.constant 32 : index
        %swap3A_863 = tpu.vector_load %arg15[%swap3A_861, %swap3A_862] {strides = array<i32>} : memref<128x64xf32, #tpu.memory_space<vmem>>, vector<16xf32>,
        tpu.vector_store %arg15[%swap3A_861, %swap3A_862], %mul3A_860 {strides = array<i32>} : memref<128x64xf32, #tpu.memory_space<vmem>>, vector<16xf32>,
        %get3A_864 = arith.index_cast %scan3A_840 : i32 to index
        %get3A_865 = arith.constant 48 : index
        %get3A_866 = tpu.vector_load %arg15[%get3A_864, %get3A_865] {strides = array<i32>} : memref<128x64xf32, #tpu.memory_space<vmem>>, vector<16xf32>,
        %mul3A_867 = arith.mulf %get3A_866, %gather3A_842 : vector<16xf32>
        %swap3A_868 = arith.index_cast %scan3A_840 : i32 to index
        %swap3A_869 = arith.constant 48 : index
        %swap3A_870 = tpu.vector_load %arg15[%swap3A_868, %swap3A_869] {strides = array<i32>} : memref<128x64xf32, #tpu.memory_space<vmem>>, vector<16xf32>,
        tpu.vector_store %arg15[%swap3A_868, %swap3A_869], %mul3A_867 {strides = array<i32>} : memref<128x64xf32, #tpu.memory_space<vmem>>, vector<16xf32>,
        %scan3A_871 = arith.constant 3 : i32
        %scan3A_872 = arith.addi %scan3A_776, %scan3A_871 : i32
        %broadcast_in_dim3A_873 = vector.broadcast %scan3A_872 : i32 to vector<16xi32>
        %gather3A_874 = tpu.vector_load_idx %arg13[%broadcast_in_dim3A_873] : memref<128xf32, #tpu.memory_space<vmem>>[vector<16xi32>], vector<16xf32>,
        %get3A_875 = arith.index_cast %scan3A_872 : i32 to index
        %get3A_876 = arith.constant 0 : index
        %get3A_877 = tpu.vector_load %arg15[%get3A_875, %get3A_876] {strides = array<i32>} : memref<128x64xf32, #tpu.memory_space<vmem>>, vector<16xf32>,
        %mul3A_878 = arith.mulf %get3A_877, %gather3A_874 : vector<16xf32>
        %swap3A_879 = arith.index_cast %scan3A_872 : i32 to index
        %swap3A_880 = arith.constant 0 : index
        %swap3A_881 = tpu.vector_load %arg15[%swap3A_879, %swap3A_880] {strides = array<i32>} : memref<128x64xf32, #tpu.memory_space<vmem>>, vector<16xf32>,
        tpu.vector_store %arg15[%swap3A_879, %swap3A_880], %mul3A_878 {strides = array<i32>} : memref<128x64xf32, #tpu.memory_space<vmem>>, vector<16xf32>,
        %get3A_882 = arith.index_cast %scan3A_872 : i32 to index
        %get3A_883 = arith.constant 16 : index
        %get3A_884 = tpu.vector_load %arg15[%get3A_882, %get3A_883] {strides = array<i32>} : memref<128x64xf32, #tpu.memory_space<vmem>>, vector<16xf32>,
        %mul3A_885 = arith.mulf %get3A_884, %gather3A_874 : vector<16xf32>
        %swap3A_886 = arith.index_cast %scan3A_872 : i32 to index
        %swap3A_887 = arith.constant 16 : index
        %swap3A_888 = tpu.vector_load %arg15[%swap3A_886, %swap3A_887] {strides = array<i32>} : memref<128x64xf32, #tpu.memory_space<vmem>>, vector<16xf32>,
        tpu.vector_store %arg15[%swap3A_886, %swap3A_887], %mul3A_885 {strides = array<i32>} : memref<128x64xf32, #tpu.memory_space<vmem>>, vector<16xf32>,
        %get3A_889 = arith.index_cast %scan3A_872 : i32 to index
        %get3A_890 = arith.constant 32 : index
        %get3A_891 = tpu.vector_load %arg15[%get3A_889, %get3A_890] {strides = array<i32>} : memref<128x64xf32, #tpu.memory_space<vmem>>, vector<16xf32>,
        %mul3A_892 = arith.mulf %get3A_891, %gather3A_874 : vector<16xf32>
        %swap3A_893 = arith.index_cast %scan3A_872 : i32 to index
        %swap3A_894 = arith.constant 32 : index
        %swap3A_895 = tpu.vector_load %arg15[%swap3A_893, %swap3A_894] {strides = array<i32>} : memref<128x64xf32, #tpu.memory_space<vmem>>, vector<16xf32>,
        tpu.vector_store %arg15[%swap3A_893, %swap3A_894], %mul3A_892 {strides = array<i32>} : memref<128x64xf32, #tpu.memory_space<vmem>>, vector<16xf32>,
        %get3A_896 = arith.index_cast %scan3A_872 : i32 to index
        %get3A_897 = arith.constant 48 : index
        %get3A_898 = tpu.vector_load %arg15[%get3A_896, %get3A_897] {strides = array<i32>} : memref<128x64xf32, #tpu.memory_space<vmem>>, vector<16xf32>,
        %mul3A_899 = arith.mulf %get3A_898, %gather3A_874 : vector<16xf32>
        %swap3A_900 = arith.index_cast %scan3A_872 : i32 to index
        %swap3A_901 = arith.constant 48 : index
        %swap3A_902 = tpu.vector_load %arg15[%swap3A_900, %swap3A_901] {strides = array<i32>} : memref<128x64xf32, #tpu.memory_space<vmem>>, vector<16xf32>,
        tpu.vector_store %arg15[%swap3A_900, %swap3A_901], %mul3A_899 {strides = array<i32>} : memref<128x64xf32, #tpu.memory_space<vmem>>, vector<16xf32>,
      }
      %scan3A_401 = arith.constant 128 : i32
      %dma_start3A_402 = arith.constant 0 : i32
      %dma_start3A_403 = tpu.memref_slice %arg10[%add3A_53, %dma_start3A_402] : memref<162x128xi32, #tpu.memory_space<vmem>> -> memref<1x128xi32, #tpu.memory_space<vmem>>
      %dma_start3A_404 = tpu.memref_squeeze %dma_start3A_403 : memref<1x128xi32, #tpu.memory_space<vmem>> -> memref<128xi32, #tpu.memory_space<vmem>>
      %dma_start3A_405 = arith.constant 0 : i32
      %dma_start3A_406 = arith.constant 0 : i32
      %dma_start3A_407 = tpu.memref_slice %arg17[%dma_start3A_405, %dma_start3A_406] : memref<10240x64xf32, #tpu.memory_space<vmem_shared>> -> memref<10240x64xf32, #tpu.memory_space<vmem_shared>>
      tpu.enqueue_indirect_dma source(%arg15 : memref<128x64xf32, #tpu.memory_space<vmem>>) target(%dma_start3A_407 : memref<10240x64xf32, #tpu.memory_space<vmem_shared>>) offsets(%dma_start3A_404 : memref<128xi32, #tpu.memory_space<vmem>>) semaphore(%arg19 : memref<!tpu.dma_semaphore, #tpu.memory_space<semaphore_mem>>) {add = true}
      %mul3A_408 = arith.constant 2 : i32
      %mul3A_409 = arith.muli %scan3A_49, %mul3A_408 : i32
      %add3A_410 = arith.constant 1 : i32
      %add3A_411 = arith.addi %mul3A_409, %add3A_410 : i32
      %scan3A_412 = arith.constant 0 : i32
      %scan3A_413 = arith.constant 0 : i32
      %mul3A_414 = arith.constant 16 : i32
      %mul3A_415 = arith.muli %scan3A_413, %mul3A_414 : i32
      %get3A_416 = arith.index_cast %add3A_411 : i32 to index
      %get3A_417 = arith.index_cast %mul3A_415 : i32 to index
      %get3A_418 = tpu.vector_load %arg9[%get3A_416, %get3A_417] {strides = array<i32>} : memref<162x128xi32, #tpu.memory_space<vmem>>, vector<16xi32>,
      %mul3A_419 = arith.constant 16 : i32
      %mul3A_420 = arith.muli %scan3A_413, %mul3A_419 : i32
      %get3A_421 = arith.index_cast %add3A_411 : i32 to index
      %get3A_422 = arith.index_cast %mul3A_420 : i32 to index
      %get3A_423 = tpu.vector_load %arg10[%get3A_421, %get3A_422] {strides = array<i32>} : memref<162x128xi32, #tpu.memory_space<vmem>>, vector<16xi32>,
      %gather3A_424 = tpu.vector_load_idx %arg11[%get3A_418] : memref<10240xf32, #tpu.memory_space<vmem>>[vector<16xi32>], vector<16xf32>,
      %gather3A_425 = tpu.vector_load_idx %arg12[%get3A_423] : memref<10240xf32, #tpu.memory_space<vmem>>[vector<16xi32>], vector<16xf32>,
      %add3A_426 = arith.addf %gather3A_424, %gather3A_425 : vector<16xf32>
      %gt3A_427 = arith.constant 0.000000e+00 : f32
      %gt3A_428 = vector.broadcast %gt3A_427 : f32 to vector<16xf32>
      %gt3A_429 = arith.cmpf ogt, %add3A_426, %gt3A_428 : vector<16xf32>
      %mul3A_430 = arith.constant 2.000000e-01 : f32
      %mul3A_431 = vector.broadcast %mul3A_430 : f32 to vector<16xf32>
      %mul3A_432 = arith.mulf %add3A_426, %mul3A_431 : vector<16xf32>
      %select_n3A_433 = arith.select %gt3A_429, %add3A_426, %mul3A_432 : vector<16xi1>, vector<16xf32>
      %exp3A_434 = math.exp %select_n3A_433 : vector<16xf32>
      %mul3A_435 = arith.constant 128 : i32
      %mul3A_436 = arith.muli %add3A_411, %mul3A_435 : i32
      %add3A_437 = arith.addi %mul3A_23, %mul3A_436 : i32
      %mul3A_438 = arith.constant 16 : i32
      %mul3A_439 = arith.muli %scan3A_413, %mul3A_438 : i32
      %add3A_440 = arith.addi %add3A_437, %mul3A_439 : i32
      %iota3A_441 = tpu.iota {dimensions = array<i32: 0>} : vector<16xi32>
      %add3A_442 = vector.broadcast %add3A_440 : i32 to vector<16xi32>
      %add3A_443 = arith.addi %add3A_442, %iota3A_441 : vector<16xi32>
      %lt3A_444 = arith.constant 330000 : i32
      %lt3A_445 = vector.broadcast %lt3A_444 : i32 to vector<16xi32>
      %lt3A_446 = arith.cmpi slt, %add3A_443, %lt3A_445 : vector<16xi32>
      %jit3A_447 = arith.constant 0.000000e+00 : f32
      %broadcast_in_dim3A_448 = vector.broadcast %jit3A_447 : f32 to vector<16xf32>
      %select_n3A_449 = arith.select %lt3A_446, %exp3A_434, %broadcast_in_dim3A_448 : vector<16xi1>, vector<16xf32>
      %mul3A_450 = arith.constant 16 : i32
      %mul3A_451 = arith.muli %scan3A_413, %mul3A_450 : i32
      %swap3A_452 = arith.index_cast %mul3A_451 : i32 to index
      %swap3A_453 = tpu.vector_load %arg13[%swap3A_452] {strides = array<i32>} : memref<128xf32, #tpu.memory_space<vmem>>, vector<16xf32>,
      tpu.vector_store %arg13[%swap3A_452], %select_n3A_449 {strides = array<i32>} : memref<128xf32, #tpu.memory_space<vmem>>, vector<16xf32>,
      tpu.vector_store_idx %arg14[%get3A_423], %select_n3A_449 {add = true} : memref<10240xf32, #tpu.memory_space<vmem>>[vector<16xi32>], vector<16xf32>,
      %scan3A_454 = arith.constant 1 : i32
      %mul3A_455 = arith.constant 16 : i32
      %mul3A_456 = arith.muli %scan3A_454, %mul3A_455 : i32
      %get3A_457 = arith.index_cast %add3A_411 : i32 to index
      %get3A_458 = arith.index_cast %mul3A_456 : i32 to index
      %get3A_459 = tpu.vector_load %arg9[%get3A_457, %get3A_458] {strides = array<i32>} : memref<162x128xi32, #tpu.memory_space<vmem>>, vector<16xi32>,
      %mul3A_460 = arith.constant 16 : i32
      %mul3A_461 = arith.muli %scan3A_454, %mul3A_460 : i32
      %get3A_462 = arith.index_cast %add3A_411 : i32 to index
      %get3A_463 = arith.index_cast %mul3A_461 : i32 to index
      %get3A_464 = tpu.vector_load %arg10[%get3A_462, %get3A_463] {strides = array<i32>} : memref<162x128xi32, #tpu.memory_space<vmem>>, vector<16xi32>,
      %gather3A_465 = tpu.vector_load_idx %arg11[%get3A_459] : memref<10240xf32, #tpu.memory_space<vmem>>[vector<16xi32>], vector<16xf32>,
      %gather3A_466 = tpu.vector_load_idx %arg12[%get3A_464] : memref<10240xf32, #tpu.memory_space<vmem>>[vector<16xi32>], vector<16xf32>,
      %add3A_467 = arith.addf %gather3A_465, %gather3A_466 : vector<16xf32>
      %gt3A_468 = arith.constant 0.000000e+00 : f32
      %gt3A_469 = vector.broadcast %gt3A_468 : f32 to vector<16xf32>
      %gt3A_470 = arith.cmpf ogt, %add3A_467, %gt3A_469 : vector<16xf32>
      %mul3A_471 = arith.constant 2.000000e-01 : f32
      %mul3A_472 = vector.broadcast %mul3A_471 : f32 to vector<16xf32>
      %mul3A_473 = arith.mulf %add3A_467, %mul3A_472 : vector<16xf32>
      %select_n3A_474 = arith.select %gt3A_470, %add3A_467, %mul3A_473 : vector<16xi1>, vector<16xf32>
      %exp3A_475 = math.exp %select_n3A_474 : vector<16xf32>
      %mul3A_476 = arith.constant 128 : i32
      %mul3A_477 = arith.muli %add3A_411, %mul3A_476 : i32
      %add3A_478 = arith.addi %mul3A_23, %mul3A_477 : i32
      %mul3A_479 = arith.constant 16 : i32
      %mul3A_480 = arith.muli %scan3A_454, %mul3A_479 : i32
      %add3A_481 = arith.addi %add3A_478, %mul3A_480 : i32
      %iota3A_482 = tpu.iota {dimensions = array<i32: 0>} : vector<16xi32>
      %add3A_483 = vector.broadcast %add3A_481 : i32 to vector<16xi32>
      %add3A_484 = arith.addi %add3A_483, %iota3A_482 : vector<16xi32>
      %lt3A_485 = arith.constant 330000 : i32
      %lt3A_486 = vector.broadcast %lt3A_485 : i32 to vector<16xi32>
      %lt3A_487 = arith.cmpi slt, %add3A_484, %lt3A_486 : vector<16xi32>
      %jit3A_488 = arith.constant 0.000000e+00 : f32
      %broadcast_in_dim3A_489 = vector.broadcast %jit3A_488 : f32 to vector<16xf32>
      %select_n3A_490 = arith.select %lt3A_487, %exp3A_475, %broadcast_in_dim3A_489 : vector<16xi1>, vector<16xf32>
      %mul3A_491 = arith.constant 16 : i32
      %mul3A_492 = arith.muli %scan3A_454, %mul3A_491 : i32
      %swap3A_493 = arith.index_cast %mul3A_492 : i32 to index
      %swap3A_494 = tpu.vector_load %arg13[%swap3A_493] {strides = array<i32>} : memref<128xf32, #tpu.memory_space<vmem>>, vector<16xf32>,
      tpu.vector_store %arg13[%swap3A_493], %select_n3A_490 {strides = array<i32>} : memref<128xf32, #tpu.memory_space<vmem>>, vector<16xf32>,
      tpu.vector_store_idx %arg14[%get3A_464], %select_n3A_490 {add = true} : memref<10240xf32, #tpu.memory_space<vmem>>[vector<16xi32>], vector<16xf32>,
      %scan3A_495 = arith.constant 2 : i32
      %mul3A_496 = arith.constant 16 : i32
      %mul3A_497 = arith.muli %scan3A_495, %mul3A_496 : i32
      %get3A_498 = arith.index_cast %add3A_411 : i32 to index
      %get3A_499 = arith.index_cast %mul3A_497 : i32 to index
      %get3A_500 = tpu.vector_load %arg9[%get3A_498, %get3A_499] {strides = array<i32>} : memref<162x128xi32, #tpu.memory_space<vmem>>, vector<16xi32>,
      %mul3A_501 = arith.constant 16 : i32
      %mul3A_502 = arith.muli %scan3A_495, %mul3A_501 : i32
      %get3A_503 = arith.index_cast %add3A_411 : i32 to index
      %get3A_504 = arith.index_cast %mul3A_502 : i32 to index
      %get3A_505 = tpu.vector_load %arg10[%get3A_503, %get3A_504] {strides = array<i32>} : memref<162x128xi32, #tpu.memory_space<vmem>>, vector<16xi32>,
      %gather3A_506 = tpu.vector_load_idx %arg11[%get3A_500] : memref<10240xf32, #tpu.memory_space<vmem>>[vector<16xi32>], vector<16xf32>,
      %gather3A_507 = tpu.vector_load_idx %arg12[%get3A_505] : memref<10240xf32, #tpu.memory_space<vmem>>[vector<16xi32>], vector<16xf32>,
      %add3A_508 = arith.addf %gather3A_506, %gather3A_507 : vector<16xf32>
      %gt3A_509 = arith.constant 0.000000e+00 : f32
      %gt3A_510 = vector.broadcast %gt3A_509 : f32 to vector<16xf32>
      %gt3A_511 = arith.cmpf ogt, %add3A_508, %gt3A_510 : vector<16xf32>
      %mul3A_512 = arith.constant 2.000000e-01 : f32
      %mul3A_513 = vector.broadcast %mul3A_512 : f32 to vector<16xf32>
      %mul3A_514 = arith.mulf %add3A_508, %mul3A_513 : vector<16xf32>
      %select_n3A_515 = arith.select %gt3A_511, %add3A_508, %mul3A_514 : vector<16xi1>, vector<16xf32>
      %exp3A_516 = math.exp %select_n3A_515 : vector<16xf32>
      %mul3A_517 = arith.constant 128 : i32
      %mul3A_518 = arith.muli %add3A_411, %mul3A_517 : i32
      %add3A_519 = arith.addi %mul3A_23, %mul3A_518 : i32
      %mul3A_520 = arith.constant 16 : i32
      %mul3A_521 = arith.muli %scan3A_495, %mul3A_520 : i32
      %add3A_522 = arith.addi %add3A_519, %mul3A_521 : i32
      %iota3A_523 = tpu.iota {dimensions = array<i32: 0>} : vector<16xi32>
      %add3A_524 = vector.broadcast %add3A_522 : i32 to vector<16xi32>
      %add3A_525 = arith.addi %add3A_524, %iota3A_523 : vector<16xi32>
      %lt3A_526 = arith.constant 330000 : i32
      %lt3A_527 = vector.broadcast %lt3A_526 : i32 to vector<16xi32>
      %lt3A_528 = arith.cmpi slt, %add3A_525, %lt3A_527 : vector<16xi32>
      %jit3A_529 = arith.constant 0.000000e+00 : f32
      %broadcast_in_dim3A_530 = vector.broadcast %jit3A_529 : f32 to vector<16xf32>
      %select_n3A_531 = arith.select %lt3A_528, %exp3A_516, %broadcast_in_dim3A_530 : vector<16xi1>, vector<16xf32>
      %mul3A_532 = arith.constant 16 : i32
      %mul3A_533 = arith.muli %scan3A_495, %mul3A_532 : i32
      %swap3A_534 = arith.index_cast %mul3A_533 : i32 to index
      %swap3A_535 = tpu.vector_load %arg13[%swap3A_534] {strides = array<i32>} : memref<128xf32, #tpu.memory_space<vmem>>, vector<16xf32>,
      tpu.vector_store %arg13[%swap3A_534], %select_n3A_531 {strides = array<i32>} : memref<128xf32, #tpu.memory_space<vmem>>, vector<16xf32>,
      tpu.vector_store_idx %arg14[%get3A_505], %select_n3A_531 {add = true} : memref<10240xf32, #tpu.memory_space<vmem>>[vector<16xi32>], vector<16xf32>,
      %scan3A_536 = arith.constant 3 : i32
      %mul3A_537 = arith.constant 16 : i32
      %mul3A_538 = arith.muli %scan3A_536, %mul3A_537 : i32
      %get3A_539 = arith.index_cast %add3A_411 : i32 to index
      %get3A_540 = arith.index_cast %mul3A_538 : i32 to index
      %get3A_541 = tpu.vector_load %arg9[%get3A_539, %get3A_540] {strides = array<i32>} : memref<162x128xi32, #tpu.memory_space<vmem>>, vector<16xi32>,
      %mul3A_542 = arith.constant 16 : i32
      %mul3A_543 = arith.muli %scan3A_536, %mul3A_542 : i32
      %get3A_544 = arith.index_cast %add3A_411 : i32 to index
      %get3A_545 = arith.index_cast %mul3A_543 : i32 to index
      %get3A_546 = tpu.vector_load %arg10[%get3A_544, %get3A_545] {strides = array<i32>} : memref<162x128xi32, #tpu.memory_space<vmem>>, vector<16xi32>,
      %gather3A_547 = tpu.vector_load_idx %arg11[%get3A_541] : memref<10240xf32, #tpu.memory_space<vmem>>[vector<16xi32>], vector<16xf32>,
      %gather3A_548 = tpu.vector_load_idx %arg12[%get3A_546] : memref<10240xf32, #tpu.memory_space<vmem>>[vector<16xi32>], vector<16xf32>,
      %add3A_549 = arith.addf %gather3A_547, %gather3A_548 : vector<16xf32>
      %gt3A_550 = arith.constant 0.000000e+00 : f32
      %gt3A_551 = vector.broadcast %gt3A_550 : f32 to vector<16xf32>
      %gt3A_552 = arith.cmpf ogt, %add3A_549, %gt3A_551 : vector<16xf32>
      %mul3A_553 = arith.constant 2.000000e-01 : f32
      %mul3A_554 = vector.broadcast %mul3A_553 : f32 to vector<16xf32>
      %mul3A_555 = arith.mulf %add3A_549, %mul3A_554 : vector<16xf32>
      %select_n3A_556 = arith.select %gt3A_552, %add3A_549, %mul3A_555 : vector<16xi1>, vector<16xf32>
      %exp3A_557 = math.exp %select_n3A_556 : vector<16xf32>
      %mul3A_558 = arith.constant 128 : i32
      %mul3A_559 = arith.muli %add3A_411, %mul3A_558 : i32
      %add3A_560 = arith.addi %mul3A_23, %mul3A_559 : i32
      %mul3A_561 = arith.constant 16 : i32
      %mul3A_562 = arith.muli %scan3A_536, %mul3A_561 : i32
      %add3A_563 = arith.addi %add3A_560, %mul3A_562 : i32
      %iota3A_564 = tpu.iota {dimensions = array<i32: 0>} : vector<16xi32>
      %add3A_565 = vector.broadcast %add3A_563 : i32 to vector<16xi32>
      %add3A_566 = arith.addi %add3A_565, %iota3A_564 : vector<16xi32>
      %lt3A_567 = arith.constant 330000 : i32
      %lt3A_568 = vector.broadcast %lt3A_567 : i32 to vector<16xi32>
      %lt3A_569 = arith.cmpi slt, %add3A_566, %lt3A_568 : vector<16xi32>
      %jit3A_570 = arith.constant 0.000000e+00 : f32
      %broadcast_in_dim3A_571 = vector.broadcast %jit3A_570 : f32 to vector<16xf32>
      %select_n3A_572 = arith.select %lt3A_569, %exp3A_557, %broadcast_in_dim3A_571 : vector<16xi1>, vector<16xf32>
      %mul3A_573 = arith.constant 16 : i32
      %mul3A_574 = arith.muli %scan3A_536, %mul3A_573 : i32
      %swap3A_575 = arith.index_cast %mul3A_574 : i32 to index
      %swap3A_576 = tpu.vector_load %arg13[%swap3A_575] {strides = array<i32>} : memref<128xf32, #tpu.memory_space<vmem>>, vector<16xf32>,
      tpu.vector_store %arg13[%swap3A_575], %select_n3A_572 {strides = array<i32>} : memref<128xf32, #tpu.memory_space<vmem>>, vector<16xf32>,
      tpu.vector_store_idx %arg14[%get3A_546], %select_n3A_572 {add = true} : memref<10240xf32, #tpu.memory_space<vmem>>[vector<16xi32>], vector<16xf32>,
      %scan3A_577 = arith.constant 4 : i32
      %mul3A_578 = arith.constant 16 : i32
      %mul3A_579 = arith.muli %scan3A_577, %mul3A_578 : i32
      %get3A_580 = arith.index_cast %add3A_411 : i32 to index
      %get3A_581 = arith.index_cast %mul3A_579 : i32 to index
      %get3A_582 = tpu.vector_load %arg9[%get3A_580, %get3A_581] {strides = array<i32>} : memref<162x128xi32, #tpu.memory_space<vmem>>, vector<16xi32>,
      %mul3A_583 = arith.constant 16 : i32
      %mul3A_584 = arith.muli %scan3A_577, %mul3A_583 : i32
      %get3A_585 = arith.index_cast %add3A_411 : i32 to index
      %get3A_586 = arith.index_cast %mul3A_584 : i32 to index
      %get3A_587 = tpu.vector_load %arg10[%get3A_585, %get3A_586] {strides = array<i32>} : memref<162x128xi32, #tpu.memory_space<vmem>>, vector<16xi32>,
      %gather3A_588 = tpu.vector_load_idx %arg11[%get3A_582] : memref<10240xf32, #tpu.memory_space<vmem>>[vector<16xi32>], vector<16xf32>,
      %gather3A_589 = tpu.vector_load_idx %arg12[%get3A_587] : memref<10240xf32, #tpu.memory_space<vmem>>[vector<16xi32>], vector<16xf32>,
      %add3A_590 = arith.addf %gather3A_588, %gather3A_589 : vector<16xf32>
      %gt3A_591 = arith.constant 0.000000e+00 : f32
      %gt3A_592 = vector.broadcast %gt3A_591 : f32 to vector<16xf32>
      %gt3A_593 = arith.cmpf ogt, %add3A_590, %gt3A_592 : vector<16xf32>
      %mul3A_594 = arith.constant 2.000000e-01 : f32
      %mul3A_595 = vector.broadcast %mul3A_594 : f32 to vector<16xf32>
      %mul3A_596 = arith.mulf %add3A_590, %mul3A_595 : vector<16xf32>
      %select_n3A_597 = arith.select %gt3A_593, %add3A_590, %mul3A_596 : vector<16xi1>, vector<16xf32>
      %exp3A_598 = math.exp %select_n3A_597 : vector<16xf32>
      %mul3A_599 = arith.constant 128 : i32
      %mul3A_600 = arith.muli %add3A_411, %mul3A_599 : i32
      %add3A_601 = arith.addi %mul3A_23, %mul3A_600 : i32
      %mul3A_602 = arith.constant 16 : i32
      %mul3A_603 = arith.muli %scan3A_577, %mul3A_602 : i32
      %add3A_604 = arith.addi %add3A_601, %mul3A_603 : i32
      %iota3A_605 = tpu.iota {dimensions = array<i32: 0>} : vector<16xi32>
      %add3A_606 = vector.broadcast %add3A_604 : i32 to vector<16xi32>
      %add3A_607 = arith.addi %add3A_606, %iota3A_605 : vector<16xi32>
      %lt3A_608 = arith.constant 330000 : i32
      %lt3A_609 = vector.broadcast %lt3A_608 : i32 to vector<16xi32>
      %lt3A_610 = arith.cmpi slt, %add3A_607, %lt3A_609 : vector<16xi32>
      %jit3A_611 = arith.constant 0.000000e+00 : f32
      %broadcast_in_dim3A_612 = vector.broadcast %jit3A_611 : f32 to vector<16xf32>
      %select_n3A_613 = arith.select %lt3A_610, %exp3A_598, %broadcast_in_dim3A_612 : vector<16xi1>, vector<16xf32>
      %mul3A_614 = arith.constant 16 : i32
      %mul3A_615 = arith.muli %scan3A_577, %mul3A_614 : i32
      %swap3A_616 = arith.index_cast %mul3A_615 : i32 to index
      %swap3A_617 = tpu.vector_load %arg13[%swap3A_616] {strides = array<i32>} : memref<128xf32, #tpu.memory_space<vmem>>, vector<16xf32>,
      tpu.vector_store %arg13[%swap3A_616], %select_n3A_613 {strides = array<i32>} : memref<128xf32, #tpu.memory_space<vmem>>, vector<16xf32>,
      tpu.vector_store_idx %arg14[%get3A_587], %select_n3A_613 {add = true} : memref<10240xf32, #tpu.memory_space<vmem>>[vector<16xi32>], vector<16xf32>,
      %scan3A_618 = arith.constant 5 : i32
      %mul3A_619 = arith.constant 16 : i32
      %mul3A_620 = arith.muli %scan3A_618, %mul3A_619 : i32
      %get3A_621 = arith.index_cast %add3A_411 : i32 to index
      %get3A_622 = arith.index_cast %mul3A_620 : i32 to index
      %get3A_623 = tpu.vector_load %arg9[%get3A_621, %get3A_622] {strides = array<i32>} : memref<162x128xi32, #tpu.memory_space<vmem>>, vector<16xi32>,
      %mul3A_624 = arith.constant 16 : i32
      %mul3A_625 = arith.muli %scan3A_618, %mul3A_624 : i32
      %get3A_626 = arith.index_cast %add3A_411 : i32 to index
      %get3A_627 = arith.index_cast %mul3A_625 : i32 to index
      %get3A_628 = tpu.vector_load %arg10[%get3A_626, %get3A_627] {strides = array<i32>} : memref<162x128xi32, #tpu.memory_space<vmem>>, vector<16xi32>,
      %gather3A_629 = tpu.vector_load_idx %arg11[%get3A_623] : memref<10240xf32, #tpu.memory_space<vmem>>[vector<16xi32>], vector<16xf32>,
      %gather3A_630 = tpu.vector_load_idx %arg12[%get3A_628] : memref<10240xf32, #tpu.memory_space<vmem>>[vector<16xi32>], vector<16xf32>,
      %add3A_631 = arith.addf %gather3A_629, %gather3A_630 : vector<16xf32>
      %gt3A_632 = arith.constant 0.000000e+00 : f32
      %gt3A_633 = vector.broadcast %gt3A_632 : f32 to vector<16xf32>
      %gt3A_634 = arith.cmpf ogt, %add3A_631, %gt3A_633 : vector<16xf32>
      %mul3A_635 = arith.constant 2.000000e-01 : f32
      %mul3A_636 = vector.broadcast %mul3A_635 : f32 to vector<16xf32>
      %mul3A_637 = arith.mulf %add3A_631, %mul3A_636 : vector<16xf32>
      %select_n3A_638 = arith.select %gt3A_634, %add3A_631, %mul3A_637 : vector<16xi1>, vector<16xf32>
      %exp3A_639 = math.exp %select_n3A_638 : vector<16xf32>
      %mul3A_640 = arith.constant 128 : i32
      %mul3A_641 = arith.muli %add3A_411, %mul3A_640 : i32
      %add3A_642 = arith.addi %mul3A_23, %mul3A_641 : i32
      %mul3A_643 = arith.constant 16 : i32
      %mul3A_644 = arith.muli %scan3A_618, %mul3A_643 : i32
      %add3A_645 = arith.addi %add3A_642, %mul3A_644 : i32
      %iota3A_646 = tpu.iota {dimensions = array<i32: 0>} : vector<16xi32>
      %add3A_647 = vector.broadcast %add3A_645 : i32 to vector<16xi32>
      %add3A_648 = arith.addi %add3A_647, %iota3A_646 : vector<16xi32>
      %lt3A_649 = arith.constant 330000 : i32
      %lt3A_650 = vector.broadcast %lt3A_649 : i32 to vector<16xi32>
      %lt3A_651 = arith.cmpi slt, %add3A_648, %lt3A_650 : vector<16xi32>
      %jit3A_652 = arith.constant 0.000000e+00 : f32
      %broadcast_in_dim3A_653 = vector.broadcast %jit3A_652 : f32 to vector<16xf32>
      %select_n3A_654 = arith.select %lt3A_651, %exp3A_639, %broadcast_in_dim3A_653 : vector<16xi1>, vector<16xf32>
      %mul3A_655 = arith.constant 16 : i32
      %mul3A_656 = arith.muli %scan3A_618, %mul3A_655 : i32
      %swap3A_657 = arith.index_cast %mul3A_656 : i32 to index
      %swap3A_658 = tpu.vector_load %arg13[%swap3A_657] {strides = array<i32>} : memref<128xf32, #tpu.memory_space<vmem>>, vector<16xf32>,
      tpu.vector_store %arg13[%swap3A_657], %select_n3A_654 {strides = array<i32>} : memref<128xf32, #tpu.memory_space<vmem>>, vector<16xf32>,
      tpu.vector_store_idx %arg14[%get3A_628], %select_n3A_654 {add = true} : memref<10240xf32, #tpu.memory_space<vmem>>[vector<16xi32>], vector<16xf32>,
      %scan3A_659 = arith.constant 6 : i32
      %mul3A_660 = arith.constant 16 : i32
      %mul3A_661 = arith.muli %scan3A_659, %mul3A_660 : i32
      %get3A_662 = arith.index_cast %add3A_411 : i32 to index
      %get3A_663 = arith.index_cast %mul3A_661 : i32 to index
      %get3A_664 = tpu.vector_load %arg9[%get3A_662, %get3A_663] {strides = array<i32>} : memref<162x128xi32, #tpu.memory_space<vmem>>, vector<16xi32>,
      %mul3A_665 = arith.constant 16 : i32
      %mul3A_666 = arith.muli %scan3A_659, %mul3A_665 : i32
      %get3A_667 = arith.index_cast %add3A_411 : i32 to index
      %get3A_668 = arith.index_cast %mul3A_666 : i32 to index
      %get3A_669 = tpu.vector_load %arg10[%get3A_667, %get3A_668] {strides = array<i32>} : memref<162x128xi32, #tpu.memory_space<vmem>>, vector<16xi32>,
      %gather3A_670 = tpu.vector_load_idx %arg11[%get3A_664] : memref<10240xf32, #tpu.memory_space<vmem>>[vector<16xi32>], vector<16xf32>,
      %gather3A_671 = tpu.vector_load_idx %arg12[%get3A_669] : memref<10240xf32, #tpu.memory_space<vmem>>[vector<16xi32>], vector<16xf32>,
      %add3A_672 = arith.addf %gather3A_670, %gather3A_671 : vector<16xf32>
      %gt3A_673 = arith.constant 0.000000e+00 : f32
      %gt3A_674 = vector.broadcast %gt3A_673 : f32 to vector<16xf32>
      %gt3A_675 = arith.cmpf ogt, %add3A_672, %gt3A_674 : vector<16xf32>
      %mul3A_676 = arith.constant 2.000000e-01 : f32
      %mul3A_677 = vector.broadcast %mul3A_676 : f32 to vector<16xf32>
      %mul3A_678 = arith.mulf %add3A_672, %mul3A_677 : vector<16xf32>
      %select_n3A_679 = arith.select %gt3A_675, %add3A_672, %mul3A_678 : vector<16xi1>, vector<16xf32>
      %exp3A_680 = math.exp %select_n3A_679 : vector<16xf32>
      %mul3A_681 = arith.constant 128 : i32
      %mul3A_682 = arith.muli %add3A_411, %mul3A_681 : i32
      %add3A_683 = arith.addi %mul3A_23, %mul3A_682 : i32
      %mul3A_684 = arith.constant 16 : i32
      %mul3A_685 = arith.muli %scan3A_659, %mul3A_684 : i32
      %add3A_686 = arith.addi %add3A_683, %mul3A_685 : i32
      %iota3A_687 = tpu.iota {dimensions = array<i32: 0>} : vector<16xi32>
      %add3A_688 = vector.broadcast %add3A_686 : i32 to vector<16xi32>
      %add3A_689 = arith.addi %add3A_688, %iota3A_687 : vector<16xi32>
      %lt3A_690 = arith.constant 330000 : i32
      %lt3A_691 = vector.broadcast %lt3A_690 : i32 to vector<16xi32>
      %lt3A_692 = arith.cmpi slt, %add3A_689, %lt3A_691 : vector<16xi32>
      %jit3A_693 = arith.constant 0.000000e+00 : f32
      %broadcast_in_dim3A_694 = vector.broadcast %jit3A_693 : f32 to vector<16xf32>
      %select_n3A_695 = arith.select %lt3A_692, %exp3A_680, %broadcast_in_dim3A_694 : vector<16xi1>, vector<16xf32>
      %mul3A_696 = arith.constant 16 : i32
      %mul3A_697 = arith.muli %scan3A_659, %mul3A_696 : i32
      %swap3A_698 = arith.index_cast %mul3A_697 : i32 to index
      %swap3A_699 = tpu.vector_load %arg13[%swap3A_698] {strides = array<i32>} : memref<128xf32, #tpu.memory_space<vmem>>, vector<16xf32>,
      tpu.vector_store %arg13[%swap3A_698], %select_n3A_695 {strides = array<i32>} : memref<128xf32, #tpu.memory_space<vmem>>, vector<16xf32>,
      tpu.vector_store_idx %arg14[%get3A_669], %select_n3A_695 {add = true} : memref<10240xf32, #tpu.memory_space<vmem>>[vector<16xi32>], vector<16xf32>,
      %scan3A_700 = arith.constant 7 : i32
      %mul3A_701 = arith.constant 16 : i32
      %mul3A_702 = arith.muli %scan3A_700, %mul3A_701 : i32
      %get3A_703 = arith.index_cast %add3A_411 : i32 to index
      %get3A_704 = arith.index_cast %mul3A_702 : i32 to index
      %get3A_705 = tpu.vector_load %arg9[%get3A_703, %get3A_704] {strides = array<i32>} : memref<162x128xi32, #tpu.memory_space<vmem>>, vector<16xi32>,
      %mul3A_706 = arith.constant 16 : i32
      %mul3A_707 = arith.muli %scan3A_700, %mul3A_706 : i32
      %get3A_708 = arith.index_cast %add3A_411 : i32 to index
      %get3A_709 = arith.index_cast %mul3A_707 : i32 to index
      %get3A_710 = tpu.vector_load %arg10[%get3A_708, %get3A_709] {strides = array<i32>} : memref<162x128xi32, #tpu.memory_space<vmem>>, vector<16xi32>,
      %gather3A_711 = tpu.vector_load_idx %arg11[%get3A_705] : memref<10240xf32, #tpu.memory_space<vmem>>[vector<16xi32>], vector<16xf32>,
      %gather3A_712 = tpu.vector_load_idx %arg12[%get3A_710] : memref<10240xf32, #tpu.memory_space<vmem>>[vector<16xi32>], vector<16xf32>,
      %add3A_713 = arith.addf %gather3A_711, %gather3A_712 : vector<16xf32>
      %gt3A_714 = arith.constant 0.000000e+00 : f32
      %gt3A_715 = vector.broadcast %gt3A_714 : f32 to vector<16xf32>
      %gt3A_716 = arith.cmpf ogt, %add3A_713, %gt3A_715 : vector<16xf32>
      %mul3A_717 = arith.constant 2.000000e-01 : f32
      %mul3A_718 = vector.broadcast %mul3A_717 : f32 to vector<16xf32>
      %mul3A_719 = arith.mulf %add3A_713, %mul3A_718 : vector<16xf32>
      %select_n3A_720 = arith.select %gt3A_716, %add3A_713, %mul3A_719 : vector<16xi1>, vector<16xf32>
      %exp3A_721 = math.exp %select_n3A_720 : vector<16xf32>
      %mul3A_722 = arith.constant 128 : i32
      %mul3A_723 = arith.muli %add3A_411, %mul3A_722 : i32
      %add3A_724 = arith.addi %mul3A_23, %mul3A_723 : i32
      %mul3A_725 = arith.constant 16 : i32
      %mul3A_726 = arith.muli %scan3A_700, %mul3A_725 : i32
      %add3A_727 = arith.addi %add3A_724, %mul3A_726 : i32
      %iota3A_728 = tpu.iota {dimensions = array<i32: 0>} : vector<16xi32>
      %add3A_729 = vector.broadcast %add3A_727 : i32 to vector<16xi32>
      %add3A_730 = arith.addi %add3A_729, %iota3A_728 : vector<16xi32>
      %lt3A_731 = arith.constant 330000 : i32
      %lt3A_732 = vector.broadcast %lt3A_731 : i32 to vector<16xi32>
      %lt3A_733 = arith.cmpi slt, %add3A_730, %lt3A_732 : vector<16xi32>
      %jit3A_734 = arith.constant 0.000000e+00 : f32
      %broadcast_in_dim3A_735 = vector.broadcast %jit3A_734 : f32 to vector<16xf32>
      %select_n3A_736 = arith.select %lt3A_733, %exp3A_721, %broadcast_in_dim3A_735 : vector<16xi1>, vector<16xf32>
      %mul3A_737 = arith.constant 16 : i32
      %mul3A_738 = arith.muli %scan3A_700, %mul3A_737 : i32
      %swap3A_739 = arith.index_cast %mul3A_738 : i32 to index
      %swap3A_740 = tpu.vector_load %arg13[%swap3A_739] {strides = array<i32>} : memref<128xf32, #tpu.memory_space<vmem>>, vector<16xf32>,
      tpu.vector_store %arg13[%swap3A_739], %select_n3A_736 {strides = array<i32>} : memref<128xf32, #tpu.memory_space<vmem>>, vector<16xf32>,
      tpu.vector_store_idx %arg14[%get3A_710], %select_n3A_736 {add = true} : memref<10240xf32, #tpu.memory_space<vmem>>[vector<16xi32>], vector<16xf32>,
      %scan3A_741 = arith.constant 8 : i32
      %dma_wait3A_742 = arith.constant 0 : i32
      %dma_wait3A_743 = tpu.memref_slice %arg9[%add3A_411, %dma_wait3A_742] : memref<162x128xi32, #tpu.memory_space<vmem>> -> memref<1x128xi32, #tpu.memory_space<vmem>>
      %dma_wait3A_744 = tpu.memref_squeeze %dma_wait3A_743 : memref<1x128xi32, #tpu.memory_space<vmem>> -> memref<128xi32, #tpu.memory_space<vmem>>
      %dma_wait3A_745 = arith.constant 0 : i32
      %dma_wait3A_746 = arith.constant 0 : i32
      %dma_wait3A_747 = tpu.memref_slice %arg6[%arg0, %dma_wait3A_745, %dma_wait3A_746] : memref<2x10240x64xf32, #tpu.memory_space<hbm>> -> memref<1x10240x64xf32, #tpu.memory_space<hbm>>
      %dma_wait3A_748 = tpu.memref_squeeze %dma_wait3A_747 : memref<1x10240x64xf32, #tpu.memory_space<hbm>> -> memref<10240x64xf32, #tpu.memory_space<hbm>>
      %dma_wait3A_749 = arith.constant 0 : i32
      %dma_wait3A_750 = arith.constant 0 : i32
      %dma_wait3A_751 = tpu.memref_slice %dma_wait3A_748[%dma_wait3A_749, %dma_wait3A_750] : memref<10240x64xf32, #tpu.memory_space<hbm>> -> memref<10240x64xf32, #tpu.memory_space<hbm>>
      tpu.wait_indirect_dma semaphore(%arg18 : memref<!tpu.dma_semaphore, #tpu.memory_space<semaphore_mem>>) src(%dma_wait3A_751 : memref<10240x64xf32, #tpu.memory_space<hbm>>) dst(%arg16 : memref<128x64xf32, #tpu.memory_space<vmem>>)
      %ge3A_752 = arith.constant 1 : i32
      %ge3A_753 = arith.cmpi sge, %add3A_411, %ge3A_752 : i32
      %convert_element_type3A_754 = arith.extui %ge3A_753 : i1 to i32
      %cond3A_755 = arith.constant 0 : i32
      %cond3A_756 = arith.cmpi ne, %convert_element_type3A_754, %cond3A_755 : i32
      scf.if %cond3A_756 {
        %dma_wait3A_776 = arith.constant 0 : i32
        %dma_wait3A_777 = tpu.memref_slice %arg10[%add3A_411, %dma_wait3A_776] : memref<162x128xi32, #tpu.memory_space<vmem>> -> memref<1x128xi32, #tpu.memory_space<vmem>>
        %dma_wait3A_778 = tpu.memref_squeeze %dma_wait3A_777 : memref<1x128xi32, #tpu.memory_space<vmem>> -> memref<128xi32, #tpu.memory_space<vmem>>
        %dma_wait3A_779 = arith.constant 0 : i32
        %dma_wait3A_780 = arith.constant 0 : i32
        %dma_wait3A_781 = tpu.memref_slice %arg17[%dma_wait3A_779, %dma_wait3A_780] : memref<10240x64xf32, #tpu.memory_space<vmem_shared>> -> memref<10240x64xf32, #tpu.memory_space<vmem_shared>>
        tpu.wait_indirect_dma semaphore(%arg19 : memref<!tpu.dma_semaphore, #tpu.memory_space<semaphore_mem>>) src(%arg15 : memref<128x64xf32, #tpu.memory_space<vmem>>) dst(%dma_wait3A_781 : memref<10240x64xf32, #tpu.memory_space<vmem_shared>>)
      } else {
      }
      %add3A_757 = arith.constant 1 : i32
      %add3A_758 = arith.addi %add3A_411, %add3A_757 : i32
      %lt3A_759 = arith.constant 162 : i32
      %lt3A_760 = arith.cmpi slt, %add3A_758, %lt3A_759 : i32
      %convert_element_type3A_761 = arith.extui %lt3A_760 : i1 to i32
      %cond3A_762 = arith.constant 0 : i32
      %cond3A_763 = arith.cmpi ne, %convert_element_type3A_761, %cond3A_762 : i32
      scf.if %cond3A_763 {
        %add3A_776 = arith.constant 1 : i32
        %add3A_777 = arith.addi %add3A_411, %add3A_776 : i32
        %dma_start3A_778 = arith.constant 0 : i32
        %dma_start3A_779 = tpu.memref_slice %arg9[%add3A_777, %dma_start3A_778] : memref<162x128xi32, #tpu.memory_space<vmem>> -> memref<1x128xi32, #tpu.memory_space<vmem>>
        %dma_start3A_780 = tpu.memref_squeeze %dma_start3A_779 : memref<1x128xi32, #tpu.memory_space<vmem>> -> memref<128xi32, #tpu.memory_space<vmem>>
        %dma_start3A_781 = arith.constant 0 : i32
        %dma_start3A_782 = arith.constant 0 : i32
        %dma_start3A_783 = tpu.memref_slice %arg6[%arg0, %dma_start3A_781, %dma_start3A_782] : memref<2x10240x64xf32, #tpu.memory_space<hbm>> -> memref<1x10240x64xf32, #tpu.memory_space<hbm>>
        %dma_start3A_784 = tpu.memref_squeeze %dma_start3A_783 : memref<1x10240x64xf32, #tpu.memory_space<hbm>> -> memref<10240x64xf32, #tpu.memory_space<hbm>>
        %dma_start3A_785 = arith.constant 0 : i32
        %dma_start3A_786 = arith.constant 0 : i32
        %dma_start3A_787 = tpu.memref_slice %dma_start3A_784[%dma_start3A_785, %dma_start3A_786] : memref<10240x64xf32, #tpu.memory_space<hbm>> -> memref<10240x64xf32, #tpu.memory_space<hbm>>
        tpu.enqueue_indirect_dma source(%dma_start3A_787 : memref<10240x64xf32, #tpu.memory_space<hbm>>) target(%arg15 : memref<128x64xf32, #tpu.memory_space<vmem>>) offsets(%dma_start3A_780 : memref<128xi32, #tpu.memory_space<vmem>>) semaphore(%arg18 : memref<!tpu.dma_semaphore, #tpu.memory_space<semaphore_mem>>)
      } else {
      }
      %scan3A_764 = arith.constant 0 : i32
      %scan3A_765 = arith.constant 0 : i32
      %scan3A_766 = arith.constant 128 : i32
      %scan3A_767 = arith.addi %scan3A_765, %scan3A_766 : i32
      %scan3A_768 = arith.constant 4 : i32
      scf.for %scan3A_776 = %scan3A_765 to %scan3A_767 step %scan3A_768  : i32 {
        %broadcast_in_dim3A_777 = vector.broadcast %scan3A_776 : i32 to vector<16xi32>
        %gather3A_778 = tpu.vector_load_idx %arg13[%broadcast_in_dim3A_777] : memref<128xf32, #tpu.memory_space<vmem>>[vector<16xi32>], vector<16xf32>,
        %get3A_779 = arith.index_cast %scan3A_776 : i32 to index
        %get3A_780 = arith.constant 0 : index
        %get3A_781 = tpu.vector_load %arg16[%get3A_779, %get3A_780] {strides = array<i32>} : memref<128x64xf32, #tpu.memory_space<vmem>>, vector<16xf32>,
        %mul3A_782 = arith.mulf %get3A_781, %gather3A_778 : vector<16xf32>
        %swap3A_783 = arith.index_cast %scan3A_776 : i32 to index
        %swap3A_784 = arith.constant 0 : index
        %swap3A_785 = tpu.vector_load %arg16[%swap3A_783, %swap3A_784] {strides = array<i32>} : memref<128x64xf32, #tpu.memory_space<vmem>>, vector<16xf32>,
        tpu.vector_store %arg16[%swap3A_783, %swap3A_784], %mul3A_782 {strides = array<i32>} : memref<128x64xf32, #tpu.memory_space<vmem>>, vector<16xf32>,
        %get3A_786 = arith.index_cast %scan3A_776 : i32 to index
        %get3A_787 = arith.constant 16 : index
        %get3A_788 = tpu.vector_load %arg16[%get3A_786, %get3A_787] {strides = array<i32>} : memref<128x64xf32, #tpu.memory_space<vmem>>, vector<16xf32>,
        %mul3A_789 = arith.mulf %get3A_788, %gather3A_778 : vector<16xf32>
        %swap3A_790 = arith.index_cast %scan3A_776 : i32 to index
        %swap3A_791 = arith.constant 16 : index
        %swap3A_792 = tpu.vector_load %arg16[%swap3A_790, %swap3A_791] {strides = array<i32>} : memref<128x64xf32, #tpu.memory_space<vmem>>, vector<16xf32>,
        tpu.vector_store %arg16[%swap3A_790, %swap3A_791], %mul3A_789 {strides = array<i32>} : memref<128x64xf32, #tpu.memory_space<vmem>>, vector<16xf32>,
        %get3A_793 = arith.index_cast %scan3A_776 : i32 to index
        %get3A_794 = arith.constant 32 : index
        %get3A_795 = tpu.vector_load %arg16[%get3A_793, %get3A_794] {strides = array<i32>} : memref<128x64xf32, #tpu.memory_space<vmem>>, vector<16xf32>,
        %mul3A_796 = arith.mulf %get3A_795, %gather3A_778 : vector<16xf32>
        %swap3A_797 = arith.index_cast %scan3A_776 : i32 to index
        %swap3A_798 = arith.constant 32 : index
        %swap3A_799 = tpu.vector_load %arg16[%swap3A_797, %swap3A_798] {strides = array<i32>} : memref<128x64xf32, #tpu.memory_space<vmem>>, vector<16xf32>,
        tpu.vector_store %arg16[%swap3A_797, %swap3A_798], %mul3A_796 {strides = array<i32>} : memref<128x64xf32, #tpu.memory_space<vmem>>, vector<16xf32>,
        %get3A_800 = arith.index_cast %scan3A_776 : i32 to index
        %get3A_801 = arith.constant 48 : index
        %get3A_802 = tpu.vector_load %arg16[%get3A_800, %get3A_801] {strides = array<i32>} : memref<128x64xf32, #tpu.memory_space<vmem>>, vector<16xf32>,
        %mul3A_803 = arith.mulf %get3A_802, %gather3A_778 : vector<16xf32>
        %swap3A_804 = arith.index_cast %scan3A_776 : i32 to index
        %swap3A_805 = arith.constant 48 : index
        %swap3A_806 = tpu.vector_load %arg16[%swap3A_804, %swap3A_805] {strides = array<i32>} : memref<128x64xf32, #tpu.memory_space<vmem>>, vector<16xf32>,
        tpu.vector_store %arg16[%swap3A_804, %swap3A_805], %mul3A_803 {strides = array<i32>} : memref<128x64xf32, #tpu.memory_space<vmem>>, vector<16xf32>,
        %scan3A_807 = arith.constant 1 : i32
        %scan3A_808 = arith.addi %scan3A_776, %scan3A_807 : i32
        %broadcast_in_dim3A_809 = vector.broadcast %scan3A_808 : i32 to vector<16xi32>
        %gather3A_810 = tpu.vector_load_idx %arg13[%broadcast_in_dim3A_809] : memref<128xf32, #tpu.memory_space<vmem>>[vector<16xi32>], vector<16xf32>,
        %get3A_811 = arith.index_cast %scan3A_808 : i32 to index
        %get3A_812 = arith.constant 0 : index
        %get3A_813 = tpu.vector_load %arg16[%get3A_811, %get3A_812] {strides = array<i32>} : memref<128x64xf32, #tpu.memory_space<vmem>>, vector<16xf32>,
        %mul3A_814 = arith.mulf %get3A_813, %gather3A_810 : vector<16xf32>
        %swap3A_815 = arith.index_cast %scan3A_808 : i32 to index
        %swap3A_816 = arith.constant 0 : index
        %swap3A_817 = tpu.vector_load %arg16[%swap3A_815, %swap3A_816] {strides = array<i32>} : memref<128x64xf32, #tpu.memory_space<vmem>>, vector<16xf32>,
        tpu.vector_store %arg16[%swap3A_815, %swap3A_816], %mul3A_814 {strides = array<i32>} : memref<128x64xf32, #tpu.memory_space<vmem>>, vector<16xf32>,
        %get3A_818 = arith.index_cast %scan3A_808 : i32 to index
        %get3A_819 = arith.constant 16 : index
        %get3A_820 = tpu.vector_load %arg16[%get3A_818, %get3A_819] {strides = array<i32>} : memref<128x64xf32, #tpu.memory_space<vmem>>, vector<16xf32>,
        %mul3A_821 = arith.mulf %get3A_820, %gather3A_810 : vector<16xf32>
        %swap3A_822 = arith.index_cast %scan3A_808 : i32 to index
        %swap3A_823 = arith.constant 16 : index
        %swap3A_824 = tpu.vector_load %arg16[%swap3A_822, %swap3A_823] {strides = array<i32>} : memref<128x64xf32, #tpu.memory_space<vmem>>, vector<16xf32>,
        tpu.vector_store %arg16[%swap3A_822, %swap3A_823], %mul3A_821 {strides = array<i32>} : memref<128x64xf32, #tpu.memory_space<vmem>>, vector<16xf32>,
        %get3A_825 = arith.index_cast %scan3A_808 : i32 to index
        %get3A_826 = arith.constant 32 : index
        %get3A_827 = tpu.vector_load %arg16[%get3A_825, %get3A_826] {strides = array<i32>} : memref<128x64xf32, #tpu.memory_space<vmem>>, vector<16xf32>,
        %mul3A_828 = arith.mulf %get3A_827, %gather3A_810 : vector<16xf32>
        %swap3A_829 = arith.index_cast %scan3A_808 : i32 to index
        %swap3A_830 = arith.constant 32 : index
        %swap3A_831 = tpu.vector_load %arg16[%swap3A_829, %swap3A_830] {strides = array<i32>} : memref<128x64xf32, #tpu.memory_space<vmem>>, vector<16xf32>,
        tpu.vector_store %arg16[%swap3A_829, %swap3A_830], %mul3A_828 {strides = array<i32>} : memref<128x64xf32, #tpu.memory_space<vmem>>, vector<16xf32>,
        %get3A_832 = arith.index_cast %scan3A_808 : i32 to index
        %get3A_833 = arith.constant 48 : index
        %get3A_834 = tpu.vector_load %arg16[%get3A_832, %get3A_833] {strides = array<i32>} : memref<128x64xf32, #tpu.memory_space<vmem>>, vector<16xf32>,
        %mul3A_835 = arith.mulf %get3A_834, %gather3A_810 : vector<16xf32>
        %swap3A_836 = arith.index_cast %scan3A_808 : i32 to index
        %swap3A_837 = arith.constant 48 : index
        %swap3A_838 = tpu.vector_load %arg16[%swap3A_836, %swap3A_837] {strides = array<i32>} : memref<128x64xf32, #tpu.memory_space<vmem>>, vector<16xf32>,
        tpu.vector_store %arg16[%swap3A_836, %swap3A_837], %mul3A_835 {strides = array<i32>} : memref<128x64xf32, #tpu.memory_space<vmem>>, vector<16xf32>,
        %scan3A_839 = arith.constant 2 : i32
        %scan3A_840 = arith.addi %scan3A_776, %scan3A_839 : i32
        %broadcast_in_dim3A_841 = vector.broadcast %scan3A_840 : i32 to vector<16xi32>
        %gather3A_842 = tpu.vector_load_idx %arg13[%broadcast_in_dim3A_841] : memref<128xf32, #tpu.memory_space<vmem>>[vector<16xi32>], vector<16xf32>,
        %get3A_843 = arith.index_cast %scan3A_840 : i32 to index
        %get3A_844 = arith.constant 0 : index
        %get3A_845 = tpu.vector_load %arg16[%get3A_843, %get3A_844] {strides = array<i32>} : memref<128x64xf32, #tpu.memory_space<vmem>>, vector<16xf32>,
        %mul3A_846 = arith.mulf %get3A_845, %gather3A_842 : vector<16xf32>
        %swap3A_847 = arith.index_cast %scan3A_840 : i32 to index
        %swap3A_848 = arith.constant 0 : index
        %swap3A_849 = tpu.vector_load %arg16[%swap3A_847, %swap3A_848] {strides = array<i32>} : memref<128x64xf32, #tpu.memory_space<vmem>>, vector<16xf32>,
        tpu.vector_store %arg16[%swap3A_847, %swap3A_848], %mul3A_846 {strides = array<i32>} : memref<128x64xf32, #tpu.memory_space<vmem>>, vector<16xf32>,
        %get3A_850 = arith.index_cast %scan3A_840 : i32 to index
        %get3A_851 = arith.constant 16 : index
        %get3A_852 = tpu.vector_load %arg16[%get3A_850, %get3A_851] {strides = array<i32>} : memref<128x64xf32, #tpu.memory_space<vmem>>, vector<16xf32>,
        %mul3A_853 = arith.mulf %get3A_852, %gather3A_842 : vector<16xf32>
        %swap3A_854 = arith.index_cast %scan3A_840 : i32 to index
        %swap3A_855 = arith.constant 16 : index
        %swap3A_856 = tpu.vector_load %arg16[%swap3A_854, %swap3A_855] {strides = array<i32>} : memref<128x64xf32, #tpu.memory_space<vmem>>, vector<16xf32>,
        tpu.vector_store %arg16[%swap3A_854, %swap3A_855], %mul3A_853 {strides = array<i32>} : memref<128x64xf32, #tpu.memory_space<vmem>>, vector<16xf32>,
        %get3A_857 = arith.index_cast %scan3A_840 : i32 to index
        %get3A_858 = arith.constant 32 : index
        %get3A_859 = tpu.vector_load %arg16[%get3A_857, %get3A_858] {strides = array<i32>} : memref<128x64xf32, #tpu.memory_space<vmem>>, vector<16xf32>,
        %mul3A_860 = arith.mulf %get3A_859, %gather3A_842 : vector<16xf32>
        %swap3A_861 = arith.index_cast %scan3A_840 : i32 to index
        %swap3A_862 = arith.constant 32 : index
        %swap3A_863 = tpu.vector_load %arg16[%swap3A_861, %swap3A_862] {strides = array<i32>} : memref<128x64xf32, #tpu.memory_space<vmem>>, vector<16xf32>,
        tpu.vector_store %arg16[%swap3A_861, %swap3A_862], %mul3A_860 {strides = array<i32>} : memref<128x64xf32, #tpu.memory_space<vmem>>, vector<16xf32>,
        %get3A_864 = arith.index_cast %scan3A_840 : i32 to index
        %get3A_865 = arith.constant 48 : index
        %get3A_866 = tpu.vector_load %arg16[%get3A_864, %get3A_865] {strides = array<i32>} : memref<128x64xf32, #tpu.memory_space<vmem>>, vector<16xf32>,
        %mul3A_867 = arith.mulf %get3A_866, %gather3A_842 : vector<16xf32>
        %swap3A_868 = arith.index_cast %scan3A_840 : i32 to index
        %swap3A_869 = arith.constant 48 : index
        %swap3A_870 = tpu.vector_load %arg16[%swap3A_868, %swap3A_869] {strides = array<i32>} : memref<128x64xf32, #tpu.memory_space<vmem>>, vector<16xf32>,
        tpu.vector_store %arg16[%swap3A_868, %swap3A_869], %mul3A_867 {strides = array<i32>} : memref<128x64xf32, #tpu.memory_space<vmem>>, vector<16xf32>,
        %scan3A_871 = arith.constant 3 : i32
        %scan3A_872 = arith.addi %scan3A_776, %scan3A_871 : i32
        %broadcast_in_dim3A_873 = vector.broadcast %scan3A_872 : i32 to vector<16xi32>
        %gather3A_874 = tpu.vector_load_idx %arg13[%broadcast_in_dim3A_873] : memref<128xf32, #tpu.memory_space<vmem>>[vector<16xi32>], vector<16xf32>,
        %get3A_875 = arith.index_cast %scan3A_872 : i32 to index
        %get3A_876 = arith.constant 0 : index
        %get3A_877 = tpu.vector_load %arg16[%get3A_875, %get3A_876] {strides = array<i32>} : memref<128x64xf32, #tpu.memory_space<vmem>>, vector<16xf32>,
        %mul3A_878 = arith.mulf %get3A_877, %gather3A_874 : vector<16xf32>
        %swap3A_879 = arith.index_cast %scan3A_872 : i32 to index
        %swap3A_880 = arith.constant 0 : index
        %swap3A_881 = tpu.vector_load %arg16[%swap3A_879, %swap3A_880] {strides = array<i32>} : memref<128x64xf32, #tpu.memory_space<vmem>>, vector<16xf32>,
        tpu.vector_store %arg16[%swap3A_879, %swap3A_880], %mul3A_878 {strides = array<i32>} : memref<128x64xf32, #tpu.memory_space<vmem>>, vector<16xf32>,
        %get3A_882 = arith.index_cast %scan3A_872 : i32 to index
        %get3A_883 = arith.constant 16 : index
        %get3A_884 = tpu.vector_load %arg16[%get3A_882, %get3A_883] {strides = array<i32>} : memref<128x64xf32, #tpu.memory_space<vmem>>, vector<16xf32>,
        %mul3A_885 = arith.mulf %get3A_884, %gather3A_874 : vector<16xf32>
        %swap3A_886 = arith.index_cast %scan3A_872 : i32 to index
        %swap3A_887 = arith.constant 16 : index
        %swap3A_888 = tpu.vector_load %arg16[%swap3A_886, %swap3A_887] {strides = array<i32>} : memref<128x64xf32, #tpu.memory_space<vmem>>, vector<16xf32>,
        tpu.vector_store %arg16[%swap3A_886, %swap3A_887], %mul3A_885 {strides = array<i32>} : memref<128x64xf32, #tpu.memory_space<vmem>>, vector<16xf32>,
        %get3A_889 = arith.index_cast %scan3A_872 : i32 to index
        %get3A_890 = arith.constant 32 : index
        %get3A_891 = tpu.vector_load %arg16[%get3A_889, %get3A_890] {strides = array<i32>} : memref<128x64xf32, #tpu.memory_space<vmem>>, vector<16xf32>,
        %mul3A_892 = arith.mulf %get3A_891, %gather3A_874 : vector<16xf32>
        %swap3A_893 = arith.index_cast %scan3A_872 : i32 to index
        %swap3A_894 = arith.constant 32 : index
        %swap3A_895 = tpu.vector_load %arg16[%swap3A_893, %swap3A_894] {strides = array<i32>} : memref<128x64xf32, #tpu.memory_space<vmem>>, vector<16xf32>,
        tpu.vector_store %arg16[%swap3A_893, %swap3A_894], %mul3A_892 {strides = array<i32>} : memref<128x64xf32, #tpu.memory_space<vmem>>, vector<16xf32>,
        %get3A_896 = arith.index_cast %scan3A_872 : i32 to index
        %get3A_897 = arith.constant 48 : index
        %get3A_898 = tpu.vector_load %arg16[%get3A_896, %get3A_897] {strides = array<i32>} : memref<128x64xf32, #tpu.memory_space<vmem>>, vector<16xf32>,
        %mul3A_899 = arith.mulf %get3A_898, %gather3A_874 : vector<16xf32>
        %swap3A_900 = arith.index_cast %scan3A_872 : i32 to index
        %swap3A_901 = arith.constant 48 : index
        %swap3A_902 = tpu.vector_load %arg16[%swap3A_900, %swap3A_901] {strides = array<i32>} : memref<128x64xf32, #tpu.memory_space<vmem>>, vector<16xf32>,
        tpu.vector_store %arg16[%swap3A_900, %swap3A_901], %mul3A_899 {strides = array<i32>} : memref<128x64xf32, #tpu.memory_space<vmem>>, vector<16xf32>,
      }
      %scan3A_769 = arith.constant 128 : i32
      %dma_start3A_770 = arith.constant 0 : i32
      %dma_start3A_771 = tpu.memref_slice %arg10[%add3A_411, %dma_start3A_770] : memref<162x128xi32, #tpu.memory_space<vmem>> -> memref<1x128xi32, #tpu.memory_space<vmem>>
      %dma_start3A_772 = tpu.memref_squeeze %dma_start3A_771 : memref<1x128xi32, #tpu.memory_space<vmem>> -> memref<128xi32, #tpu.memory_space<vmem>>
      %dma_start3A_773 = arith.constant 0 : i32
      %dma_start3A_774 = arith.constant 0 : i32
      %dma_start3A_775 = tpu.memref_slice %arg17[%dma_start3A_773, %dma_start3A_774] : memref<10240x64xf32, #tpu.memory_space<vmem_shared>> -> memref<10240x64xf32, #tpu.memory_space<vmem_shared>>
      tpu.enqueue_indirect_dma source(%arg16 : memref<128x64xf32, #tpu.memory_space<vmem>>) target(%dma_start3A_775 : memref<10240x64xf32, #tpu.memory_space<vmem_shared>>) offsets(%dma_start3A_772 : memref<128xi32, #tpu.memory_space<vmem>>) semaphore(%arg19 : memref<!tpu.dma_semaphore, #tpu.memory_space<semaphore_mem>>) {add = true}
    }
    %scan3A_39 = arith.constant 81 : i32
    %dma_wait3A = arith.constant 0 : i32
    %dma_wait3A_40 = arith.constant 0 : i32
    %dma_wait3A_41 = tpu.memref_slice %arg10[%dma_wait3A, %dma_wait3A_40] : memref<162x128xi32, #tpu.memory_space<vmem>> -> memref<1x128xi32, #tpu.memory_space<vmem>>
    %dma_wait3A_42 = tpu.memref_squeeze %dma_wait3A_41 : memref<1x128xi32, #tpu.memory_space<vmem>> -> memref<128xi32, #tpu.memory_space<vmem>>
    %dma_wait3A_43 = arith.constant 0 : i32
    %dma_wait3A_44 = arith.constant 0 : i32
    %dma_wait3A_45 = tpu.memref_slice %arg17[%dma_wait3A_43, %dma_wait3A_44] : memref<10240x64xf32, #tpu.memory_space<vmem_shared>> -> memref<10240x64xf32, #tpu.memory_space<vmem_shared>>
    tpu.wait_indirect_dma semaphore(%arg19 : memref<!tpu.dma_semaphore, #tpu.memory_space<semaphore_mem>>) src(%arg16 : memref<128x64xf32, #tpu.memory_space<vmem>>) dst(%dma_wait3A_45 : memref<10240x64xf32, #tpu.memory_space<vmem_shared>>)
    %barrier3A_46 = arith.constant 0 : index
    tpu.barrier barrier_id(%barrier3A_46)
    "tpu.region"() ({
      %run_scoped3A = tpu.sem_alloc : memref<!tpu.dma_semaphore, #tpu.memory_space<semaphore_mem>>
      %dma_start3A_49 = arith.constant 0 : i32
      %dma_start3A_50 = tpu.memref_slice %arg7[%arg0, %mul3A_0, %dma_start3A_49] : memref<2x10240x64xf32, #tpu.memory_space<hbm>> -> memref<1x640x64xf32, #tpu.memory_space<hbm>>
      %dma_start3A_51 = tpu.memref_squeeze %dma_start3A_50 : memref<1x640x64xf32, #tpu.memory_space<hbm>> -> memref<640x64xf32, #tpu.memory_space<hbm>>
      %dma_start3A_52 = arith.constant 0 : i32
      %dma_start3A_53 = tpu.memref_slice %arg17[%mul3A_0, %dma_start3A_52] : memref<10240x64xf32, #tpu.memory_space<vmem_shared>> -> memref<640x64xf32, #tpu.memory_space<vmem_shared>>
      tpu.enqueue_dma source(%dma_start3A_53 : memref<640x64xf32, #tpu.memory_space<vmem_shared>>) target(%dma_start3A_51 : memref<640x64xf32, #tpu.memory_space<hbm>>) target_semaphore(%run_scoped3A : memref<!tpu.dma_semaphore, #tpu.memory_space<semaphore_mem>>)
      %dma_wait3A_54 = arith.constant 0 : i32
      %dma_wait3A_55 = tpu.memref_slice %arg7[%arg0, %mul3A_0, %dma_wait3A_54] : memref<2x10240x64xf32, #tpu.memory_space<hbm>> -> memref<1x640x64xf32, #tpu.memory_space<hbm>>
      %dma_wait3A_56 = tpu.memref_squeeze %dma_wait3A_55 : memref<1x640x64xf32, #tpu.memory_space<hbm>> -> memref<640x64xf32, #tpu.memory_space<hbm>>
      %dma_wait3A_57 = arith.constant 0 : i32
      %dma_wait3A_58 = tpu.memref_slice %arg17[%mul3A_0, %dma_wait3A_57] : memref<10240x64xf32, #tpu.memory_space<vmem_shared>> -> memref<640x64xf32, #tpu.memory_space<vmem_shared>>
      tpu.wait_dma2 semaphore(%run_scoped3A : memref<!tpu.dma_semaphore, #tpu.memory_space<semaphore_mem>>) src(%dma_wait3A_58 : memref<640x64xf32, #tpu.memory_space<vmem_shared>>) dst(%dma_wait3A_56 : memref<640x64xf32, #tpu.memory_space<hbm>>)
      tpu.yield
    }) : () -> ()
    %eq3A = arith.constant 0 : i32
    %eq3A_47 = arith.cmpi eq, %arg0, %eq3A : i32
    %convert_element_type3A = arith.extui %eq3A_47 : i1 to i32
    %cond3A = arith.constant 0 : i32
    %cond3A_48 = arith.cmpi ne, %convert_element_type3A, %cond3A : i32
    scf.if %cond3A_48 {
      "tpu.region"() ({
        %run_scoped3A = tpu.sem_alloc : memref<!tpu.dma_semaphore, #tpu.memory_space<semaphore_mem>>
        %dma_start3A_49 = arith.constant 0 : i32
        %dma_start3A_50 = tpu.memref_slice %arg8[%arg1, %dma_start3A_49] : memref<16x10240xf32, #tpu.memory_space<hbm>> -> memref<1x10240xf32, #tpu.memory_space<hbm>>
        %dma_start3A_51 = tpu.memref_squeeze %dma_start3A_50 : memref<1x10240xf32, #tpu.memory_space<hbm>> -> memref<10240xf32, #tpu.memory_space<hbm>>
        %dma_start3A_52 = arith.constant 0 : i32
        %dma_start3A_53 = tpu.memref_slice %arg8[%arg1, %dma_start3A_52] : memref<16x10240xf32, #tpu.memory_space<hbm>> -> memref<1x10240xf32, #tpu.memory_space<hbm>>
        %dma_start3A_54 = tpu.memref_squeeze %dma_start3A_53 : memref<1x10240xf32, #tpu.memory_space<hbm>> -> memref<10240xf32, #tpu.memory_space<hbm>>
        tpu.enqueue_dma source(%arg14 : memref<10240xf32, #tpu.memory_space<vmem>>) target(%dma_start3A_54 : memref<10240xf32, #tpu.memory_space<hbm>>) target_semaphore(%run_scoped3A : memref<!tpu.dma_semaphore, #tpu.memory_space<semaphore_mem>>)
        %dma_wait3A_55 = arith.constant 0 : i32
        %dma_wait3A_56 = tpu.memref_slice %arg8[%arg1, %dma_wait3A_55] : memref<16x10240xf32, #tpu.memory_space<hbm>> -> memref<1x10240xf32, #tpu.memory_space<hbm>>
        %dma_wait3A_57 = tpu.memref_squeeze %dma_wait3A_56 : memref<1x10240xf32, #tpu.memory_space<hbm>> -> memref<10240xf32, #tpu.memory_space<hbm>>
        %dma_wait3A_58 = arith.constant 0 : i32
        %dma_wait3A_59 = tpu.memref_slice %arg8[%arg1, %dma_wait3A_58] : memref<16x10240xf32, #tpu.memory_space<hbm>> -> memref<1x10240xf32, #tpu.memory_space<hbm>>
        %dma_wait3A_60 = tpu.memref_squeeze %dma_wait3A_59 : memref<1x10240xf32, #tpu.memory_space<hbm>> -> memref<10240xf32, #tpu.memory_space<hbm>>
        tpu.wait_dma2 semaphore(%run_scoped3A : memref<!tpu.dma_semaphore, #tpu.memory_space<semaphore_mem>>) src(%arg14 : memref<10240xf32, #tpu.memory_space<vmem>>) dst(%dma_wait3A_60 : memref<10240xf32, #tpu.memory_space<hbm>>)
        tpu.yield
      }) : () -> ()
    } else {
    }
    return
  }
}

module attributes {stable_mosaic.version = 14 : i64} {
  func.func @_mm_alpha_body(%arg0: i32, %arg1: memref<512x128xf32, #tpu.memory_space<vmem>>, %arg2: memref<128x128xf32, #tpu.memory_space<vmem>>, %arg3: memref<128xf32, #tpu.memory_space<vmem>>, %arg4: memref<128xf32, #tpu.memory_space<vmem>>, %arg5: memref<2x512x64xf32, #tpu.memory_space<vmem>>, %arg6: memref<512xf32, #tpu.memory_space<vmem>>, %arg7: memref<512xf32, #tpu.memory_space<vmem>>) attributes {dimension_semantics = [#tpu.dimension_semantics<arbitrary>], iteration_bounds = array<i64: 20>, scalar_prefetch = 0 : i64, scratch_operands = 0 : i64, tpu.core_type = #tpu.core_type<tc>, window_params = [{transform_indices = @transform_0, window_bounds = array<i64: 512, 128>}, {pipeline_mode = #tpu.pipeline_mode<synchronous>, transform_indices = @transform_1, window_bounds = array<i64: 128, 128>}, {pipeline_mode = #tpu.pipeline_mode<synchronous>, transform_indices = @transform_2, window_bounds = array<i64: 128>}, {pipeline_mode = #tpu.pipeline_mode<synchronous>, transform_indices = @transform_3, window_bounds = array<i64: 128>}, {transform_indices = @transform_4, window_bounds = array<i64: 2, 512, 64>}, {transform_indices = @transform_5, window_bounds = array<i64: 512>}, {transform_indices = @transform_6, window_bounds = array<i64: 512>}]} {
    %get3A = arith.constant 0 : index
    %get3A_0 = arith.constant 0 : index
    %get3A_1 = vector.load %arg1[%get3A, %get3A_0] : memref<512x128xf32, #tpu.memory_space<vmem>>, vector<512x128xf32>
    %get3A_2 = arith.constant 0 : index
    %get3A_3 = arith.constant 0 : index
    %get3A_4 = vector.load %arg2[%get3A_2, %get3A_3] : memref<128x128xf32, #tpu.memory_space<vmem>>, vector<128x128xf32>
    %dot_general3A = arith.constant dense<0.000000e+00> : vector<512x128xf32>
    %dot_general3A_5 = tpu.matmul %get3A_1, %get3A_4, %dot_general3A {dimension_numbers = #tpu.dot_dimension_numbers<[1], [0], [0], [1], [0, 0, 1, 1], [], []>, transpose_lhs_hint = false} : vector<512x128xf32>, vector<128x128xf32>, vector<512x128xf32> -> vector<512x128xf32>
    %slice3A = vector.extract_strided_slice %dot_general3A_5 {offsets = [0, 0], sizes = [512, 64], strides = [1, 1]} : vector<512x128xf32> to vector<512x64xf32>
    %swap3A = arith.constant 0 : index
    %swap3A_6 = arith.constant 0 : index
    %swap3A_7 = arith.constant 0 : index
    %swap3A_8 = vector.load %arg5[%swap3A, %swap3A_6, %swap3A_7] : memref<2x512x64xf32, #tpu.memory_space<vmem>>, vector<1x512x64xf32>
    %swap3A_9 = vector.shape_cast %swap3A_8 : vector<1x512x64xf32> to vector<512x64xf32>
    %swap3A_10 = vector.shape_cast %slice3A : vector<512x64xf32> to vector<1x512x64xf32>
    tpu.vector_store %arg5[%swap3A, %swap3A_6, %swap3A_7], %swap3A_10 {strides = array<i32>} : memref<2x512x64xf32, #tpu.memory_space<vmem>>, vector<1x512x64xf32>,
    %slice3A_11 = vector.extract_strided_slice %dot_general3A_5 {offsets = [0, 64], sizes = [512, 64], strides = [1, 1]} : vector<512x128xf32> to vector<512x64xf32>
    %swap3A_12 = arith.constant 1 : index
    %swap3A_13 = arith.constant 0 : index
    %swap3A_14 = arith.constant 0 : index
    %swap3A_15 = vector.load %arg5[%swap3A_12, %swap3A_13, %swap3A_14] : memref<2x512x64xf32, #tpu.memory_space<vmem>>, vector<1x512x64xf32>
    %swap3A_16 = vector.shape_cast %swap3A_15 : vector<1x512x64xf32> to vector<512x64xf32>
    %swap3A_17 = vector.shape_cast %slice3A_11 : vector<512x64xf32> to vector<1x512x64xf32>
    tpu.vector_store %arg5[%swap3A_12, %swap3A_13, %swap3A_14], %swap3A_17 {strides = array<i32>} : memref<2x512x64xf32, #tpu.memory_space<vmem>>, vector<1x512x64xf32>,
    %get3A_18 = arith.constant 0 : index
    %get3A_19 = vector.load %arg3[%get3A_18] : memref<128xf32, #tpu.memory_space<vmem>>, vector<128xf32>
    %broadcast_in_dim3A = vector.shape_cast %get3A_19 : vector<128xf32> to vector<1x128xf32>
    %mul3A = vector.broadcast %broadcast_in_dim3A : vector<1x128xf32> to vector<512x128xf32>
    %mul3A_20 = arith.mulf %dot_general3A_5, %mul3A : vector<512x128xf32>
    %reduce_sum3A = arith.constant dense<0.000000e+00> : vector<512xf32>
    %reduce_sum3A_21 = vector.multi_reduction <add>, %mul3A_20, %reduce_sum3A [1] : vector<512x128xf32> to vector<512xf32>
    %swap3A_22 = arith.constant 0 : index
    %swap3A_23 = vector.load %arg6[%swap3A_22] : memref<512xf32, #tpu.memory_space<vmem>>, vector<512xf32>
    tpu.vector_store %arg6[%swap3A_22], %reduce_sum3A_21 {strides = array<i32>} : memref<512xf32, #tpu.memory_space<vmem>>, vector<512xf32>,
    %get3A_24 = arith.constant 0 : index
    %get3A_25 = vector.load %arg4[%get3A_24] : memref<128xf32, #tpu.memory_space<vmem>>, vector<128xf32>
    %broadcast_in_dim3A_26 = vector.shape_cast %get3A_25 : vector<128xf32> to vector<1x128xf32>
    %mul3A_27 = vector.broadcast %broadcast_in_dim3A_26 : vector<1x128xf32> to vector<512x128xf32>
    %mul3A_28 = arith.mulf %dot_general3A_5, %mul3A_27 : vector<512x128xf32>
    %reduce_sum3A_29 = arith.constant dense<0.000000e+00> : vector<512xf32>
    %reduce_sum3A_30 = vector.multi_reduction <add>, %mul3A_28, %reduce_sum3A_29 [1] : vector<512x128xf32> to vector<512xf32>
    %swap3A_31 = arith.constant 0 : index
    %swap3A_32 = vector.load %arg7[%swap3A_31] : memref<512xf32, #tpu.memory_space<vmem>>, vector<512xf32>
    tpu.vector_store %arg7[%swap3A_31], %reduce_sum3A_30 {strides = array<i32>} : memref<512xf32, #tpu.memory_space<vmem>>, vector<512xf32>,
    return
  }
  func.func @transform_0(%arg0: i32) -> (i32, i32) {
    %c0_i32 = arith.constant 0 : i32
    %c0_i32_0 = arith.constant 0 : i32
    return %arg0, %c0_i32 : i32, i32
  }
  func.func @transform_1(%arg0: i32) -> (i32, i32) {
    %c0_i32 = arith.constant 0 : i32
    %c0_i32_0 = arith.constant 0 : i32
    %c0_i32_1 = arith.constant 0 : i32
    return %c0_i32, %c0_i32_0 : i32, i32
  }
  func.func @transform_2(%arg0: i32) -> i32 {
    %c0_i32 = arith.constant 0 : i32
    %c0_i32_0 = arith.constant 0 : i32
    return %c0_i32 : i32
  }
  func.func @transform_3(%arg0: i32) -> i32 {
    %c0_i32 = arith.constant 0 : i32
    %c0_i32_0 = arith.constant 0 : i32
    return %c0_i32 : i32
  }
  func.func @transform_4(%arg0: i32) -> (i32, i32, i32) {
    %c0_i32 = arith.constant 0 : i32
    %c0_i32_0 = arith.constant 0 : i32
    %c0_i32_1 = arith.constant 0 : i32
    return %c0_i32, %arg0, %c0_i32_0 : i32, i32, i32
  }
  func.func @transform_5(%arg0: i32) -> i32 {
    %c0_i32 = arith.constant 0 : i32
    return %arg0 : i32
  }
  func.func @transform_6(%arg0: i32) -> i32 {
    %c0_i32 = arith.constant 0 : i32
    return %arg0 : i32
  }
}

module attributes {stable_mosaic.version = 14 : i64} {
  func.func @_ep_mm_body(%arg0: i32, %arg1: memref<2x512x64xf32, #tpu.memory_space<vmem>>, %arg2: memref<16x512xf32, #tpu.memory_space<vmem>>, %arg3: memref<128xf32, #tpu.memory_space<vmem>>, %arg4: memref<128x128xf32, #tpu.memory_space<vmem>>, %arg5: memref<128xf32, #tpu.memory_space<vmem>>, %arg6: memref<128xf32, #tpu.memory_space<vmem>>, %arg7: memref<2x512x64xf32, #tpu.memory_space<vmem>>, %arg8: memref<512xf32, #tpu.memory_space<vmem>>, %arg9: memref<512xf32, #tpu.memory_space<vmem>>) attributes {dimension_semantics = [#tpu.dimension_semantics<arbitrary>], iteration_bounds = array<i64: 20>, scalar_prefetch = 0 : i64, scratch_operands = 0 : i64, tpu.core_type = #tpu.core_type<tc>, window_params = [{transform_indices = @transform_0, window_bounds = array<i64: 2, 512, 64>}, {transform_indices = @transform_1, window_bounds = array<i64: 16, 512>}, {pipeline_mode = #tpu.pipeline_mode<synchronous>, transform_indices = @transform_2, window_bounds = array<i64: 128>}, {pipeline_mode = #tpu.pipeline_mode<synchronous>, transform_indices = @transform_3, window_bounds = array<i64: 128, 128>}, {pipeline_mode = #tpu.pipeline_mode<synchronous>, transform_indices = @transform_4, window_bounds = array<i64: 128>}, {pipeline_mode = #tpu.pipeline_mode<synchronous>, transform_indices = @transform_5, window_bounds = array<i64: 128>}, {transform_indices = @transform_6, window_bounds = array<i64: 2, 512, 64>}, {transform_indices = @transform_7, window_bounds = array<i64: 512>}, {transform_indices = @transform_8, window_bounds = array<i64: 512>}]} {
    %get3A = arith.constant 0 : index
    %get3A_0 = arith.constant 0 : index
    %get3A_1 = arith.constant 0 : index
    %get3A_2 = vector.load %arg1[%get3A, %get3A_0, %get3A_1] : memref<2x512x64xf32, #tpu.memory_space<vmem>>, vector<1x512x64xf32>
    %get3A_3 = vector.shape_cast %get3A_2 : vector<1x512x64xf32> to vector<512x64xf32>
    %get3A_4 = arith.constant 1 : index
    %get3A_5 = arith.constant 0 : index
    %get3A_6 = arith.constant 0 : index
    %get3A_7 = vector.load %arg1[%get3A_4, %get3A_5, %get3A_6] : memref<2x512x64xf32, #tpu.memory_space<vmem>>, vector<1x512x64xf32>
    %get3A_8 = vector.shape_cast %get3A_7 : vector<1x512x64xf32> to vector<512x64xf32>
    %concatenate3A = tpu.concatenate %get3A_3, %get3A_8 in 1 : vector<512x64xf32>, vector<512x64xf32> -> vector<512x128xf32>
    %get3A_9 = arith.constant 0 : index
    %get3A_10 = arith.constant 0 : index
    %get3A_11 = vector.load %arg2[%get3A_9, %get3A_10] : memref<16x512xf32, #tpu.memory_space<vmem>>, vector<16x512xf32>
    %reduce_sum3A = arith.constant dense<0.000000e+00> : vector<512xf32>
    %reduce_sum3A_12 = vector.multi_reduction <add>, %get3A_11, %reduce_sum3A [0] : vector<16x512xf32> to vector<512xf32>
    %gt3A = arith.constant 0.000000e+00 : f32
    %gt3A_13 = vector.broadcast %gt3A : f32 to vector<512xf32>
    %gt3A_14 = arith.cmpf ogt, %reduce_sum3A_12, %gt3A_13 : vector<512xf32>
    %jit3A = arith.constant 1.000000e+00 : f32
    %broadcast_in_dim3A = vector.broadcast %jit3A : f32 to vector<512xf32>
    %select_n3A = arith.select %gt3A_14, %reduce_sum3A_12, %broadcast_in_dim3A : vector<512xi1>, vector<512xf32>
    %broadcast_in_dim3A_15 = vector.shape_cast %select_n3A : vector<512xf32> to vector<512x1xf32>
    %div3A = vector.broadcast %broadcast_in_dim3A_15 : vector<512x1xf32> to vector<512x128xf32>
    %div3A_16 = arith.divf %concatenate3A, %div3A : vector<512x128xf32>
    %get3A_17 = arith.constant 0 : index
    %get3A_18 = vector.load %arg3[%get3A_17] : memref<128xf32, #tpu.memory_space<vmem>>, vector<128xf32>
    %broadcast_in_dim3A_19 = vector.shape_cast %get3A_18 : vector<128xf32> to vector<1x128xf32>
    %add3A = vector.broadcast %broadcast_in_dim3A_19 : vector<1x128xf32> to vector<512x128xf32>
    %add3A_20 = arith.addf %div3A_16, %add3A : vector<512x128xf32>
    %gt3A_21 = arith.constant 0.000000e+00 : f32
    %gt3A_22 = vector.broadcast %gt3A_21 : f32 to vector<512x128xf32>
    %gt3A_23 = arith.cmpf ogt, %add3A_20, %gt3A_22 : vector<512x128xf32>
    %exp3A = math.exp %add3A_20 : vector<512x128xf32>
    %sub3A = arith.constant 1.000000e+00 : f32
    %sub3A_24 = vector.broadcast %sub3A : f32 to vector<512x128xf32>
    %sub3A_25 = arith.subf %exp3A, %sub3A_24 : vector<512x128xf32>
    %select_n3A_26 = arith.select %gt3A_23, %add3A_20, %sub3A_25 : vector<512x128xi1>, vector<512x128xf32>
    %get3A_27 = arith.constant 0 : index
    %get3A_28 = arith.constant 0 : index
    %get3A_29 = vector.load %arg4[%get3A_27, %get3A_28] : memref<128x128xf32, #tpu.memory_space<vmem>>, vector<128x128xf32>
    %dot_general3A = arith.constant dense<0.000000e+00> : vector<512x128xf32>
    %dot_general3A_30 = tpu.matmul %select_n3A_26, %get3A_29, %dot_general3A {dimension_numbers = #tpu.dot_dimension_numbers<[1], [0], [0], [1], [0, 0, 1, 1], [], []>, transpose_lhs_hint = false} : vector<512x128xf32>, vector<128x128xf32>, vector<512x128xf32> -> vector<512x128xf32>
    %slice3A = vector.extract_strided_slice %dot_general3A_30 {offsets = [0, 0], sizes = [512, 64], strides = [1, 1]} : vector<512x128xf32> to vector<512x64xf32>
    %swap3A = arith.constant 0 : index
    %swap3A_31 = arith.constant 0 : index
    %swap3A_32 = arith.constant 0 : index
    %swap3A_33 = vector.load %arg7[%swap3A, %swap3A_31, %swap3A_32] : memref<2x512x64xf32, #tpu.memory_space<vmem>>, vector<1x512x64xf32>
    %swap3A_34 = vector.shape_cast %swap3A_33 : vector<1x512x64xf32> to vector<512x64xf32>
    %swap3A_35 = vector.shape_cast %slice3A : vector<512x64xf32> to vector<1x512x64xf32>
    tpu.vector_store %arg7[%swap3A, %swap3A_31, %swap3A_32], %swap3A_35 {strides = array<i32>} : memref<2x512x64xf32, #tpu.memory_space<vmem>>, vector<1x512x64xf32>,
    %slice3A_36 = vector.extract_strided_slice %dot_general3A_30 {offsets = [0, 64], sizes = [512, 64], strides = [1, 1]} : vector<512x128xf32> to vector<512x64xf32>
    %swap3A_37 = arith.constant 1 : index
    %swap3A_38 = arith.constant 0 : index
    %swap3A_39 = arith.constant 0 : index
    %swap3A_40 = vector.load %arg7[%swap3A_37, %swap3A_38, %swap3A_39] : memref<2x512x64xf32, #tpu.memory_space<vmem>>, vector<1x512x64xf32>
    %swap3A_41 = vector.shape_cast %swap3A_40 : vector<1x512x64xf32> to vector<512x64xf32>
    %swap3A_42 = vector.shape_cast %slice3A_36 : vector<512x64xf32> to vector<1x512x64xf32>
    tpu.vector_store %arg7[%swap3A_37, %swap3A_38, %swap3A_39], %swap3A_42 {strides = array<i32>} : memref<2x512x64xf32, #tpu.memory_space<vmem>>, vector<1x512x64xf32>,
    %get3A_43 = arith.constant 0 : index
    %get3A_44 = vector.load %arg5[%get3A_43] : memref<128xf32, #tpu.memory_space<vmem>>, vector<128xf32>
    %broadcast_in_dim3A_45 = vector.shape_cast %get3A_44 : vector<128xf32> to vector<1x128xf32>
    %mul3A = vector.broadcast %broadcast_in_dim3A_45 : vector<1x128xf32> to vector<512x128xf32>
    %mul3A_46 = arith.mulf %dot_general3A_30, %mul3A : vector<512x128xf32>
    %reduce_sum3A_47 = arith.constant dense<0.000000e+00> : vector<512xf32>
    %reduce_sum3A_48 = vector.multi_reduction <add>, %mul3A_46, %reduce_sum3A_47 [1] : vector<512x128xf32> to vector<512xf32>
    %swap3A_49 = arith.constant 0 : index
    %swap3A_50 = vector.load %arg8[%swap3A_49] : memref<512xf32, #tpu.memory_space<vmem>>, vector<512xf32>
    tpu.vector_store %arg8[%swap3A_49], %reduce_sum3A_48 {strides = array<i32>} : memref<512xf32, #tpu.memory_space<vmem>>, vector<512xf32>,
    %get3A_51 = arith.constant 0 : index
    %get3A_52 = vector.load %arg6[%get3A_51] : memref<128xf32, #tpu.memory_space<vmem>>, vector<128xf32>
    %broadcast_in_dim3A_53 = vector.shape_cast %get3A_52 : vector<128xf32> to vector<1x128xf32>
    %mul3A_54 = vector.broadcast %broadcast_in_dim3A_53 : vector<1x128xf32> to vector<512x128xf32>
    %mul3A_55 = arith.mulf %dot_general3A_30, %mul3A_54 : vector<512x128xf32>
    %reduce_sum3A_56 = arith.constant dense<0.000000e+00> : vector<512xf32>
    %reduce_sum3A_57 = vector.multi_reduction <add>, %mul3A_55, %reduce_sum3A_56 [1] : vector<512x128xf32> to vector<512xf32>
    %swap3A_58 = arith.constant 0 : index
    %swap3A_59 = vector.load %arg9[%swap3A_58] : memref<512xf32, #tpu.memory_space<vmem>>, vector<512xf32>
    tpu.vector_store %arg9[%swap3A_58], %reduce_sum3A_57 {strides = array<i32>} : memref<512xf32, #tpu.memory_space<vmem>>, vector<512xf32>,
    return
  }
  func.func @transform_0(%arg0: i32) -> (i32, i32, i32) {
    %c0_i32 = arith.constant 0 : i32
    %c0_i32_0 = arith.constant 0 : i32
    %c0_i32_1 = arith.constant 0 : i32
    return %c0_i32, %arg0, %c0_i32_0 : i32, i32, i32
  }
  func.func @transform_1(%arg0: i32) -> (i32, i32) {
    %c0_i32 = arith.constant 0 : i32
    %c0_i32_0 = arith.constant 0 : i32
    return %c0_i32, %arg0 : i32, i32
  }
  func.func @transform_2(%arg0: i32) -> i32 {
    %c0_i32 = arith.constant 0 : i32
    %c0_i32_0 = arith.constant 0 : i32
    return %c0_i32 : i32
  }
  func.func @transform_3(%arg0: i32) -> (i32, i32) {
    %c0_i32 = arith.constant 0 : i32
    %c0_i32_0 = arith.constant 0 : i32
    %c0_i32_1 = arith.constant 0 : i32
    return %c0_i32, %c0_i32_0 : i32, i32
  }
  func.func @transform_4(%arg0: i32) -> i32 {
    %c0_i32 = arith.constant 0 : i32
    %c0_i32_0 = arith.constant 0 : i32
    return %c0_i32 : i32
  }
  func.func @transform_5(%arg0: i32) -> i32 {
    %c0_i32 = arith.constant 0 : i32
    %c0_i32_0 = arith.constant 0 : i32
    return %c0_i32 : i32
  }
  func.func @transform_6(%arg0: i32) -> (i32, i32, i32) {
    %c0_i32 = arith.constant 0 : i32
    %c0_i32_0 = arith.constant 0 : i32
    %c0_i32_1 = arith.constant 0 : i32
    return %c0_i32, %arg0, %c0_i32_0 : i32, i32, i32
  }
  func.func @transform_7(%arg0: i32) -> i32 {
    %c0_i32 = arith.constant 0 : i32
    return %arg0 : i32
  }
  func.func @transform_8(%arg0: i32) -> i32 {
    %c0_i32 = arith.constant 0 : i32
    return %arg0 : i32
  }
}

module attributes {stable_mosaic.version = 14 : i64} {
  func.func @_final_body(%arg0: i32, %arg1: memref<2x512x64xf32, #tpu.memory_space<vmem>>, %arg2: memref<16x512xf32, #tpu.memory_space<vmem>>, %arg3: memref<128xf32, #tpu.memory_space<vmem>>, %arg4: memref<512x128xf32, #tpu.memory_space<vmem>>) attributes {dimension_semantics = [#tpu.dimension_semantics<arbitrary>], iteration_bounds = array<i64: 20>, scalar_prefetch = 0 : i64, scratch_operands = 0 : i64, tpu.core_type = #tpu.core_type<tc>, window_params = [{transform_indices = @transform_0, window_bounds = array<i64: 2, 512, 64>}, {transform_indices = @transform_1, window_bounds = array<i64: 16, 512>}, {pipeline_mode = #tpu.pipeline_mode<synchronous>, transform_indices = @transform_2, window_bounds = array<i64: 128>}, {transform_indices = @transform_3, window_bounds = array<i64: 512, 128>}]} {
    %get3A = arith.constant 0 : index
    %get3A_0 = arith.constant 0 : index
    %get3A_1 = arith.constant 0 : index
    %get3A_2 = vector.load %arg1[%get3A, %get3A_0, %get3A_1] : memref<2x512x64xf32, #tpu.memory_space<vmem>>, vector<1x512x64xf32>
    %get3A_3 = vector.shape_cast %get3A_2 : vector<1x512x64xf32> to vector<512x64xf32>
    %get3A_4 = arith.constant 1 : index
    %get3A_5 = arith.constant 0 : index
    %get3A_6 = arith.constant 0 : index
    %get3A_7 = vector.load %arg1[%get3A_4, %get3A_5, %get3A_6] : memref<2x512x64xf32, #tpu.memory_space<vmem>>, vector<1x512x64xf32>
    %get3A_8 = vector.shape_cast %get3A_7 : vector<1x512x64xf32> to vector<512x64xf32>
    %concatenate3A = tpu.concatenate %get3A_3, %get3A_8 in 1 : vector<512x64xf32>, vector<512x64xf32> -> vector<512x128xf32>
    %get3A_9 = arith.constant 0 : index
    %get3A_10 = arith.constant 0 : index
    %get3A_11 = vector.load %arg2[%get3A_9, %get3A_10] : memref<16x512xf32, #tpu.memory_space<vmem>>, vector<16x512xf32>
    %reduce_sum3A = arith.constant dense<0.000000e+00> : vector<512xf32>
    %reduce_sum3A_12 = vector.multi_reduction <add>, %get3A_11, %reduce_sum3A [0] : vector<16x512xf32> to vector<512xf32>
    %gt3A = arith.constant 0.000000e+00 : f32
    %gt3A_13 = vector.broadcast %gt3A : f32 to vector<512xf32>
    %gt3A_14 = arith.cmpf ogt, %reduce_sum3A_12, %gt3A_13 : vector<512xf32>
    %jit3A = arith.constant 1.000000e+00 : f32
    %broadcast_in_dim3A = vector.broadcast %jit3A : f32 to vector<512xf32>
    %select_n3A = arith.select %gt3A_14, %reduce_sum3A_12, %broadcast_in_dim3A : vector<512xi1>, vector<512xf32>
    %broadcast_in_dim3A_15 = vector.shape_cast %select_n3A : vector<512xf32> to vector<512x1xf32>
    %div3A = vector.broadcast %broadcast_in_dim3A_15 : vector<512x1xf32> to vector<512x128xf32>
    %div3A_16 = arith.divf %concatenate3A, %div3A : vector<512x128xf32>
    %get3A_17 = arith.constant 0 : index
    %get3A_18 = vector.load %arg3[%get3A_17] : memref<128xf32, #tpu.memory_space<vmem>>, vector<128xf32>
    %broadcast_in_dim3A_19 = vector.shape_cast %get3A_18 : vector<128xf32> to vector<1x128xf32>
    %add3A = vector.broadcast %broadcast_in_dim3A_19 : vector<1x128xf32> to vector<512x128xf32>
    %add3A_20 = arith.addf %div3A_16, %add3A : vector<512x128xf32>
    %swap3A = arith.constant 0 : index
    %swap3A_21 = arith.constant 0 : index
    %swap3A_22 = vector.load %arg4[%swap3A, %swap3A_21] : memref<512x128xf32, #tpu.memory_space<vmem>>, vector<512x128xf32>
    tpu.vector_store %arg4[%swap3A, %swap3A_21], %add3A_20 {strides = array<i32>} : memref<512x128xf32, #tpu.memory_space<vmem>>, vector<512x128xf32>,
    return
  }
  func.func @transform_0(%arg0: i32) -> (i32, i32, i32) {
    %c0_i32 = arith.constant 0 : i32
    %c0_i32_0 = arith.constant 0 : i32
    %c0_i32_1 = arith.constant 0 : i32
    return %c0_i32, %arg0, %c0_i32_0 : i32, i32, i32
  }
  func.func @transform_1(%arg0: i32) -> (i32, i32) {
    %c0_i32 = arith.constant 0 : i32
    %c0_i32_0 = arith.constant 0 : i32
    return %c0_i32, %arg0 : i32, i32
  }
  func.func @transform_2(%arg0: i32) -> i32 {
    %c0_i32 = arith.constant 0 : i32
    %c0_i32_0 = arith.constant 0 : i32
    return %c0_i32 : i32
  }
  func.func @transform_3(%arg0: i32) -> (i32, i32) {
    %c0_i32 = arith.constant 0 : i32
    %c0_i32_0 = arith.constant 0 : i32
    return %arg0, %c0_i32 : i32, i32
  }
}

</mosaic_0001>

<sc_bundles>
// kernel: kernel.10.cloned.1.call-start
scs
__scs_entry_jumppad:
0x0: {  	(pc) =	sbr.rel $0x88, $3  }
0x1: {  	(tag) =	ssettag $0x0;
	lr =	simm.s32 $0x1  }
0x2: {  	[smem:$0x3F97] =	sst lr;
	_ =	strace $0xD0000000  }
0x3: {  	_ = 	snop  }
0x4: {  	_ = 	snop  }
0x5: {  	_ = 	snop  }
0x6: {  	_ = 	snop  }
0x7: {  	_ = 	snop  }
__scs_overlays_trampoline_lowered:
0x8: {  	[smem:$0x3FA6] =	sst s0  }
0x9: {  	[smem:$0x3FA7] =	sst s1  }
0xa: {  	[smem:$0x3FA8] =	sst s2  }
0xb: {  	[smem:$0x3FA9] =	sst s3  }
0xc: {  	[smem:$0x3FAA] =	sst s4  }
0xd: {  	[smem:$0x3FAB] =	sst s5  }
0xe: {  	[smem:$0x3FAC] =	sst s6  }
0xf: {  	[smem:$0x3FAD] =	sst s7  }
0x10: {  	[smem:$0x3FAE] =	sst s8  }
0x11: {  	[smem:$0x3FAF] =	sst s9;
	s0 =	simm.s32 @!p0 $0x0  }
0x12: {  	s1 =	sld [smem:$0x3F95];
	s0 =	simm.s32 @p0 $0x1  }
0x13: {  	[smem:$0x3FB0] =	sst s0;
	s0 =	simm.s32 @!p1 $0x0  }
0x14: {  	s2 =	sld [smem:$0x3F94];
	s0 =	simm.s32 @p1 $0x1  }
0x15: {  	[smem:$0x3FB1] =	sst s0;
	s0 =	simm.s32 @!p2 $0x0  }
0x16: {  	s3 =	sld [smem:$0x3FDB];
	s0 =	simm.s32 @p2 $0x1  }
0x17: {  	s4 =	simm.s32 $0x1BF5;
	[smem:$0x3FB3] =	sst s0  }
0x18: {  	s0 =	sld [smem:$0x3F96];
	_ =	swait.ge [sflag:s4], $0x0  }
0x19: {  	s7 =	sld [smem:$0x3F97]  }
0x1a: {  	s8 =	sadd.s32 $0xFFFFE003, lr  }
0x1b: {  	s9 =	sadd.s32 $0xFFFFFEF7, lr;
	s5 =	simm.s32 $0xFFFFFFFF;
	p2 =	slt.u32 s8, $0xFFFFF086  }
0x1c: {  	p1 =	slt.u32 s9, $0xF7A;
	s5 =	simm.s32 @!p2 $0x0  }
0x1d: {  	s5 =	simm.s32 @p1 $0x1;
	p0 =	seq.s32 s7, s2  }
0x1e: {  	s7 =	smul.u32 @!p0 $0xF7A, s2;
	p2 =	seq.s32 @!p0 s5, $0x0  }
0x1f: {  	s9 =	smul.u32 $0xF7A, s1;
	s8 =	simm.s32 @!p0 $0x1BF5;
	p2 =	por !p2, p0  }
0x20: {  	[sflag:s8] =	ssyncset.s32 @!p0 $0xFFFFF086;
	s6 =	sadd.s32 @!p0 s3, s7;
	s7 =	simm.s32 @!p0 $0x108  }
0x21: {  	s3 =	sadd.s32 s3, s9;
	s6 =	sadd.s32 @!p0 $0x88, s6;
	s7 =	simm.s32 @p2 $0x1082  }
0x22: {  	[simem:s7], [sflag:s8] =	dma.local @!p0 [hbm:s6], $0xF7A  }
0x23: {  	s9 =	sor.u32 $0xD0000000, s2;
	s6 =	simm.s32 $0x108;
	_ =	swait.ge @!p0 [sflag:s8], $0x0  }
0x24: {  	s3 =	sadd.s32 $0x88, s3;
	s6 =	simm.s32 @!p1 $0x1082;
	[sflag:s4] =	ssyncset.s32 $0xFFFFF086  }
0x25: {  	[simem:s6], [sflag:s4] =	dma.local [hbm:s3], $0xF7A  }
0x26: {  	[smem:$0x3F97] =	sst s1;
	(tag) =	ssettag s2;
	_ =	strace s9  }
0x27: {  	s1 =	sld [smem:$0x3FA7]  }
0x28: {  	s2 =	sld [smem:$0x3FA8]  }
0x29: {  	s4 =	sld [smem:$0x3FAA]  }
0x2a: {  	p0 =	seq.s32 s5, $0x0;
	s5 =	sld [smem:$0x3FAB]  }
0x2b: {  	s6 =	sld [smem:$0x3FAC]  }
0x2c: {  	s7 =	sld [smem:$0x3FAD]  }
0x2d: {  	s3 =	simm.s32 $0x108;
	s8 =	sld [smem:$0x3FAE]  }
0x2e: {  	s3 =	simm.s32 @!p0 $0x1082;
	s9 =	sld [smem:$0x3FAF]  }
0x2f: {  	lr =	sadd.s32 s0, s3;
	s0 =	sld [smem:$0x3FA6]  }
0x30: {  	s3 =	sld [smem:$0x3FA9]  }
0x31: {  	[smem:$0x3FB2] =	sst s10  }
0x32: {  	s10 =	sld [smem:$0x3FB0];
	_ =	sdelay $0x3  }
0x33: {  	p0 =	seq.s32 s10, $0x1;
	s10 =	sld [smem:$0x3FB2];
	_ =	sdelay $0x3  }
0x34: {  	[smem:$0x3FB2] =	sst s10  }
0x35: {  	s10 =	sld [smem:$0x3FB1];
	_ =	sdelay $0x3  }
0x36: {  	p1 =	seq.s32 s10, $0x1;
	s10 =	sld [smem:$0x3FB2];
	_ =	sdelay $0x3  }
0x37: {  	[smem:$0x3FB2] =	sst s10  }
0x38: {  	s10 =	sld [smem:$0x3FB3]  }
0x39: {  	_ = 	snop;
	(pc) =	sbr.ind lr, $3  }
0x3a: {  	_ = 	snop  }
0x3b: {  	_ = 	snop  }
0x3c: {  	p2 =	seq.s32 s10, $0x1;
	s10 =	sld [smem:$0x3FB2]  }
0x3d: {  	_ =	shalt  }
0x3e: {  	_ =	shalt  }
0x3f: {  	_ =	shalt  }
0x40: {  	_ =	shalt  }
0x41: {  	_ =	shalt  }
0x42: {  	_ =	shalt  }
0x43: {  	_ =	shalt  }
0x44: {  	_ =	shalt  }
0x45: {  	_ =	shalt  }
0x46: {  	_ =	shalt  }
0x47: {  	_ =	shalt  }
0x48: {  	_ =	shalt  }
0x49: {  	_ =	shalt  }
0x4a: {  	_ =	shalt  }
0x4b: {  	_ =	shalt  }
0x4c: {  	_ =	shalt  }
0x4d: {  	_ =	shalt  }
0x4e: {  	_ =	shalt  }
0x4f: {  	_ =	shalt  }
0x50: {  	_ =	shalt  }
0x51: {  	_ =	shalt  }
0x52: {  	_ =	shalt  }
0x53: {  	_ =	shalt  }
0x54: {  	_ =	shalt  }
0x55: {  	_ =	shalt  }
0x56: {  	_ =	shalt  }
0x57: {  	_ =	shalt  }
0x58: {  	_ =	shalt  }
0x59: {  	_ =	shalt  }
0x5a: {  	_ =	shalt  }
0x5b: {  	_ =	shalt  }
0x5c: {  	_ =	shalt  }
0x5d: {  	_ =	shalt  }
0x5e: {  	_ =	shalt  }
0x5f: {  	_ =	shalt  }
0x60: {  	_ =	shalt  }
0x61: {  	_ =	shalt  }
0x62: {  	_ =	shalt  }
0x63: {  	_ =	shalt  }
0x64: {  	_ =	shalt  }
0x65: {  	_ =	shalt  }
0x66: {  	_ =	shalt  }
0x67: {  	_ =	shalt  }
0x68: {  	_ =	shalt  }
0x69: {  	_ =	shalt  }
0x6a: {  	_ =	shalt  }
0x6b: {  	_ =	shalt  }
0x6c: {  	_ =	shalt  }
0x6d: {  	_ =	shalt  }
0x6e: {  	_ =	shalt  }
0x6f: {  	_ =	shalt  }
0x70: {  	_ =	shalt  }
0x71: {  	_ =	shalt  }
0x72: {  	_ =	shalt  }
0x73: {  	_ =	shalt  }
0x74: {  	_ =	shalt  }
0x75: {  	_ =	shalt  }
0x76: {  	_ =	shalt  }
0x77: {  	_ =	shalt  }
0x78: {  	_ =	shalt  }
0x79: {  	_ =	shalt  }
0x7a: {  	_ =	shalt  }
0x7b: {  	_ =	shalt  }
0x7c: {  	_ =	shalt  }
0x7d: {  	_ =	shalt  }
0x7e: {  	_ =	shalt  }
0x7f: {  	_ =	shalt  }
0x80: {  	_ =	shalt  }
0x81: {  	_ =	shalt  }
0x82: {  	_ =	shalt  }
0x83: {  	_ =	shalt  }
0x84: {  	_ =	shalt  }
0x85: {  	_ =	shalt  }
0x86: {  	_ =	shalt  }
0x87: {  	_ =	shalt  }
.Lfunc_end0:
.L_simem_size_0:
called_computation.1_lowered:
.L_overlay_start_0:
0x88: {  	s2 =	sld [smem:$0x3FD9]  }
0x89: {  	s3 =	sld [smem:$0x3FFE];
	_ =	sdelay $0x1  }
0x8a: {  	s1 =	srdreg.scid  }
0x8b: {  	s0 =	sand.u32 $0x1, s1  }
0x8c: {  	s17 =	sshll.u32 s0, $0xA;
	s2 =	sadd.s32 s3, s2  }
0x8d: {  	s2 =	sadd.s32 s2, s17  }
0x8e: {  	[smem:$0x3FBE] =	sst s2  }
0x8f: {  	_ = 	snop  }
0x90: {  	s2 =	sld [smem:$0x3FD0];
	(tm) =	ssettm $0x1  }
0x91: {  	s18 =	sld [smem:$0x3FFB];
	_ =	sdelay $0x3  }
0x92: {  	_ =	strace s18  }
0x93: {  	s3 =	sld [smem:$0x3FFC];
	_ =	sdelay $0x3  }
0x94: {  	_ =	strace s3  }
0x95: {  	s3 =	sld [smem:$0x3FFD];
	_ =	sdelay $0x3  }
0x96: {  	_ =	strace s3  }
0x97: {  	_ =	strace $0x8FFFFFFF  }
0x98: {  	s19 =	sld [smem:$0x3FDB];
	_ =	sdelay $0x1  }
0x99: {  	s4 =	simm.s32 $_scs_section_size  }
0x9a: {  	s5 =	simm.s32 $_size__tile_overlayer_lowered;
	s6 =	simm.s32 $_tile_overlayer_lowered  }
0x9b: {  	s22 =	simm.s32 $0x1BFF;
	s21 =	sshll.u32 s6, $0x1;
	s3 =	sadd.s32 s4, s19  }
0x9c: {  	s7 =	simm.s32 $0x0;
	s20 =	sshll.u32 s5, $0x1;
	s5 =	sadd.s32 s21, s3  }
0x9d: {  	[timem:s7], [sflag:s22] =	dma.local [hbm:s5], s20  }
0x9e: {  	_ =	swait.ge [sflag:s22], s20  }
0x9f: {  	s4 =	ssub.s32 $0x0, s20;
	[sflag:s22] =	ssyncset.done $0x0  }
0xa0: {  	[sflag:s22] =	ssyncadd.s32 s4;
	_ =	sdelay $0x1  }
0xa1: {  	s23 =	simm.s32 $0x1B8B  }
0xa2: {  	_ =	swait.ge [sflag:s23], $0x1  }
0xa3: {  	[sflag:s23] =	ssyncset.done $0x0  }
0xa4: {  	s25 =	simm.s32 $0x1B8E;
	s24 =	sld [smem:$0x3FFE];
	[sflag:s23] =	ssyncadd.s32 $0xFFFFFFFF  }
0xa5: {  	s26 =	simm.s32 $execute0_lowered;
	[smem:$0x3FD2] =	sst s25  }
0xa6: {  	s5 =	sshll.u32 s26, $0x1;
	_ =	strace $0x80000049;
	[dreg:$0x1] =	wrdreg $0xFFFFFFFF  }
0xa7: {  	s28 =	simm.s32 $_size_execute0_lowered;
	s3 =	sadd.s32 s3, s5;
	[dreg:$0x0] =	wrdreg $0x0  }
0xa8: {  	s5 =	sshll.u32 s28, $0x1;
	[dreg:$0x2] =	wrdreg s3  }
0xa9: {  	[dreg:$0x3] =	wrdreg s5  }
0xaa: {  	[dreg:$0x4] =	wrdreg $0xC0  }
0xab: {  	_ =	task [dreg:s7], $0x5FFFF  }
0xac: {  	[dreg:$0x1] =	wrdreg $0xFFFFFFFF  }
0xad: {  	[dreg:$0x0] =	wrdreg $0x60  }
0xae: {  	[dreg:$0x2] =	wrdreg s2  }
0xaf: {  	[dreg:$0x3] =	wrdreg s24  }
0xb0: {  	[dreg:$0x4] =	wrdreg $0x15A800  }
0xb1: {  	[dreg:$0x5] =	wrdreg $0x9  }
0xb2: {  	_ =	task.clear_ibuf [dreg:s7], $0x6FFFF;
	_ =	strace $0x90000049  }
0xb3: {  	s29 =	simm.s32 $0x9;
	_ =	strace $0x8000004B  }
0xb4: {  	_ =	swait.ge [sflag:s29], $0x1  }
0xb5: {  	[sflag:s29] =	ssyncadd.s32 $0xFFFFFFFF  }
0xb6: {  	_ =	strace $0x9000004B  }
0xb7: {  	_ =	sfence  }
0xb8: {  	s30 =	sld [smem:$0x0];
	_ =	sdelay $0x2  }
0xb9: {  	s31 =	sshll.u32 s1, $0xD;
	s1 =	sshrl.u32 s1, $0x2  }
0xba: {  	s3 =	sand.u32 $0x4000, s31;
	s1 =	sadd.s32 s1, s30  }
0xbb: {  	s0 =	sor.u32 s3, s0;
	s1 =	sshll.u32 s1, $0x11  }
0xbc: {  	s0 =	sor.u32 s1, s0  }
0xbd: {  	s0 =	sadd.s32 $0x8F2B, s0  }
0xbe: {  	[sflag:s0] =	ssyncadd.remote.s32 $0x1  }
0xbf: {  	_ =	sfence.sel $0xFFFF  }
0xc0: {  	[dreg:$0x0] =	wrdreg $0xFFFFFFFF;
	(pc) =	sbr.abs _section_cstart, $3  }
0xc1: {  	[dreg:$0x1] =	wrdreg $0xFFFFFFFF  }
0xc2: {  	_ =	task.clear_ibuf [dreg:s7], $0x2FFFF;
	_ =	strace $0x9FFFFFFF  }
0xc3: {  	(tm) =	ssettm $0x7FFFFFFF  }
tec
execute0_lowered:
.L_overlay_start_1:
0x0: {  	(tag) =	ssettag $0x1  }
0x1: {  	s0 =	rddreg [dreg:$0x0]  }
0x2: {  	s1 =	rddreg [dreg:$0x1]  }
0x3: {  	s2 =	rddreg [dreg:$0x2]  }
0x4: {  	s12 =	stileid.u32;
	s5 =	srdreg.scid;
	s3 =	simm.s32 $0x0  }
0x5: {  	s18 =	simm.s32 $0x11A80;
	s19 =	simm.s32 $0x3;
	s28 =	simm.s32 $0xF200  }
0x6: {  	s29 =	simm.s32 $0x2;
	s30 =	simm.s32 $0x0;
	s4 =	smul.u32 $0x5100, s12  }
0x7: {  	s5 =	sand.u32 $0x1, s5;
	[smem:$0x7FF] =	sst s3;
	s7 =	smul.u32 $0xA000, s12  }
0x8: {  	s10 =	sadd.s32 $0xC800, s1;
	s20 =	sadd.s32 $0xCE00, s1;
	s11 =	smul.u32 $0x28000, s12  }
0x9: {  	s22 =	smul.u32 $0x500, s12;
	_ =	strace $0x8000004A;
	[dreg:$0x4] =	wrdreg s10  }
0xa: {  	s6 =	smul.u32 $0xA0000, s5;
	[dreg:$0x5] =	wrdreg s20;
	s23 =	ssub.s32 $0x2, s5  }
0xb: {  	p0 =	sne.s32 s5, $0x0;
	s8 =	sshrl.u32 s4, $0x3;
	s11 =	sshrl.u32 s11, $0x2  }
0xc: {  	s24 =	sshrl.u32 s23, $0x1;
	s9 =	sadd.s32 s8, s1;
	s21 =	sshrl.u32 s6, $0x3  }
0xd: {  	s6 =	sadd.s32 s7, s6;
	s11 =	sadd.s32 s11, s2;
	s17 =	ssub.s32 s23, s24  }
0xe: {  	s7 =	sadd.s32 s7, s2;
	s12 =	sadd.s32 s0, s8;
	s23 =	simm.s32 $0x80  }
0xf: {  	s24 =	simm.s32 $0xF280;
	s14 =	sadd.s32 s21, s1;
	s6 =	sshrl.u32 s6, $0x3  }
0x10: {  	s25 =	sadd.s32 $0x2000, s11;
	s26 =	sadd.s32 $0x4000, s11;
	s31 =	sadd.s32 $0x6000, s11  }
0x11: {  	s11 =	sadd.s32 $0x8000, s11;
	s13 =	sadd.s32 $0x2600, s9;
	[dreg:$0x6] =	wrdreg s25  }
0x12: {  	s17 =	smax.u32 s17, $0x1;
	s21 =	simm.s32 $0xA200;
	[dreg:$0x7] =	wrdreg s26  }
0x13: {  	s6 =	sadd.s32 s6, s1;
	s1 =	sadd.s32 s22, s1;
	[dreg:$0x8] =	wrdreg s31  }
0x14: {  	s14 =	sadd.s32 $0xD400, s14;
	s22 =	simm.s32 $0xCA00;
	s25 =	simm.s32 $0x1  }
0x15: {  	v0 =	vimm.f32 $0.0e+00;
	s26 =	simm.s32 $0x13A80;
	s15 =	sadd.s32 $0x3A400, s6;
	s16 =	sadd.s32 $0x35400, s1  }
.LBB2_1:
0x16: {  	s0 =	simm.s32 $0x0  }
.LBB2_2:
0x17: {  	p1 =	sne.s32 s0, $0x7F00  }
.Ltmp0:
0x18: {  	s1 =	sshra.s32 s0, $0x2;
	(pc) =	sbr.rel @p1 .LBB2_2-.Ltmp0, $4  }
0x19: {  	[tilespmem:s1+$0x11A80] =	vst v0  }
0x1a: {  	[tilespmem:s1+$0x11A90] =	vst v0  }
0x1b: {  	[tilespmem:s1+$0x11AA0] =	vst v0  }
0x1c: {  	s0 =	sadd.s32 $0x100, s0;
	[tilespmem:s1+$0x11AB0] =	vst v0  }
0x1d: {  	s0 =	simm.s32 $0x40;
	s1 =	simm.s32 $0x0  }
.LBB2_4:
0x1e: {  	p1 =	sne.s32 s0, $0x9FC0;
	[tilespmem:s1+$0xF280] =	vst v0;
	s1 =	smov.u32 s0;
	s0 =	sadd.s32 $0x40, s0  }
.Ltmp1:
0x1f: {  	(pc) =	sbr.rel @p1 .LBB2_4-.Ltmp1, $2  }
0x20: {  	_ =	sdelay $0x2  }
0x21: {  	s1 =	sshra.s32 s1, $0x2  }
0x22: {  	[tilespmem:s1+$0xF280] =	vst v0  }
0x23: {  	[spmem:s7] =	stream.linear.scatter [tilespmem:s18], [sflag:$0x3], $0x2000, $0x38;
	[tilespmem:$0x1FA80] =	vst v63  }
0x24: {  	_ =	swait.ge [sflag:s19], $0x2000  }
0x25: {  	[sflag:s19] =	ssyncset.done $0x0  }
0x26: {  	s0 =	rddreg [dreg:$0x6];
	[sflag:s19] =	ssyncadd.s32 $0xFFFFE000  }
0x27: {  	[spmem:s0] =	stream.linear.scatter [tilespmem:s18], [sflag:$0x3], $0x2000, $0x38;
	[tilespmem:$0x1FA80] =	vst v63  }
0x28: {  	_ =	swait.ge [sflag:s19], $0x2000  }
0x29: {  	[sflag:s19] =	ssyncset.done $0x0  }
0x2a: {  	s6 =	rddreg [dreg:$0x7];
	[sflag:s19] =	ssyncadd.s32 $0xFFFFE000  }
0x2b: {  	[spmem:s6] =	stream.linear.scatter [tilespmem:s18], [sflag:$0x3], $0x2000, $0x38;
	[tilespmem:$0x1FA80] =	vst v63  }
0x2c: {  	_ =	swait.ge [sflag:s19], $0x2000  }
0x2d: {  	[sflag:s19] =	ssyncset.done $0x0  }
0x2e: {  	s8 =	rddreg [dreg:$0x8];
	[sflag:s19] =	ssyncadd.s32 $0xFFFFE000  }
0x2f: {  	[spmem:s8] =	stream.linear.scatter [tilespmem:s18], [sflag:$0x3], $0x2000, $0x38;
	[tilespmem:$0x1FA80] =	vst v63  }
0x30: {  	_ =	swait.ge [sflag:s19], $0x2000  }
0x31: {  	[sflag:s19] =	ssyncset.done $0x0  }
0x32: {  	[sflag:s19] =	ssyncadd.s32 $0xFFFFE000  }
0x33: {  	[spmem:s11] =	stream.linear.scatter [tilespmem:s18], [sflag:$0x3], $0x2000, $0x38;
	[tilespmem:$0x1FA80] =	vst v63  }
0x34: {  	_ =	swait.ge [sflag:s19], $0x2000  }
0x35: {  	[sflag:s19] =	ssyncset.done $0x0  }
0x36: {  	[sflag:s19] =	ssyncadd.s32 $0xFFFFE000  }
0x37: {  	[tilespmem:s30], [sflag:$0x3] =	stream.linear.gather [hbm4b:s12+s30], $0x5100, $0x38;
	[tilespmem:$0x1FA80] =	vst v63  }
0x38: {  	_ =	swait.ge [sflag:s19], $0x5100  }
0x39: {  	[sflag:s19] =	ssyncset.done $0x0  }
0x3a: {  	s9 =	simm.s32 $0x5100;
	[sflag:s19] =	ssyncadd.s32 $0xFFFFAF00  }
0x3b: {  	[tilespmem:s9], [sflag:$0x3] =	stream.linear.gather [hbm4b:s13+s30], $0x5100, $0x38;
	[tilespmem:$0x1FA80] =	vst v63  }
0x3c: {  	_ =	swait.ge [sflag:s19], $0x5100  }
0x3d: {  	[sflag:s19] =	ssyncset.done $0x0  }
0x3e: {  	s10 =	rddreg [dreg:$0x4];
	[sflag:s19] =	ssyncadd.s32 $0xFFFFAF00  }
0x3f: {  	[tilespmem:s21], [sflag:$0x3] =	stream.linear.gather [hbm4b:s10+s30], $0x2800, $0x38;
	[tilespmem:$0x1FA80] =	vst v63  }
0x40: {  	_ =	swait.ge [sflag:s19], $0x2800  }
0x41: {  	[sflag:s19] =	ssyncset.done $0x0  }
0x42: {  	s20 =	rddreg [dreg:$0x5];
	[sflag:s19] =	ssyncadd.s32 $0xFFFFD800  }
0x43: {  	[tilespmem:s22], [sflag:$0x3] =	stream.linear.gather [hbm4b:s20+s30], $0x2800, $0x38;
	[tilespmem:$0x1FA80] =	vst v63  }
0x44: {  	_ =	swait.ge [sflag:s19], $0x2800  }
0x45: {  	[sflag:s19] =	ssyncset.done $0x0  }
0x46: {  	[sflag:s19] =	ssyncadd.s32 $0xFFFFD800  }
0x47: {  	s31 =	simm.s32 $0x0;
	[bflag:$0x0] =	sbarrier.arrive $0xFFFF  }
0x48: {  	[tilespmem:s18], [sflag:$0x1] =	stream.indirect.gather [hbm4b:s14+s23], $0x40, s30, s23, $0xb8;
	[tilespmem:$0x1FA80] =	vst v63  }
.LBB2_6:
0x49: {  	s1 =	sshll.u32 s31, $0x8  }
0x4a: {  	v1 =	vld [tilespmem:s1+$0x0]  }
0x4b: {  	v2 =	vld [tilespmem:s1+$0x5100];
	_ =	sdelay $0x6  }
0x4c: {  	v1 =	vld.idx.msk [tilespmem:v1+s21+$0x0], $0xffff  }
0x4d: {  	v3 =	vld.idx.msk [tilespmem:v2+s22+$0x0], $0xffff;
	_ =	sdelay $0x4  }
0x4e: {  	v1 =	vadd.f32 v3, v1;
	_ =	sdelay $0x1  }
0x4f: {  	v3 =	vmul.f32 $2.000000030e-01, v1  }
0x50: {  	vm0 =	vgt.f32 v1, $0.0e+00  }
0x51: {  	v1 =	vsel vm0, v1, v3  }
0x52: {  	v1 =	vmul.f32 $1.442695020e+00, v1;
	_ =	sdelay $0x1  }
0x53: {  	(erf) = vpow2.f32 v1;
	_ =	sdelay $0x7  }
0x54: {  	s0 =	sadd.s32 s4, s1  }
0x55: {  	p1 =	slt.u32 s0, $0x50910;
	v1 =	vpop (erf)  }
0x56: {  	v1 =	vpsel !p1, $0x0, v1  }
0x57: {  	[tilespmem:$0xF200] =	vst v1  }
0x58: {  	[tilespmem:v2+s24+$0x0] =	vst.idx.add.f32.msk $0xffff, v1  }
0x59: {  	v1 =	vld [tilespmem:s1+$0x10]  }
0x5a: {  	v2 =	vld [tilespmem:s1+$0x5110];
	_ =	sdelay $0x6  }
0x5b: {  	v1 =	vld.idx.msk [tilespmem:v1+s21+$0x0], $0xffff  }
0x5c: {  	v3 =	vld.idx.msk [tilespmem:v2+s22+$0x0], $0xffff;
	_ =	sdelay $0x4  }
0x5d: {  	v1 =	vadd.f32 v3, v1;
	_ =	sdelay $0x1  }
0x5e: {  	v3 =	vmul.f32 $2.000000030e-01, v1  }
0x5f: {  	vm9 =	vgt.f32 v1, $0.0e+00  }
0x60: {  	v1 =	vsel vm9, v1, v3  }
0x61: {  	v1 =	vmul.f32 $1.442695020e+00, v1;
	_ =	sdelay $0x1  }
0x62: {  	(erf) = vpow2.f32 v1;
	_ =	sdelay $0x7  }
0x63: {  	s5 =	sor.u32 $0x10, s0  }
0x64: {  	p5 =	slt.u32 s5, $0x50910;
	v1 =	vpop (erf)  }
0x65: {  	v1 =	vpsel !p5, $0x0, v1  }
0x66: {  	[tilespmem:$0xF210] =	vst v1  }
0x67: {  	[tilespmem:v2+s24+$0x0] =	vst.idx.add.f32.msk $0xffff, v1  }
0x68: {  	v1 =	vld [tilespmem:s1+$0x20]  }
0x69: {  	v2 =	vld [tilespmem:s1+$0x5120];
	_ =	sdelay $0x6  }
0x6a: {  	v1 =	vld.idx.msk [tilespmem:v1+s21+$0x0], $0xffff  }
0x6b: {  	v3 =	vld.idx.msk [tilespmem:v2+s22+$0x0], $0xffff;
	_ =	sdelay $0x4  }
0x6c: {  	v1 =	vadd.f32 v3, v1;
	_ =	sdelay $0x1  }
0x6d: {  	v3 =	vmul.f32 $2.000000030e-01, v1  }
0x6e: {  	vm10 =	vgt.f32 v1, $0.0e+00  }
0x6f: {  	v1 =	vsel vm10, v1, v3  }
0x70: {  	v1 =	vmul.f32 $1.442695020e+00, v1;
	_ =	sdelay $0x1  }
0x71: {  	(erf) = vpow2.f32 v1;
	_ =	sdelay $0x7  }
0x72: {  	s20 =	sor.u32 $0x20, s0  }
0x73: {  	p6 =	slt.u32 s20, $0x50910;
	v1 =	vpop (erf)  }
0x74: {  	v1 =	vpsel !p6, $0x0, v1  }
0x75: {  	[tilespmem:$0xF220] =	vst v1  }
0x76: {  	[tilespmem:v2+s24+$0x0] =	vst.idx.add.f32.msk $0xffff, v1  }
0x77: {  	v1 =	vld [tilespmem:s1+$0x30]  }
0x78: {  	v2 =	vld [tilespmem:s1+$0x5130];
	_ =	sdelay $0x6  }
0x79: {  	v1 =	vld.idx.msk [tilespmem:v1+s21+$0x0], $0xffff  }
0x7a: {  	v3 =	vld.idx.msk [tilespmem:v2+s22+$0x0], $0xffff;
	_ =	sdelay $0x4  }
0x7b: {  	v1 =	vadd.f32 v3, v1;
	_ =	sdelay $0x1  }
0x7c: {  	v3 =	vmul.f32 $2.000000030e-01, v1  }
0x7d: {  	vm11 =	vgt.f32 v1, $0.0e+00  }
0x7e: {  	v1 =	vsel vm11, v1, v3  }
0x7f: {  	v1 =	vmul.f32 $1.442695020e+00, v1;
	_ =	sdelay $0x1  }
0x80: {  	(erf) = vpow2.f32 v1;
	_ =	sdelay $0x7  }
0x81: {  	s6 =	sor.u32 $0x30, s0  }
0x82: {  	p2 =	slt.u32 s6, $0x50910;
	v1 =	vpop (erf)  }
0x83: {  	v1 =	vpsel !p2, $0x0, v1  }
0x84: {  	[tilespmem:$0xF230] =	vst v1  }
0x85: {  	[tilespmem:v2+s24+$0x0] =	vst.idx.add.f32.msk $0xffff, v1  }
0x86: {  	v1 =	vld [tilespmem:s1+$0x40]  }
0x87: {  	v2 =	vld [tilespmem:s1+$0x5140];
	_ =	sdelay $0x6  }
0x88: {  	v1 =	vld.idx.msk [tilespmem:v1+s21+$0x0], $0xffff  }
0x89: {  	v3 =	vld.idx.msk [tilespmem:v2+s22+$0x0], $0xffff;
	_ =	sdelay $0x4  }
0x8a: {  	v1 =	vadd.f32 v3, v1;
	_ =	sdelay $0x1  }
0x8b: {  	v3 =	vmul.f32 $2.000000030e-01, v1  }
0x8c: {  	vm12 =	vgt.f32 v1, $0.0e+00  }
0x8d: {  	v1 =	vsel vm12, v1, v3  }
0x8e: {  	v1 =	vmul.f32 $1.442695020e+00, v1;
	_ =	sdelay $0x1  }
0x8f: {  	(erf) = vpow2.f32 v1;
	_ =	sdelay $0x7  }
0x90: {  	s8 =	sor.u32 $0x40, s0  }
0x91: {  	p3 =	slt.u32 s8, $0x50910;
	v1 =	vpop (erf)  }
0x92: {  	v1 =	vpsel !p3, $0x0, v1  }
0x93: {  	[tilespmem:$0xF240] =	vst v1  }
0x94: {  	[tilespmem:v2+s24+$0x0] =	vst.idx.add.f32.msk $0xffff, v1  }
0x95: {  	v1 =	vld [tilespmem:s1+$0x50]  }
0x96: {  	v2 =	vld [tilespmem:s1+$0x5150];
	_ =	sdelay $0x6  }
0x97: {  	v1 =	vld.idx.msk [tilespmem:v1+s21+$0x0], $0xffff  }
0x98: {  	v3 =	vld.idx.msk [tilespmem:v2+s22+$0x0], $0xffff;
	_ =	sdelay $0x4  }
0x99: {  	v1 =	vadd.f32 v3, v1;
	_ =	sdelay $0x1  }
0x9a: {  	v3 =	vmul.f32 $2.000000030e-01, v1  }
0x9b: {  	vm13 =	vgt.f32 v1, $0.0e+00  }
0x9c: {  	v1 =	vsel vm13, v1, v3  }
0x9d: {  	v1 =	vmul.f32 $1.442695020e+00, v1;
	_ =	sdelay $0x1  }
0x9e: {  	(erf) = vpow2.f32 v1;
	_ =	sdelay $0x7  }
0x9f: {  	s9 =	sor.u32 $0x50, s0  }
0xa0: {  	p4 =	slt.u32 s9, $0x50910;
	v1 =	vpop (erf)  }
0xa1: {  	v1 =	vpsel !p4, $0x0, v1  }
0xa2: {  	[tilespmem:$0xF250] =	vst v1  }
0xa3: {  	[tilespmem:v2+s24+$0x0] =	vst.idx.add.f32.msk $0xffff, v1  }
0xa4: {  	v1 =	vld [tilespmem:s1+$0x60]  }
0xa5: {  	v2 =	vld [tilespmem:s1+$0x5160];
	_ =	sdelay $0x6  }
0xa6: {  	v1 =	vld.idx.msk [tilespmem:v1+s21+$0x0], $0xffff  }
0xa7: {  	v3 =	vld.idx.msk [tilespmem:v2+s22+$0x0], $0xffff;
	_ =	sdelay $0x4  }
0xa8: {  	v1 =	vadd.f32 v3, v1;
	_ =	sdelay $0x1  }
0xa9: {  	v3 =	vmul.f32 $2.000000030e-01, v1  }
0xaa: {  	vm14 =	vgt.f32 v1, $0.0e+00  }
0xab: {  	v1 =	vsel vm14, v1, v3  }
0xac: {  	v1 =	vmul.f32 $1.442695020e+00, v1;
	_ =	sdelay $0x1  }
0xad: {  	(erf) = vpow2.f32 v1;
	_ =	sdelay $0x7  }
0xae: {  	s10 =	sor.u32 $0x60, s0  }
0xaf: {  	p5 =	slt.u32 s10, $0x50910;
	v1 =	vpop (erf)  }
0xb0: {  	v1 =	vpsel !p5, $0x0, v1  }
0xb1: {  	[tilespmem:$0xF260] =	vst v1  }
0xb2: {  	[tilespmem:v2+s24+$0x0] =	vst.idx.add.f32.msk $0xffff, v1  }
0xb3: {  	v1 =	vld [tilespmem:s1+$0x70]  }
0xb4: {  	v2 =	vld [tilespmem:s1+$0x5170];
	_ =	sdelay $0x6  }
0xb5: {  	v1 =	vld.idx.msk [tilespmem:v1+s21+$0x0], $0xffff  }
0xb6: {  	v3 =	vld.idx.msk [tilespmem:v2+s22+$0x0], $0xffff;
	_ =	sdelay $0x4  }
0xb7: {  	v1 =	vadd.f32 v3, v1;
	_ =	sdelay $0x1  }
0xb8: {  	v3 =	vmul.f32 $2.000000030e-01, v1  }
0xb9: {  	vm15 =	vgt.f32 v1, $0.0e+00  }
0xba: {  	v1 =	vsel vm15, v1, v3  }
0xbb: {  	v1 =	vmul.f32 $1.442695020e+00, v1;
	_ =	sdelay $0x1  }
0xbc: {  	(erf) = vpow2.f32 v1;
	_ =	sdelay $0x7  }
0xbd: {  	s0 =	sor.u32 $0x70, s0  }
0xbe: {  	p6 =	slt.u32 s0, $0x50910;
	v1 =	vpop (erf)  }
0xbf: {  	v1 =	vpsel !p6, $0x0, v1  }
0xc0: {  	[tilespmem:$0xF270] =	vst v1  }
0xc1: {  	[tilespmem:v2+s24+$0x0] =	vst.idx.add.f32.msk $0xffff, v1;
	v1 =	vmov s30  }
0xc2: {  	_ =	swait.ge [sflag:s25], $0x2000;
	v1 =	vand.u32 $0xFFFFFFFC, v1  }
0xc3: {  	p1 =	seq.s32 s31, $0x0;
	[sflag:s25] =	ssyncset.done $0x0;
	v1 =	vbroadcast v1, $0x0  }
0xc4: {  	s20 =	sshll.u32 s31, $0x1;
	s5 =	simm.s32 @!p1 $0x2;
	[sflag:s25] =	ssyncadd.s32 $0xFFFFE000  }
0xc5: {  	s0 =	sor.u32 $0x1, s20;
	_ =	swait.ge @!p1 [sflag:s5], $0x2000  }
0xc6: {  	s0 =	sshll.u32 s0, $0x7;
	[sflag:s5] =	ssyncset.done @!p1 $0x0  }
0xc7: {  	s6 =	sand.u32 $0x3FFFFF80, s0;
	[sflag:s5] =	ssyncadd.s32 @!p1 $0xFFFFE000  }
0xc8: {  	[tilespmem:s26], [sflag:$0x1] =	stream.indirect.gather [hbm4b:s14+s23], $0x40, s6, s23, $0xb8;
	[tilespmem:$0x1FA80] =	vst v63  }
0xc9: {  	s5 =	simm.s32 $0x11B00;
	v1 =	vld.idx.msk [tilespmem:v1+s28+$0x0], $0xffff  }
0xca: {  	v2 =	vld [tilespmem:s5+$0xFFFFFF80]  }
0xcb: {  	v3 =	vld [tilespmem:s5+$0xFFFFFFA0]  }
0xcc: {  	s6 =	simm.s32 $0x1;
	v4 =	vld [tilespmem:s5+$0xFFFFFF90]  }
0xcd: {  	v5 =	vmov s6;
	v6 =	vld [tilespmem:s5+$0xFFFFFFB0]  }
0xce: {  	v5 =	vand.u32 $0xFFFFFFFD, v5  }
0xcf: {  	v5 =	vbroadcast v5, $0x0;
	v2 =	vmul.f32 v2, v1  }
0xd0: {  	v3 =	vmul.f32 v3, v1  }
0xd1: {  	[tilespmem:s5+$0xFFFFFF80] =	vst v2;
	v2 =	vmul.f32 v4, v1  }
0xd2: {  	s20 =	simm.s32 $0x11C00;
	[tilespmem:s5+$0xFFFFFFA0] =	vst v3;
	v3 =	vmul.f32 v6, v1  }
0xd3: {  	v1 =	vld [tilespmem:s20+$0xFFFFFFA0];
	[tilespmem:s5+$0xFFFFFF90] =	vst v2  }
0xd4: {  	v2 =	vld [tilespmem:s5+$0xFFFFFFF0];
	[tilespmem:s5+$0xFFFFFFB0] =	vst v3  }
0xd5: {  	v3 =	vld.idx.msk [tilespmem:v5+s28+$0x0], $0xffff  }
0xd6: {  	v4 =	vld [tilespmem:s5+$0xFFFFFFD0]  }
0xd7: {  	s8 =	simm.s32 $0x2;
	v5 =	vld [tilespmem:s5+$0xFFFFFFC0]  }
0xd8: {  	v7 =	vld [tilespmem:s5+$0xFFFFFFE0];
	v6 =	vmov s8  }
0xd9: {  	v6 =	vand.u32 $0xFFFFFFFE, v6  }
0xda: {  	v6 =	vbroadcast v6, $0x0;
	v2 =	vmul.f32 v2, v3  }
0xdb: {  	v4 =	vmul.f32 v4, v3  }
0xdc: {  	v5 =	vmul.f32 v5, v3;
	[tilespmem:s5+$0xFFFFFFF0] =	vst v2  }
0xdd: {  	v3 =	vmul.f32 v7, v3;
	[tilespmem:s5+$0xFFFFFFD0] =	vst v4  }
0xde: {  	v2 =	vld [tilespmem:s20+$0xFFFFFF90];
	[tilespmem:s5+$0xFFFFFFC0] =	vst v5  }
0xdf: {  	v4 =	vld [tilespmem:s5+$0x0];
	[tilespmem:s5+$0xFFFFFFE0] =	vst v3  }
0xe0: {  	v3 =	vld.idx.msk [tilespmem:v6+s28+$0x0], $0xffff  }
0xe1: {  	v5 =	vld [tilespmem:s5+$0x10]  }
0xe2: {  	v6 =	vld [tilespmem:s5+$0x30]  }
0xe3: {  	v7 =	vld [tilespmem:s5+$0x20];
	_ =	sdelay $0x1  }
0xe4: {  	s9 =	simm.s32 $0x3;
	v4 =	vmul.f32 v4, v3  }
0xe5: {  	v8 =	vmov s9;
	v5 =	vmul.f32 v5, v3  }
0xe6: {  	v6 =	vmul.f32 v6, v3;
	[tilespmem:s5+$0x0] =	vst v4  }
0xe7: {  	v3 =	vmul.f32 v7, v3;
	[tilespmem:s5+$0x10] =	vst v5  }
0xe8: {  	[tilespmem:s5+$0x30] =	vst v6;
	v4 =	vld [tilespmem:s5+$0x40]  }
0xe9: {  	[tilespmem:s5+$0x20] =	vst v3;
	v3 =	vld [tilespmem:s5+$0x50]  }
0xea: {  	v6 =	vld.idx.msk [tilespmem:v8+s28+$0x0], $0xffff  }
0xeb: {  	v5 =	vld [tilespmem:s5+$0x70];
	_ =	sdelay $0x1  }
0xec: {  	s6 =	simm.s32 $0x4;
	v7 =	vld [tilespmem:s5+$0x60]  }
0xed: {  	v8 =	vmov s6  }
0xee: {  	v8 =	vand.u32 $0xFFFFFFFC, v8;
	v4 =	vmul.f32 v4, v6;
	v10 =	vmul.f32 v3, v6  }
0xef: {  	s10 =	simm.s32 $0x6;
	s8 =	simm.s32 $0x5;
	v11 =	vmul.f32 v5, v6;
	v5 =	vbroadcast v8, $0x0  }
0xf0: {  	v63 =	vmov s10;
	v9 =	vmov s8;
	[tilespmem:s5+$0x40] =	vst v4  }
0xf1: {  	v3 =	vand.u32 $0xFFFFFFFD, v9;
	v6 =	vmul.f32 v7, v6;
	v4 =	vand.u32 $0xFFFFFFFE, v63;
	[tilespmem:s5+$0x50] =	vst v10  }
0xf2: {  	s1 =	sadd.s32 $0x5100, s1;
	s8 =	simm.s32 $0x8;
	v3 =	vbroadcast v3, $0x0;
	[tilespmem:s5+$0x70] =	vst v11;
	v4 =	vbroadcast v4, $0x0  }
.LBB2_7:
0xf3: {  	p1 =	slt.u32 s8, $0x7C;
	s9 =	smov.u32 s8  }
0xf4: {  	[tilespmem:s5+$0x60] =	vst v6;
	s8 =	sadd.s32 $0x4, s8;
	s5 =	smov.u32 s20;
	s20 =	sadd.s32 $0x100, s20  }
0xf5: {  	v6 =	vld.idx.msk [tilespmem:v5+s28+$0x0], $0xffff  }
0xf6: {  	v7 =	vld [tilespmem:s5+$0xFFFFFF80];
	_ =	sdelay $0x1  }
0xf7: {  	v8 =	vld [tilespmem:s5+$0xFFFFFFB0]  }
0xf8: {  	v5 =	vmov s9  }
0xf9: {  	v5 =	vand.u32 $0xFFFFFFFC, v5  }
0xfa: {  	v5 =	vbroadcast v5, $0x0;
	v7 =	vmul.f32 v7, v6  }
0xfb: {  	v2 =	vmul.f32 v2, v6;
	v1 =	vmul.f32 v1, v6  }
0xfc: {  	[tilespmem:s5+$0xFFFFFF80] =	vst v7;
	v6 =	vmul.f32 v8, v6  }
0xfd: {  	[tilespmem:s5+$0xFFFFFFA0] =	vst v1;
	v7 =	vld [tilespmem:s5+$0xFFFFFFF0]  }
0xfe: {  	v1 =	vld [tilespmem:s20+$0xFFFFFFA0];
	[tilespmem:s5+$0xFFFFFF90] =	vst v2  }
0xff: {  	[tilespmem:s5+$0xFFFFFFB0] =	vst v6;
	v6 =	vld [tilespmem:s5+$0xFFFFFFC0]  }
0x100: {  	v8 =	vld.idx.msk [tilespmem:v3+s28+$0x0], $0xffff  }
0x101: {  	v9 =	vld [tilespmem:s5+$0xFFFFFFD0]  }
0x102: {  	v10 =	vld [tilespmem:s5+$0xFFFFFFE0]  }
0x103: {  	s10 =	sadd.s32 $0x1, s9;
	v2 =	vld [tilespmem:s20+$0xFFFFFF90]  }
0x104: {  	v3 =	vmov s10  }
0x105: {  	v3 =	vand.u32 $0xFFFFFFFD, v3  }
0x106: {  	v3 =	vbroadcast v3, $0x0;
	v7 =	vmul.f32 v7, v8  }
0x107: {  	v9 =	vmul.f32 v9, v8;
	v10 =	vmul.f32 v10, v8  }
0x108: {  	v6 =	vmul.f32 v6, v8;
	[tilespmem:s5+$0xFFFFFFF0] =	vst v7  }
0x109: {  	[tilespmem:s5+$0xFFFFFFD0] =	vst v9  }
0x10a: {  	[tilespmem:s5+$0xFFFFFFC0] =	vst v6;
	v6 =	vld [tilespmem:s5+$0x0]  }
0x10b: {  	[tilespmem:s5+$0xFFFFFFE0] =	vst v10;
	v7 =	vld [tilespmem:s5+$0x30]  }
0x10c: {  	v4 =	vld.idx.msk [tilespmem:v4+s28+$0x0], $0xffff  }
0x10d: {  	v8 =	vld [tilespmem:s5+$0x10]  }
0x10e: {  	v9 =	vld [tilespmem:s5+$0x20];
	_ =	sdelay $0x3  }
0x10f: {  	s10 =	sadd.s32 $0x3, s6;
	s6 =	smov.u32 s9;
	v6 =	vmul.f32 v6, v4;
	v8 =	vmul.f32 v8, v4  }
0x110: {  	s9 =	sadd.s32 $0x2, s6;
	v9 =	vmul.f32 v9, v4;
	v4 =	vmul.f32 v7, v4;
	v7 =	vmov s10  }
0x111: {  	v10 =	vmov s9;
	[tilespmem:s5+$0x0] =	vst v6  }
0x112: {  	v6 =	vand.u32 $0xFFFFFFFE, v10;
	[tilespmem:s5+$0x10] =	vst v8  }
0x113: {  	[tilespmem:s5+$0x30] =	vst v4;
	v8 =	vld [tilespmem:s5+$0x40]  }
0x114: {  	v4 =	vbroadcast v6, $0x0;
	[tilespmem:s5+$0x20] =	vst v9;
	v9 =	vld [tilespmem:s5+$0x70]  }
0x115: {  	v7 =	vld.idx.msk [tilespmem:v7+s28+$0x0], $0xffff  }
0x116: {  	v6 =	vld [tilespmem:s5+$0x50]  }
0x117: {  	v10 =	vld [tilespmem:s5+$0x60];
	_ =	sdelay $0x3  }
.Ltmp2:
0x118: {  	v8 =	vmul.f32 v8, v7;
	v11 =	vmul.f32 v6, v7;
	(pc) =	sbr.rel @p1 .LBB2_7-.Ltmp2, $4  }
0x119: {  	v6 =	vmul.f32 v10, v7;
	v7 =	vmul.f32 v9, v7  }
0x11a: {  	[tilespmem:s5+$0x40] =	vst v8  }
0x11b: {  	[tilespmem:s5+$0x50] =	vst v11  }
0x11c: {  	[tilespmem:s5+$0x70] =	vst v7  }
0x11d: {  	_ =	sdelay $0x2  }
0x11e: {  	[tilespmem:s5+$0x60] =	vst v6;
	v6 =	vld [tilespmem:s20+$0xFFFFFF80]  }
0x11f: {  	v5 =	vld.idx.msk [tilespmem:v5+s28+$0x0], $0xffff;
	_ =	sdelay $0x2  }
0x120: {  	v7 =	vld [tilespmem:s20+$0xFFFFFFB0];
	_ =	sdelay $0x1  }
0x121: {  	v6 =	vmul.f32 v6, v5  }
0x122: {  	v1 =	vmul.f32 v1, v5  }
0x123: {  	v2 =	vmul.f32 v2, v5;
	[tilespmem:s20+$0xFFFFFF80] =	vst v6  }
0x124: {  	v5 =	vmul.f32 v7, v5;
	[tilespmem:s20+$0xFFFFFFA0] =	vst v1  }
0x125: {  	[tilespmem:s20+$0xFFFFFF90] =	vst v2  }
0x126: {  	v1 =	vld [tilespmem:s20+$0xFFFFFFF0];
	[tilespmem:s20+$0xFFFFFFB0] =	vst v5  }
0x127: {  	v2 =	vld.idx.msk [tilespmem:v3+s28+$0x0], $0xffff  }
0x128: {  	v3 =	vld [tilespmem:s20+$0xFFFFFFD0]  }
0x129: {  	v5 =	vld [tilespmem:s20+$0xFFFFFFC0]  }
0x12a: {  	v6 =	vld [tilespmem:s20+$0xFFFFFFE0];
	_ =	sdelay $0x1  }
0x12b: {  	v1 =	vmul.f32 v1, v2  }
0x12c: {  	v3 =	vmul.f32 v3, v2  }
0x12d: {  	v5 =	vmul.f32 v5, v2;
	[tilespmem:s20+$0xFFFFFFF0] =	vst v1  }
0x12e: {  	v1 =	vmul.f32 v6, v2;
	[tilespmem:s20+$0xFFFFFFD0] =	vst v3  }
0x12f: {  	[tilespmem:s20+$0xFFFFFFC0] =	vst v5  }
0x130: {  	v2 =	vld [tilespmem:s20+$0x0];
	[tilespmem:s20+$0xFFFFFFE0] =	vst v1  }
0x131: {  	v1 =	vld.idx.msk [tilespmem:v4+s28+$0x0], $0xffff  }
0x132: {  	v3 =	vld [tilespmem:s20+$0x10]  }
0x133: {  	v4 =	vld [tilespmem:s20+$0x30]  }
0x134: {  	v5 =	vld [tilespmem:s20+$0x20];
	_ =	sdelay $0x1  }
0x135: {  	s8 =	sadd.s32 $0x3, s6;
	v2 =	vmul.f32 v2, v1  }
0x136: {  	v6 =	vmov s8;
	v3 =	vmul.f32 v3, v1  }
0x137: {  	v4 =	vmul.f32 v4, v1;
	[tilespmem:s20+$0x0] =	vst v2  }
0x138: {  	v1 =	vmul.f32 v5, v1;
	[tilespmem:s20+$0x10] =	vst v3  }
0x139: {  	[tilespmem:s20+$0x30] =	vst v4  }
0x13a: {  	v2 =	vld [tilespmem:s20+$0x40];
	[tilespmem:s20+$0x20] =	vst v1  }
0x13b: {  	v1 =	vld.idx.msk [tilespmem:v6+s28+$0x0], $0xffff  }
0x13c: {  	v3 =	vld [tilespmem:s20+$0x50]  }
0x13d: {  	v4 =	vld [tilespmem:s20+$0x70]  }
0x13e: {  	v5 =	vld [tilespmem:s20+$0x60];
	_ =	sdelay $0x1  }
0x13f: {  	v2 =	vmul.f32 v2, v1  }
0x140: {  	v3 =	vmul.f32 v3, v1  }
0x141: {  	v4 =	vmul.f32 v4, v1;
	[tilespmem:s20+$0x40] =	vst v2  }
0x142: {  	v1 =	vmul.f32 v5, v1;
	[tilespmem:s20+$0x50] =	vst v3  }
0x143: {  	[tilespmem:s20+$0x70] =	vst v4  }
0x144: {  	[tilespmem:s20+$0x60] =	vst v1  }
0x145: {  	[spmem:s2] =	stream.indirect.scatter.add.f32 [tilespmem:s18], [sflag:$0x2], $0x40, s1, s23, $0xb8;
	[tilespmem:$0x1FA80] =	vst v63  }
0x146: {  	v1 =	vld [tilespmem:s0+$0x0]  }
0x147: {  	v2 =	vld [tilespmem:s0+$0x5100];
	_ =	sdelay $0x6  }
0x148: {  	v1 =	vld.idx.msk [tilespmem:v1+s21+$0x0], $0xffff  }
0x149: {  	v3 =	vld.idx.msk [tilespmem:v2+s22+$0x0], $0xffff;
	_ =	sdelay $0x4  }
0x14a: {  	v1 =	vadd.f32 v3, v1;
	_ =	sdelay $0x1  }
0x14b: {  	v3 =	vmul.f32 $2.000000030e-01, v1  }
0x14c: {  	vm0 =	vgt.f32 v1, $0.0e+00  }
0x14d: {  	v1 =	vsel vm0, v1, v3  }
0x14e: {  	v1 =	vmul.f32 $1.442695020e+00, v1;
	_ =	sdelay $0x1  }
0x14f: {  	(erf) = vpow2.f32 v1;
	_ =	sdelay $0x7  }
0x150: {  	s1 =	sadd.s32 s4, s0  }
0x151: {  	p1 =	slt.u32 s1, $0x50910;
	v1 =	vpop (erf)  }
0x152: {  	v1 =	vpsel !p1, $0x0, v1  }
0x153: {  	[tilespmem:$0xF200] =	vst v1  }
0x154: {  	[tilespmem:v2+s24+$0x0] =	vst.idx.add.f32.msk $0xffff, v1  }
0x155: {  	v1 =	vld [tilespmem:s0+$0x10]  }
0x156: {  	v2 =	vld [tilespmem:s0+$0x5110];
	_ =	sdelay $0x6  }
0x157: {  	v1 =	vld.idx.msk [tilespmem:v1+s21+$0x0], $0xffff  }
0x158: {  	v3 =	vld.idx.msk [tilespmem:v2+s22+$0x0], $0xffff;
	_ =	sdelay $0x4  }
0x159: {  	v1 =	vadd.f32 v3, v1;
	_ =	sdelay $0x1  }
0x15a: {  	v3 =	vmul.f32 $2.000000030e-01, v1  }
0x15b: {  	vm9 =	vgt.f32 v1, $0.0e+00  }
0x15c: {  	v1 =	vsel vm9, v1, v3  }
0x15d: {  	v1 =	vmul.f32 $1.442695020e+00, v1;
	_ =	sdelay $0x1  }
0x15e: {  	(erf) = vpow2.f32 v1;
	_ =	sdelay $0x7  }
0x15f: {  	s9 =	sor.u32 $0x10, s1  }
0x160: {  	p5 =	slt.u32 s9, $0x50910;
	v1 =	vpop (erf)  }
0x161: {  	v1 =	vpsel !p5, $0x0, v1  }
0x162: {  	[tilespmem:$0xF210] =	vst v1  }
0x163: {  	[tilespmem:v2+s24+$0x0] =	vst.idx.add.f32.msk $0xffff, v1  }
0x164: {  	v1 =	vld [tilespmem:s0+$0x20]  }
0x165: {  	v2 =	vld [tilespmem:s0+$0x5120];
	_ =	sdelay $0x6  }
0x166: {  	v1 =	vld.idx.msk [tilespmem:v1+s21+$0x0], $0xffff  }
0x167: {  	v3 =	vld.idx.msk [tilespmem:v2+s22+$0x0], $0xffff;
	_ =	sdelay $0x4  }
0x168: {  	v1 =	vadd.f32 v3, v1;
	_ =	sdelay $0x1  }
0x169: {  	v3 =	vmul.f32 $2.000000030e-01, v1  }
0x16a: {  	vm10 =	vgt.f32 v1, $0.0e+00  }
0x16b: {  	v1 =	vsel vm10, v1, v3  }
0x16c: {  	v1 =	vmul.f32 $1.442695020e+00, v1;
	_ =	sdelay $0x1  }
0x16d: {  	(erf) = vpow2.f32 v1;
	_ =	sdelay $0x7  }
0x16e: {  	s10 =	sor.u32 $0x20, s1  }
0x16f: {  	p6 =	slt.u32 s10, $0x50910;
	v1 =	vpop (erf)  }
0x170: {  	v1 =	vpsel !p6, $0x0, v1  }
0x171: {  	[tilespmem:$0xF220] =	vst v1  }
0x172: {  	[tilespmem:v2+s24+$0x0] =	vst.idx.add.f32.msk $0xffff, v1  }
0x173: {  	v1 =	vld [tilespmem:s0+$0x30]  }
0x174: {  	v2 =	vld [tilespmem:s0+$0x5130];
	_ =	sdelay $0x6  }
0x175: {  	v1 =	vld.idx.msk [tilespmem:v1+s21+$0x0], $0xffff  }
0x176: {  	v3 =	vld.idx.msk [tilespmem:v2+s22+$0x0], $0xffff;
	_ =	sdelay $0x4  }
0x177: {  	v1 =	vadd.f32 v3, v1;
	_ =	sdelay $0x1  }
0x178: {  	v3 =	vmul.f32 $2.000000030e-01, v1  }
0x179: {  	vm11 =	vgt.f32 v1, $0.0e+00  }
0x17a: {  	v1 =	vsel vm11, v1, v3  }
0x17b: {  	v1 =	vmul.f32 $1.442695020e+00, v1;
	_ =	sdelay $0x1  }
0x17c: {  	(erf) = vpow2.f32 v1;
	_ =	sdelay $0x7  }
0x17d: {  	s20 =	sor.u32 $0x30, s1  }
0x17e: {  	p2 =	slt.u32 s20, $0x50910;
	v1 =	vpop (erf)  }
0x17f: {  	v1 =	vpsel !p2, $0x0, v1  }
0x180: {  	[tilespmem:$0xF230] =	vst v1  }
0x181: {  	[tilespmem:v2+s24+$0x0] =	vst.idx.add.f32.msk $0xffff, v1  }
0x182: {  	v1 =	vld [tilespmem:s0+$0x40]  }
0x183: {  	v2 =	vld [tilespmem:s0+$0x5140];
	_ =	sdelay $0x6  }
0x184: {  	v1 =	vld.idx.msk [tilespmem:v1+s21+$0x0], $0xffff  }
0x185: {  	v3 =	vld.idx.msk [tilespmem:v2+s22+$0x0], $0xffff;
	_ =	sdelay $0x4  }
0x186: {  	v1 =	vadd.f32 v3, v1;
	_ =	sdelay $0x1  }
0x187: {  	v3 =	vmul.f32 $2.000000030e-01, v1  }
0x188: {  	vm12 =	vgt.f32 v1, $0.0e+00  }
0x189: {  	v1 =	vsel vm12, v1, v3  }
0x18a: {  	v1 =	vmul.f32 $1.442695020e+00, v1;
	_ =	sdelay $0x1  }
0x18b: {  	(erf) = vpow2.f32 v1;
	_ =	sdelay $0x7  }
0x18c: {  	s6 =	sor.u32 $0x40, s1  }
0x18d: {  	p3 =	slt.u32 s6, $0x50910;
	v1 =	vpop (erf)  }
0x18e: {  	v1 =	vpsel !p3, $0x0, v1  }
0x18f: {  	[tilespmem:$0xF240] =	vst v1  }
0x190: {  	[tilespmem:v2+s24+$0x0] =	vst.idx.add.f32.msk $0xffff, v1  }
0x191: {  	v1 =	vld [tilespmem:s0+$0x50]  }
0x192: {  	v2 =	vld [tilespmem:s0+$0x5150];
	_ =	sdelay $0x6  }
0x193: {  	v1 =	vld.idx.msk [tilespmem:v1+s21+$0x0], $0xffff  }
0x194: {  	v3 =	vld.idx.msk [tilespmem:v2+s22+$0x0], $0xffff;
	_ =	sdelay $0x4  }
0x195: {  	v1 =	vadd.f32 v3, v1;
	_ =	sdelay $0x1  }
0x196: {  	v3 =	vmul.f32 $2.000000030e-01, v1  }
0x197: {  	vm13 =	vgt.f32 v1, $0.0e+00  }
0x198: {  	v1 =	vsel vm13, v1, v3  }
0x199: {  	v1 =	vmul.f32 $1.442695020e+00, v1;
	_ =	sdelay $0x1  }
0x19a: {  	(erf) = vpow2.f32 v1;
	_ =	sdelay $0x7  }
0x19b: {  	s8 =	sor.u32 $0x50, s1  }
0x19c: {  	p4 =	slt.u32 s8, $0x50910;
	v1 =	vpop (erf)  }
0x19d: {  	v1 =	vpsel !p4, $0x0, v1  }
0x19e: {  	[tilespmem:$0xF250] =	vst v1  }
0x19f: {  	[tilespmem:v2+s24+$0x0] =	vst.idx.add.f32.msk $0xffff, v1  }
0x1a0: {  	v1 =	vld [tilespmem:s0+$0x60]  }
0x1a1: {  	v2 =	vld [tilespmem:s0+$0x5160];
	_ =	sdelay $0x6  }
0x1a2: {  	v1 =	vld.idx.msk [tilespmem:v1+s21+$0x0], $0xffff  }
0x1a3: {  	v3 =	vld.idx.msk [tilespmem:v2+s22+$0x0], $0xffff;
	_ =	sdelay $0x4  }
0x1a4: {  	v1 =	vadd.f32 v3, v1;
	_ =	sdelay $0x1  }
0x1a5: {  	v3 =	vmul.f32 $2.000000030e-01, v1  }
0x1a6: {  	vm14 =	vgt.f32 v1, $0.0e+00  }
0x1a7: {  	v1 =	vsel vm14, v1, v3  }
0x1a8: {  	v1 =	vmul.f32 $1.442695020e+00, v1;
	_ =	sdelay $0x1  }
0x1a9: {  	(erf) = vpow2.f32 v1;
	_ =	sdelay $0x7  }
0x1aa: {  	s9 =	sor.u32 $0x60, s1  }
0x1ab: {  	p5 =	slt.u32 s9, $0x50910;
	v1 =	vpop (erf)  }
0x1ac: {  	v1 =	vpsel !p5, $0x0, v1  }
0x1ad: {  	[tilespmem:$0xF260] =	vst v1  }
0x1ae: {  	[tilespmem:v2+s24+$0x0] =	vst.idx.add.f32.msk $0xffff, v1  }
0x1af: {  	v1 =	vld [tilespmem:s0+$0x70]  }
0x1b0: {  	v2 =	vld [tilespmem:s0+$0x5170];
	_ =	sdelay $0x6  }
0x1b1: {  	v1 =	vld.idx.msk [tilespmem:v1+s21+$0x0], $0xffff  }
0x1b2: {  	v3 =	vld.idx.msk [tilespmem:v2+s22+$0x0], $0xffff;
	_ =	sdelay $0x4  }
0x1b3: {  	v1 =	vadd.f32 v3, v1;
	_ =	sdelay $0x1  }
0x1b4: {  	v3 =	vmul.f32 $2.000000030e-01, v1  }
0x1b5: {  	vm15 =	vgt.f32 v1, $0.0e+00  }
0x1b6: {  	v1 =	vsel vm15, v1, v3  }
0x1b7: {  	v1 =	vmul.f32 $1.442695020e+00, v1;
	_ =	sdelay $0x1  }
0x1b8: {  	(erf) = vpow2.f32 v1;
	_ =	sdelay $0x7  }
0x1b9: {  	s1 =	sor.u32 $0x70, s1  }
0x1ba: {  	p6 =	slt.u32 s1, $0x50910;
	v1 =	vpop (erf)  }
0x1bb: {  	v1 =	vpsel !p6, $0x0, v1  }
0x1bc: {  	s10 =	simm.s32 $0x0;
	[tilespmem:$0xF270] =	vst v1  }
0x1bd: {  	[tilespmem:v2+s24+$0x0] =	vst.idx.add.f32.msk $0xffff, v1;
	v1 =	vmov s10  }
0x1be: {  	_ =	swait.ge [sflag:s25], $0x2000;
	v1 =	vand.u32 $0xFFFFFFFC, v1  }
0x1bf: {  	[sflag:s25] =	ssyncset.done $0x0;
	v1 =	vbroadcast v1, $0x0  }
0x1c0: {  	p1 =	seq.s32 s31, $0x50;
	[sflag:s25] =	ssyncadd.s32 $0xFFFFE000  }
0x1c1: {  	s1 =	sshll.u32 @!p1 s31, $0x8;
	_ =	swait.ge [sflag:s29], $0x2000  }
0x1c2: {  	s5 =	simm.s32 @!p1 $0x80;
	s1 =	sand.u32 @!p1 $0x3FFFFF00, s1;
	[sflag:s29] =	ssyncset.done $0x0  }
0x1c3: {  	s6 =	simm.s32 @!p1 $0x11A80;
	s1 =	sadd.s32 @!p1 $0x100, s1;
	[sflag:s29] =	ssyncadd.s32 $0xFFFFE000  }
0x1c4: {  	[tilespmem:s6], [sflag:$0x1] =	stream.indirect.gather @!p1 [hbm4b:s14+s5], $0x40, s1, s5, $0xb8;
	[tilespmem:$0x1FA80] =	vst v63  }
0x1c5: {  	s1 =	simm.s32 $0x13B00;
	v1 =	vld.idx.msk [tilespmem:v1+s28+$0x0], $0xffff  }
0x1c6: {  	v2 =	vld [tilespmem:s1+$0xFFFFFF80]  }
0x1c7: {  	v3 =	vld [tilespmem:s1+$0xFFFFFFA0]  }
0x1c8: {  	s20 =	simm.s32 $0x1;
	v4 =	vld [tilespmem:s1+$0xFFFFFF90]  }
0x1c9: {  	v5 =	vmov s20;
	v6 =	vld [tilespmem:s1+$0xFFFFFFB0]  }
0x1ca: {  	v5 =	vand.u32 $0xFFFFFFFD, v5  }
0x1cb: {  	v5 =	vbroadcast v5, $0x0;
	v2 =	vmul.f32 v2, v1  }
0x1cc: {  	v3 =	vmul.f32 v3, v1  }
0x1cd: {  	[tilespmem:s1+$0xFFFFFF80] =	vst v2;
	v2 =	vmul.f32 v4, v1  }
0x1ce: {  	s20 =	simm.s32 $0x13C00;
	[tilespmem:s1+$0xFFFFFFA0] =	vst v3;
	v3 =	vmul.f32 v6, v1  }
0x1cf: {  	v1 =	vld [tilespmem:s20+$0xFFFFFFA0];
	[tilespmem:s1+$0xFFFFFF90] =	vst v2  }
0x1d0: {  	v2 =	vld [tilespmem:s1+$0xFFFFFFF0];
	[tilespmem:s1+$0xFFFFFFB0] =	vst v3  }
0x1d1: {  	v3 =	vld.idx.msk [tilespmem:v5+s28+$0x0], $0xffff  }
0x1d2: {  	v4 =	vld [tilespmem:s1+$0xFFFFFFD0]  }
0x1d3: {  	s6 =	simm.s32 $0x2;
	v5 =	vld [tilespmem:s1+$0xFFFFFFC0]  }
0x1d4: {  	v7 =	vld [tilespmem:s1+$0xFFFFFFE0];
	v6 =	vmov s6  }
0x1d5: {  	v6 =	vand.u32 $0xFFFFFFFE, v6  }
0x1d6: {  	v6 =	vbroadcast v6, $0x0;
	v2 =	vmul.f32 v2, v3  }
0x1d7: {  	v4 =	vmul.f32 v4, v3  }
0x1d8: {  	v5 =	vmul.f32 v5, v3;
	[tilespmem:s1+$0xFFFFFFF0] =	vst v2  }
0x1d9: {  	v3 =	vmul.f32 v7, v3;
	[tilespmem:s1+$0xFFFFFFD0] =	vst v4  }
0x1da: {  	v2 =	vld [tilespmem:s20+$0xFFFFFF90];
	[tilespmem:s1+$0xFFFFFFC0] =	vst v5  }
0x1db: {  	v4 =	vld [tilespmem:s1+$0x0];
	[tilespmem:s1+$0xFFFFFFE0] =	vst v3  }
0x1dc: {  	v3 =	vld.idx.msk [tilespmem:v6+s28+$0x0], $0xffff  }
0x1dd: {  	v5 =	vld [tilespmem:s1+$0x10]  }
0x1de: {  	v6 =	vld [tilespmem:s1+$0x30]  }
0x1df: {  	v7 =	vld [tilespmem:s1+$0x20];
	_ =	sdelay $0x1  }
0x1e0: {  	s8 =	simm.s32 $0x3;
	v4 =	vmul.f32 v4, v3  }
0x1e1: {  	v8 =	vmov s8;
	v5 =	vmul.f32 v5, v3  }
0x1e2: {  	v6 =	vmul.f32 v6, v3;
	[tilespmem:s1+$0x0] =	vst v4  }
0x1e3: {  	v3 =	vmul.f32 v7, v3;
	[tilespmem:s1+$0x10] =	vst v5  }
0x1e4: {  	[tilespmem:s1+$0x30] =	vst v6;
	v4 =	vld [tilespmem:s1+$0x40]  }
0x1e5: {  	[tilespmem:s1+$0x20] =	vst v3;
	v3 =	vld [tilespmem:s1+$0x50]  }
0x1e6: {  	v6 =	vld.idx.msk [tilespmem:v8+s28+$0x0], $0xffff  }
0x1e7: {  	v5 =	vld [tilespmem:s1+$0x70];
	_ =	sdelay $0x1  }
0x1e8: {  	s5 =	simm.s32 $0x4;
	v7 =	vld [tilespmem:s1+$0x60]  }
0x1e9: {  	v8 =	vmov s5  }
0x1ea: {  	v8 =	vand.u32 $0xFFFFFFFC, v8;
	v4 =	vmul.f32 v4, v6;
	v10 =	vmul.f32 v3, v6  }
0x1eb: {  	s9 =	simm.s32 $0x5;
	s10 =	simm.s32 $0x6;
	v11 =	vmul.f32 v5, v6;
	v5 =	vbroadcast v8, $0x0  }
0x1ec: {  	v9 =	vmov s9;
	v63 =	vmov s10;
	[tilespmem:s1+$0x40] =	vst v4  }
0x1ed: {  	v3 =	vand.u32 $0xFFFFFFFD, v9;
	v6 =	vmul.f32 v7, v6;
	v4 =	vand.u32 $0xFFFFFFFE, v63;
	[tilespmem:s1+$0x50] =	vst v10  }
0x1ee: {  	s0 =	sadd.s32 $0x5100, s0;
	s6 =	simm.s32 $0x8;
	v3 =	vbroadcast v3, $0x0;
	[tilespmem:s1+$0x70] =	vst v11;
	v4 =	vbroadcast v4, $0x0  }
.LBB2_9:
0x1ef: {  	p1 =	slt.u32 s6, $0x7C;
	s8 =	smov.u32 s6  }
0x1f0: {  	[tilespmem:s1+$0x60] =	vst v6;
	s6 =	sadd.s32 $0x4, s6;
	s1 =	smov.u32 s20;
	s20 =	sadd.s32 $0x100, s20  }
0x1f1: {  	v6 =	vld.idx.msk [tilespmem:v5+s28+$0x0], $0xffff  }
0x1f2: {  	v7 =	vld [tilespmem:s1+$0xFFFFFF80];
	_ =	sdelay $0x1  }
0x1f3: {  	v8 =	vld [tilespmem:s1+$0xFFFFFFB0]  }
0x1f4: {  	v5 =	vmov s8  }
0x1f5: {  	v5 =	vand.u32 $0xFFFFFFFC, v5  }
0x1f6: {  	v5 =	vbroadcast v5, $0x0;
	v7 =	vmul.f32 v7, v6  }
0x1f7: {  	v2 =	vmul.f32 v2, v6;
	v1 =	vmul.f32 v1, v6  }
0x1f8: {  	[tilespmem:s1+$0xFFFFFF80] =	vst v7;
	v6 =	vmul.f32 v8, v6  }
0x1f9: {  	[tilespmem:s1+$0xFFFFFFA0] =	vst v1;
	v7 =	vld [tilespmem:s1+$0xFFFFFFF0]  }
0x1fa: {  	v1 =	vld [tilespmem:s20+$0xFFFFFFA0];
	[tilespmem:s1+$0xFFFFFF90] =	vst v2  }
0x1fb: {  	[tilespmem:s1+$0xFFFFFFB0] =	vst v6;
	v6 =	vld [tilespmem:s1+$0xFFFFFFC0]  }
0x1fc: {  	v8 =	vld.idx.msk [tilespmem:v3+s28+$0x0], $0xffff  }
0x1fd: {  	v9 =	vld [tilespmem:s1+$0xFFFFFFD0]  }
0x1fe: {  	v10 =	vld [tilespmem:s1+$0xFFFFFFE0]  }
0x1ff: {  	s9 =	sadd.s32 $0x1, s8;
	v2 =	vld [tilespmem:s20+$0xFFFFFF90]  }
0x200: {  	v3 =	vmov s9  }
0x201: {  	v3 =	vand.u32 $0xFFFFFFFD, v3  }
0x202: {  	v3 =	vbroadcast v3, $0x0;
	v7 =	vmul.f32 v7, v8  }
0x203: {  	v9 =	vmul.f32 v9, v8;
	v10 =	vmul.f32 v10, v8  }
0x204: {  	v6 =	vmul.f32 v6, v8;
	[tilespmem:s1+$0xFFFFFFF0] =	vst v7  }
0x205: {  	[tilespmem:s1+$0xFFFFFFD0] =	vst v9  }
0x206: {  	[tilespmem:s1+$0xFFFFFFC0] =	vst v6;
	v6 =	vld [tilespmem:s1+$0x0]  }
0x207: {  	[tilespmem:s1+$0xFFFFFFE0] =	vst v10;
	v7 =	vld [tilespmem:s1+$0x30]  }
0x208: {  	v4 =	vld.idx.msk [tilespmem:v4+s28+$0x0], $0xffff  }
0x209: {  	v8 =	vld [tilespmem:s1+$0x10]  }
0x20a: {  	v9 =	vld [tilespmem:s1+$0x20];
	_ =	sdelay $0x3  }
0x20b: {  	s9 =	sadd.s32 $0x3, s5;
	s5 =	smov.u32 s8;
	v6 =	vmul.f32 v6, v4;
	v8 =	vmul.f32 v8, v4  }
0x20c: {  	s8 =	sadd.s32 $0x2, s5;
	v9 =	vmul.f32 v9, v4;
	v4 =	vmul.f32 v7, v4;
	v7 =	vmov s9  }
0x20d: {  	v10 =	vmov s8;
	[tilespmem:s1+$0x0] =	vst v6  }
0x20e: {  	v6 =	vand.u32 $0xFFFFFFFE, v10;
	[tilespmem:s1+$0x10] =	vst v8  }
0x20f: {  	[tilespmem:s1+$0x30] =	vst v4;
	v8 =	vld [tilespmem:s1+$0x40]  }
0x210: {  	v4 =	vbroadcast v6, $0x0;
	[tilespmem:s1+$0x20] =	vst v9;
	v9 =	vld [tilespmem:s1+$0x70]  }
0x211: {  	v7 =	vld.idx.msk [tilespmem:v7+s28+$0x0], $0xffff  }
0x212: {  	v6 =	vld [tilespmem:s1+$0x50]  }
0x213: {  	v10 =	vld [tilespmem:s1+$0x60];
	_ =	sdelay $0x3  }
.Ltmp3:
0x214: {  	v8 =	vmul.f32 v8, v7;
	v11 =	vmul.f32 v6, v7;
	(pc) =	sbr.rel @p1 .LBB2_9-.Ltmp3, $4  }
0x215: {  	v6 =	vmul.f32 v10, v7;
	v7 =	vmul.f32 v9, v7  }
0x216: {  	[tilespmem:s1+$0x40] =	vst v8  }
0x217: {  	[tilespmem:s1+$0x50] =	vst v11  }
0x218: {  	[tilespmem:s1+$0x70] =	vst v7  }
0x219: {  	_ =	sdelay $0x2  }
0x21a: {  	[tilespmem:s1+$0x60] =	vst v6;
	v56 =	vld [tilespmem:s20+$0xFFFFFF80]  }
0x21b: {  	v5 =	vld.idx.msk [tilespmem:v5+s28+$0x0], $0xffff;
	_ =	sdelay $0x2  }
0x21c: {  	v7 =	vld [tilespmem:s20+$0xFFFFFFB0];
	_ =	sdelay $0x1  }
0x21d: {  	v6 =	vmul.f32 v56, v5  }
0x21e: {  	v1 =	vmul.f32 v1, v5  }
0x21f: {  	v2 =	vmul.f32 v2, v5;
	[tilespmem:s20+$0xFFFFFF80] =	vst v6  }
0x220: {  	v5 =	vmul.f32 v7, v5;
	[tilespmem:s20+$0xFFFFFFA0] =	vst v1  }
0x221: {  	[tilespmem:s20+$0xFFFFFF90] =	vst v2  }
0x222: {  	v1 =	vld [tilespmem:s20+$0xFFFFFFF0];
	[tilespmem:s20+$0xFFFFFFB0] =	vst v5  }
0x223: {  	v2 =	vld.idx.msk [tilespmem:v3+s28+$0x0], $0xffff  }
0x224: {  	v3 =	vld [tilespmem:s20+$0xFFFFFFD0]  }
0x225: {  	v57 =	vld [tilespmem:s20+$0xFFFFFFC0]  }
0x226: {  	v58 =	vld [tilespmem:s20+$0xFFFFFFE0];
	_ =	sdelay $0x1  }
0x227: {  	v1 =	vmul.f32 v1, v2  }
0x228: {  	v3 =	vmul.f32 v3, v2  }
0x229: {  	v5 =	vmul.f32 v57, v2;
	[tilespmem:s20+$0xFFFFFFF0] =	vst v1  }
0x22a: {  	v1 =	vmul.f32 v58, v2;
	[tilespmem:s20+$0xFFFFFFD0] =	vst v3  }
0x22b: {  	[tilespmem:s20+$0xFFFFFFC0] =	vst v5  }
0x22c: {  	v2 =	vld [tilespmem:s20+$0x0];
	[tilespmem:s20+$0xFFFFFFE0] =	vst v1  }
0x22d: {  	v1 =	vld.idx.msk [tilespmem:v4+s28+$0x0], $0xffff  }
0x22e: {  	v3 =	vld [tilespmem:s20+$0x10]  }
0x22f: {  	v59 =	vld [tilespmem:s20+$0x30]  }
0x230: {  	v60 =	vld [tilespmem:s20+$0x20];
	_ =	sdelay $0x1  }
0x231: {  	s10 =	sadd.s32 $0x3, s5;
	v2 =	vmul.f32 v2, v1  }
0x232: {  	v61 =	vmov s10;
	v3 =	vmul.f32 v3, v1  }
0x233: {  	v4 =	vmul.f32 v59, v1;
	[tilespmem:s20+$0x0] =	vst v2  }
0x234: {  	v1 =	vmul.f32 v60, v1;
	[tilespmem:s20+$0x10] =	vst v3  }
0x235: {  	[tilespmem:s20+$0x30] =	vst v4  }
0x236: {  	v2 =	vld [tilespmem:s20+$0x40];
	[tilespmem:s20+$0x20] =	vst v1  }
0x237: {  	v1 =	vld.idx.msk [tilespmem:v61+s28+$0x0], $0xffff  }
0x238: {  	v3 =	vld [tilespmem:s20+$0x50]  }
0x239: {  	v62 =	vld [tilespmem:s20+$0x70]  }
0x23a: {  	v63 =	vld [tilespmem:s20+$0x60];
	_ =	sdelay $0x1  }
0x23b: {  	s31 =	sadd.s32 $0x1, s31;
	v2 =	vmul.f32 v2, v1  }
0x23c: {  	p1 =	sne.s32 s31, $0x51;
	v3 =	vmul.f32 v3, v1  }
.Ltmp4:
0x23d: {  	v4 =	vmul.f32 v62, v1;
	[tilespmem:s20+$0x40] =	vst v2;
	(pc) =	sbr.rel @p1 .LBB2_6-.Ltmp4, $4  }
0x23e: {  	v1 =	vmul.f32 v63, v1;
	[tilespmem:s20+$0x50] =	vst v3  }
0x23f: {  	[tilespmem:s20+$0x70] =	vst v4  }
0x240: {  	[tilespmem:s20+$0x60] =	vst v1  }
0x241: {  	[spmem:s2] =	stream.indirect.scatter.add.f32 [tilespmem:s26], [sflag:$0x2], $0x40, s0, s23, $0xb8;
	[tilespmem:$0x1FA80] =	vst v63  }
0x242: {  	_ =	swait.ge [sflag:s29], $0x2000  }
0x243: {  	s0 =	stileid.u32;
	[sflag:s29] =	ssyncset.done $0x0  }
0x244: {  	s0 =	sshll.u32 s0, $0x6;
	[sflag:s29] =	ssyncadd.s32 $0xFFFFE000  }
0x245: {  	s1 =	sshrl.u32 s7, $0x3;
	s0 =	sor.u32 $0x1C03, s0;
	[bflag:$0x0] =	sbarrier.arrive $0xFFFF  }
0x246: {  	[hbm:s15], [sflag:s0] =	dma.local [spmem:s1], $0x1400  }
0x247: {  	s3 =	sadd.s32 $0x1, s3;
	_ =	swait.ge [sflag:s19], $0x1400  }
0x248: {  	p1 =	sne.s32 s3, s17;
	[sflag:s19] =	ssyncset.done $0x0  }
0x249: {  	s0 =	simm.s32 @!p0 $0x0;
	s1 =	simm.s32 @!p0 $0xF280;
	[sflag:s19] =	ssyncadd.s32 $0xFFFFEC00  }
0x24a: {  	[hbm4b:s16+s0] =	stream.linear.scatter @!p0 [tilespmem:s1], [sflag:$0x3], $0x2800, $0x38;
	[tilespmem:$0x1FA80] =	vst v63  }
.Ltmp5:
0x24b: {  	_ = 	snop;
	(pc) =	sbr.rel @p1 .LBB2_1-.Ltmp5, $4  }
0x24c: {  	s0 =	simm.s32 @!p0 $0x3  }
0x24d: {  	_ =	swait.ge @!p0 [sflag:s0], $0x2800  }
0x24e: {  	[sflag:s0] =	ssyncset.done @!p0 $0x0  }
0x24f: {  	[sflag:s0] =	ssyncadd.s32 @!p0 $0xFFFFD800  }
0x250: {  	_ =	sfence.sel $0x180000  }
0x251: {  	[bflag:$0x0] =	sbarrier.arrive $0xFFFF  }
0x252: {  	_ =	strace $0x9000004A  }
0x253: {  	s0 =	stileid.u32;
	[bflag:$0x2] =	sbarrier.arrive $0xFFFF  }
0x254: {  	p0 =	sne.s32 s0, $0x0;
	s0 =	rddreg [dreg:$0x3]  }
0x255: {  	s0 =	sadd.s32 @!p0 $0x100000, s0  }
0x256: {  	[sflag:s0] =	ssyncadd.tile.s32 @!p0 $0x1;
	_ =	shalt  }
.Lfunc_end2:
_tile_overlayer_lowered:
.L_overlay_start_2:
0x257: {  	(tag) =	ssettag $0x2  }
0x258: {  	s0 =	rddreg [dreg:$0x0];
	s2 =	stileid.u32  }
0x259: {  	s1 =	rddreg [dreg:$0x1];
	p0 =	sne.s32 s2, $0x0  }
0x25a: {  	s3 =	rddreg [dreg:$0x2];
	[bflag:$0x3] =	sbarrier.arrive $0xFFFF;
	s2 =	simm.s32 @!p0 $0x1C03  }
0x25b: {  	[timem:s3], [sflag:s2] =	dma.local @!p0 [hbm:s0], s1  }
0x25c: {  	s0 =	simm.s32 @!p0 $0x3  }
0x25d: {  	_ =	swait.ge @!p0 [sflag:s0], s1  }
0x25e: {  	s1 =	ssub.s32 @!p0 $0x0, s1;
	[sflag:s0] =	ssyncset.done @!p0 $0x0  }
0x25f: {  	[sflag:s0] =	ssyncadd.s32 @!p0 s1  }
0x260: {  	[bflag:$0x3] =	sbarrier.arrive $0xFFFF  }
0x261: {  	_ =	shalt  }

// kernel: kernel.7.cloned.1.call-start
scs
__scs_entry_jumppad:
0x0: {  	(pc) =	sbr.rel $0x88, $3  }
0x1: {  	(tag) =	ssettag $0x0;
	lr =	simm.s32 $0x1  }
0x2: {  	[smem:$0x3F97] =	sst lr;
	_ =	strace $0xD0000000  }
0x3: {  	_ = 	snop  }
0x4: {  	_ = 	snop  }
0x5: {  	_ = 	snop  }
0x6: {  	_ = 	snop  }
0x7: {  	_ = 	snop  }
__scs_overlays_trampoline_lowered:
0x8: {  	[smem:$0x3FA6] =	sst s0  }
0x9: {  	[smem:$0x3FA7] =	sst s1  }
0xa: {  	[smem:$0x3FA8] =	sst s2  }
0xb: {  	[smem:$0x3FA9] =	sst s3  }
0xc: {  	[smem:$0x3FAA] =	sst s4  }
0xd: {  	[smem:$0x3FAB] =	sst s5  }
0xe: {  	[smem:$0x3FAC] =	sst s6  }
0xf: {  	[smem:$0x3FAD] =	sst s7  }
0x10: {  	[smem:$0x3FAE] =	sst s8  }
0x11: {  	[smem:$0x3FAF] =	sst s9;
	s0 =	simm.s32 @!p0 $0x0  }
0x12: {  	s1 =	sld [smem:$0x3F95];
	s0 =	simm.s32 @p0 $0x1  }
0x13: {  	[smem:$0x3FB0] =	sst s0;
	s0 =	simm.s32 @!p1 $0x0  }
0x14: {  	s2 =	sld [smem:$0x3F94];
	s0 =	simm.s32 @p1 $0x1  }
0x15: {  	[smem:$0x3FB1] =	sst s0;
	s0 =	simm.s32 @!p2 $0x0  }
0x16: {  	s3 =	sld [smem:$0x3FDB];
	s0 =	simm.s32 @p2 $0x1  }
0x17: {  	s4 =	simm.s32 $0x1BF5;
	[smem:$0x3FB3] =	sst s0  }
0x18: {  	s0 =	sld [smem:$0x3F96];
	_ =	swait.ge [sflag:s4], $0x0  }
0x19: {  	s7 =	sld [smem:$0x3F97]  }
0x1a: {  	s8 =	sadd.s32 $0xFFFFE003, lr  }
0x1b: {  	s9 =	sadd.s32 $0xFFFFFEF7, lr;
	s5 =	simm.s32 $0xFFFFFFFF;
	p2 =	slt.u32 s8, $0xFFFFF086  }
0x1c: {  	p1 =	slt.u32 s9, $0xF7A;
	s5 =	simm.s32 @!p2 $0x0  }
0x1d: {  	s5 =	simm.s32 @p1 $0x1;
	p0 =	seq.s32 s7, s2  }
0x1e: {  	s7 =	smul.u32 @!p0 $0xF7A, s2;
	p2 =	seq.s32 @!p0 s5, $0x0  }
0x1f: {  	s9 =	smul.u32 $0xF7A, s1;
	s8 =	simm.s32 @!p0 $0x1BF5;
	p2 =	por !p2, p0  }
0x20: {  	[sflag:s8] =	ssyncset.s32 @!p0 $0xFFFFF086;
	s6 =	sadd.s32 @!p0 s3, s7;
	s7 =	simm.s32 @!p0 $0x108  }
0x21: {  	s3 =	sadd.s32 s3, s9;
	s6 =	sadd.s32 @!p0 $0x88, s6;
	s7 =	simm.s32 @p2 $0x1082  }
0x22: {  	[simem:s7], [sflag:s8] =	dma.local @!p0 [hbm:s6], $0xF7A  }
0x23: {  	s9 =	sor.u32 $0xD0000000, s2;
	s6 =	simm.s32 $0x108;
	_ =	swait.ge @!p0 [sflag:s8], $0x0  }
0x24: {  	s3 =	sadd.s32 $0x88, s3;
	s6 =	simm.s32 @!p1 $0x1082;
	[sflag:s4] =	ssyncset.s32 $0xFFFFF086  }
0x25: {  	[simem:s6], [sflag:s4] =	dma.local [hbm:s3], $0xF7A  }
0x26: {  	[smem:$0x3F97] =	sst s1;
	(tag) =	ssettag s2;
	_ =	strace s9  }
0x27: {  	s1 =	sld [smem:$0x3FA7]  }
0x28: {  	s2 =	sld [smem:$0x3FA8]  }
0x29: {  	s4 =	sld [smem:$0x3FAA]  }
0x2a: {  	p0 =	seq.s32 s5, $0x0;
	s5 =	sld [smem:$0x3FAB]  }
0x2b: {  	s6 =	sld [smem:$0x3FAC]  }
0x2c: {  	s7 =	sld [smem:$0x3FAD]  }
0x2d: {  	s3 =	simm.s32 $0x108;
	s8 =	sld [smem:$0x3FAE]  }
0x2e: {  	s3 =	simm.s32 @!p0 $0x1082;
	s9 =	sld [smem:$0x3FAF]  }
0x2f: {  	lr =	sadd.s32 s0, s3;
	s0 =	sld [smem:$0x3FA6]  }
0x30: {  	s3 =	sld [smem:$0x3FA9]  }
0x31: {  	[smem:$0x3FB2] =	sst s10  }
0x32: {  	s10 =	sld [smem:$0x3FB0];
	_ =	sdelay $0x3  }
0x33: {  	p0 =	seq.s32 s10, $0x1;
	s10 =	sld [smem:$0x3FB2];
	_ =	sdelay $0x3  }
0x34: {  	[smem:$0x3FB2] =	sst s10  }
0x35: {  	s10 =	sld [smem:$0x3FB1];
	_ =	sdelay $0x3  }
0x36: {  	p1 =	seq.s32 s10, $0x1;
	s10 =	sld [smem:$0x3FB2];
	_ =	sdelay $0x3  }
0x37: {  	[smem:$0x3FB2] =	sst s10  }
0x38: {  	s10 =	sld [smem:$0x3FB3]  }
0x39: {  	_ = 	snop;
	(pc) =	sbr.ind lr, $3  }
0x3a: {  	_ = 	snop  }
0x3b: {  	_ = 	snop  }
0x3c: {  	p2 =	seq.s32 s10, $0x1;
	s10 =	sld [smem:$0x3FB2]  }
0x3d: {  	_ =	shalt  }
0x3e: {  	_ =	shalt  }
0x3f: {  	_ =	shalt  }
0x40: {  	_ =	shalt  }
0x41: {  	_ =	shalt  }
0x42: {  	_ =	shalt  }
0x43: {  	_ =	shalt  }
0x44: {  	_ =	shalt  }
0x45: {  	_ =	shalt  }
0x46: {  	_ =	shalt  }
0x47: {  	_ =	shalt  }
0x48: {  	_ =	shalt  }
0x49: {  	_ =	shalt  }
0x4a: {  	_ =	shalt  }
0x4b: {  	_ =	shalt  }
0x4c: {  	_ =	shalt  }
0x4d: {  	_ =	shalt  }
0x4e: {  	_ =	shalt  }
0x4f: {  	_ =	shalt  }
0x50: {  	_ =	shalt  }
0x51: {  	_ =	shalt  }
0x52: {  	_ =	shalt  }
0x53: {  	_ =	shalt  }
0x54: {  	_ =	shalt  }
0x55: {  	_ =	shalt  }
0x56: {  	_ =	shalt  }
0x57: {  	_ =	shalt  }
0x58: {  	_ =	shalt  }
0x59: {  	_ =	shalt  }
0x5a: {  	_ =	shalt  }
0x5b: {  	_ =	shalt  }
0x5c: {  	_ =	shalt  }
0x5d: {  	_ =	shalt  }
0x5e: {  	_ =	shalt  }
0x5f: {  	_ =	shalt  }
0x60: {  	_ =	shalt  }
0x61: {  	_ =	shalt  }
0x62: {  	_ =	shalt  }
0x63: {  	_ =	shalt  }
0x64: {  	_ =	shalt  }
0x65: {  	_ =	shalt  }
0x66: {  	_ =	shalt  }
0x67: {  	_ =	shalt  }
0x68: {  	_ =	shalt  }
0x69: {  	_ =	shalt  }
0x6a: {  	_ =	shalt  }
0x6b: {  	_ =	shalt  }
0x6c: {  	_ =	shalt  }
0x6d: {  	_ =	shalt  }
0x6e: {  	_ =	shalt  }
0x6f: {  	_ =	shalt  }
0x70: {  	_ =	shalt  }
0x71: {  	_ =	shalt  }
0x72: {  	_ =	shalt  }
0x73: {  	_ =	shalt  }
0x74: {  	_ =	shalt  }
0x75: {  	_ =	shalt  }
0x76: {  	_ =	shalt  }
0x77: {  	_ =	shalt  }
0x78: {  	_ =	shalt  }
0x79: {  	_ =	shalt  }
0x7a: {  	_ =	shalt  }
0x7b: {  	_ =	shalt  }
0x7c: {  	_ =	shalt  }
0x7d: {  	_ =	shalt  }
0x7e: {  	_ =	shalt  }
0x7f: {  	_ =	shalt  }
0x80: {  	_ =	shalt  }
0x81: {  	_ =	shalt  }
0x82: {  	_ =	shalt  }
0x83: {  	_ =	shalt  }
0x84: {  	_ =	shalt  }
0x85: {  	_ =	shalt  }
0x86: {  	_ =	shalt  }
0x87: {  	_ =	shalt  }
.Lfunc_end0:
.L_simem_size_0:
called_computation_lowered:
.L_overlay_start_0:
0x88: {  	s2 =	sld [smem:$0x3FD9]  }
0x89: {  	s3 =	sld [smem:$0x3FFE];
	_ =	sdelay $0x1  }
0x8a: {  	s1 =	srdreg.scid  }
0x8b: {  	s0 =	sand.u32 $0x1, s1  }
0x8c: {  	s17 =	sshll.u32 s0, $0xA;
	s2 =	sadd.s32 s3, s2  }
0x8d: {  	s2 =	sadd.s32 s2, s17  }
0x8e: {  	[smem:$0x3FBE] =	sst s2  }
0x8f: {  	_ = 	snop  }
0x90: {  	s2 =	sld [smem:$0x3FD0];
	(tm) =	ssettm $0x1  }
0x91: {  	s18 =	sld [smem:$0x3FFB];
	_ =	sdelay $0x3  }
0x92: {  	_ =	strace s18  }
0x93: {  	s3 =	sld [smem:$0x3FFC];
	_ =	sdelay $0x3  }
0x94: {  	_ =	strace s3  }
0x95: {  	s3 =	sld [smem:$0x3FFD];
	_ =	sdelay $0x3  }
0x96: {  	_ =	strace s3  }
0x97: {  	_ =	strace $0x8FFFFFFF  }
0x98: {  	s19 =	sld [smem:$0x3FDB];
	_ =	sdelay $0x1  }
0x99: {  	s4 =	simm.s32 $_scs_section_size  }
0x9a: {  	s5 =	simm.s32 $_size__tile_overlayer_lowered;
	s6 =	simm.s32 $_tile_overlayer_lowered  }
0x9b: {  	s22 =	simm.s32 $0x1BFF;
	s21 =	sshll.u32 s6, $0x1;
	s3 =	sadd.s32 s4, s19  }
0x9c: {  	s7 =	simm.s32 $0x0;
	s20 =	sshll.u32 s5, $0x1;
	s5 =	sadd.s32 s21, s3  }
0x9d: {  	[timem:s7], [sflag:s22] =	dma.local [hbm:s5], s20  }
0x9e: {  	_ =	swait.ge [sflag:s22], s20  }
0x9f: {  	s4 =	ssub.s32 $0x0, s20;
	[sflag:s22] =	ssyncset.done $0x0  }
0xa0: {  	[sflag:s22] =	ssyncadd.s32 s4;
	_ =	sdelay $0x1  }
0xa1: {  	s23 =	simm.s32 $0x1B8B  }
0xa2: {  	_ =	swait.ge [sflag:s23], $0x1  }
0xa3: {  	[sflag:s23] =	ssyncset.done $0x0  }
0xa4: {  	s25 =	simm.s32 $0x1B8E;
	s24 =	sld [smem:$0x3FFE];
	[sflag:s23] =	ssyncadd.s32 $0xFFFFFFFF  }
0xa5: {  	s26 =	simm.s32 $execute0_lowered;
	[smem:$0x3FD2] =	sst s25  }
0xa6: {  	s5 =	sshll.u32 s26, $0x1;
	_ =	strace $0x80000046;
	[dreg:$0x1] =	wrdreg $0xFFFFFFFF  }
0xa7: {  	s28 =	simm.s32 $_size_execute0_lowered;
	s3 =	sadd.s32 s3, s5;
	[dreg:$0x0] =	wrdreg $0x0  }
0xa8: {  	s5 =	sshll.u32 s28, $0x1;
	[dreg:$0x2] =	wrdreg s3  }
0xa9: {  	[dreg:$0x3] =	wrdreg s5  }
0xaa: {  	[dreg:$0x4] =	wrdreg $0xC0  }
0xab: {  	_ =	task [dreg:s7], $0x5FFFF  }
0xac: {  	[dreg:$0x1] =	wrdreg $0xFFFFFFFF  }
0xad: {  	[dreg:$0x0] =	wrdreg $0x60  }
0xae: {  	[dreg:$0x2] =	wrdreg s2  }
0xaf: {  	[dreg:$0x3] =	wrdreg s24  }
0xb0: {  	[dreg:$0x4] =	wrdreg $0x15A800  }
0xb1: {  	[dreg:$0x5] =	wrdreg $0x9  }
0xb2: {  	_ =	task.clear_ibuf [dreg:s7], $0x6FFFF;
	_ =	strace $0x90000046  }
0xb3: {  	s29 =	simm.s32 $0x9;
	_ =	strace $0x80000048  }
0xb4: {  	_ =	swait.ge [sflag:s29], $0x1  }
0xb5: {  	[sflag:s29] =	ssyncadd.s32 $0xFFFFFFFF  }
0xb6: {  	_ =	strace $0x90000048  }
0xb7: {  	_ =	sfence  }
0xb8: {  	s30 =	sld [smem:$0x0];
	_ =	sdelay $0x2  }
0xb9: {  	s31 =	sshll.u32 s1, $0xD;
	s1 =	sshrl.u32 s1, $0x2  }
0xba: {  	s3 =	sand.u32 $0x4000, s31;
	s1 =	sadd.s32 s1, s30  }
0xbb: {  	s0 =	sor.u32 s3, s0;
	s1 =	sshll.u32 s1, $0x11  }
0xbc: {  	s0 =	sor.u32 s1, s0  }
0xbd: {  	s0 =	sadd.s32 $0x8F2B, s0  }
0xbe: {  	[sflag:s0] =	ssyncadd.remote.s32 $0x1  }
0xbf: {  	_ =	sfence.sel $0xFFFF  }
0xc0: {  	[dreg:$0x0] =	wrdreg $0xFFFFFFFF;
	(pc) =	sbr.abs _section_cstart, $3  }
0xc1: {  	[dreg:$0x1] =	wrdreg $0xFFFFFFFF  }
0xc2: {  	_ =	task.clear_ibuf [dreg:s7], $0x2FFFF;
	_ =	strace $0x9FFFFFFF  }
0xc3: {  	(tm) =	ssettm $0x7FFFFFFF  }
tec
execute0_lowered:
.L_overlay_start_1:
0x0: {  	(tag) =	ssettag $0x1  }
0x1: {  	s0 =	rddreg [dreg:$0x0]  }
0x2: {  	s1 =	rddreg [dreg:$0x1]  }
0x3: {  	s2 =	rddreg [dreg:$0x2]  }
0x4: {  	s12 =	stileid.u32;
	s5 =	srdreg.scid;
	s3 =	simm.s32 $0x0  }
0x5: {  	s18 =	simm.s32 $0x11A80;
	s19 =	simm.s32 $0x3;
	s28 =	simm.s32 $0xF200  }
0x6: {  	s29 =	simm.s32 $0x2;
	s30 =	simm.s32 $0x0;
	s4 =	smul.u32 $0x5100, s12  }
0x7: {  	s5 =	sand.u32 $0x1, s5;
	[smem:$0x7FF] =	sst s3;
	s7 =	smul.u32 $0xA000, s12  }
0x8: {  	s10 =	sadd.s32 $0xC800, s1;
	s20 =	sadd.s32 $0xCE00, s1;
	s11 =	smul.u32 $0x28000, s12  }
0x9: {  	s22 =	smul.u32 $0x500, s12;
	_ =	strace $0x80000047;
	[dreg:$0x4] =	wrdreg s10  }
0xa: {  	s6 =	smul.u32 $0xA0000, s5;
	[dreg:$0x5] =	wrdreg s20;
	s23 =	ssub.s32 $0x2, s5  }
0xb: {  	p0 =	sne.s32 s5, $0x0;
	s8 =	sshrl.u32 s4, $0x3;
	s11 =	sshrl.u32 s11, $0x2  }
0xc: {  	s24 =	sshrl.u32 s23, $0x1;
	s9 =	sadd.s32 s8, s1;
	s21 =	sshrl.u32 s6, $0x3  }
0xd: {  	s6 =	sadd.s32 s7, s6;
	s11 =	sadd.s32 s11, s2;
	s17 =	ssub.s32 s23, s24  }
0xe: {  	s7 =	sadd.s32 s7, s2;
	s12 =	sadd.s32 s0, s8;
	s23 =	simm.s32 $0x80  }
0xf: {  	s24 =	simm.s32 $0xF280;
	s14 =	sadd.s32 s21, s1;
	s6 =	sshrl.u32 s6, $0x3  }
0x10: {  	s25 =	sadd.s32 $0x2000, s11;
	s26 =	sadd.s32 $0x4000, s11;
	s31 =	sadd.s32 $0x6000, s11  }
0x11: {  	s11 =	sadd.s32 $0x8000, s11;
	s13 =	sadd.s32 $0x2600, s9;
	[dreg:$0x6] =	wrdreg s25  }
0x12: {  	s17 =	smax.u32 s17, $0x1;
	s21 =	simm.s32 $0xA200;
	[dreg:$0x7] =	wrdreg s26  }
0x13: {  	s6 =	sadd.s32 s6, s1;
	s1 =	sadd.s32 s22, s1;
	[dreg:$0x8] =	wrdreg s31  }
0x14: {  	s14 =	sadd.s32 $0xD400, s14;
	s22 =	simm.s32 $0xCA00;
	s25 =	simm.s32 $0x1  }
0x15: {  	v0 =	vimm.f32 $0.0e+00;
	s26 =	simm.s32 $0x13A80;
	s15 =	sadd.s32 $0x3A400, s6;
	s16 =	sadd.s32 $0x35400, s1  }
.LBB2_1:
0x16: {  	s0 =	simm.s32 $0x0  }
.LBB2_2:
0x17: {  	p1 =	sne.s32 s0, $0x7F00  }
.Ltmp0:
0x18: {  	s1 =	sshra.s32 s0, $0x2;
	(pc) =	sbr.rel @p1 .LBB2_2-.Ltmp0, $4  }
0x19: {  	[tilespmem:s1+$0x11A80] =	vst v0  }
0x1a: {  	[tilespmem:s1+$0x11A90] =	vst v0  }
0x1b: {  	[tilespmem:s1+$0x11AA0] =	vst v0  }
0x1c: {  	s0 =	sadd.s32 $0x100, s0;
	[tilespmem:s1+$0x11AB0] =	vst v0  }
0x1d: {  	s0 =	simm.s32 $0x40;
	s1 =	simm.s32 $0x0  }
.LBB2_4:
0x1e: {  	p1 =	sne.s32 s0, $0x9FC0;
	[tilespmem:s1+$0xF280] =	vst v0;
	s1 =	smov.u32 s0;
	s0 =	sadd.s32 $0x40, s0  }
.Ltmp1:
0x1f: {  	(pc) =	sbr.rel @p1 .LBB2_4-.Ltmp1, $2  }
0x20: {  	_ =	sdelay $0x2  }
0x21: {  	s1 =	sshra.s32 s1, $0x2  }
0x22: {  	[tilespmem:s1+$0xF280] =	vst v0  }
0x23: {  	[spmem:s7] =	stream.linear.scatter [tilespmem:s18], [sflag:$0x3], $0x2000, $0x38;
	[tilespmem:$0x1FA80] =	vst v63  }
0x24: {  	_ =	swait.ge [sflag:s19], $0x2000  }
0x25: {  	[sflag:s19] =	ssyncset.done $0x0  }
0x26: {  	s0 =	rddreg [dreg:$0x6];
	[sflag:s19] =	ssyncadd.s32 $0xFFFFE000  }
0x27: {  	[spmem:s0] =	stream.linear.scatter [tilespmem:s18], [sflag:$0x3], $0x2000, $0x38;
	[tilespmem:$0x1FA80] =	vst v63  }
0x28: {  	_ =	swait.ge [sflag:s19], $0x2000  }
0x29: {  	[sflag:s19] =	ssyncset.done $0x0  }
0x2a: {  	s6 =	rddreg [dreg:$0x7];
	[sflag:s19] =	ssyncadd.s32 $0xFFFFE000  }
0x2b: {  	[spmem:s6] =	stream.linear.scatter [tilespmem:s18], [sflag:$0x3], $0x2000, $0x38;
	[tilespmem:$0x1FA80] =	vst v63  }
0x2c: {  	_ =	swait.ge [sflag:s19], $0x2000  }
0x2d: {  	[sflag:s19] =	ssyncset.done $0x0  }
0x2e: {  	s8 =	rddreg [dreg:$0x8];
	[sflag:s19] =	ssyncadd.s32 $0xFFFFE000  }
0x2f: {  	[spmem:s8] =	stream.linear.scatter [tilespmem:s18], [sflag:$0x3], $0x2000, $0x38;
	[tilespmem:$0x1FA80] =	vst v63  }
0x30: {  	_ =	swait.ge [sflag:s19], $0x2000  }
0x31: {  	[sflag:s19] =	ssyncset.done $0x0  }
0x32: {  	[sflag:s19] =	ssyncadd.s32 $0xFFFFE000  }
0x33: {  	[spmem:s11] =	stream.linear.scatter [tilespmem:s18], [sflag:$0x3], $0x2000, $0x38;
	[tilespmem:$0x1FA80] =	vst v63  }
0x34: {  	_ =	swait.ge [sflag:s19], $0x2000  }
0x35: {  	[sflag:s19] =	ssyncset.done $0x0  }
0x36: {  	[sflag:s19] =	ssyncadd.s32 $0xFFFFE000  }
0x37: {  	[tilespmem:s30], [sflag:$0x3] =	stream.linear.gather [hbm4b:s12+s30], $0x5100, $0x38;
	[tilespmem:$0x1FA80] =	vst v63  }
0x38: {  	_ =	swait.ge [sflag:s19], $0x5100  }
0x39: {  	[sflag:s19] =	ssyncset.done $0x0  }
0x3a: {  	s9 =	simm.s32 $0x5100;
	[sflag:s19] =	ssyncadd.s32 $0xFFFFAF00  }
0x3b: {  	[tilespmem:s9], [sflag:$0x3] =	stream.linear.gather [hbm4b:s13+s30], $0x5100, $0x38;
	[tilespmem:$0x1FA80] =	vst v63  }
0x3c: {  	_ =	swait.ge [sflag:s19], $0x5100  }
0x3d: {  	[sflag:s19] =	ssyncset.done $0x0  }
0x3e: {  	s10 =	rddreg [dreg:$0x4];
	[sflag:s19] =	ssyncadd.s32 $0xFFFFAF00  }
0x3f: {  	[tilespmem:s21], [sflag:$0x3] =	stream.linear.gather [hbm4b:s10+s30], $0x2800, $0x38;
	[tilespmem:$0x1FA80] =	vst v63  }
0x40: {  	_ =	swait.ge [sflag:s19], $0x2800  }
0x41: {  	[sflag:s19] =	ssyncset.done $0x0  }
0x42: {  	s20 =	rddreg [dreg:$0x5];
	[sflag:s19] =	ssyncadd.s32 $0xFFFFD800  }
0x43: {  	[tilespmem:s22], [sflag:$0x3] =	stream.linear.gather [hbm4b:s20+s30], $0x2800, $0x38;
	[tilespmem:$0x1FA80] =	vst v63  }
0x44: {  	_ =	swait.ge [sflag:s19], $0x2800  }
0x45: {  	[sflag:s19] =	ssyncset.done $0x0  }
0x46: {  	[sflag:s19] =	ssyncadd.s32 $0xFFFFD800  }
0x47: {  	s31 =	simm.s32 $0x0;
	[bflag:$0x0] =	sbarrier.arrive $0xFFFF  }
0x48: {  	[tilespmem:s18], [sflag:$0x1] =	stream.indirect.gather [hbm4b:s14+s23], $0x40, s30, s23, $0xb8;
	[tilespmem:$0x1FA80] =	vst v63  }
.LBB2_6:
0x49: {  	s1 =	sshll.u32 s31, $0x8  }
0x4a: {  	v1 =	vld [tilespmem:s1+$0x0]  }
0x4b: {  	v2 =	vld [tilespmem:s1+$0x5100];
	_ =	sdelay $0x6  }
0x4c: {  	v1 =	vld.idx.msk [tilespmem:v1+s21+$0x0], $0xffff  }
0x4d: {  	v3 =	vld.idx.msk [tilespmem:v2+s22+$0x0], $0xffff;
	_ =	sdelay $0x4  }
0x4e: {  	v1 =	vadd.f32 v3, v1;
	_ =	sdelay $0x1  }
0x4f: {  	v3 =	vmul.f32 $2.000000030e-01, v1  }
0x50: {  	vm0 =	vgt.f32 v1, $0.0e+00  }
0x51: {  	v1 =	vsel vm0, v1, v3  }
0x52: {  	v1 =	vmul.f32 $1.442695020e+00, v1;
	_ =	sdelay $0x1  }
0x53: {  	(erf) = vpow2.f32 v1;
	_ =	sdelay $0x7  }
0x54: {  	s0 =	sadd.s32 s4, s1  }
0x55: {  	p1 =	slt.u32 s0, $0x50910;
	v1 =	vpop (erf)  }
0x56: {  	v1 =	vpsel !p1, $0x0, v1  }
0x57: {  	[tilespmem:$0xF200] =	vst v1  }
0x58: {  	[tilespmem:v2+s24+$0x0] =	vst.idx.add.f32.msk $0xffff, v1  }
0x59: {  	v1 =	vld [tilespmem:s1+$0x10]  }
0x5a: {  	v2 =	vld [tilespmem:s1+$0x5110];
	_ =	sdelay $0x6  }
0x5b: {  	v1 =	vld.idx.msk [tilespmem:v1+s21+$0x0], $0xffff  }
0x5c: {  	v3 =	vld.idx.msk [tilespmem:v2+s22+$0x0], $0xffff;
	_ =	sdelay $0x4  }
0x5d: {  	v1 =	vadd.f32 v3, v1;
	_ =	sdelay $0x1  }
0x5e: {  	v3 =	vmul.f32 $2.000000030e-01, v1  }
0x5f: {  	vm9 =	vgt.f32 v1, $0.0e+00  }
0x60: {  	v1 =	vsel vm9, v1, v3  }
0x61: {  	v1 =	vmul.f32 $1.442695020e+00, v1;
	_ =	sdelay $0x1  }
0x62: {  	(erf) = vpow2.f32 v1;
	_ =	sdelay $0x7  }
0x63: {  	s5 =	sor.u32 $0x10, s0  }
0x64: {  	p5 =	slt.u32 s5, $0x50910;
	v1 =	vpop (erf)  }
0x65: {  	v1 =	vpsel !p5, $0x0, v1  }
0x66: {  	[tilespmem:$0xF210] =	vst v1  }
0x67: {  	[tilespmem:v2+s24+$0x0] =	vst.idx.add.f32.msk $0xffff, v1  }
0x68: {  	v1 =	vld [tilespmem:s1+$0x20]  }
0x69: {  	v2 =	vld [tilespmem:s1+$0x5120];
	_ =	sdelay $0x6  }
0x6a: {  	v1 =	vld.idx.msk [tilespmem:v1+s21+$0x0], $0xffff  }
0x6b: {  	v3 =	vld.idx.msk [tilespmem:v2+s22+$0x0], $0xffff;
	_ =	sdelay $0x4  }
0x6c: {  	v1 =	vadd.f32 v3, v1;
	_ =	sdelay $0x1  }
0x6d: {  	v3 =	vmul.f32 $2.000000030e-01, v1  }
0x6e: {  	vm10 =	vgt.f32 v1, $0.0e+00  }
0x6f: {  	v1 =	vsel vm10, v1, v3  }
0x70: {  	v1 =	vmul.f32 $1.442695020e+00, v1;
	_ =	sdelay $0x1  }
0x71: {  	(erf) = vpow2.f32 v1;
	_ =	sdelay $0x7  }
0x72: {  	s20 =	sor.u32 $0x20, s0  }
0x73: {  	p6 =	slt.u32 s20, $0x50910;
	v1 =	vpop (erf)  }
0x74: {  	v1 =	vpsel !p6, $0x0, v1  }
0x75: {  	[tilespmem:$0xF220] =	vst v1  }
0x76: {  	[tilespmem:v2+s24+$0x0] =	vst.idx.add.f32.msk $0xffff, v1  }
0x77: {  	v1 =	vld [tilespmem:s1+$0x30]  }
0x78: {  	v2 =	vld [tilespmem:s1+$0x5130];
	_ =	sdelay $0x6  }
0x79: {  	v1 =	vld.idx.msk [tilespmem:v1+s21+$0x0], $0xffff  }
0x7a: {  	v3 =	vld.idx.msk [tilespmem:v2+s22+$0x0], $0xffff;
	_ =	sdelay $0x4  }
0x7b: {  	v1 =	vadd.f32 v3, v1;
	_ =	sdelay $0x1  }
0x7c: {  	v3 =	vmul.f32 $2.000000030e-01, v1  }
0x7d: {  	vm11 =	vgt.f32 v1, $0.0e+00  }
0x7e: {  	v1 =	vsel vm11, v1, v3  }
0x7f: {  	v1 =	vmul.f32 $1.442695020e+00, v1;
	_ =	sdelay $0x1  }
0x80: {  	(erf) = vpow2.f32 v1;
	_ =	sdelay $0x7  }
0x81: {  	s6 =	sor.u32 $0x30, s0  }
0x82: {  	p2 =	slt.u32 s6, $0x50910;
	v1 =	vpop (erf)  }
0x83: {  	v1 =	vpsel !p2, $0x0, v1  }
0x84: {  	[tilespmem:$0xF230] =	vst v1  }
0x85: {  	[tilespmem:v2+s24+$0x0] =	vst.idx.add.f32.msk $0xffff, v1  }
0x86: {  	v1 =	vld [tilespmem:s1+$0x40]  }
0x87: {  	v2 =	vld [tilespmem:s1+$0x5140];
	_ =	sdelay $0x6  }
0x88: {  	v1 =	vld.idx.msk [tilespmem:v1+s21+$0x0], $0xffff  }
0x89: {  	v3 =	vld.idx.msk [tilespmem:v2+s22+$0x0], $0xffff;
	_ =	sdelay $0x4  }
0x8a: {  	v1 =	vadd.f32 v3, v1;
	_ =	sdelay $0x1  }
0x8b: {  	v3 =	vmul.f32 $2.000000030e-01, v1  }
0x8c: {  	vm12 =	vgt.f32 v1, $0.0e+00  }
0x8d: {  	v1 =	vsel vm12, v1, v3  }
0x8e: {  	v1 =	vmul.f32 $1.442695020e+00, v1;
	_ =	sdelay $0x1  }
0x8f: {  	(erf) = vpow2.f32 v1;
	_ =	sdelay $0x7  }
0x90: {  	s8 =	sor.u32 $0x40, s0  }
0x91: {  	p3 =	slt.u32 s8, $0x50910;
	v1 =	vpop (erf)  }
0x92: {  	v1 =	vpsel !p3, $0x0, v1  }
0x93: {  	[tilespmem:$0xF240] =	vst v1  }
0x94: {  	[tilespmem:v2+s24+$0x0] =	vst.idx.add.f32.msk $0xffff, v1  }
0x95: {  	v1 =	vld [tilespmem:s1+$0x50]  }
0x96: {  	v2 =	vld [tilespmem:s1+$0x5150];
	_ =	sdelay $0x6  }
0x97: {  	v1 =	vld.idx.msk [tilespmem:v1+s21+$0x0], $0xffff  }
0x98: {  	v3 =	vld.idx.msk [tilespmem:v2+s22+$0x0], $0xffff;
	_ =	sdelay $0x4  }
0x99: {  	v1 =	vadd.f32 v3, v1;
	_ =	sdelay $0x1  }
0x9a: {  	v3 =	vmul.f32 $2.000000030e-01, v1  }
0x9b: {  	vm13 =	vgt.f32 v1, $0.0e+00  }
0x9c: {  	v1 =	vsel vm13, v1, v3  }
0x9d: {  	v1 =	vmul.f32 $1.442695020e+00, v1;
	_ =	sdelay $0x1  }
0x9e: {  	(erf) = vpow2.f32 v1;
	_ =	sdelay $0x7  }
0x9f: {  	s9 =	sor.u32 $0x50, s0  }
0xa0: {  	p4 =	slt.u32 s9, $0x50910;
	v1 =	vpop (erf)  }
0xa1: {  	v1 =	vpsel !p4, $0x0, v1  }
0xa2: {  	[tilespmem:$0xF250] =	vst v1  }
0xa3: {  	[tilespmem:v2+s24+$0x0] =	vst.idx.add.f32.msk $0xffff, v1  }
0xa4: {  	v1 =	vld [tilespmem:s1+$0x60]  }
0xa5: {  	v2 =	vld [tilespmem:s1+$0x5160];
	_ =	sdelay $0x6  }
0xa6: {  	v1 =	vld.idx.msk [tilespmem:v1+s21+$0x0], $0xffff  }
0xa7: {  	v3 =	vld.idx.msk [tilespmem:v2+s22+$0x0], $0xffff;
	_ =	sdelay $0x4  }
0xa8: {  	v1 =	vadd.f32 v3, v1;
	_ =	sdelay $0x1  }
0xa9: {  	v3 =	vmul.f32 $2.000000030e-01, v1  }
0xaa: {  	vm14 =	vgt.f32 v1, $0.0e+00  }
0xab: {  	v1 =	vsel vm14, v1, v3  }
0xac: {  	v1 =	vmul.f32 $1.442695020e+00, v1;
	_ =	sdelay $0x1  }
0xad: {  	(erf) = vpow2.f32 v1;
	_ =	sdelay $0x7  }
0xae: {  	s10 =	sor.u32 $0x60, s0  }
0xaf: {  	p5 =	slt.u32 s10, $0x50910;
	v1 =	vpop (erf)  }
0xb0: {  	v1 =	vpsel !p5, $0x0, v1  }
0xb1: {  	[tilespmem:$0xF260] =	vst v1  }
0xb2: {  	[tilespmem:v2+s24+$0x0] =	vst.idx.add.f32.msk $0xffff, v1  }
0xb3: {  	v1 =	vld [tilespmem:s1+$0x70]  }
0xb4: {  	v2 =	vld [tilespmem:s1+$0x5170];
	_ =	sdelay $0x6  }
0xb5: {  	v1 =	vld.idx.msk [tilespmem:v1+s21+$0x0], $0xffff  }
0xb6: {  	v3 =	vld.idx.msk [tilespmem:v2+s22+$0x0], $0xffff;
	_ =	sdelay $0x4  }
0xb7: {  	v1 =	vadd.f32 v3, v1;
	_ =	sdelay $0x1  }
0xb8: {  	v3 =	vmul.f32 $2.000000030e-01, v1  }
0xb9: {  	vm15 =	vgt.f32 v1, $0.0e+00  }
0xba: {  	v1 =	vsel vm15, v1, v3  }
0xbb: {  	v1 =	vmul.f32 $1.442695020e+00, v1;
	_ =	sdelay $0x1  }
0xbc: {  	(erf) = vpow2.f32 v1;
	_ =	sdelay $0x7  }
0xbd: {  	s0 =	sor.u32 $0x70, s0  }
0xbe: {  	p6 =	slt.u32 s0, $0x50910;
	v1 =	vpop (erf)  }
0xbf: {  	v1 =	vpsel !p6, $0x0, v1  }
0xc0: {  	[tilespmem:$0xF270] =	vst v1  }
0xc1: {  	[tilespmem:v2+s24+$0x0] =	vst.idx.add.f32.msk $0xffff, v1;
	v1 =	vmov s30  }
0xc2: {  	_ =	swait.ge [sflag:s25], $0x2000;
	v1 =	vand.u32 $0xFFFFFFFC, v1  }
0xc3: {  	p1 =	seq.s32 s31, $0x0;
	[sflag:s25] =	ssyncset.done $0x0;
	v1 =	vbroadcast v1, $0x0  }
0xc4: {  	s20 =	sshll.u32 s31, $0x1;
	s5 =	simm.s32 @!p1 $0x2;
	[sflag:s25] =	ssyncadd.s32 $0xFFFFE000  }
0xc5: {  	s0 =	sor.u32 $0x1, s20;
	_ =	swait.ge @!p1 [sflag:s5], $0x2000  }
0xc6: {  	s0 =	sshll.u32 s0, $0x7;
	[sflag:s5] =	ssyncset.done @!p1 $0x0  }
0xc7: {  	s6 =	sand.u32 $0x3FFFFF80, s0;
	[sflag:s5] =	ssyncadd.s32 @!p1 $0xFFFFE000  }
0xc8: {  	[tilespmem:s26], [sflag:$0x1] =	stream.indirect.gather [hbm4b:s14+s23], $0x40, s6, s23, $0xb8;
	[tilespmem:$0x1FA80] =	vst v63  }
0xc9: {  	s5 =	simm.s32 $0x11B00;
	v1 =	vld.idx.msk [tilespmem:v1+s28+$0x0], $0xffff  }
0xca: {  	v2 =	vld [tilespmem:s5+$0xFFFFFF80]  }
0xcb: {  	v3 =	vld [tilespmem:s5+$0xFFFFFFA0]  }
0xcc: {  	s6 =	simm.s32 $0x1;
	v4 =	vld [tilespmem:s5+$0xFFFFFF90]  }
0xcd: {  	v5 =	vmov s6;
	v6 =	vld [tilespmem:s5+$0xFFFFFFB0]  }
0xce: {  	v5 =	vand.u32 $0xFFFFFFFD, v5  }
0xcf: {  	v5 =	vbroadcast v5, $0x0;
	v2 =	vmul.f32 v2, v1  }
0xd0: {  	v3 =	vmul.f32 v3, v1  }
0xd1: {  	[tilespmem:s5+$0xFFFFFF80] =	vst v2;
	v2 =	vmul.f32 v4, v1  }
0xd2: {  	s20 =	simm.s32 $0x11C00;
	[tilespmem:s5+$0xFFFFFFA0] =	vst v3;
	v3 =	vmul.f32 v6, v1  }
0xd3: {  	v1 =	vld [tilespmem:s20+$0xFFFFFFA0];
	[tilespmem:s5+$0xFFFFFF90] =	vst v2  }
0xd4: {  	v2 =	vld [tilespmem:s5+$0xFFFFFFF0];
	[tilespmem:s5+$0xFFFFFFB0] =	vst v3  }
0xd5: {  	v3 =	vld.idx.msk [tilespmem:v5+s28+$0x0], $0xffff  }
0xd6: {  	v4 =	vld [tilespmem:s5+$0xFFFFFFD0]  }
0xd7: {  	s8 =	simm.s32 $0x2;
	v5 =	vld [tilespmem:s5+$0xFFFFFFC0]  }
0xd8: {  	v7 =	vld [tilespmem:s5+$0xFFFFFFE0];
	v6 =	vmov s8  }
0xd9: {  	v6 =	vand.u32 $0xFFFFFFFE, v6  }
0xda: {  	v6 =	vbroadcast v6, $0x0;
	v2 =	vmul.f32 v2, v3  }
0xdb: {  	v4 =	vmul.f32 v4, v3  }
0xdc: {  	v5 =	vmul.f32 v5, v3;
	[tilespmem:s5+$0xFFFFFFF0] =	vst v2  }
0xdd: {  	v3 =	vmul.f32 v7, v3;
	[tilespmem:s5+$0xFFFFFFD0] =	vst v4  }
0xde: {  	v2 =	vld [tilespmem:s20+$0xFFFFFF90];
	[tilespmem:s5+$0xFFFFFFC0] =	vst v5  }
0xdf: {  	v4 =	vld [tilespmem:s5+$0x0];
	[tilespmem:s5+$0xFFFFFFE0] =	vst v3  }
0xe0: {  	v3 =	vld.idx.msk [tilespmem:v6+s28+$0x0], $0xffff  }
0xe1: {  	v5 =	vld [tilespmem:s5+$0x10]  }
0xe2: {  	v6 =	vld [tilespmem:s5+$0x30]  }
0xe3: {  	v7 =	vld [tilespmem:s5+$0x20];
	_ =	sdelay $0x1  }
0xe4: {  	s9 =	simm.s32 $0x3;
	v4 =	vmul.f32 v4, v3  }
0xe5: {  	v8 =	vmov s9;
	v5 =	vmul.f32 v5, v3  }
0xe6: {  	v6 =	vmul.f32 v6, v3;
	[tilespmem:s5+$0x0] =	vst v4  }
0xe7: {  	v3 =	vmul.f32 v7, v3;
	[tilespmem:s5+$0x10] =	vst v5  }
0xe8: {  	[tilespmem:s5+$0x30] =	vst v6;
	v4 =	vld [tilespmem:s5+$0x40]  }
0xe9: {  	[tilespmem:s5+$0x20] =	vst v3;
	v3 =	vld [tilespmem:s5+$0x50]  }
0xea: {  	v6 =	vld.idx.msk [tilespmem:v8+s28+$0x0], $0xffff  }
0xeb: {  	v5 =	vld [tilespmem:s5+$0x70];
	_ =	sdelay $0x1  }
0xec: {  	s6 =	simm.s32 $0x4;
	v7 =	vld [tilespmem:s5+$0x60]  }
0xed: {  	v8 =	vmov s6  }
0xee: {  	v8 =	vand.u32 $0xFFFFFFFC, v8;
	v4 =	vmul.f32 v4, v6;
	v10 =	vmul.f32 v3, v6  }
0xef: {  	s10 =	simm.s32 $0x6;
	s8 =	simm.s32 $0x5;
	v11 =	vmul.f32 v5, v6;
	v5 =	vbroadcast v8, $0x0  }
0xf0: {  	v63 =	vmov s10;
	v9 =	vmov s8;
	[tilespmem:s5+$0x40] =	vst v4  }
0xf1: {  	v3 =	vand.u32 $0xFFFFFFFD, v9;
	v6 =	vmul.f32 v7, v6;
	v4 =	vand.u32 $0xFFFFFFFE, v63;
	[tilespmem:s5+$0x50] =	vst v10  }
0xf2: {  	s1 =	sadd.s32 $0x5100, s1;
	s8 =	simm.s32 $0x8;
	v3 =	vbroadcast v3, $0x0;
	[tilespmem:s5+$0x70] =	vst v11;
	v4 =	vbroadcast v4, $0x0  }
.LBB2_7:
0xf3: {  	p1 =	slt.u32 s8, $0x7C;
	s9 =	smov.u32 s8  }
0xf4: {  	[tilespmem:s5+$0x60] =	vst v6;
	s8 =	sadd.s32 $0x4, s8;
	s5 =	smov.u32 s20;
	s20 =	sadd.s32 $0x100, s20  }
0xf5: {  	v6 =	vld.idx.msk [tilespmem:v5+s28+$0x0], $0xffff  }
0xf6: {  	v7 =	vld [tilespmem:s5+$0xFFFFFF80];
	_ =	sdelay $0x1  }
0xf7: {  	v8 =	vld [tilespmem:s5+$0xFFFFFFB0]  }
0xf8: {  	v5 =	vmov s9  }
0xf9: {  	v5 =	vand.u32 $0xFFFFFFFC, v5  }
0xfa: {  	v5 =	vbroadcast v5, $0x0;
	v7 =	vmul.f32 v7, v6  }
0xfb: {  	v2 =	vmul.f32 v2, v6;
	v1 =	vmul.f32 v1, v6  }
0xfc: {  	[tilespmem:s5+$0xFFFFFF80] =	vst v7;
	v6 =	vmul.f32 v8, v6  }
0xfd: {  	[tilespmem:s5+$0xFFFFFFA0] =	vst v1;
	v7 =	vld [tilespmem:s5+$0xFFFFFFF0]  }
0xfe: {  	v1 =	vld [tilespmem:s20+$0xFFFFFFA0];
	[tilespmem:s5+$0xFFFFFF90] =	vst v2  }
0xff: {  	[tilespmem:s5+$0xFFFFFFB0] =	vst v6;
	v6 =	vld [tilespmem:s5+$0xFFFFFFC0]  }
0x100: {  	v8 =	vld.idx.msk [tilespmem:v3+s28+$0x0], $0xffff  }
0x101: {  	v9 =	vld [tilespmem:s5+$0xFFFFFFD0]  }
0x102: {  	v10 =	vld [tilespmem:s5+$0xFFFFFFE0]  }
0x103: {  	s10 =	sadd.s32 $0x1, s9;
	v2 =	vld [tilespmem:s20+$0xFFFFFF90]  }
0x104: {  	v3 =	vmov s10  }
0x105: {  	v3 =	vand.u32 $0xFFFFFFFD, v3  }
0x106: {  	v3 =	vbroadcast v3, $0x0;
	v7 =	vmul.f32 v7, v8  }
0x107: {  	v9 =	vmul.f32 v9, v8;
	v10 =	vmul.f32 v10, v8  }
0x108: {  	v6 =	vmul.f32 v6, v8;
	[tilespmem:s5+$0xFFFFFFF0] =	vst v7  }
0x109: {  	[tilespmem:s5+$0xFFFFFFD0] =	vst v9  }
0x10a: {  	[tilespmem:s5+$0xFFFFFFC0] =	vst v6;
	v6 =	vld [tilespmem:s5+$0x0]  }
0x10b: {  	[tilespmem:s5+$0xFFFFFFE0] =	vst v10;
	v7 =	vld [tilespmem:s5+$0x30]  }
0x10c: {  	v4 =	vld.idx.msk [tilespmem:v4+s28+$0x0], $0xffff  }
0x10d: {  	v8 =	vld [tilespmem:s5+$0x10]  }
0x10e: {  	v9 =	vld [tilespmem:s5+$0x20];
	_ =	sdelay $0x3  }
0x10f: {  	s10 =	sadd.s32 $0x3, s6;
	s6 =	smov.u32 s9;
	v6 =	vmul.f32 v6, v4;
	v8 =	vmul.f32 v8, v4  }
0x110: {  	s9 =	sadd.s32 $0x2, s6;
	v9 =	vmul.f32 v9, v4;
	v4 =	vmul.f32 v7, v4;
	v7 =	vmov s10  }
0x111: {  	v10 =	vmov s9;
	[tilespmem:s5+$0x0] =	vst v6  }
0x112: {  	v6 =	vand.u32 $0xFFFFFFFE, v10;
	[tilespmem:s5+$0x10] =	vst v8  }
0x113: {  	[tilespmem:s5+$0x30] =	vst v4;
	v8 =	vld [tilespmem:s5+$0x40]  }
0x114: {  	v4 =	vbroadcast v6, $0x0;
	[tilespmem:s5+$0x20] =	vst v9;
	v9 =	vld [tilespmem:s5+$0x70]  }
0x115: {  	v7 =	vld.idx.msk [tilespmem:v7+s28+$0x0], $0xffff  }
0x116: {  	v6 =	vld [tilespmem:s5+$0x50]  }
0x117: {  	v10 =	vld [tilespmem:s5+$0x60];
	_ =	sdelay $0x3  }
.Ltmp2:
0x118: {  	v8 =	vmul.f32 v8, v7;
	v11 =	vmul.f32 v6, v7;
	(pc) =	sbr.rel @p1 .LBB2_7-.Ltmp2, $4  }
0x119: {  	v6 =	vmul.f32 v10, v7;
	v7 =	vmul.f32 v9, v7  }
0x11a: {  	[tilespmem:s5+$0x40] =	vst v8  }
0x11b: {  	[tilespmem:s5+$0x50] =	vst v11  }
0x11c: {  	[tilespmem:s5+$0x70] =	vst v7  }
0x11d: {  	_ =	sdelay $0x2  }
0x11e: {  	[tilespmem:s5+$0x60] =	vst v6;
	v6 =	vld [tilespmem:s20+$0xFFFFFF80]  }
0x11f: {  	v5 =	vld.idx.msk [tilespmem:v5+s28+$0x0], $0xffff;
	_ =	sdelay $0x2  }
0x120: {  	v7 =	vld [tilespmem:s20+$0xFFFFFFB0];
	_ =	sdelay $0x1  }
0x121: {  	v6 =	vmul.f32 v6, v5  }
0x122: {  	v1 =	vmul.f32 v1, v5  }
0x123: {  	v2 =	vmul.f32 v2, v5;
	[tilespmem:s20+$0xFFFFFF80] =	vst v6  }
0x124: {  	v5 =	vmul.f32 v7, v5;
	[tilespmem:s20+$0xFFFFFFA0] =	vst v1  }
0x125: {  	[tilespmem:s20+$0xFFFFFF90] =	vst v2  }
0x126: {  	v1 =	vld [tilespmem:s20+$0xFFFFFFF0];
	[tilespmem:s20+$0xFFFFFFB0] =	vst v5  }
0x127: {  	v2 =	vld.idx.msk [tilespmem:v3+s28+$0x0], $0xffff  }
0x128: {  	v3 =	vld [tilespmem:s20+$0xFFFFFFD0]  }
0x129: {  	v5 =	vld [tilespmem:s20+$0xFFFFFFC0]  }
0x12a: {  	v6 =	vld [tilespmem:s20+$0xFFFFFFE0];
	_ =	sdelay $0x1  }
0x12b: {  	v1 =	vmul.f32 v1, v2  }
0x12c: {  	v3 =	vmul.f32 v3, v2  }
0x12d: {  	v5 =	vmul.f32 v5, v2;
	[tilespmem:s20+$0xFFFFFFF0] =	vst v1  }
0x12e: {  	v1 =	vmul.f32 v6, v2;
	[tilespmem:s20+$0xFFFFFFD0] =	vst v3  }
0x12f: {  	[tilespmem:s20+$0xFFFFFFC0] =	vst v5  }
0x130: {  	v2 =	vld [tilespmem:s20+$0x0];
	[tilespmem:s20+$0xFFFFFFE0] =	vst v1  }
0x131: {  	v1 =	vld.idx.msk [tilespmem:v4+s28+$0x0], $0xffff  }
0x132: {  	v3 =	vld [tilespmem:s20+$0x10]  }
0x133: {  	v4 =	vld [tilespmem:s20+$0x30]  }
0x134: {  	v5 =	vld [tilespmem:s20+$0x20];
	_ =	sdelay $0x1  }
0x135: {  	s8 =	sadd.s32 $0x3, s6;
	v2 =	vmul.f32 v2, v1  }
0x136: {  	v6 =	vmov s8;
	v3 =	vmul.f32 v3, v1  }
0x137: {  	v4 =	vmul.f32 v4, v1;
	[tilespmem:s20+$0x0] =	vst v2  }
0x138: {  	v1 =	vmul.f32 v5, v1;
	[tilespmem:s20+$0x10] =	vst v3  }
0x139: {  	[tilespmem:s20+$0x30] =	vst v4  }
0x13a: {  	v2 =	vld [tilespmem:s20+$0x40];
	[tilespmem:s20+$0x20] =	vst v1  }
0x13b: {  	v1 =	vld.idx.msk [tilespmem:v6+s28+$0x0], $0xffff  }
0x13c: {  	v3 =	vld [tilespmem:s20+$0x50]  }
0x13d: {  	v4 =	vld [tilespmem:s20+$0x70]  }
0x13e: {  	v5 =	vld [tilespmem:s20+$0x60];
	_ =	sdelay $0x1  }
0x13f: {  	v2 =	vmul.f32 v2, v1  }
0x140: {  	v3 =	vmul.f32 v3, v1  }
0x141: {  	v4 =	vmul.f32 v4, v1;
	[tilespmem:s20+$0x40] =	vst v2  }
0x142: {  	v1 =	vmul.f32 v5, v1;
	[tilespmem:s20+$0x50] =	vst v3  }
0x143: {  	[tilespmem:s20+$0x70] =	vst v4  }
0x144: {  	[tilespmem:s20+$0x60] =	vst v1  }
0x145: {  	[spmem:s2] =	stream.indirect.scatter.add.f32 [tilespmem:s18], [sflag:$0x2], $0x40, s1, s23, $0xb8;
	[tilespmem:$0x1FA80] =	vst v63  }
0x146: {  	v1 =	vld [tilespmem:s0+$0x0]  }
0x147: {  	v2 =	vld [tilespmem:s0+$0x5100];
	_ =	sdelay $0x6  }
0x148: {  	v1 =	vld.idx.msk [tilespmem:v1+s21+$0x0], $0xffff  }
0x149: {  	v3 =	vld.idx.msk [tilespmem:v2+s22+$0x0], $0xffff;
	_ =	sdelay $0x4  }
0x14a: {  	v1 =	vadd.f32 v3, v1;
	_ =	sdelay $0x1  }
0x14b: {  	v3 =	vmul.f32 $2.000000030e-01, v1  }
0x14c: {  	vm0 =	vgt.f32 v1, $0.0e+00  }
0x14d: {  	v1 =	vsel vm0, v1, v3  }
0x14e: {  	v1 =	vmul.f32 $1.442695020e+00, v1;
	_ =	sdelay $0x1  }
0x14f: {  	(erf) = vpow2.f32 v1;
	_ =	sdelay $0x7  }
0x150: {  	s1 =	sadd.s32 s4, s0  }
0x151: {  	p1 =	slt.u32 s1, $0x50910;
	v1 =	vpop (erf)  }
0x152: {  	v1 =	vpsel !p1, $0x0, v1  }
0x153: {  	[tilespmem:$0xF200] =	vst v1  }
0x154: {  	[tilespmem:v2+s24+$0x0] =	vst.idx.add.f32.msk $0xffff, v1  }
0x155: {  	v1 =	vld [tilespmem:s0+$0x10]  }
0x156: {  	v2 =	vld [tilespmem:s0+$0x5110];
	_ =	sdelay $0x6  }
0x157: {  	v1 =	vld.idx.msk [tilespmem:v1+s21+$0x0], $0xffff  }
0x158: {  	v3 =	vld.idx.msk [tilespmem:v2+s22+$0x0], $0xffff;
	_ =	sdelay $0x4  }
0x159: {  	v1 =	vadd.f32 v3, v1;
	_ =	sdelay $0x1  }
0x15a: {  	v3 =	vmul.f32 $2.000000030e-01, v1  }
0x15b: {  	vm9 =	vgt.f32 v1, $0.0e+00  }
0x15c: {  	v1 =	vsel vm9, v1, v3  }
0x15d: {  	v1 =	vmul.f32 $1.442695020e+00, v1;
	_ =	sdelay $0x1  }
0x15e: {  	(erf) = vpow2.f32 v1;
	_ =	sdelay $0x7  }
0x15f: {  	s9 =	sor.u32 $0x10, s1  }
0x160: {  	p5 =	slt.u32 s9, $0x50910;
	v1 =	vpop (erf)  }
0x161: {  	v1 =	vpsel !p5, $0x0, v1  }
0x162: {  	[tilespmem:$0xF210] =	vst v1  }
0x163: {  	[tilespmem:v2+s24+$0x0] =	vst.idx.add.f32.msk $0xffff, v1  }
0x164: {  	v1 =	vld [tilespmem:s0+$0x20]  }
0x165: {  	v2 =	vld [tilespmem:s0+$0x5120];
	_ =	sdelay $0x6  }
0x166: {  	v1 =	vld.idx.msk [tilespmem:v1+s21+$0x0], $0xffff  }
0x167: {  	v3 =	vld.idx.msk [tilespmem:v2+s22+$0x0], $0xffff;
	_ =	sdelay $0x4  }
0x168: {  	v1 =	vadd.f32 v3, v1;
	_ =	sdelay $0x1  }
0x169: {  	v3 =	vmul.f32 $2.000000030e-01, v1  }
0x16a: {  	vm10 =	vgt.f32 v1, $0.0e+00  }
0x16b: {  	v1 =	vsel vm10, v1, v3  }
0x16c: {  	v1 =	vmul.f32 $1.442695020e+00, v1;
	_ =	sdelay $0x1  }
0x16d: {  	(erf) = vpow2.f32 v1;
	_ =	sdelay $0x7  }
0x16e: {  	s10 =	sor.u32 $0x20, s1  }
0x16f: {  	p6 =	slt.u32 s10, $0x50910;
	v1 =	vpop (erf)  }
0x170: {  	v1 =	vpsel !p6, $0x0, v1  }
0x171: {  	[tilespmem:$0xF220] =	vst v1  }
0x172: {  	[tilespmem:v2+s24+$0x0] =	vst.idx.add.f32.msk $0xffff, v1  }
0x173: {  	v1 =	vld [tilespmem:s0+$0x30]  }
0x174: {  	v2 =	vld [tilespmem:s0+$0x5130];
	_ =	sdelay $0x6  }
0x175: {  	v1 =	vld.idx.msk [tilespmem:v1+s21+$0x0], $0xffff  }
0x176: {  	v3 =	vld.idx.msk [tilespmem:v2+s22+$0x0], $0xffff;
	_ =	sdelay $0x4  }
0x177: {  	v1 =	vadd.f32 v3, v1;
	_ =	sdelay $0x1  }
0x178: {  	v3 =	vmul.f32 $2.000000030e-01, v1  }
0x179: {  	vm11 =	vgt.f32 v1, $0.0e+00  }
0x17a: {  	v1 =	vsel vm11, v1, v3  }
0x17b: {  	v1 =	vmul.f32 $1.442695020e+00, v1;
	_ =	sdelay $0x1  }
0x17c: {  	(erf) = vpow2.f32 v1;
	_ =	sdelay $0x7  }
0x17d: {  	s20 =	sor.u32 $0x30, s1  }
0x17e: {  	p2 =	slt.u32 s20, $0x50910;
	v1 =	vpop (erf)  }
0x17f: {  	v1 =	vpsel !p2, $0x0, v1  }
0x180: {  	[tilespmem:$0xF230] =	vst v1  }
0x181: {  	[tilespmem:v2+s24+$0x0] =	vst.idx.add.f32.msk $0xffff, v1  }
0x182: {  	v1 =	vld [tilespmem:s0+$0x40]  }
0x183: {  	v2 =	vld [tilespmem:s0+$0x5140];
	_ =	sdelay $0x6  }
0x184: {  	v1 =	vld.idx.msk [tilespmem:v1+s21+$0x0], $0xffff  }
0x185: {  	v3 =	vld.idx.msk [tilespmem:v2+s22+$0x0], $0xffff;
	_ =	sdelay $0x4  }
0x186: {  	v1 =	vadd.f32 v3, v1;
	_ =	sdelay $0x1  }
0x187: {  	v3 =	vmul.f32 $2.000000030e-01, v1  }
0x188: {  	vm12 =	vgt.f32 v1, $0.0e+00  }
0x189: {  	v1 =	vsel vm12, v1, v3  }
0x18a: {  	v1 =	vmul.f32 $1.442695020e+00, v1;
	_ =	sdelay $0x1  }
0x18b: {  	(erf) = vpow2.f32 v1;
	_ =	sdelay $0x7  }
0x18c: {  	s6 =	sor.u32 $0x40, s1  }
0x18d: {  	p3 =	slt.u32 s6, $0x50910;
	v1 =	vpop (erf)  }
0x18e: {  	v1 =	vpsel !p3, $0x0, v1  }
0x18f: {  	[tilespmem:$0xF240] =	vst v1  }
0x190: {  	[tilespmem:v2+s24+$0x0] =	vst.idx.add.f32.msk $0xffff, v1  }
0x191: {  	v1 =	vld [tilespmem:s0+$0x50]  }
0x192: {  	v2 =	vld [tilespmem:s0+$0x5150];
	_ =	sdelay $0x6  }
0x193: {  	v1 =	vld.idx.msk [tilespmem:v1+s21+$0x0], $0xffff  }
0x194: {  	v3 =	vld.idx.msk [tilespmem:v2+s22+$0x0], $0xffff;
	_ =	sdelay $0x4  }
0x195: {  	v1 =	vadd.f32 v3, v1;
	_ =	sdelay $0x1  }
0x196: {  	v3 =	vmul.f32 $2.000000030e-01, v1  }
0x197: {  	vm13 =	vgt.f32 v1, $0.0e+00  }
0x198: {  	v1 =	vsel vm13, v1, v3  }
0x199: {  	v1 =	vmul.f32 $1.442695020e+00, v1;
	_ =	sdelay $0x1  }
0x19a: {  	(erf) = vpow2.f32 v1;
	_ =	sdelay $0x7  }
0x19b: {  	s8 =	sor.u32 $0x50, s1  }
0x19c: {  	p4 =	slt.u32 s8, $0x50910;
	v1 =	vpop (erf)  }
0x19d: {  	v1 =	vpsel !p4, $0x0, v1  }
0x19e: {  	[tilespmem:$0xF250] =	vst v1  }
0x19f: {  	[tilespmem:v2+s24+$0x0] =	vst.idx.add.f32.msk $0xffff, v1  }
0x1a0: {  	v1 =	vld [tilespmem:s0+$0x60]  }
0x1a1: {  	v2 =	vld [tilespmem:s0+$0x5160];
	_ =	sdelay $0x6  }
0x1a2: {  	v1 =	vld.idx.msk [tilespmem:v1+s21+$0x0], $0xffff  }
0x1a3: {  	v3 =	vld.idx.msk [tilespmem:v2+s22+$0x0], $0xffff;
	_ =	sdelay $0x4  }
0x1a4: {  	v1 =	vadd.f32 v3, v1;
	_ =	sdelay $0x1  }
0x1a5: {  	v3 =	vmul.f32 $2.000000030e-01, v1  }
0x1a6: {  	vm14 =	vgt.f32 v1, $0.0e+00  }
0x1a7: {  	v1 =	vsel vm14, v1, v3  }
0x1a8: {  	v1 =	vmul.f32 $1.442695020e+00, v1;
	_ =	sdelay $0x1  }
0x1a9: {  	(erf) = vpow2.f32 v1;
	_ =	sdelay $0x7  }
0x1aa: {  	s9 =	sor.u32 $0x60, s1  }
0x1ab: {  	p5 =	slt.u32 s9, $0x50910;
	v1 =	vpop (erf)  }
0x1ac: {  	v1 =	vpsel !p5, $0x0, v1  }
0x1ad: {  	[tilespmem:$0xF260] =	vst v1  }
0x1ae: {  	[tilespmem:v2+s24+$0x0] =	vst.idx.add.f32.msk $0xffff, v1  }
0x1af: {  	v1 =	vld [tilespmem:s0+$0x70]  }
0x1b0: {  	v2 =	vld [tilespmem:s0+$0x5170];
	_ =	sdelay $0x6  }
0x1b1: {  	v1 =	vld.idx.msk [tilespmem:v1+s21+$0x0], $0xffff  }
0x1b2: {  	v3 =	vld.idx.msk [tilespmem:v2+s22+$0x0], $0xffff;
	_ =	sdelay $0x4  }
0x1b3: {  	v1 =	vadd.f32 v3, v1;
	_ =	sdelay $0x1  }
0x1b4: {  	v3 =	vmul.f32 $2.000000030e-01, v1  }
0x1b5: {  	vm15 =	vgt.f32 v1, $0.0e+00  }
0x1b6: {  	v1 =	vsel vm15, v1, v3  }
0x1b7: {  	v1 =	vmul.f32 $1.442695020e+00, v1;
	_ =	sdelay $0x1  }
0x1b8: {  	(erf) = vpow2.f32 v1;
	_ =	sdelay $0x7  }
0x1b9: {  	s1 =	sor.u32 $0x70, s1  }
0x1ba: {  	p6 =	slt.u32 s1, $0x50910;
	v1 =	vpop (erf)  }
0x1bb: {  	v1 =	vpsel !p6, $0x0, v1  }
0x1bc: {  	s10 =	simm.s32 $0x0;
	[tilespmem:$0xF270] =	vst v1  }
0x1bd: {  	[tilespmem:v2+s24+$0x0] =	vst.idx.add.f32.msk $0xffff, v1;
	v1 =	vmov s10  }
0x1be: {  	_ =	swait.ge [sflag:s25], $0x2000;
	v1 =	vand.u32 $0xFFFFFFFC, v1  }
0x1bf: {  	[sflag:s25] =	ssyncset.done $0x0;
	v1 =	vbroadcast v1, $0x0  }
0x1c0: {  	p1 =	seq.s32 s31, $0x50;
	[sflag:s25] =	ssyncadd.s32 $0xFFFFE000  }
0x1c1: {  	s1 =	sshll.u32 @!p1 s31, $0x8;
	_ =	swait.ge [sflag:s29], $0x2000  }
0x1c2: {  	s5 =	simm.s32 @!p1 $0x80;
	s1 =	sand.u32 @!p1 $0x3FFFFF00, s1;
	[sflag:s29] =	ssyncset.done $0x0  }
0x1c3: {  	s6 =	simm.s32 @!p1 $0x11A80;
	s1 =	sadd.s32 @!p1 $0x100, s1;
	[sflag:s29] =	ssyncadd.s32 $0xFFFFE000  }
0x1c4: {  	[tilespmem:s6], [sflag:$0x1] =	stream.indirect.gather @!p1 [hbm4b:s14+s5], $0x40, s1, s5, $0xb8;
	[tilespmem:$0x1FA80] =	vst v63  }
0x1c5: {  	s1 =	simm.s32 $0x13B00;
	v1 =	vld.idx.msk [tilespmem:v1+s28+$0x0], $0xffff  }
0x1c6: {  	v2 =	vld [tilespmem:s1+$0xFFFFFF80]  }
0x1c7: {  	v3 =	vld [tilespmem:s1+$0xFFFFFFA0]  }
0x1c8: {  	s20 =	simm.s32 $0x1;
	v4 =	vld [tilespmem:s1+$0xFFFFFF90]  }
0x1c9: {  	v5 =	vmov s20;
	v6 =	vld [tilespmem:s1+$0xFFFFFFB0]  }
0x1ca: {  	v5 =	vand.u32 $0xFFFFFFFD, v5  }
0x1cb: {  	v5 =	vbroadcast v5, $0x0;
	v2 =	vmul.f32 v2, v1  }
0x1cc: {  	v3 =	vmul.f32 v3, v1  }
0x1cd: {  	[tilespmem:s1+$0xFFFFFF80] =	vst v2;
	v2 =	vmul.f32 v4, v1  }
0x1ce: {  	s20 =	simm.s32 $0x13C00;
	[tilespmem:s1+$0xFFFFFFA0] =	vst v3;
	v3 =	vmul.f32 v6, v1  }
0x1cf: {  	v1 =	vld [tilespmem:s20+$0xFFFFFFA0];
	[tilespmem:s1+$0xFFFFFF90] =	vst v2  }
0x1d0: {  	v2 =	vld [tilespmem:s1+$0xFFFFFFF0];
	[tilespmem:s1+$0xFFFFFFB0] =	vst v3  }
0x1d1: {  	v3 =	vld.idx.msk [tilespmem:v5+s28+$0x0], $0xffff  }
0x1d2: {  	v4 =	vld [tilespmem:s1+$0xFFFFFFD0]  }
0x1d3: {  	s6 =	simm.s32 $0x2;
	v5 =	vld [tilespmem:s1+$0xFFFFFFC0]  }
0x1d4: {  	v7 =	vld [tilespmem:s1+$0xFFFFFFE0];
	v6 =	vmov s6  }
0x1d5: {  	v6 =	vand.u32 $0xFFFFFFFE, v6  }
0x1d6: {  	v6 =	vbroadcast v6, $0x0;
	v2 =	vmul.f32 v2, v3  }
0x1d7: {  	v4 =	vmul.f32 v4, v3  }
0x1d8: {  	v5 =	vmul.f32 v5, v3;
	[tilespmem:s1+$0xFFFFFFF0] =	vst v2  }
0x1d9: {  	v3 =	vmul.f32 v7, v3;
	[tilespmem:s1+$0xFFFFFFD0] =	vst v4  }
0x1da: {  	v2 =	vld [tilespmem:s20+$0xFFFFFF90];
	[tilespmem:s1+$0xFFFFFFC0] =	vst v5  }
0x1db: {  	v4 =	vld [tilespmem:s1+$0x0];
	[tilespmem:s1+$0xFFFFFFE0] =	vst v3  }
0x1dc: {  	v3 =	vld.idx.msk [tilespmem:v6+s28+$0x0], $0xffff  }
0x1dd: {  	v5 =	vld [tilespmem:s1+$0x10]  }
0x1de: {  	v6 =	vld [tilespmem:s1+$0x30]  }
0x1df: {  	v7 =	vld [tilespmem:s1+$0x20];
	_ =	sdelay $0x1  }
0x1e0: {  	s8 =	simm.s32 $0x3;
	v4 =	vmul.f32 v4, v3  }
0x1e1: {  	v8 =	vmov s8;
	v5 =	vmul.f32 v5, v3  }
0x1e2: {  	v6 =	vmul.f32 v6, v3;
	[tilespmem:s1+$0x0] =	vst v4  }
0x1e3: {  	v3 =	vmul.f32 v7, v3;
	[tilespmem:s1+$0x10] =	vst v5  }
0x1e4: {  	[tilespmem:s1+$0x30] =	vst v6;
	v4 =	vld [tilespmem:s1+$0x40]  }
0x1e5: {  	[tilespmem:s1+$0x20] =	vst v3;
	v3 =	vld [tilespmem:s1+$0x50]  }
0x1e6: {  	v6 =	vld.idx.msk [tilespmem:v8+s28+$0x0], $0xffff  }
0x1e7: {  	v5 =	vld [tilespmem:s1+$0x70];
	_ =	sdelay $0x1  }
0x1e8: {  	s5 =	simm.s32 $0x4;
	v7 =	vld [tilespmem:s1+$0x60]  }
0x1e9: {  	v8 =	vmov s5  }
0x1ea: {  	v8 =	vand.u32 $0xFFFFFFFC, v8;
	v4 =	vmul.f32 v4, v6;
	v10 =	vmul.f32 v3, v6  }
0x1eb: {  	s9 =	simm.s32 $0x5;
	s10 =	simm.s32 $0x6;
	v11 =	vmul.f32 v5, v6;
	v5 =	vbroadcast v8, $0x0  }
0x1ec: {  	v9 =	vmov s9;
	v63 =	vmov s10;
	[tilespmem:s1+$0x40] =	vst v4  }
0x1ed: {  	v3 =	vand.u32 $0xFFFFFFFD, v9;
	v6 =	vmul.f32 v7, v6;
	v4 =	vand.u32 $0xFFFFFFFE, v63;
	[tilespmem:s1+$0x50] =	vst v10  }
0x1ee: {  	s0 =	sadd.s32 $0x5100, s0;
	s6 =	simm.s32 $0x8;
	v3 =	vbroadcast v3, $0x0;
	[tilespmem:s1+$0x70] =	vst v11;
	v4 =	vbroadcast v4, $0x0  }
.LBB2_9:
0x1ef: {  	p1 =	slt.u32 s6, $0x7C;
	s8 =	smov.u32 s6  }
0x1f0: {  	[tilespmem:s1+$0x60] =	vst v6;
	s6 =	sadd.s32 $0x4, s6;
	s1 =	smov.u32 s20;
	s20 =	sadd.s32 $0x100, s20  }
0x1f1: {  	v6 =	vld.idx.msk [tilespmem:v5+s28+$0x0], $0xffff  }
0x1f2: {  	v7 =	vld [tilespmem:s1+$0xFFFFFF80];
	_ =	sdelay $0x1  }
0x1f3: {  	v8 =	vld [tilespmem:s1+$0xFFFFFFB0]  }
0x1f4: {  	v5 =	vmov s8  }
0x1f5: {  	v5 =	vand.u32 $0xFFFFFFFC, v5  }
0x1f6: {  	v5 =	vbroadcast v5, $0x0;
	v7 =	vmul.f32 v7, v6  }
0x1f7: {  	v2 =	vmul.f32 v2, v6;
	v1 =	vmul.f32 v1, v6  }
0x1f8: {  	[tilespmem:s1+$0xFFFFFF80] =	vst v7;
	v6 =	vmul.f32 v8, v6  }
0x1f9: {  	[tilespmem:s1+$0xFFFFFFA0] =	vst v1;
	v7 =	vld [tilespmem:s1+$0xFFFFFFF0]  }
0x1fa: {  	v1 =	vld [tilespmem:s20+$0xFFFFFFA0];
	[tilespmem:s1+$0xFFFFFF90] =	vst v2  }
0x1fb: {  	[tilespmem:s1+$0xFFFFFFB0] =	vst v6;
	v6 =	vld [tilespmem:s1+$0xFFFFFFC0]  }
0x1fc: {  	v8 =	vld.idx.msk [tilespmem:v3+s28+$0x0], $0xffff  }
0x1fd: {  	v9 =	vld [tilespmem:s1+$0xFFFFFFD0]  }
0x1fe: {  	v10 =	vld [tilespmem:s1+$0xFFFFFFE0]  }
0x1ff: {  	s9 =	sadd.s32 $0x1, s8;
	v2 =	vld [tilespmem:s20+$0xFFFFFF90]  }
0x200: {  	v3 =	vmov s9  }
0x201: {  	v3 =	vand.u32 $0xFFFFFFFD, v3  }
0x202: {  	v3 =	vbroadcast v3, $0x0;
	v7 =	vmul.f32 v7, v8  }
0x203: {  	v9 =	vmul.f32 v9, v8;
	v10 =	vmul.f32 v10, v8  }
0x204: {  	v6 =	vmul.f32 v6, v8;
	[tilespmem:s1+$0xFFFFFFF0] =	vst v7  }
0x205: {  	[tilespmem:s1+$0xFFFFFFD0] =	vst v9  }
0x206: {  	[tilespmem:s1+$0xFFFFFFC0] =	vst v6;
	v6 =	vld [tilespmem:s1+$0x0]  }
0x207: {  	[tilespmem:s1+$0xFFFFFFE0] =	vst v10;
	v7 =	vld [tilespmem:s1+$0x30]  }
0x208: {  	v4 =	vld.idx.msk [tilespmem:v4+s28+$0x0], $0xffff  }
0x209: {  	v8 =	vld [tilespmem:s1+$0x10]  }
0x20a: {  	v9 =	vld [tilespmem:s1+$0x20];
	_ =	sdelay $0x3  }
0x20b: {  	s9 =	sadd.s32 $0x3, s5;
	s5 =	smov.u32 s8;
	v6 =	vmul.f32 v6, v4;
	v8 =	vmul.f32 v8, v4  }
0x20c: {  	s8 =	sadd.s32 $0x2, s5;
	v9 =	vmul.f32 v9, v4;
	v4 =	vmul.f32 v7, v4;
	v7 =	vmov s9  }
0x20d: {  	v10 =	vmov s8;
	[tilespmem:s1+$0x0] =	vst v6  }
0x20e: {  	v6 =	vand.u32 $0xFFFFFFFE, v10;
	[tilespmem:s1+$0x10] =	vst v8  }
0x20f: {  	[tilespmem:s1+$0x30] =	vst v4;
	v8 =	vld [tilespmem:s1+$0x40]  }
0x210: {  	v4 =	vbroadcast v6, $0x0;
	[tilespmem:s1+$0x20] =	vst v9;
	v9 =	vld [tilespmem:s1+$0x70]  }
0x211: {  	v7 =	vld.idx.msk [tilespmem:v7+s28+$0x0], $0xffff  }
0x212: {  	v6 =	vld [tilespmem:s1+$0x50]  }
0x213: {  	v10 =	vld [tilespmem:s1+$0x60];
	_ =	sdelay $0x3  }
.Ltmp3:
0x214: {  	v8 =	vmul.f32 v8, v7;
	v11 =	vmul.f32 v6, v7;
	(pc) =	sbr.rel @p1 .LBB2_9-.Ltmp3, $4  }
0x215: {  	v6 =	vmul.f32 v10, v7;
	v7 =	vmul.f32 v9, v7  }
0x216: {  	[tilespmem:s1+$0x40] =	vst v8  }
0x217: {  	[tilespmem:s1+$0x50] =	vst v11  }
0x218: {  	[tilespmem:s1+$0x70] =	vst v7  }
0x219: {  	_ =	sdelay $0x2  }
0x21a: {  	[tilespmem:s1+$0x60] =	vst v6;
	v56 =	vld [tilespmem:s20+$0xFFFFFF80]  }
0x21b: {  	v5 =	vld.idx.msk [tilespmem:v5+s28+$0x0], $0xffff;
	_ =	sdelay $0x2  }
0x21c: {  	v7 =	vld [tilespmem:s20+$0xFFFFFFB0];
	_ =	sdelay $0x1  }
0x21d: {  	v6 =	vmul.f32 v56, v5  }
0x21e: {  	v1 =	vmul.f32 v1, v5  }
0x21f: {  	v2 =	vmul.f32 v2, v5;
	[tilespmem:s20+$0xFFFFFF80] =	vst v6  }
0x220: {  	v5 =	vmul.f32 v7, v5;
	[tilespmem:s20+$0xFFFFFFA0] =	vst v1  }
0x221: {  	[tilespmem:s20+$0xFFFFFF90] =	vst v2  }
0x222: {  	v1 =	vld [tilespmem:s20+$0xFFFFFFF0];
	[tilespmem:s20+$0xFFFFFFB0] =	vst v5  }
0x223: {  	v2 =	vld.idx.msk [tilespmem:v3+s28+$0x0], $0xffff  }
0x224: {  	v3 =	vld [tilespmem:s20+$0xFFFFFFD0]  }
0x225: {  	v57 =	vld [tilespmem:s20+$0xFFFFFFC0]  }
0x226: {  	v58 =	vld [tilespmem:s20+$0xFFFFFFE0];
	_ =	sdelay $0x1  }
0x227: {  	v1 =	vmul.f32 v1, v2  }
0x228: {  	v3 =	vmul.f32 v3, v2  }
0x229: {  	v5 =	vmul.f32 v57, v2;
	[tilespmem:s20+$0xFFFFFFF0] =	vst v1  }
0x22a: {  	v1 =	vmul.f32 v58, v2;
	[tilespmem:s20+$0xFFFFFFD0] =	vst v3  }
0x22b: {  	[tilespmem:s20+$0xFFFFFFC0] =	vst v5  }
0x22c: {  	v2 =	vld [tilespmem:s20+$0x0];
	[tilespmem:s20+$0xFFFFFFE0] =	vst v1  }
0x22d: {  	v1 =	vld.idx.msk [tilespmem:v4+s28+$0x0], $0xffff  }
0x22e: {  	v3 =	vld [tilespmem:s20+$0x10]  }
0x22f: {  	v59 =	vld [tilespmem:s20+$0x30]  }
0x230: {  	v60 =	vld [tilespmem:s20+$0x20];
	_ =	sdelay $0x1  }
0x231: {  	s10 =	sadd.s32 $0x3, s5;
	v2 =	vmul.f32 v2, v1  }
0x232: {  	v61 =	vmov s10;
	v3 =	vmul.f32 v3, v1  }
0x233: {  	v4 =	vmul.f32 v59, v1;
	[tilespmem:s20+$0x0] =	vst v2  }
0x234: {  	v1 =	vmul.f32 v60, v1;
	[tilespmem:s20+$0x10] =	vst v3  }
0x235: {  	[tilespmem:s20+$0x30] =	vst v4  }
0x236: {  	v2 =	vld [tilespmem:s20+$0x40];
	[tilespmem:s20+$0x20] =	vst v1  }
0x237: {  	v1 =	vld.idx.msk [tilespmem:v61+s28+$0x0], $0xffff  }
0x238: {  	v3 =	vld [tilespmem:s20+$0x50]  }
0x239: {  	v62 =	vld [tilespmem:s20+$0x70]  }
0x23a: {  	v63 =	vld [tilespmem:s20+$0x60];
	_ =	sdelay $0x1  }
0x23b: {  	s31 =	sadd.s32 $0x1, s31;
	v2 =	vmul.f32 v2, v1  }
0x23c: {  	p1 =	sne.s32 s31, $0x51;
	v3 =	vmul.f32 v3, v1  }
.Ltmp4:
0x23d: {  	v4 =	vmul.f32 v62, v1;
	[tilespmem:s20+$0x40] =	vst v2;
	(pc) =	sbr.rel @p1 .LBB2_6-.Ltmp4, $4  }
0x23e: {  	v1 =	vmul.f32 v63, v1;
	[tilespmem:s20+$0x50] =	vst v3  }
0x23f: {  	[tilespmem:s20+$0x70] =	vst v4  }
0x240: {  	[tilespmem:s20+$0x60] =	vst v1  }
0x241: {  	[spmem:s2] =	stream.indirect.scatter.add.f32 [tilespmem:s26], [sflag:$0x2], $0x40, s0, s23, $0xb8;
	[tilespmem:$0x1FA80] =	vst v63  }
0x242: {  	_ =	swait.ge [sflag:s29], $0x2000  }
0x243: {  	s0 =	stileid.u32;
	[sflag:s29] =	ssyncset.done $0x0  }
0x244: {  	s0 =	sshll.u32 s0, $0x6;
	[sflag:s29] =	ssyncadd.s32 $0xFFFFE000  }
0x245: {  	s1 =	sshrl.u32 s7, $0x3;
	s0 =	sor.u32 $0x1C03, s0;
	[bflag:$0x0] =	sbarrier.arrive $0xFFFF  }
0x246: {  	[hbm:s15], [sflag:s0] =	dma.local [spmem:s1], $0x1400  }
0x247: {  	s3 =	sadd.s32 $0x1, s3;
	_ =	swait.ge [sflag:s19], $0x1400  }
0x248: {  	p1 =	sne.s32 s3, s17;
	[sflag:s19] =	ssyncset.done $0x0  }
0x249: {  	s0 =	simm.s32 @!p0 $0x0;
	s1 =	simm.s32 @!p0 $0xF280;
	[sflag:s19] =	ssyncadd.s32 $0xFFFFEC00  }
0x24a: {  	[hbm4b:s16+s0] =	stream.linear.scatter @!p0 [tilespmem:s1], [sflag:$0x3], $0x2800, $0x38;
	[tilespmem:$0x1FA80] =	vst v63  }
.Ltmp5:
0x24b: {  	_ = 	snop;
	(pc) =	sbr.rel @p1 .LBB2_1-.Ltmp5, $4  }
0x24c: {  	s0 =	simm.s32 @!p0 $0x3  }
0x24d: {  	_ =	swait.ge @!p0 [sflag:s0], $0x2800  }
0x24e: {  	[sflag:s0] =	ssyncset.done @!p0 $0x0  }
0x24f: {  	[sflag:s0] =	ssyncadd.s32 @!p0 $0xFFFFD800  }
0x250: {  	_ =	sfence.sel $0x180000  }
0x251: {  	[bflag:$0x0] =	sbarrier.arrive $0xFFFF  }
0x252: {  	_ =	strace $0x90000047  }
0x253: {  	s0 =	stileid.u32;
	[bflag:$0x2] =	sbarrier.arrive $0xFFFF  }
0x254: {  	p0 =	sne.s32 s0, $0x0;
	s0 =	rddreg [dreg:$0x3]  }
0x255: {  	s0 =	sadd.s32 @!p0 $0x100000, s0  }
0x256: {  	[sflag:s0] =	ssyncadd.tile.s32 @!p0 $0x1;
	_ =	shalt  }
.Lfunc_end2:
_tile_overlayer_lowered:
.L_overlay_start_2:
0x257: {  	(tag) =	ssettag $0x2  }
0x258: {  	s0 =	rddreg [dreg:$0x0];
	s2 =	stileid.u32  }
0x259: {  	s1 =	rddreg [dreg:$0x1];
	p0 =	sne.s32 s2, $0x0  }
0x25a: {  	s3 =	rddreg [dreg:$0x2];
	[bflag:$0x3] =	sbarrier.arrive $0xFFFF;
	s2 =	simm.s32 @!p0 $0x1C03  }
0x25b: {  	[timem:s3], [sflag:s2] =	dma.local @!p0 [hbm:s0], s1  }
0x25c: {  	s0 =	simm.s32 @!p0 $0x3  }
0x25d: {  	_ =	swait.ge @!p0 [sflag:s0], s1  }
0x25e: {  	s1 =	ssub.s32 @!p0 $0x0, s1;
	[sflag:s0] =	ssyncset.done @!p0 $0x0  }
0x25f: {  	[sflag:s0] =	ssyncadd.s32 @!p0 s1  }
0x260: {  	[bflag:$0x3] =	sbarrier.arrive $0xFFFF  }
0x261: {  	_ =	shalt  }

</sc_bundles>
